<compile_context>
chip_gen: v7x
topology: tpu7x:2x2x1
jax: 0.10.2.dev20260603
libtpu: 0.0.44.dev20260713+nightly
codegen_flags: <defaults>
</compile_context>

<pallas_src>
import functools

import jax
import jax.numpy as jnp
from jax import lax
from jax.experimental import pallas as pl
from jax.experimental.pallas import tpu as pltpu
from jax.experimental.pallas import tpu_sc as plsc

_N = 8192
_D = 4096
_TH = 0.5
_BC = 512
_NB = _N // _BC
_L = 16
_W = 16
_CW = _N // _W
_VW = _CW // _L


def _tc_body(x_ref, w_ref, mask_ref, bases_ref, logits_ref):
    i = pl.program_id(0)
    blk = jnp.dot(x_ref[...], w_ref[...], preferred_element_type=jnp.float32)
    logits_ref[:, pl.ds(i * _BC, _BC)] = blk

    @pl.when(i == _NB - 1)
    def _():
        lg = logits_ref[...]
        m = jnp.max(lg)
        e = jnp.exp(lg - m)
        s = jnp.sum(e)
        scores = e / s
        mask_i = (scores > (_TH / _N)).astype(jnp.int32)
        mask_ref[...] = mask_i
        col = lax.broadcasted_iota(jnp.int32, (8, 128), 1)
        vals = jnp.zeros((8, 128), jnp.int32)
        acc = jnp.int32(0)
        for k in range(_W):
            vals = jnp.where(col == k, acc, vals)
            acc = acc + jnp.sum(mask_i[:, k * _CW:(k + 1) * _CW])
        bases_ref[...] = jnp.where(col == _W, acc, vals)


_tc_mask = pl.pallas_call(
    _tc_body,
    grid=(_NB,),
    in_specs=[
        pl.BlockSpec((1, _D), lambda i: (0, 0)),
        pl.BlockSpec((_D, _BC), lambda i: (0, i)),
    ],
    out_specs=[
        pl.BlockSpec((1, _N), lambda i: (0, 0)),
        pl.BlockSpec((8, 128), lambda i: (0, 0)),
    ],
    out_shape=[
        jax.ShapeDtypeStruct((1, _N), jnp.int32),
        jax.ShapeDtypeStruct((8, 128), jnp.int32),
    ],
    scratch_shapes=[pltpu.VMEM((1, _N), jnp.float32)],
    compiler_params=pltpu.CompilerParams(dimension_semantics=("arbitrary",)),
)


def _lane_gather(v, src):
    return lax.gather(
        v,
        src[:, None],
        lax.GatherDimensionNumbers(
            offset_dims=(), collapsed_slice_dims=(0,), start_index_map=(0,)
        ),
        slice_sizes=(1,),
        mode=lax.GatherScatterMode.PROMISE_IN_BOUNDS,
    )


def _lane_shift_down(v, k, lanes):
    shifted = _lane_gather(v, jnp.maximum(lanes - k, 0))
    return jnp.where(lanes >= k, shifted, 0)


def _vreg_prefix(m, lanes):
    incl = m
    for k in (1, 2, 4, 8):
        incl = incl + _lane_shift_down(incl, k, lanes)
    return incl


def _sc_body(mask_hbm, bases_hbm, out_hbm, mask_v, b_v, dest_v, val_v, out_sh, sem):
    w = lax.axis_index("s")
    lanes = lax.iota(jnp.int32, _L)
    last = lanes * 0 + (_L - 1)

    bcp = pltpu.async_copy(bases_hbm.at[0], b_v, sem)
    pltpu.sync_copy(mask_hbm.at[pl.ds(w * _CW, _CW)], mask_v)
    bcp.wait()

    base = _lane_gather(b_v[pl.ds(0, _L)], lanes * 0 + w)
    total = _lane_gather(b_v[pl.ds(_L, _L)], lanes * 0)

    off = jnp.zeros((_L,), jnp.int32)
    for j in range(_VW):
        m = mask_v[pl.ds(j * _L, _L)]
        mb = m > 0
        incl = _vreg_prefix(m, lanes)
        gidx = w * _CW + j * _L + lanes
        pos = (base + off + incl) - m
        dest = jnp.where(mb, pos, (total + gidx) - pos)
        val = jnp.where(mb, gidx, -1)
        r, cc = divmod(j, 128 // _L)
        dest_v[r, pl.ds(cc * _L, _L)] = dest
        val_v[r, pl.ds(cc * _L, _L)] = val
        off = off + _lane_gather(incl, last)

    for r in range(_CW // 128):
        pltpu.sync_copy(val_v.at[r], out_sh.at[dest_v.at[r]])
    plsc.subcore_barrier()
    pltpu.sync_copy(out_sh.at[pl.ds(w * _CW, _CW)], out_hbm.at[pl.ds(w * _CW, _CW)])


@functools.cache
def _sc_compact():
    return pl.kernel(
        _sc_body,
        mesh=plsc.VectorSubcoreMesh(
            core_axis_name="c", subcore_axis_name="s", num_cores=1
        ),
        out_type=jax.ShapeDtypeStruct((_N,), jnp.int32),
        scratch_types=[
            pltpu.VMEM((_CW,), jnp.int32),
            pltpu.VMEM((128,), jnp.int32),
            pltpu.VMEM((_CW // 128, 128), jnp.int32),
            pltpu.VMEM((_CW // 128, 128), jnp.int32),
            pltpu.VMEM_SHARED((_N,), jnp.int32),
            pltpu.SemaphoreType.DMA,
        ],
        compiler_params=pltpu.CompilerParams(needs_layout_passes=False),
    )


def kernel(x, W):
    mask2d, bases = _tc_mask(x.reshape(1, _D), W)
    inds = _sc_compact()(mask2d.reshape(_N), bases)
    return inds, mask2d

# --- scband reference (transcript-rebuilt; emitter-appended) ---
"""Pipeline reference for scband-score-threshold-14173392077318 (READ-ONLY COPY).

The authoritative reference and input builder live on the scoring server;
editing this copy changes nothing except your own understanding.
"""

import jax, jax.numpy as jnp
import numpy as np

NUM_CLASSES = 8192
D_MODEL = 4096
THRESHOLD = 0.5


def setup_inputs(seed: int = 0) -> dict:
    key = jax.random.key(seed)
    k1, k2 = jax.random.split(key)
    x = jax.random.normal(k1, (D_MODEL,), dtype=jnp.float32)
    # scorer modeled as a linear classifier + softmax over NUM_CLASSES labels
    W = jax.random.normal(k2, (D_MODEL, NUM_CLASSES), dtype=jnp.float32) * (1.0 / np.sqrt(D_MODEL))
    return {"x": x, "W": W}


def reference(x, W):
    # scores = self.scorer(x)  -> softmax class scores
    scores = jax.nn.softmax(x @ W)
    # preds = torch.where(scores > 1.0/len(classes) * threshold)[0]
    thresh = (1.0 / NUM_CLASSES) * THRESHOLD
    mask = scores > thresh
    # first_stage_preds: binary multilabel vector (scatter-overwrite of ones at preds)
    first_stage_preds = jnp.zeros((NUM_CLASSES,), dtype=jnp.int32).at[jnp.where(mask, size=NUM_CLASSES, fill_value=0)[0]].set(jnp.where(mask, size=NUM_CLASSES, fill_value=0)[0] * 0 + mask.astype(jnp.int32)[jnp.where(mask, size=NUM_CLASSES, fill_value=0)[0]])
    # simpler faithful form: the binary mask itself
    first_stage_preds = mask.astype(jnp.int32)
    # pred_class_inds: indices of predicted classes (padded with -1 for static shape)
    pred_class_inds = jnp.where(mask, size=NUM_CLASSES, fill_value=-1)[0]
    return pred_class_inds, first_stage_preds[None]

if __name__ == "__main__":
    import jax
    _d = setup_inputs()
    print(jax.jit(kernel)(*tuple(_d.values())))

</pallas_src>

<mosaic_0001>
#map = affine_map<(d0, d1) -> (0)>
#map1 = affine_map<(d0, d1) -> (0, 0)>
module attributes {stable_mosaic.version = 14 : i64} {
  func.func @_sc_body(%arg0: i32, %arg1: i32, %arg2: memref<8192xi32, #tpu.memory_space<hbm>>, %arg3: memref<8x128xi32, #tpu.memory_space<hbm>>, %arg4: memref<8192xi32, #tpu.memory_space<hbm>>, %arg5: memref<512xi32, #tpu.memory_space<vmem>>, %arg6: memref<128xi32, #tpu.memory_space<vmem>>, %arg7: memref<4x128xi32, #tpu.memory_space<vmem>>, %arg8: memref<4x128xi32, #tpu.memory_space<vmem>>, %arg9: memref<8192xi32, #tpu.memory_space<vmem_shared>>, %arg10: memref<!tpu.dma_semaphore, #tpu.memory_space<semaphore_mem>>) attributes {dimension_semantics = [#tpu.dimension_semantics<core_parallel>, #tpu.dimension_semantics<subcore_parallel>], iteration_bounds = array<i64: 1, 16>, scalar_prefetch = 0 : i64, scratch_operands = 6 : i64, tpu.core_type = #tpu.core_type<sc_vector_subcore>, window_params = [{transform_indices = #map}, {transform_indices = #map1}, {transform_indices = #map}]} {
    %iota3A = tpu.iota {dimensions = array<i32: 0>} : vector<16xi32>
    %mul3A = arith.constant 0 : i32
    %mul3A_0 = vector.broadcast %mul3A : i32 to vector<16xi32>
    %mul3A_1 = arith.muli %iota3A, %mul3A_0 : vector<16xi32>
    %add3A = arith.constant 15 : i32
    %add3A_2 = vector.broadcast %add3A : i32 to vector<16xi32>
    %add3A_3 = arith.addi %mul3A_1, %add3A_2 : vector<16xi32>
    %dma_start3A = arith.constant 0 : i32
    %dma_start3A_4 = arith.constant 0 : i32
    %dma_start3A_5 = tpu.memref_slice %arg3[%dma_start3A, %dma_start3A_4] : memref<8x128xi32, #tpu.memory_space<hbm>> -> memref<1x128xi32, #tpu.memory_space<hbm>>
    %dma_start3A_6 = tpu.memref_squeeze %dma_start3A_5 : memref<1x128xi32, #tpu.memory_space<hbm>> -> memref<128xi32, #tpu.memory_space<hbm>>
    %dma_start3A_7 = arith.constant 0 : i32
    %dma_start3A_8 = tpu.memref_slice %arg3[%dma_start3A, %dma_start3A_7] : memref<8x128xi32, #tpu.memory_space<hbm>> -> memref<1x128xi32, #tpu.memory_space<hbm>>
    %dma_start3A_9 = tpu.memref_squeeze %dma_start3A_8 : memref<1x128xi32, #tpu.memory_space<hbm>> -> memref<128xi32, #tpu.memory_space<hbm>>
    tpu.enqueue_dma source(%dma_start3A_9 : memref<128xi32, #tpu.memory_space<hbm>>) target(%arg6 : memref<128xi32, #tpu.memory_space<vmem>>) target_semaphore(%arg10 : memref<!tpu.dma_semaphore, #tpu.memory_space<semaphore_mem>>)
    %mul3A_10 = arith.constant 512 : i32
    %mul3A_11 = arith.muli %arg1, %mul3A_10 : i32
    "tpu.region"() ({
      %run_scoped3A_3111 = tpu.sem_alloc : memref<!tpu.dma_semaphore, #tpu.memory_space<semaphore_mem>>
      %dma_start3A_3112 = tpu.memref_slice %arg2[%mul3A_11] : memref<8192xi32, #tpu.memory_space<hbm>> -> memref<512xi32, #tpu.memory_space<hbm>>
      %dma_start3A_3113 = tpu.memref_slice %arg2[%mul3A_11] : memref<8192xi32, #tpu.memory_space<hbm>> -> memref<512xi32, #tpu.memory_space<hbm>>
      tpu.enqueue_dma source(%dma_start3A_3113 : memref<512xi32, #tpu.memory_space<hbm>>) target(%arg5 : memref<512xi32, #tpu.memory_space<vmem>>) target_semaphore(%run_scoped3A_3111 : memref<!tpu.dma_semaphore, #tpu.memory_space<semaphore_mem>>)
      %dma_wait3A_3114 = tpu.memref_slice %arg2[%mul3A_11] : memref<8192xi32, #tpu.memory_space<hbm>> -> memref<512xi32, #tpu.memory_space<hbm>>
      %dma_wait3A_3115 = tpu.memref_slice %arg2[%mul3A_11] : memref<8192xi32, #tpu.memory_space<hbm>> -> memref<512xi32, #tpu.memory_space<hbm>>
      tpu.wait_dma2 semaphore(%run_scoped3A_3111 : memref<!tpu.dma_semaphore, #tpu.memory_space<semaphore_mem>>) src(%dma_wait3A_3115 : memref<512xi32, #tpu.memory_space<hbm>>) dst(%arg5 : memref<512xi32, #tpu.memory_space<vmem>>)
      tpu.yield
    }) : () -> ()
    %dma_wait3A = arith.constant 0 : i32
    %dma_wait3A_12 = arith.constant 0 : i32
    %dma_wait3A_13 = tpu.memref_slice %arg3[%dma_wait3A, %dma_wait3A_12] : memref<8x128xi32, #tpu.memory_space<hbm>> -> memref<1x128xi32, #tpu.memory_space<hbm>>
    %dma_wait3A_14 = tpu.memref_squeeze %dma_wait3A_13 : memref<1x128xi32, #tpu.memory_space<hbm>> -> memref<128xi32, #tpu.memory_space<hbm>>
    %dma_wait3A_15 = arith.constant 0 : i32
    %dma_wait3A_16 = tpu.memref_slice %arg3[%dma_wait3A, %dma_wait3A_15] : memref<8x128xi32, #tpu.memory_space<hbm>> -> memref<1x128xi32, #tpu.memory_space<hbm>>
    %dma_wait3A_17 = tpu.memref_squeeze %dma_wait3A_16 : memref<1x128xi32, #tpu.memory_space<hbm>> -> memref<128xi32, #tpu.memory_space<hbm>>
    tpu.wait_dma2 semaphore(%arg10 : memref<!tpu.dma_semaphore, #tpu.memory_space<semaphore_mem>>) src(%dma_wait3A_17 : memref<128xi32, #tpu.memory_space<hbm>>) dst(%arg6 : memref<128xi32, #tpu.memory_space<vmem>>)
    %get3A = arith.constant 0 : index
    %get3A_18 = tpu.vector_load %arg6[%get3A] {strides = array<i32>} : memref<128xi32, #tpu.memory_space<vmem>>, vector<16xi32>,
    %mul3A_19 = arith.constant 0 : i32
    %mul3A_20 = vector.broadcast %mul3A_19 : i32 to vector<16xi32>
    %mul3A_21 = arith.muli %iota3A, %mul3A_20 : vector<16xi32>
    %add3A_22 = vector.broadcast %arg1 : i32 to vector<16xi32>
    %add3A_23 = arith.addi %mul3A_21, %add3A_22 : vector<16xi32>
    %broadcast_in_dim3A = vector.shape_cast %add3A_23 : vector<16xi32> to vector<16x1xi32>
    %gather3A = vector.shape_cast %broadcast_in_dim3A : vector<16x1xi32> to vector<16xi32>
    %gather3A_24 = tpu.dynamic_gather %get3A_18[%gather3A] in [0] : vector<16xi32>, vector<16xi32> -> vector<16xi32>
    %get3A_25 = arith.constant 16 : index
    %get3A_26 = tpu.vector_load %arg6[%get3A_25] {strides = array<i32>} : memref<128xi32, #tpu.memory_space<vmem>>, vector<16xi32>,
    %mul3A_27 = arith.constant 0 : i32
    %mul3A_28 = vector.broadcast %mul3A_27 : i32 to vector<16xi32>
    %mul3A_29 = arith.muli %iota3A, %mul3A_28 : vector<16xi32>
    %broadcast_in_dim3A_30 = vector.shape_cast %mul3A_29 : vector<16xi32> to vector<16x1xi32>
    %gather3A_31 = vector.shape_cast %broadcast_in_dim3A_30 : vector<16x1xi32> to vector<16xi32>
    %gather3A_32 = tpu.dynamic_gather %get3A_26[%gather3A_31] in [0] : vector<16xi32>, vector<16xi32> -> vector<16xi32>
    %broadcast_in_dim3A_33 = arith.constant 0 : i32
    %broadcast_in_dim3A_34 = vector.broadcast %broadcast_in_dim3A_33 : i32 to vector<16xi32>
    %get3A_35 = arith.constant 0 : index
    %get3A_36 = tpu.vector_load %arg5[%get3A_35] {strides = array<i32>} : memref<512xi32, #tpu.memory_space<vmem>>, vector<16xi32>,
    %gt3A = arith.constant 0 : i32
    %gt3A_37 = vector.broadcast %gt3A : i32 to vector<16xi32>
    %gt3A_38 = arith.cmpi sgt, %get3A_36, %gt3A_37 : vector<16xi32>
    %sub3A = arith.constant 1 : i32
    %sub3A_39 = vector.broadcast %sub3A : i32 to vector<16xi32>
    %sub3A_40 = arith.subi %iota3A, %sub3A_39 : vector<16xi32>
    %max3A = arith.constant 0 : i32
    %max3A_41 = vector.broadcast %max3A : i32 to vector<16xi32>
    %max3A_42 = arith.maxsi %sub3A_40, %max3A_41 : vector<16xi32>
    %broadcast_in_dim3A_43 = vector.shape_cast %max3A_42 : vector<16xi32> to vector<16x1xi32>
    %gather3A_44 = vector.shape_cast %broadcast_in_dim3A_43 : vector<16x1xi32> to vector<16xi32>
    %gather3A_45 = tpu.dynamic_gather %get3A_36[%gather3A_44] in [0] : vector<16xi32>, vector<16xi32> -> vector<16xi32>
    %ge3A = arith.constant 1 : i32
    %ge3A_46 = vector.broadcast %ge3A : i32 to vector<16xi32>
    %ge3A_47 = arith.cmpi sge, %iota3A, %ge3A_46 : vector<16xi32>
    %jit3A = arith.constant 0 : i32
    %broadcast_in_dim3A_48 = vector.broadcast %jit3A : i32 to vector<16xi32>
    %select_n3A = arith.select %ge3A_47, %gather3A_45, %broadcast_in_dim3A_48 : vector<16xi1>, vector<16xi32>
    %add3A_49 = arith.addi %get3A_36, %select_n3A : vector<16xi32>
    %sub3A_50 = arith.constant 2 : i32
    %sub3A_51 = vector.broadcast %sub3A_50 : i32 to vector<16xi32>
    %sub3A_52 = arith.subi %iota3A, %sub3A_51 : vector<16xi32>
    %max3A_53 = arith.constant 0 : i32
    %max3A_54 = vector.broadcast %max3A_53 : i32 to vector<16xi32>
    %max3A_55 = arith.maxsi %sub3A_52, %max3A_54 : vector<16xi32>
    %broadcast_in_dim3A_56 = vector.shape_cast %max3A_55 : vector<16xi32> to vector<16x1xi32>
    %gather3A_57 = vector.shape_cast %broadcast_in_dim3A_56 : vector<16x1xi32> to vector<16xi32>
    %gather3A_58 = tpu.dynamic_gather %add3A_49[%gather3A_57] in [0] : vector<16xi32>, vector<16xi32> -> vector<16xi32>
    %ge3A_59 = arith.constant 2 : i32
    %ge3A_60 = vector.broadcast %ge3A_59 : i32 to vector<16xi32>
    %ge3A_61 = arith.cmpi sge, %iota3A, %ge3A_60 : vector<16xi32>
    %jit3A_62 = arith.constant 0 : i32
    %broadcast_in_dim3A_63 = vector.broadcast %jit3A_62 : i32 to vector<16xi32>
    %select_n3A_64 = arith.select %ge3A_61, %gather3A_58, %broadcast_in_dim3A_63 : vector<16xi1>, vector<16xi32>
    %add3A_65 = arith.addi %add3A_49, %select_n3A_64 : vector<16xi32>
    %sub3A_66 = arith.constant 4 : i32
    %sub3A_67 = vector.broadcast %sub3A_66 : i32 to vector<16xi32>
    %sub3A_68 = arith.subi %iota3A, %sub3A_67 : vector<16xi32>
    %max3A_69 = arith.constant 0 : i32
    %max3A_70 = vector.broadcast %max3A_69 : i32 to vector<16xi32>
    %max3A_71 = arith.maxsi %sub3A_68, %max3A_70 : vector<16xi32>
    %broadcast_in_dim3A_72 = vector.shape_cast %max3A_71 : vector<16xi32> to vector<16x1xi32>
    %gather3A_73 = vector.shape_cast %broadcast_in_dim3A_72 : vector<16x1xi32> to vector<16xi32>
    %gather3A_74 = tpu.dynamic_gather %add3A_65[%gather3A_73] in [0] : vector<16xi32>, vector<16xi32> -> vector<16xi32>
    %ge3A_75 = arith.constant 4 : i32
    %ge3A_76 = vector.broadcast %ge3A_75 : i32 to vector<16xi32>
    %ge3A_77 = arith.cmpi sge, %iota3A, %ge3A_76 : vector<16xi32>
    %jit3A_78 = arith.constant 0 : i32
    %broadcast_in_dim3A_79 = vector.broadcast %jit3A_78 : i32 to vector<16xi32>
    %select_n3A_80 = arith.select %ge3A_77, %gather3A_74, %broadcast_in_dim3A_79 : vector<16xi1>, vector<16xi32>
    %add3A_81 = arith.addi %add3A_65, %select_n3A_80 : vector<16xi32>
    %sub3A_82 = arith.constant 8 : i32
    %sub3A_83 = vector.broadcast %sub3A_82 : i32 to vector<16xi32>
    %sub3A_84 = arith.subi %iota3A, %sub3A_83 : vector<16xi32>
    %max3A_85 = arith.constant 0 : i32
    %max3A_86 = vector.broadcast %max3A_85 : i32 to vector<16xi32>
    %max3A_87 = arith.maxsi %sub3A_84, %max3A_86 : vector<16xi32>
    %broadcast_in_dim3A_88 = vector.shape_cast %max3A_87 : vector<16xi32> to vector<16x1xi32>
    %gather3A_89 = vector.shape_cast %broadcast_in_dim3A_88 : vector<16x1xi32> to vector<16xi32>
    %gather3A_90 = tpu.dynamic_gather %add3A_81[%gather3A_89] in [0] : vector<16xi32>, vector<16xi32> -> vector<16xi32>
    %ge3A_91 = arith.constant 8 : i32
    %ge3A_92 = vector.broadcast %ge3A_91 : i32 to vector<16xi32>
    %ge3A_93 = arith.cmpi sge, %iota3A, %ge3A_92 : vector<16xi32>
    %jit3A_94 = arith.constant 0 : i32
    %broadcast_in_dim3A_95 = vector.broadcast %jit3A_94 : i32 to vector<16xi32>
    %select_n3A_96 = arith.select %ge3A_93, %gather3A_90, %broadcast_in_dim3A_95 : vector<16xi1>, vector<16xi32>
    %add3A_97 = arith.addi %add3A_81, %select_n3A_96 : vector<16xi32>
    %mul3A_98 = arith.constant 512 : i32
    %mul3A_99 = arith.muli %arg1, %mul3A_98 : i32
    %add3A_100 = arith.constant 0 : i32
    %add3A_101 = arith.addi %mul3A_99, %add3A_100 : i32
    %add3A_102 = vector.broadcast %add3A_101 : i32 to vector<16xi32>
    %add3A_103 = arith.addi %add3A_102, %iota3A : vector<16xi32>
    %add3A_104 = arith.addi %gather3A_24, %broadcast_in_dim3A_34 : vector<16xi32>
    %add3A_105 = arith.addi %add3A_104, %add3A_97 : vector<16xi32>
    %sub3A_106 = arith.subi %add3A_105, %get3A_36 : vector<16xi32>
    %add3A_107 = arith.addi %gather3A_32, %add3A_103 : vector<16xi32>
    %sub3A_108 = arith.subi %add3A_107, %sub3A_106 : vector<16xi32>
    %select_n3A_109 = arith.select %gt3A_38, %sub3A_106, %sub3A_108 : vector<16xi1>, vector<16xi32>
    %jit3A_110 = arith.constant -1 : i32
    %broadcast_in_dim3A_111 = vector.broadcast %jit3A_110 : i32 to vector<16xi32>
    %select_n3A_112 = arith.select %gt3A_38, %add3A_103, %broadcast_in_dim3A_111 : vector<16xi1>, vector<16xi32>
    %swap3A = arith.constant 0 : i32
    %swap3A_113 = arith.index_cast %swap3A : i32 to index
    %swap3A_114 = arith.constant 0 : index
    %swap3A_115 = tpu.vector_load %arg7[%swap3A_113, %swap3A_114] {strides = array<i32>} : memref<4x128xi32, #tpu.memory_space<vmem>>, vector<16xi32>,
    tpu.vector_store %arg7[%swap3A_113, %swap3A_114], %select_n3A_109 {strides = array<i32>} : memref<4x128xi32, #tpu.memory_space<vmem>>, vector<16xi32>,
    %swap3A_116 = arith.constant 0 : i32
    %swap3A_117 = arith.index_cast %swap3A_116 : i32 to index
    %swap3A_118 = arith.constant 0 : index
    %swap3A_119 = tpu.vector_load %arg8[%swap3A_117, %swap3A_118] {strides = array<i32>} : memref<4x128xi32, #tpu.memory_space<vmem>>, vector<16xi32>,
    tpu.vector_store %arg8[%swap3A_117, %swap3A_118], %select_n3A_112 {strides = array<i32>} : memref<4x128xi32, #tpu.memory_space<vmem>>, vector<16xi32>,
    %broadcast_in_dim3A_120 = vector.shape_cast %add3A_3 : vector<16xi32> to vector<16x1xi32>
    %gather3A_121 = vector.shape_cast %broadcast_in_dim3A_120 : vector<16x1xi32> to vector<16xi32>
    %gather3A_122 = tpu.dynamic_gather %add3A_97[%gather3A_121] in [0] : vector<16xi32>, vector<16xi32> -> vector<16xi32>
    %add3A_123 = arith.addi %broadcast_in_dim3A_34, %gather3A_122 : vector<16xi32>
    %get3A_124 = arith.constant 16 : index
    %get3A_125 = tpu.vector_load %arg5[%get3A_124] {strides = array<i32>} : memref<512xi32, #tpu.memory_space<vmem>>, vector<16xi32>,
    %gt3A_126 = arith.constant 0 : i32
    %gt3A_127 = vector.broadcast %gt3A_126 : i32 to vector<16xi32>
    %gt3A_128 = arith.cmpi sgt, %get3A_125, %gt3A_127 : vector<16xi32>
    %sub3A_129 = arith.constant 1 : i32
    %sub3A_130 = vector.broadcast %sub3A_129 : i32 to vector<16xi32>
    %sub3A_131 = arith.subi %iota3A, %sub3A_130 : vector<16xi32>
    %max3A_132 = arith.constant 0 : i32
    %max3A_133 = vector.broadcast %max3A_132 : i32 to vector<16xi32>
    %max3A_134 = arith.maxsi %sub3A_131, %max3A_133 : vector<16xi32>
    %broadcast_in_dim3A_135 = vector.shape_cast %max3A_134 : vector<16xi32> to vector<16x1xi32>
    %gather3A_136 = vector.shape_cast %broadcast_in_dim3A_135 : vector<16x1xi32> to vector<16xi32>
    %gather3A_137 = tpu.dynamic_gather %get3A_125[%gather3A_136] in [0] : vector<16xi32>, vector<16xi32> -> vector<16xi32>
    %ge3A_138 = arith.constant 1 : i32
    %ge3A_139 = vector.broadcast %ge3A_138 : i32 to vector<16xi32>
    %ge3A_140 = arith.cmpi sge, %iota3A, %ge3A_139 : vector<16xi32>
    %jit3A_141 = arith.constant 0 : i32
    %broadcast_in_dim3A_142 = vector.broadcast %jit3A_141 : i32 to vector<16xi32>
    %select_n3A_143 = arith.select %ge3A_140, %gather3A_137, %broadcast_in_dim3A_142 : vector<16xi1>, vector<16xi32>
    %add3A_144 = arith.addi %get3A_125, %select_n3A_143 : vector<16xi32>
    %sub3A_145 = arith.constant 2 : i32
    %sub3A_146 = vector.broadcast %sub3A_145 : i32 to vector<16xi32>
    %sub3A_147 = arith.subi %iota3A, %sub3A_146 : vector<16xi32>
    %max3A_148 = arith.constant 0 : i32
    %max3A_149 = vector.broadcast %max3A_148 : i32 to vector<16xi32>
    %max3A_150 = arith.maxsi %sub3A_147, %max3A_149 : vector<16xi32>
    %broadcast_in_dim3A_151 = vector.shape_cast %max3A_150 : vector<16xi32> to vector<16x1xi32>
    %gather3A_152 = vector.shape_cast %broadcast_in_dim3A_151 : vector<16x1xi32> to vector<16xi32>
    %gather3A_153 = tpu.dynamic_gather %add3A_144[%gather3A_152] in [0] : vector<16xi32>, vector<16xi32> -> vector<16xi32>
    %ge3A_154 = arith.constant 2 : i32
    %ge3A_155 = vector.broadcast %ge3A_154 : i32 to vector<16xi32>
    %ge3A_156 = arith.cmpi sge, %iota3A, %ge3A_155 : vector<16xi32>
    %jit3A_157 = arith.constant 0 : i32
    %broadcast_in_dim3A_158 = vector.broadcast %jit3A_157 : i32 to vector<16xi32>
    %select_n3A_159 = arith.select %ge3A_156, %gather3A_153, %broadcast_in_dim3A_158 : vector<16xi1>, vector<16xi32>
    %add3A_160 = arith.addi %add3A_144, %select_n3A_159 : vector<16xi32>
    %sub3A_161 = arith.constant 4 : i32
    %sub3A_162 = vector.broadcast %sub3A_161 : i32 to vector<16xi32>
    %sub3A_163 = arith.subi %iota3A, %sub3A_162 : vector<16xi32>
    %max3A_164 = arith.constant 0 : i32
    %max3A_165 = vector.broadcast %max3A_164 : i32 to vector<16xi32>
    %max3A_166 = arith.maxsi %sub3A_163, %max3A_165 : vector<16xi32>
    %broadcast_in_dim3A_167 = vector.shape_cast %max3A_166 : vector<16xi32> to vector<16x1xi32>
    %gather3A_168 = vector.shape_cast %broadcast_in_dim3A_167 : vector<16x1xi32> to vector<16xi32>
    %gather3A_169 = tpu.dynamic_gather %add3A_160[%gather3A_168] in [0] : vector<16xi32>, vector<16xi32> -> vector<16xi32>
    %ge3A_170 = arith.constant 4 : i32
    %ge3A_171 = vector.broadcast %ge3A_170 : i32 to vector<16xi32>
    %ge3A_172 = arith.cmpi sge, %iota3A, %ge3A_171 : vector<16xi32>
    %jit3A_173 = arith.constant 0 : i32
    %broadcast_in_dim3A_174 = vector.broadcast %jit3A_173 : i32 to vector<16xi32>
    %select_n3A_175 = arith.select %ge3A_172, %gather3A_169, %broadcast_in_dim3A_174 : vector<16xi1>, vector<16xi32>
    %add3A_176 = arith.addi %add3A_160, %select_n3A_175 : vector<16xi32>
    %sub3A_177 = arith.constant 8 : i32
    %sub3A_178 = vector.broadcast %sub3A_177 : i32 to vector<16xi32>
    %sub3A_179 = arith.subi %iota3A, %sub3A_178 : vector<16xi32>
    %max3A_180 = arith.constant 0 : i32
    %max3A_181 = vector.broadcast %max3A_180 : i32 to vector<16xi32>
    %max3A_182 = arith.maxsi %sub3A_179, %max3A_181 : vector<16xi32>
    %broadcast_in_dim3A_183 = vector.shape_cast %max3A_182 : vector<16xi32> to vector<16x1xi32>
    %gather3A_184 = vector.shape_cast %broadcast_in_dim3A_183 : vector<16x1xi32> to vector<16xi32>
    %gather3A_185 = tpu.dynamic_gather %add3A_176[%gather3A_184] in [0] : vector<16xi32>, vector<16xi32> -> vector<16xi32>
    %ge3A_186 = arith.constant 8 : i32
    %ge3A_187 = vector.broadcast %ge3A_186 : i32 to vector<16xi32>
    %ge3A_188 = arith.cmpi sge, %iota3A, %ge3A_187 : vector<16xi32>
    %jit3A_189 = arith.constant 0 : i32
    %broadcast_in_dim3A_190 = vector.broadcast %jit3A_189 : i32 to vector<16xi32>
    %select_n3A_191 = arith.select %ge3A_188, %gather3A_185, %broadcast_in_dim3A_190 : vector<16xi1>, vector<16xi32>
    %add3A_192 = arith.addi %add3A_176, %select_n3A_191 : vector<16xi32>
    %mul3A_193 = arith.constant 512 : i32
    %mul3A_194 = arith.muli %arg1, %mul3A_193 : i32
    %add3A_195 = arith.constant 16 : i32
    %add3A_196 = arith.addi %mul3A_194, %add3A_195 : i32
    %add3A_197 = vector.broadcast %add3A_196 : i32 to vector<16xi32>
    %add3A_198 = arith.addi %add3A_197, %iota3A : vector<16xi32>
    %add3A_199 = arith.addi %gather3A_24, %add3A_123 : vector<16xi32>
    %add3A_200 = arith.addi %add3A_199, %add3A_192 : vector<16xi32>
    %sub3A_201 = arith.subi %add3A_200, %get3A_125 : vector<16xi32>
    %add3A_202 = arith.addi %gather3A_32, %add3A_198 : vector<16xi32>
    %sub3A_203 = arith.subi %add3A_202, %sub3A_201 : vector<16xi32>
    %select_n3A_204 = arith.select %gt3A_128, %sub3A_201, %sub3A_203 : vector<16xi1>, vector<16xi32>
    %jit3A_205 = arith.constant -1 : i32
    %broadcast_in_dim3A_206 = vector.broadcast %jit3A_205 : i32 to vector<16xi32>
    %select_n3A_207 = arith.select %gt3A_128, %add3A_198, %broadcast_in_dim3A_206 : vector<16xi1>, vector<16xi32>
    %swap3A_208 = arith.constant 0 : i32
    %swap3A_209 = arith.index_cast %swap3A_208 : i32 to index
    %swap3A_210 = arith.constant 16 : index
    %swap3A_211 = tpu.vector_load %arg7[%swap3A_209, %swap3A_210] {strides = array<i32>} : memref<4x128xi32, #tpu.memory_space<vmem>>, vector<16xi32>,
    tpu.vector_store %arg7[%swap3A_209, %swap3A_210], %select_n3A_204 {strides = array<i32>} : memref<4x128xi32, #tpu.memory_space<vmem>>, vector<16xi32>,
    %swap3A_212 = arith.constant 0 : i32
    %swap3A_213 = arith.index_cast %swap3A_212 : i32 to index
    %swap3A_214 = arith.constant 16 : index
    %swap3A_215 = tpu.vector_load %arg8[%swap3A_213, %swap3A_214] {strides = array<i32>} : memref<4x128xi32, #tpu.memory_space<vmem>>, vector<16xi32>,
    tpu.vector_store %arg8[%swap3A_213, %swap3A_214], %select_n3A_207 {strides = array<i32>} : memref<4x128xi32, #tpu.memory_space<vmem>>, vector<16xi32>,
    %broadcast_in_dim3A_216 = vector.shape_cast %add3A_3 : vector<16xi32> to vector<16x1xi32>
    %gather3A_217 = vector.shape_cast %broadcast_in_dim3A_216 : vector<16x1xi32> to vector<16xi32>
    %gather3A_218 = tpu.dynamic_gather %add3A_192[%gather3A_217] in [0] : vector<16xi32>, vector<16xi32> -> vector<16xi32>
    %add3A_219 = arith.addi %add3A_123, %gather3A_218 : vector<16xi32>
    %get3A_220 = arith.constant 32 : index
    %get3A_221 = tpu.vector_load %arg5[%get3A_220] {strides = array<i32>} : memref<512xi32, #tpu.memory_space<vmem>>, vector<16xi32>,
    %gt3A_222 = arith.constant 0 : i32
    %gt3A_223 = vector.broadcast %gt3A_222 : i32 to vector<16xi32>
    %gt3A_224 = arith.cmpi sgt, %get3A_221, %gt3A_223 : vector<16xi32>
    %sub3A_225 = arith.constant 1 : i32
    %sub3A_226 = vector.broadcast %sub3A_225 : i32 to vector<16xi32>
    %sub3A_227 = arith.subi %iota3A, %sub3A_226 : vector<16xi32>
    %max3A_228 = arith.constant 0 : i32
    %max3A_229 = vector.broadcast %max3A_228 : i32 to vector<16xi32>
    %max3A_230 = arith.maxsi %sub3A_227, %max3A_229 : vector<16xi32>
    %broadcast_in_dim3A_231 = vector.shape_cast %max3A_230 : vector<16xi32> to vector<16x1xi32>
    %gather3A_232 = vector.shape_cast %broadcast_in_dim3A_231 : vector<16x1xi32> to vector<16xi32>
    %gather3A_233 = tpu.dynamic_gather %get3A_221[%gather3A_232] in [0] : vector<16xi32>, vector<16xi32> -> vector<16xi32>
    %ge3A_234 = arith.constant 1 : i32
    %ge3A_235 = vector.broadcast %ge3A_234 : i32 to vector<16xi32>
    %ge3A_236 = arith.cmpi sge, %iota3A, %ge3A_235 : vector<16xi32>
    %jit3A_237 = arith.constant 0 : i32
    %broadcast_in_dim3A_238 = vector.broadcast %jit3A_237 : i32 to vector<16xi32>
    %select_n3A_239 = arith.select %ge3A_236, %gather3A_233, %broadcast_in_dim3A_238 : vector<16xi1>, vector<16xi32>
    %add3A_240 = arith.addi %get3A_221, %select_n3A_239 : vector<16xi32>
    %sub3A_241 = arith.constant 2 : i32
    %sub3A_242 = vector.broadcast %sub3A_241 : i32 to vector<16xi32>
    %sub3A_243 = arith.subi %iota3A, %sub3A_242 : vector<16xi32>
    %max3A_244 = arith.constant 0 : i32
    %max3A_245 = vector.broadcast %max3A_244 : i32 to vector<16xi32>
    %max3A_246 = arith.maxsi %sub3A_243, %max3A_245 : vector<16xi32>
    %broadcast_in_dim3A_247 = vector.shape_cast %max3A_246 : vector<16xi32> to vector<16x1xi32>
    %gather3A_248 = vector.shape_cast %broadcast_in_dim3A_247 : vector<16x1xi32> to vector<16xi32>
    %gather3A_249 = tpu.dynamic_gather %add3A_240[%gather3A_248] in [0] : vector<16xi32>, vector<16xi32> -> vector<16xi32>
    %ge3A_250 = arith.constant 2 : i32
    %ge3A_251 = vector.broadcast %ge3A_250 : i32 to vector<16xi32>
    %ge3A_252 = arith.cmpi sge, %iota3A, %ge3A_251 : vector<16xi32>
    %jit3A_253 = arith.constant 0 : i32
    %broadcast_in_dim3A_254 = vector.broadcast %jit3A_253 : i32 to vector<16xi32>
    %select_n3A_255 = arith.select %ge3A_252, %gather3A_249, %broadcast_in_dim3A_254 : vector<16xi1>, vector<16xi32>
    %add3A_256 = arith.addi %add3A_240, %select_n3A_255 : vector<16xi32>
    %sub3A_257 = arith.constant 4 : i32
    %sub3A_258 = vector.broadcast %sub3A_257 : i32 to vector<16xi32>
    %sub3A_259 = arith.subi %iota3A, %sub3A_258 : vector<16xi32>
    %max3A_260 = arith.constant 0 : i32
    %max3A_261 = vector.broadcast %max3A_260 : i32 to vector<16xi32>
    %max3A_262 = arith.maxsi %sub3A_259, %max3A_261 : vector<16xi32>
    %broadcast_in_dim3A_263 = vector.shape_cast %max3A_262 : vector<16xi32> to vector<16x1xi32>
    %gather3A_264 = vector.shape_cast %broadcast_in_dim3A_263 : vector<16x1xi32> to vector<16xi32>
    %gather3A_265 = tpu.dynamic_gather %add3A_256[%gather3A_264] in [0] : vector<16xi32>, vector<16xi32> -> vector<16xi32>
    %ge3A_266 = arith.constant 4 : i32
    %ge3A_267 = vector.broadcast %ge3A_266 : i32 to vector<16xi32>
    %ge3A_268 = arith.cmpi sge, %iota3A, %ge3A_267 : vector<16xi32>
    %jit3A_269 = arith.constant 0 : i32
    %broadcast_in_dim3A_270 = vector.broadcast %jit3A_269 : i32 to vector<16xi32>
    %select_n3A_271 = arith.select %ge3A_268, %gather3A_265, %broadcast_in_dim3A_270 : vector<16xi1>, vector<16xi32>
    %add3A_272 = arith.addi %add3A_256, %select_n3A_271 : vector<16xi32>
    %sub3A_273 = arith.constant 8 : i32
    %sub3A_274 = vector.broadcast %sub3A_273 : i32 to vector<16xi32>
    %sub3A_275 = arith.subi %iota3A, %sub3A_274 : vector<16xi32>
    %max3A_276 = arith.constant 0 : i32
    %max3A_277 = vector.broadcast %max3A_276 : i32 to vector<16xi32>
    %max3A_278 = arith.maxsi %sub3A_275, %max3A_277 : vector<16xi32>
    %broadcast_in_dim3A_279 = vector.shape_cast %max3A_278 : vector<16xi32> to vector<16x1xi32>
    %gather3A_280 = vector.shape_cast %broadcast_in_dim3A_279 : vector<16x1xi32> to vector<16xi32>
    %gather3A_281 = tpu.dynamic_gather %add3A_272[%gather3A_280] in [0] : vector<16xi32>, vector<16xi32> -> vector<16xi32>
    %ge3A_282 = arith.constant 8 : i32
    %ge3A_283 = vector.broadcast %ge3A_282 : i32 to vector<16xi32>
    %ge3A_284 = arith.cmpi sge, %iota3A, %ge3A_283 : vector<16xi32>
    %jit3A_285 = arith.constant 0 : i32
    %broadcast_in_dim3A_286 = vector.broadcast %jit3A_285 : i32 to vector<16xi32>
    %select_n3A_287 = arith.select %ge3A_284, %gather3A_281, %broadcast_in_dim3A_286 : vector<16xi1>, vector<16xi32>
    %add3A_288 = arith.addi %add3A_272, %select_n3A_287 : vector<16xi32>
    %mul3A_289 = arith.constant 512 : i32
    %mul3A_290 = arith.muli %arg1, %mul3A_289 : i32
    %add3A_291 = arith.constant 32 : i32
    %add3A_292 = arith.addi %mul3A_290, %add3A_291 : i32
    %add3A_293 = vector.broadcast %add3A_292 : i32 to vector<16xi32>
    %add3A_294 = arith.addi %add3A_293, %iota3A : vector<16xi32>
    %add3A_295 = arith.addi %gather3A_24, %add3A_219 : vector<16xi32>
    %add3A_296 = arith.addi %add3A_295, %add3A_288 : vector<16xi32>
    %sub3A_297 = arith.subi %add3A_296, %get3A_221 : vector<16xi32>
    %add3A_298 = arith.addi %gather3A_32, %add3A_294 : vector<16xi32>
    %sub3A_299 = arith.subi %add3A_298, %sub3A_297 : vector<16xi32>
    %select_n3A_300 = arith.select %gt3A_224, %sub3A_297, %sub3A_299 : vector<16xi1>, vector<16xi32>
    %jit3A_301 = arith.constant -1 : i32
    %broadcast_in_dim3A_302 = vector.broadcast %jit3A_301 : i32 to vector<16xi32>
    %select_n3A_303 = arith.select %gt3A_224, %add3A_294, %broadcast_in_dim3A_302 : vector<16xi1>, vector<16xi32>
    %swap3A_304 = arith.constant 0 : i32
    %swap3A_305 = arith.index_cast %swap3A_304 : i32 to index
    %swap3A_306 = arith.constant 32 : index
    %swap3A_307 = tpu.vector_load %arg7[%swap3A_305, %swap3A_306] {strides = array<i32>} : memref<4x128xi32, #tpu.memory_space<vmem>>, vector<16xi32>,
    tpu.vector_store %arg7[%swap3A_305, %swap3A_306], %select_n3A_300 {strides = array<i32>} : memref<4x128xi32, #tpu.memory_space<vmem>>, vector<16xi32>,
    %swap3A_308 = arith.constant 0 : i32
    %swap3A_309 = arith.index_cast %swap3A_308 : i32 to index
    %swap3A_310 = arith.constant 32 : index
    %swap3A_311 = tpu.vector_load %arg8[%swap3A_309, %swap3A_310] {strides = array<i32>} : memref<4x128xi32, #tpu.memory_space<vmem>>, vector<16xi32>,
    tpu.vector_store %arg8[%swap3A_309, %swap3A_310], %select_n3A_303 {strides = array<i32>} : memref<4x128xi32, #tpu.memory_space<vmem>>, vector<16xi32>,
    %broadcast_in_dim3A_312 = vector.shape_cast %add3A_3 : vector<16xi32> to vector<16x1xi32>
    %gather3A_313 = vector.shape_cast %broadcast_in_dim3A_312 : vector<16x1xi32> to vector<16xi32>
    %gather3A_314 = tpu.dynamic_gather %add3A_288[%gather3A_313] in [0] : vector<16xi32>, vector<16xi32> -> vector<16xi32>
    %add3A_315 = arith.addi %add3A_219, %gather3A_314 : vector<16xi32>
    %get3A_316 = arith.constant 48 : index
    %get3A_317 = tpu.vector_load %arg5[%get3A_316] {strides = array<i32>} : memref<512xi32, #tpu.memory_space<vmem>>, vector<16xi32>,
    %gt3A_318 = arith.constant 0 : i32
    %gt3A_319 = vector.broadcast %gt3A_318 : i32 to vector<16xi32>
    %gt3A_320 = arith.cmpi sgt, %get3A_317, %gt3A_319 : vector<16xi32>
    %sub3A_321 = arith.constant 1 : i32
    %sub3A_322 = vector.broadcast %sub3A_321 : i32 to vector<16xi32>
    %sub3A_323 = arith.subi %iota3A, %sub3A_322 : vector<16xi32>
    %max3A_324 = arith.constant 0 : i32
    %max3A_325 = vector.broadcast %max3A_324 : i32 to vector<16xi32>
    %max3A_326 = arith.maxsi %sub3A_323, %max3A_325 : vector<16xi32>
    %broadcast_in_dim3A_327 = vector.shape_cast %max3A_326 : vector<16xi32> to vector<16x1xi32>
    %gather3A_328 = vector.shape_cast %broadcast_in_dim3A_327 : vector<16x1xi32> to vector<16xi32>
    %gather3A_329 = tpu.dynamic_gather %get3A_317[%gather3A_328] in [0] : vector<16xi32>, vector<16xi32> -> vector<16xi32>
    %ge3A_330 = arith.constant 1 : i32
    %ge3A_331 = vector.broadcast %ge3A_330 : i32 to vector<16xi32>
    %ge3A_332 = arith.cmpi sge, %iota3A, %ge3A_331 : vector<16xi32>
    %jit3A_333 = arith.constant 0 : i32
    %broadcast_in_dim3A_334 = vector.broadcast %jit3A_333 : i32 to vector<16xi32>
    %select_n3A_335 = arith.select %ge3A_332, %gather3A_329, %broadcast_in_dim3A_334 : vector<16xi1>, vector<16xi32>
    %add3A_336 = arith.addi %get3A_317, %select_n3A_335 : vector<16xi32>
    %sub3A_337 = arith.constant 2 : i32
    %sub3A_338 = vector.broadcast %sub3A_337 : i32 to vector<16xi32>
    %sub3A_339 = arith.subi %iota3A, %sub3A_338 : vector<16xi32>
    %max3A_340 = arith.constant 0 : i32
    %max3A_341 = vector.broadcast %max3A_340 : i32 to vector<16xi32>
    %max3A_342 = arith.maxsi %sub3A_339, %max3A_341 : vector<16xi32>
    %broadcast_in_dim3A_343 = vector.shape_cast %max3A_342 : vector<16xi32> to vector<16x1xi32>
    %gather3A_344 = vector.shape_cast %broadcast_in_dim3A_343 : vector<16x1xi32> to vector<16xi32>
    %gather3A_345 = tpu.dynamic_gather %add3A_336[%gather3A_344] in [0] : vector<16xi32>, vector<16xi32> -> vector<16xi32>
    %ge3A_346 = arith.constant 2 : i32
    %ge3A_347 = vector.broadcast %ge3A_346 : i32 to vector<16xi32>
    %ge3A_348 = arith.cmpi sge, %iota3A, %ge3A_347 : vector<16xi32>
    %jit3A_349 = arith.constant 0 : i32
    %broadcast_in_dim3A_350 = vector.broadcast %jit3A_349 : i32 to vector<16xi32>
    %select_n3A_351 = arith.select %ge3A_348, %gather3A_345, %broadcast_in_dim3A_350 : vector<16xi1>, vector<16xi32>
    %add3A_352 = arith.addi %add3A_336, %select_n3A_351 : vector<16xi32>
    %sub3A_353 = arith.constant 4 : i32
    %sub3A_354 = vector.broadcast %sub3A_353 : i32 to vector<16xi32>
    %sub3A_355 = arith.subi %iota3A, %sub3A_354 : vector<16xi32>
    %max3A_356 = arith.constant 0 : i32
    %max3A_357 = vector.broadcast %max3A_356 : i32 to vector<16xi32>
    %max3A_358 = arith.maxsi %sub3A_355, %max3A_357 : vector<16xi32>
    %broadcast_in_dim3A_359 = vector.shape_cast %max3A_358 : vector<16xi32> to vector<16x1xi32>
    %gather3A_360 = vector.shape_cast %broadcast_in_dim3A_359 : vector<16x1xi32> to vector<16xi32>
    %gather3A_361 = tpu.dynamic_gather %add3A_352[%gather3A_360] in [0] : vector<16xi32>, vector<16xi32> -> vector<16xi32>
    %ge3A_362 = arith.constant 4 : i32
    %ge3A_363 = vector.broadcast %ge3A_362 : i32 to vector<16xi32>
    %ge3A_364 = arith.cmpi sge, %iota3A, %ge3A_363 : vector<16xi32>
    %jit3A_365 = arith.constant 0 : i32
    %broadcast_in_dim3A_366 = vector.broadcast %jit3A_365 : i32 to vector<16xi32>
    %select_n3A_367 = arith.select %ge3A_364, %gather3A_361, %broadcast_in_dim3A_366 : vector<16xi1>, vector<16xi32>
    %add3A_368 = arith.addi %add3A_352, %select_n3A_367 : vector<16xi32>
    %sub3A_369 = arith.constant 8 : i32
    %sub3A_370 = vector.broadcast %sub3A_369 : i32 to vector<16xi32>
    %sub3A_371 = arith.subi %iota3A, %sub3A_370 : vector<16xi32>
    %max3A_372 = arith.constant 0 : i32
    %max3A_373 = vector.broadcast %max3A_372 : i32 to vector<16xi32>
    %max3A_374 = arith.maxsi %sub3A_371, %max3A_373 : vector<16xi32>
    %broadcast_in_dim3A_375 = vector.shape_cast %max3A_374 : vector<16xi32> to vector<16x1xi32>
    %gather3A_376 = vector.shape_cast %broadcast_in_dim3A_375 : vector<16x1xi32> to vector<16xi32>
    %gather3A_377 = tpu.dynamic_gather %add3A_368[%gather3A_376] in [0] : vector<16xi32>, vector<16xi32> -> vector<16xi32>
    %ge3A_378 = arith.constant 8 : i32
    %ge3A_379 = vector.broadcast %ge3A_378 : i32 to vector<16xi32>
    %ge3A_380 = arith.cmpi sge, %iota3A, %ge3A_379 : vector<16xi32>
    %jit3A_381 = arith.constant 0 : i32
    %broadcast_in_dim3A_382 = vector.broadcast %jit3A_381 : i32 to vector<16xi32>
    %select_n3A_383 = arith.select %ge3A_380, %gather3A_377, %broadcast_in_dim3A_382 : vector<16xi1>, vector<16xi32>
    %add3A_384 = arith.addi %add3A_368, %select_n3A_383 : vector<16xi32>
    %mul3A_385 = arith.constant 512 : i32
    %mul3A_386 = arith.muli %arg1, %mul3A_385 : i32
    %add3A_387 = arith.constant 48 : i32
    %add3A_388 = arith.addi %mul3A_386, %add3A_387 : i32
    %add3A_389 = vector.broadcast %add3A_388 : i32 to vector<16xi32>
    %add3A_390 = arith.addi %add3A_389, %iota3A : vector<16xi32>
    %add3A_391 = arith.addi %gather3A_24, %add3A_315 : vector<16xi32>
    %add3A_392 = arith.addi %add3A_391, %add3A_384 : vector<16xi32>
    %sub3A_393 = arith.subi %add3A_392, %get3A_317 : vector<16xi32>
    %add3A_394 = arith.addi %gather3A_32, %add3A_390 : vector<16xi32>
    %sub3A_395 = arith.subi %add3A_394, %sub3A_393 : vector<16xi32>
    %select_n3A_396 = arith.select %gt3A_320, %sub3A_393, %sub3A_395 : vector<16xi1>, vector<16xi32>
    %jit3A_397 = arith.constant -1 : i32
    %broadcast_in_dim3A_398 = vector.broadcast %jit3A_397 : i32 to vector<16xi32>
    %select_n3A_399 = arith.select %gt3A_320, %add3A_390, %broadcast_in_dim3A_398 : vector<16xi1>, vector<16xi32>
    %swap3A_400 = arith.constant 0 : i32
    %swap3A_401 = arith.index_cast %swap3A_400 : i32 to index
    %swap3A_402 = arith.constant 48 : index
    %swap3A_403 = tpu.vector_load %arg7[%swap3A_401, %swap3A_402] {strides = array<i32>} : memref<4x128xi32, #tpu.memory_space<vmem>>, vector<16xi32>,
    tpu.vector_store %arg7[%swap3A_401, %swap3A_402], %select_n3A_396 {strides = array<i32>} : memref<4x128xi32, #tpu.memory_space<vmem>>, vector<16xi32>,
    %swap3A_404 = arith.constant 0 : i32
    %swap3A_405 = arith.index_cast %swap3A_404 : i32 to index
    %swap3A_406 = arith.constant 48 : index
    %swap3A_407 = tpu.vector_load %arg8[%swap3A_405, %swap3A_406] {strides = array<i32>} : memref<4x128xi32, #tpu.memory_space<vmem>>, vector<16xi32>,
    tpu.vector_store %arg8[%swap3A_405, %swap3A_406], %select_n3A_399 {strides = array<i32>} : memref<4x128xi32, #tpu.memory_space<vmem>>, vector<16xi32>,
    %broadcast_in_dim3A_408 = vector.shape_cast %add3A_3 : vector<16xi32> to vector<16x1xi32>
    %gather3A_409 = vector.shape_cast %broadcast_in_dim3A_408 : vector<16x1xi32> to vector<16xi32>
    %gather3A_410 = tpu.dynamic_gather %add3A_384[%gather3A_409] in [0] : vector<16xi32>, vector<16xi32> -> vector<16xi32>
    %add3A_411 = arith.addi %add3A_315, %gather3A_410 : vector<16xi32>
    %get3A_412 = arith.constant 64 : index
    %get3A_413 = tpu.vector_load %arg5[%get3A_412] {strides = array<i32>} : memref<512xi32, #tpu.memory_space<vmem>>, vector<16xi32>,
    %gt3A_414 = arith.constant 0 : i32
    %gt3A_415 = vector.broadcast %gt3A_414 : i32 to vector<16xi32>
    %gt3A_416 = arith.cmpi sgt, %get3A_413, %gt3A_415 : vector<16xi32>
    %sub3A_417 = arith.constant 1 : i32
    %sub3A_418 = vector.broadcast %sub3A_417 : i32 to vector<16xi32>
    %sub3A_419 = arith.subi %iota3A, %sub3A_418 : vector<16xi32>
    %max3A_420 = arith.constant 0 : i32
    %max3A_421 = vector.broadcast %max3A_420 : i32 to vector<16xi32>
    %max3A_422 = arith.maxsi %sub3A_419, %max3A_421 : vector<16xi32>
    %broadcast_in_dim3A_423 = vector.shape_cast %max3A_422 : vector<16xi32> to vector<16x1xi32>
    %gather3A_424 = vector.shape_cast %broadcast_in_dim3A_423 : vector<16x1xi32> to vector<16xi32>
    %gather3A_425 = tpu.dynamic_gather %get3A_413[%gather3A_424] in [0] : vector<16xi32>, vector<16xi32> -> vector<16xi32>
    %ge3A_426 = arith.constant 1 : i32
    %ge3A_427 = vector.broadcast %ge3A_426 : i32 to vector<16xi32>
    %ge3A_428 = arith.cmpi sge, %iota3A, %ge3A_427 : vector<16xi32>
    %jit3A_429 = arith.constant 0 : i32
    %broadcast_in_dim3A_430 = vector.broadcast %jit3A_429 : i32 to vector<16xi32>
    %select_n3A_431 = arith.select %ge3A_428, %gather3A_425, %broadcast_in_dim3A_430 : vector<16xi1>, vector<16xi32>
    %add3A_432 = arith.addi %get3A_413, %select_n3A_431 : vector<16xi32>
    %sub3A_433 = arith.constant 2 : i32
    %sub3A_434 = vector.broadcast %sub3A_433 : i32 to vector<16xi32>
    %sub3A_435 = arith.subi %iota3A, %sub3A_434 : vector<16xi32>
    %max3A_436 = arith.constant 0 : i32
    %max3A_437 = vector.broadcast %max3A_436 : i32 to vector<16xi32>
    %max3A_438 = arith.maxsi %sub3A_435, %max3A_437 : vector<16xi32>
    %broadcast_in_dim3A_439 = vector.shape_cast %max3A_438 : vector<16xi32> to vector<16x1xi32>
    %gather3A_440 = vector.shape_cast %broadcast_in_dim3A_439 : vector<16x1xi32> to vector<16xi32>
    %gather3A_441 = tpu.dynamic_gather %add3A_432[%gather3A_440] in [0] : vector<16xi32>, vector<16xi32> -> vector<16xi32>
    %ge3A_442 = arith.constant 2 : i32
    %ge3A_443 = vector.broadcast %ge3A_442 : i32 to vector<16xi32>
    %ge3A_444 = arith.cmpi sge, %iota3A, %ge3A_443 : vector<16xi32>
    %jit3A_445 = arith.constant 0 : i32
    %broadcast_in_dim3A_446 = vector.broadcast %jit3A_445 : i32 to vector<16xi32>
    %select_n3A_447 = arith.select %ge3A_444, %gather3A_441, %broadcast_in_dim3A_446 : vector<16xi1>, vector<16xi32>
    %add3A_448 = arith.addi %add3A_432, %select_n3A_447 : vector<16xi32>
    %sub3A_449 = arith.constant 4 : i32
    %sub3A_450 = vector.broadcast %sub3A_449 : i32 to vector<16xi32>
    %sub3A_451 = arith.subi %iota3A, %sub3A_450 : vector<16xi32>
    %max3A_452 = arith.constant 0 : i32
    %max3A_453 = vector.broadcast %max3A_452 : i32 to vector<16xi32>
    %max3A_454 = arith.maxsi %sub3A_451, %max3A_453 : vector<16xi32>
    %broadcast_in_dim3A_455 = vector.shape_cast %max3A_454 : vector<16xi32> to vector<16x1xi32>
    %gather3A_456 = vector.shape_cast %broadcast_in_dim3A_455 : vector<16x1xi32> to vector<16xi32>
    %gather3A_457 = tpu.dynamic_gather %add3A_448[%gather3A_456] in [0] : vector<16xi32>, vector<16xi32> -> vector<16xi32>
    %ge3A_458 = arith.constant 4 : i32
    %ge3A_459 = vector.broadcast %ge3A_458 : i32 to vector<16xi32>
    %ge3A_460 = arith.cmpi sge, %iota3A, %ge3A_459 : vector<16xi32>
    %jit3A_461 = arith.constant 0 : i32
    %broadcast_in_dim3A_462 = vector.broadcast %jit3A_461 : i32 to vector<16xi32>
    %select_n3A_463 = arith.select %ge3A_460, %gather3A_457, %broadcast_in_dim3A_462 : vector<16xi1>, vector<16xi32>
    %add3A_464 = arith.addi %add3A_448, %select_n3A_463 : vector<16xi32>
    %sub3A_465 = arith.constant 8 : i32
    %sub3A_466 = vector.broadcast %sub3A_465 : i32 to vector<16xi32>
    %sub3A_467 = arith.subi %iota3A, %sub3A_466 : vector<16xi32>
    %max3A_468 = arith.constant 0 : i32
    %max3A_469 = vector.broadcast %max3A_468 : i32 to vector<16xi32>
    %max3A_470 = arith.maxsi %sub3A_467, %max3A_469 : vector<16xi32>
    %broadcast_in_dim3A_471 = vector.shape_cast %max3A_470 : vector<16xi32> to vector<16x1xi32>
    %gather3A_472 = vector.shape_cast %broadcast_in_dim3A_471 : vector<16x1xi32> to vector<16xi32>
    %gather3A_473 = tpu.dynamic_gather %add3A_464[%gather3A_472] in [0] : vector<16xi32>, vector<16xi32> -> vector<16xi32>
    %ge3A_474 = arith.constant 8 : i32
    %ge3A_475 = vector.broadcast %ge3A_474 : i32 to vector<16xi32>
    %ge3A_476 = arith.cmpi sge, %iota3A, %ge3A_475 : vector<16xi32>
    %jit3A_477 = arith.constant 0 : i32
    %broadcast_in_dim3A_478 = vector.broadcast %jit3A_477 : i32 to vector<16xi32>
    %select_n3A_479 = arith.select %ge3A_476, %gather3A_473, %broadcast_in_dim3A_478 : vector<16xi1>, vector<16xi32>
    %add3A_480 = arith.addi %add3A_464, %select_n3A_479 : vector<16xi32>
    %mul3A_481 = arith.constant 512 : i32
    %mul3A_482 = arith.muli %arg1, %mul3A_481 : i32
    %add3A_483 = arith.constant 64 : i32
    %add3A_484 = arith.addi %mul3A_482, %add3A_483 : i32
    %add3A_485 = vector.broadcast %add3A_484 : i32 to vector<16xi32>
    %add3A_486 = arith.addi %add3A_485, %iota3A : vector<16xi32>
    %add3A_487 = arith.addi %gather3A_24, %add3A_411 : vector<16xi32>
    %add3A_488 = arith.addi %add3A_487, %add3A_480 : vector<16xi32>
    %sub3A_489 = arith.subi %add3A_488, %get3A_413 : vector<16xi32>
    %add3A_490 = arith.addi %gather3A_32, %add3A_486 : vector<16xi32>
    %sub3A_491 = arith.subi %add3A_490, %sub3A_489 : vector<16xi32>
    %select_n3A_492 = arith.select %gt3A_416, %sub3A_489, %sub3A_491 : vector<16xi1>, vector<16xi32>
    %jit3A_493 = arith.constant -1 : i32
    %broadcast_in_dim3A_494 = vector.broadcast %jit3A_493 : i32 to vector<16xi32>
    %select_n3A_495 = arith.select %gt3A_416, %add3A_486, %broadcast_in_dim3A_494 : vector<16xi1>, vector<16xi32>
    %swap3A_496 = arith.constant 0 : i32
    %swap3A_497 = arith.index_cast %swap3A_496 : i32 to index
    %swap3A_498 = arith.constant 64 : index
    %swap3A_499 = tpu.vector_load %arg7[%swap3A_497, %swap3A_498] {strides = array<i32>} : memref<4x128xi32, #tpu.memory_space<vmem>>, vector<16xi32>,
    tpu.vector_store %arg7[%swap3A_497, %swap3A_498], %select_n3A_492 {strides = array<i32>} : memref<4x128xi32, #tpu.memory_space<vmem>>, vector<16xi32>,
    %swap3A_500 = arith.constant 0 : i32
    %swap3A_501 = arith.index_cast %swap3A_500 : i32 to index
    %swap3A_502 = arith.constant 64 : index
    %swap3A_503 = tpu.vector_load %arg8[%swap3A_501, %swap3A_502] {strides = array<i32>} : memref<4x128xi32, #tpu.memory_space<vmem>>, vector<16xi32>,
    tpu.vector_store %arg8[%swap3A_501, %swap3A_502], %select_n3A_495 {strides = array<i32>} : memref<4x128xi32, #tpu.memory_space<vmem>>, vector<16xi32>,
    %broadcast_in_dim3A_504 = vector.shape_cast %add3A_3 : vector<16xi32> to vector<16x1xi32>
    %gather3A_505 = vector.shape_cast %broadcast_in_dim3A_504 : vector<16x1xi32> to vector<16xi32>
    %gather3A_506 = tpu.dynamic_gather %add3A_480[%gather3A_505] in [0] : vector<16xi32>, vector<16xi32> -> vector<16xi32>
    %add3A_507 = arith.addi %add3A_411, %gather3A_506 : vector<16xi32>
    %get3A_508 = arith.constant 80 : index
    %get3A_509 = tpu.vector_load %arg5[%get3A_508] {strides = array<i32>} : memref<512xi32, #tpu.memory_space<vmem>>, vector<16xi32>,
    %gt3A_510 = arith.constant 0 : i32
    %gt3A_511 = vector.broadcast %gt3A_510 : i32 to vector<16xi32>
    %gt3A_512 = arith.cmpi sgt, %get3A_509, %gt3A_511 : vector<16xi32>
    %sub3A_513 = arith.constant 1 : i32
    %sub3A_514 = vector.broadcast %sub3A_513 : i32 to vector<16xi32>
    %sub3A_515 = arith.subi %iota3A, %sub3A_514 : vector<16xi32>
    %max3A_516 = arith.constant 0 : i32
    %max3A_517 = vector.broadcast %max3A_516 : i32 to vector<16xi32>
    %max3A_518 = arith.maxsi %sub3A_515, %max3A_517 : vector<16xi32>
    %broadcast_in_dim3A_519 = vector.shape_cast %max3A_518 : vector<16xi32> to vector<16x1xi32>
    %gather3A_520 = vector.shape_cast %broadcast_in_dim3A_519 : vector<16x1xi32> to vector<16xi32>
    %gather3A_521 = tpu.dynamic_gather %get3A_509[%gather3A_520] in [0] : vector<16xi32>, vector<16xi32> -> vector<16xi32>
    %ge3A_522 = arith.constant 1 : i32
    %ge3A_523 = vector.broadcast %ge3A_522 : i32 to vector<16xi32>
    %ge3A_524 = arith.cmpi sge, %iota3A, %ge3A_523 : vector<16xi32>
    %jit3A_525 = arith.constant 0 : i32
    %broadcast_in_dim3A_526 = vector.broadcast %jit3A_525 : i32 to vector<16xi32>
    %select_n3A_527 = arith.select %ge3A_524, %gather3A_521, %broadcast_in_dim3A_526 : vector<16xi1>, vector<16xi32>
    %add3A_528 = arith.addi %get3A_509, %select_n3A_527 : vector<16xi32>
    %sub3A_529 = arith.constant 2 : i32
    %sub3A_530 = vector.broadcast %sub3A_529 : i32 to vector<16xi32>
    %sub3A_531 = arith.subi %iota3A, %sub3A_530 : vector<16xi32>
    %max3A_532 = arith.constant 0 : i32
    %max3A_533 = vector.broadcast %max3A_532 : i32 to vector<16xi32>
    %max3A_534 = arith.maxsi %sub3A_531, %max3A_533 : vector<16xi32>
    %broadcast_in_dim3A_535 = vector.shape_cast %max3A_534 : vector<16xi32> to vector<16x1xi32>
    %gather3A_536 = vector.shape_cast %broadcast_in_dim3A_535 : vector<16x1xi32> to vector<16xi32>
    %gather3A_537 = tpu.dynamic_gather %add3A_528[%gather3A_536] in [0] : vector<16xi32>, vector<16xi32> -> vector<16xi32>
    %ge3A_538 = arith.constant 2 : i32
    %ge3A_539 = vector.broadcast %ge3A_538 : i32 to vector<16xi32>
    %ge3A_540 = arith.cmpi sge, %iota3A, %ge3A_539 : vector<16xi32>
    %jit3A_541 = arith.constant 0 : i32
    %broadcast_in_dim3A_542 = vector.broadcast %jit3A_541 : i32 to vector<16xi32>
    %select_n3A_543 = arith.select %ge3A_540, %gather3A_537, %broadcast_in_dim3A_542 : vector<16xi1>, vector<16xi32>
    %add3A_544 = arith.addi %add3A_528, %select_n3A_543 : vector<16xi32>
    %sub3A_545 = arith.constant 4 : i32
    %sub3A_546 = vector.broadcast %sub3A_545 : i32 to vector<16xi32>
    %sub3A_547 = arith.subi %iota3A, %sub3A_546 : vector<16xi32>
    %max3A_548 = arith.constant 0 : i32
    %max3A_549 = vector.broadcast %max3A_548 : i32 to vector<16xi32>
    %max3A_550 = arith.maxsi %sub3A_547, %max3A_549 : vector<16xi32>
    %broadcast_in_dim3A_551 = vector.shape_cast %max3A_550 : vector<16xi32> to vector<16x1xi32>
    %gather3A_552 = vector.shape_cast %broadcast_in_dim3A_551 : vector<16x1xi32> to vector<16xi32>
    %gather3A_553 = tpu.dynamic_gather %add3A_544[%gather3A_552] in [0] : vector<16xi32>, vector<16xi32> -> vector<16xi32>
    %ge3A_554 = arith.constant 4 : i32
    %ge3A_555 = vector.broadcast %ge3A_554 : i32 to vector<16xi32>
    %ge3A_556 = arith.cmpi sge, %iota3A, %ge3A_555 : vector<16xi32>
    %jit3A_557 = arith.constant 0 : i32
    %broadcast_in_dim3A_558 = vector.broadcast %jit3A_557 : i32 to vector<16xi32>
    %select_n3A_559 = arith.select %ge3A_556, %gather3A_553, %broadcast_in_dim3A_558 : vector<16xi1>, vector<16xi32>
    %add3A_560 = arith.addi %add3A_544, %select_n3A_559 : vector<16xi32>
    %sub3A_561 = arith.constant 8 : i32
    %sub3A_562 = vector.broadcast %sub3A_561 : i32 to vector<16xi32>
    %sub3A_563 = arith.subi %iota3A, %sub3A_562 : vector<16xi32>
    %max3A_564 = arith.constant 0 : i32
    %max3A_565 = vector.broadcast %max3A_564 : i32 to vector<16xi32>
    %max3A_566 = arith.maxsi %sub3A_563, %max3A_565 : vector<16xi32>
    %broadcast_in_dim3A_567 = vector.shape_cast %max3A_566 : vector<16xi32> to vector<16x1xi32>
    %gather3A_568 = vector.shape_cast %broadcast_in_dim3A_567 : vector<16x1xi32> to vector<16xi32>
    %gather3A_569 = tpu.dynamic_gather %add3A_560[%gather3A_568] in [0] : vector<16xi32>, vector<16xi32> -> vector<16xi32>
    %ge3A_570 = arith.constant 8 : i32
    %ge3A_571 = vector.broadcast %ge3A_570 : i32 to vector<16xi32>
    %ge3A_572 = arith.cmpi sge, %iota3A, %ge3A_571 : vector<16xi32>
    %jit3A_573 = arith.constant 0 : i32
    %broadcast_in_dim3A_574 = vector.broadcast %jit3A_573 : i32 to vector<16xi32>
    %select_n3A_575 = arith.select %ge3A_572, %gather3A_569, %broadcast_in_dim3A_574 : vector<16xi1>, vector<16xi32>
    %add3A_576 = arith.addi %add3A_560, %select_n3A_575 : vector<16xi32>
    %mul3A_577 = arith.constant 512 : i32
    %mul3A_578 = arith.muli %arg1, %mul3A_577 : i32
    %add3A_579 = arith.constant 80 : i32
    %add3A_580 = arith.addi %mul3A_578, %add3A_579 : i32
    %add3A_581 = vector.broadcast %add3A_580 : i32 to vector<16xi32>
    %add3A_582 = arith.addi %add3A_581, %iota3A : vector<16xi32>
    %add3A_583 = arith.addi %gather3A_24, %add3A_507 : vector<16xi32>
    %add3A_584 = arith.addi %add3A_583, %add3A_576 : vector<16xi32>
    %sub3A_585 = arith.subi %add3A_584, %get3A_509 : vector<16xi32>
    %add3A_586 = arith.addi %gather3A_32, %add3A_582 : vector<16xi32>
    %sub3A_587 = arith.subi %add3A_586, %sub3A_585 : vector<16xi32>
    %select_n3A_588 = arith.select %gt3A_512, %sub3A_585, %sub3A_587 : vector<16xi1>, vector<16xi32>
    %jit3A_589 = arith.constant -1 : i32
    %broadcast_in_dim3A_590 = vector.broadcast %jit3A_589 : i32 to vector<16xi32>
    %select_n3A_591 = arith.select %gt3A_512, %add3A_582, %broadcast_in_dim3A_590 : vector<16xi1>, vector<16xi32>
    %swap3A_592 = arith.constant 0 : i32
    %swap3A_593 = arith.index_cast %swap3A_592 : i32 to index
    %swap3A_594 = arith.constant 80 : index
    %swap3A_595 = tpu.vector_load %arg7[%swap3A_593, %swap3A_594] {strides = array<i32>} : memref<4x128xi32, #tpu.memory_space<vmem>>, vector<16xi32>,
    tpu.vector_store %arg7[%swap3A_593, %swap3A_594], %select_n3A_588 {strides = array<i32>} : memref<4x128xi32, #tpu.memory_space<vmem>>, vector<16xi32>,
    %swap3A_596 = arith.constant 0 : i32
    %swap3A_597 = arith.index_cast %swap3A_596 : i32 to index
    %swap3A_598 = arith.constant 80 : index
    %swap3A_599 = tpu.vector_load %arg8[%swap3A_597, %swap3A_598] {strides = array<i32>} : memref<4x128xi32, #tpu.memory_space<vmem>>, vector<16xi32>,
    tpu.vector_store %arg8[%swap3A_597, %swap3A_598], %select_n3A_591 {strides = array<i32>} : memref<4x128xi32, #tpu.memory_space<vmem>>, vector<16xi32>,
    %broadcast_in_dim3A_600 = vector.shape_cast %add3A_3 : vector<16xi32> to vector<16x1xi32>
    %gather3A_601 = vector.shape_cast %broadcast_in_dim3A_600 : vector<16x1xi32> to vector<16xi32>
    %gather3A_602 = tpu.dynamic_gather %add3A_576[%gather3A_601] in [0] : vector<16xi32>, vector<16xi32> -> vector<16xi32>
    %add3A_603 = arith.addi %add3A_507, %gather3A_602 : vector<16xi32>
    %get3A_604 = arith.constant 96 : index
    %get3A_605 = tpu.vector_load %arg5[%get3A_604] {strides = array<i32>} : memref<512xi32, #tpu.memory_space<vmem>>, vector<16xi32>,
    %gt3A_606 = arith.constant 0 : i32
    %gt3A_607 = vector.broadcast %gt3A_606 : i32 to vector<16xi32>
    %gt3A_608 = arith.cmpi sgt, %get3A_605, %gt3A_607 : vector<16xi32>
    %sub3A_609 = arith.constant 1 : i32
    %sub3A_610 = vector.broadcast %sub3A_609 : i32 to vector<16xi32>
    %sub3A_611 = arith.subi %iota3A, %sub3A_610 : vector<16xi32>
    %max3A_612 = arith.constant 0 : i32
    %max3A_613 = vector.broadcast %max3A_612 : i32 to vector<16xi32>
    %max3A_614 = arith.maxsi %sub3A_611, %max3A_613 : vector<16xi32>
    %broadcast_in_dim3A_615 = vector.shape_cast %max3A_614 : vector<16xi32> to vector<16x1xi32>
    %gather3A_616 = vector.shape_cast %broadcast_in_dim3A_615 : vector<16x1xi32> to vector<16xi32>
    %gather3A_617 = tpu.dynamic_gather %get3A_605[%gather3A_616] in [0] : vector<16xi32>, vector<16xi32> -> vector<16xi32>
    %ge3A_618 = arith.constant 1 : i32
    %ge3A_619 = vector.broadcast %ge3A_618 : i32 to vector<16xi32>
    %ge3A_620 = arith.cmpi sge, %iota3A, %ge3A_619 : vector<16xi32>
    %jit3A_621 = arith.constant 0 : i32
    %broadcast_in_dim3A_622 = vector.broadcast %jit3A_621 : i32 to vector<16xi32>
    %select_n3A_623 = arith.select %ge3A_620, %gather3A_617, %broadcast_in_dim3A_622 : vector<16xi1>, vector<16xi32>
    %add3A_624 = arith.addi %get3A_605, %select_n3A_623 : vector<16xi32>
    %sub3A_625 = arith.constant 2 : i32
    %sub3A_626 = vector.broadcast %sub3A_625 : i32 to vector<16xi32>
    %sub3A_627 = arith.subi %iota3A, %sub3A_626 : vector<16xi32>
    %max3A_628 = arith.constant 0 : i32
    %max3A_629 = vector.broadcast %max3A_628 : i32 to vector<16xi32>
    %max3A_630 = arith.maxsi %sub3A_627, %max3A_629 : vector<16xi32>
    %broadcast_in_dim3A_631 = vector.shape_cast %max3A_630 : vector<16xi32> to vector<16x1xi32>
    %gather3A_632 = vector.shape_cast %broadcast_in_dim3A_631 : vector<16x1xi32> to vector<16xi32>
    %gather3A_633 = tpu.dynamic_gather %add3A_624[%gather3A_632] in [0] : vector<16xi32>, vector<16xi32> -> vector<16xi32>
    %ge3A_634 = arith.constant 2 : i32
    %ge3A_635 = vector.broadcast %ge3A_634 : i32 to vector<16xi32>
    %ge3A_636 = arith.cmpi sge, %iota3A, %ge3A_635 : vector<16xi32>
    %jit3A_637 = arith.constant 0 : i32
    %broadcast_in_dim3A_638 = vector.broadcast %jit3A_637 : i32 to vector<16xi32>
    %select_n3A_639 = arith.select %ge3A_636, %gather3A_633, %broadcast_in_dim3A_638 : vector<16xi1>, vector<16xi32>
    %add3A_640 = arith.addi %add3A_624, %select_n3A_639 : vector<16xi32>
    %sub3A_641 = arith.constant 4 : i32
    %sub3A_642 = vector.broadcast %sub3A_641 : i32 to vector<16xi32>
    %sub3A_643 = arith.subi %iota3A, %sub3A_642 : vector<16xi32>
    %max3A_644 = arith.constant 0 : i32
    %max3A_645 = vector.broadcast %max3A_644 : i32 to vector<16xi32>
    %max3A_646 = arith.maxsi %sub3A_643, %max3A_645 : vector<16xi32>
    %broadcast_in_dim3A_647 = vector.shape_cast %max3A_646 : vector<16xi32> to vector<16x1xi32>
    %gather3A_648 = vector.shape_cast %broadcast_in_dim3A_647 : vector<16x1xi32> to vector<16xi32>
    %gather3A_649 = tpu.dynamic_gather %add3A_640[%gather3A_648] in [0] : vector<16xi32>, vector<16xi32> -> vector<16xi32>
    %ge3A_650 = arith.constant 4 : i32
    %ge3A_651 = vector.broadcast %ge3A_650 : i32 to vector<16xi32>
    %ge3A_652 = arith.cmpi sge, %iota3A, %ge3A_651 : vector<16xi32>
    %jit3A_653 = arith.constant 0 : i32
    %broadcast_in_dim3A_654 = vector.broadcast %jit3A_653 : i32 to vector<16xi32>
    %select_n3A_655 = arith.select %ge3A_652, %gather3A_649, %broadcast_in_dim3A_654 : vector<16xi1>, vector<16xi32>
    %add3A_656 = arith.addi %add3A_640, %select_n3A_655 : vector<16xi32>
    %sub3A_657 = arith.constant 8 : i32
    %sub3A_658 = vector.broadcast %sub3A_657 : i32 to vector<16xi32>
    %sub3A_659 = arith.subi %iota3A, %sub3A_658 : vector<16xi32>
    %max3A_660 = arith.constant 0 : i32
    %max3A_661 = vector.broadcast %max3A_660 : i32 to vector<16xi32>
    %max3A_662 = arith.maxsi %sub3A_659, %max3A_661 : vector<16xi32>
    %broadcast_in_dim3A_663 = vector.shape_cast %max3A_662 : vector<16xi32> to vector<16x1xi32>
    %gather3A_664 = vector.shape_cast %broadcast_in_dim3A_663 : vector<16x1xi32> to vector<16xi32>
    %gather3A_665 = tpu.dynamic_gather %add3A_656[%gather3A_664] in [0] : vector<16xi32>, vector<16xi32> -> vector<16xi32>
    %ge3A_666 = arith.constant 8 : i32
    %ge3A_667 = vector.broadcast %ge3A_666 : i32 to vector<16xi32>
    %ge3A_668 = arith.cmpi sge, %iota3A, %ge3A_667 : vector<16xi32>
    %jit3A_669 = arith.constant 0 : i32
    %broadcast_in_dim3A_670 = vector.broadcast %jit3A_669 : i32 to vector<16xi32>
    %select_n3A_671 = arith.select %ge3A_668, %gather3A_665, %broadcast_in_dim3A_670 : vector<16xi1>, vector<16xi32>
    %add3A_672 = arith.addi %add3A_656, %select_n3A_671 : vector<16xi32>
    %mul3A_673 = arith.constant 512 : i32
    %mul3A_674 = arith.muli %arg1, %mul3A_673 : i32
    %add3A_675 = arith.constant 96 : i32
    %add3A_676 = arith.addi %mul3A_674, %add3A_675 : i32
    %add3A_677 = vector.broadcast %add3A_676 : i32 to vector<16xi32>
    %add3A_678 = arith.addi %add3A_677, %iota3A : vector<16xi32>
    %add3A_679 = arith.addi %gather3A_24, %add3A_603 : vector<16xi32>
    %add3A_680 = arith.addi %add3A_679, %add3A_672 : vector<16xi32>
    %sub3A_681 = arith.subi %add3A_680, %get3A_605 : vector<16xi32>
    %add3A_682 = arith.addi %gather3A_32, %add3A_678 : vector<16xi32>
    %sub3A_683 = arith.subi %add3A_682, %sub3A_681 : vector<16xi32>
    %select_n3A_684 = arith.select %gt3A_608, %sub3A_681, %sub3A_683 : vector<16xi1>, vector<16xi32>
    %jit3A_685 = arith.constant -1 : i32
    %broadcast_in_dim3A_686 = vector.broadcast %jit3A_685 : i32 to vector<16xi32>
    %select_n3A_687 = arith.select %gt3A_608, %add3A_678, %broadcast_in_dim3A_686 : vector<16xi1>, vector<16xi32>
    %swap3A_688 = arith.constant 0 : i32
    %swap3A_689 = arith.index_cast %swap3A_688 : i32 to index
    %swap3A_690 = arith.constant 96 : index
    %swap3A_691 = tpu.vector_load %arg7[%swap3A_689, %swap3A_690] {strides = array<i32>} : memref<4x128xi32, #tpu.memory_space<vmem>>, vector<16xi32>,
    tpu.vector_store %arg7[%swap3A_689, %swap3A_690], %select_n3A_684 {strides = array<i32>} : memref<4x128xi32, #tpu.memory_space<vmem>>, vector<16xi32>,
    %swap3A_692 = arith.constant 0 : i32
    %swap3A_693 = arith.index_cast %swap3A_692 : i32 to index
    %swap3A_694 = arith.constant 96 : index
    %swap3A_695 = tpu.vector_load %arg8[%swap3A_693, %swap3A_694] {strides = array<i32>} : memref<4x128xi32, #tpu.memory_space<vmem>>, vector<16xi32>,
    tpu.vector_store %arg8[%swap3A_693, %swap3A_694], %select_n3A_687 {strides = array<i32>} : memref<4x128xi32, #tpu.memory_space<vmem>>, vector<16xi32>,
    %broadcast_in_dim3A_696 = vector.shape_cast %add3A_3 : vector<16xi32> to vector<16x1xi32>
    %gather3A_697 = vector.shape_cast %broadcast_in_dim3A_696 : vector<16x1xi32> to vector<16xi32>
    %gather3A_698 = tpu.dynamic_gather %add3A_672[%gather3A_697] in [0] : vector<16xi32>, vector<16xi32> -> vector<16xi32>
    %add3A_699 = arith.addi %add3A_603, %gather3A_698 : vector<16xi32>
    %get3A_700 = arith.constant 112 : index
    %get3A_701 = tpu.vector_load %arg5[%get3A_700] {strides = array<i32>} : memref<512xi32, #tpu.memory_space<vmem>>, vector<16xi32>,
    %gt3A_702 = arith.constant 0 : i32
    %gt3A_703 = vector.broadcast %gt3A_702 : i32 to vector<16xi32>
    %gt3A_704 = arith.cmpi sgt, %get3A_701, %gt3A_703 : vector<16xi32>
    %sub3A_705 = arith.constant 1 : i32
    %sub3A_706 = vector.broadcast %sub3A_705 : i32 to vector<16xi32>
    %sub3A_707 = arith.subi %iota3A, %sub3A_706 : vector<16xi32>
    %max3A_708 = arith.constant 0 : i32
    %max3A_709 = vector.broadcast %max3A_708 : i32 to vector<16xi32>
    %max3A_710 = arith.maxsi %sub3A_707, %max3A_709 : vector<16xi32>
    %broadcast_in_dim3A_711 = vector.shape_cast %max3A_710 : vector<16xi32> to vector<16x1xi32>
    %gather3A_712 = vector.shape_cast %broadcast_in_dim3A_711 : vector<16x1xi32> to vector<16xi32>
    %gather3A_713 = tpu.dynamic_gather %get3A_701[%gather3A_712] in [0] : vector<16xi32>, vector<16xi32> -> vector<16xi32>
    %ge3A_714 = arith.constant 1 : i32
    %ge3A_715 = vector.broadcast %ge3A_714 : i32 to vector<16xi32>
    %ge3A_716 = arith.cmpi sge, %iota3A, %ge3A_715 : vector<16xi32>
    %jit3A_717 = arith.constant 0 : i32
    %broadcast_in_dim3A_718 = vector.broadcast %jit3A_717 : i32 to vector<16xi32>
    %select_n3A_719 = arith.select %ge3A_716, %gather3A_713, %broadcast_in_dim3A_718 : vector<16xi1>, vector<16xi32>
    %add3A_720 = arith.addi %get3A_701, %select_n3A_719 : vector<16xi32>
    %sub3A_721 = arith.constant 2 : i32
    %sub3A_722 = vector.broadcast %sub3A_721 : i32 to vector<16xi32>
    %sub3A_723 = arith.subi %iota3A, %sub3A_722 : vector<16xi32>
    %max3A_724 = arith.constant 0 : i32
    %max3A_725 = vector.broadcast %max3A_724 : i32 to vector<16xi32>
    %max3A_726 = arith.maxsi %sub3A_723, %max3A_725 : vector<16xi32>
    %broadcast_in_dim3A_727 = vector.shape_cast %max3A_726 : vector<16xi32> to vector<16x1xi32>
    %gather3A_728 = vector.shape_cast %broadcast_in_dim3A_727 : vector<16x1xi32> to vector<16xi32>
    %gather3A_729 = tpu.dynamic_gather %add3A_720[%gather3A_728] in [0] : vector<16xi32>, vector<16xi32> -> vector<16xi32>
    %ge3A_730 = arith.constant 2 : i32
    %ge3A_731 = vector.broadcast %ge3A_730 : i32 to vector<16xi32>
    %ge3A_732 = arith.cmpi sge, %iota3A, %ge3A_731 : vector<16xi32>
    %jit3A_733 = arith.constant 0 : i32
    %broadcast_in_dim3A_734 = vector.broadcast %jit3A_733 : i32 to vector<16xi32>
    %select_n3A_735 = arith.select %ge3A_732, %gather3A_729, %broadcast_in_dim3A_734 : vector<16xi1>, vector<16xi32>
    %add3A_736 = arith.addi %add3A_720, %select_n3A_735 : vector<16xi32>
    %sub3A_737 = arith.constant 4 : i32
    %sub3A_738 = vector.broadcast %sub3A_737 : i32 to vector<16xi32>
    %sub3A_739 = arith.subi %iota3A, %sub3A_738 : vector<16xi32>
    %max3A_740 = arith.constant 0 : i32
    %max3A_741 = vector.broadcast %max3A_740 : i32 to vector<16xi32>
    %max3A_742 = arith.maxsi %sub3A_739, %max3A_741 : vector<16xi32>
    %broadcast_in_dim3A_743 = vector.shape_cast %max3A_742 : vector<16xi32> to vector<16x1xi32>
    %gather3A_744 = vector.shape_cast %broadcast_in_dim3A_743 : vector<16x1xi32> to vector<16xi32>
    %gather3A_745 = tpu.dynamic_gather %add3A_736[%gather3A_744] in [0] : vector<16xi32>, vector<16xi32> -> vector<16xi32>
    %ge3A_746 = arith.constant 4 : i32
    %ge3A_747 = vector.broadcast %ge3A_746 : i32 to vector<16xi32>
    %ge3A_748 = arith.cmpi sge, %iota3A, %ge3A_747 : vector<16xi32>
    %jit3A_749 = arith.constant 0 : i32
    %broadcast_in_dim3A_750 = vector.broadcast %jit3A_749 : i32 to vector<16xi32>
    %select_n3A_751 = arith.select %ge3A_748, %gather3A_745, %broadcast_in_dim3A_750 : vector<16xi1>, vector<16xi32>
    %add3A_752 = arith.addi %add3A_736, %select_n3A_751 : vector<16xi32>
    %sub3A_753 = arith.constant 8 : i32
    %sub3A_754 = vector.broadcast %sub3A_753 : i32 to vector<16xi32>
    %sub3A_755 = arith.subi %iota3A, %sub3A_754 : vector<16xi32>
    %max3A_756 = arith.constant 0 : i32
    %max3A_757 = vector.broadcast %max3A_756 : i32 to vector<16xi32>
    %max3A_758 = arith.maxsi %sub3A_755, %max3A_757 : vector<16xi32>
    %broadcast_in_dim3A_759 = vector.shape_cast %max3A_758 : vector<16xi32> to vector<16x1xi32>
    %gather3A_760 = vector.shape_cast %broadcast_in_dim3A_759 : vector<16x1xi32> to vector<16xi32>
    %gather3A_761 = tpu.dynamic_gather %add3A_752[%gather3A_760] in [0] : vector<16xi32>, vector<16xi32> -> vector<16xi32>
    %ge3A_762 = arith.constant 8 : i32
    %ge3A_763 = vector.broadcast %ge3A_762 : i32 to vector<16xi32>
    %ge3A_764 = arith.cmpi sge, %iota3A, %ge3A_763 : vector<16xi32>
    %jit3A_765 = arith.constant 0 : i32
    %broadcast_in_dim3A_766 = vector.broadcast %jit3A_765 : i32 to vector<16xi32>
    %select_n3A_767 = arith.select %ge3A_764, %gather3A_761, %broadcast_in_dim3A_766 : vector<16xi1>, vector<16xi32>
    %add3A_768 = arith.addi %add3A_752, %select_n3A_767 : vector<16xi32>
    %mul3A_769 = arith.constant 512 : i32
    %mul3A_770 = arith.muli %arg1, %mul3A_769 : i32
    %add3A_771 = arith.constant 112 : i32
    %add3A_772 = arith.addi %mul3A_770, %add3A_771 : i32
    %add3A_773 = vector.broadcast %add3A_772 : i32 to vector<16xi32>
    %add3A_774 = arith.addi %add3A_773, %iota3A : vector<16xi32>
    %add3A_775 = arith.addi %gather3A_24, %add3A_699 : vector<16xi32>
    %add3A_776 = arith.addi %add3A_775, %add3A_768 : vector<16xi32>
    %sub3A_777 = arith.subi %add3A_776, %get3A_701 : vector<16xi32>
    %add3A_778 = arith.addi %gather3A_32, %add3A_774 : vector<16xi32>
    %sub3A_779 = arith.subi %add3A_778, %sub3A_777 : vector<16xi32>
    %select_n3A_780 = arith.select %gt3A_704, %sub3A_777, %sub3A_779 : vector<16xi1>, vector<16xi32>
    %jit3A_781 = arith.constant -1 : i32
    %broadcast_in_dim3A_782 = vector.broadcast %jit3A_781 : i32 to vector<16xi32>
    %select_n3A_783 = arith.select %gt3A_704, %add3A_774, %broadcast_in_dim3A_782 : vector<16xi1>, vector<16xi32>
    %swap3A_784 = arith.constant 0 : i32
    %swap3A_785 = arith.index_cast %swap3A_784 : i32 to index
    %swap3A_786 = arith.constant 112 : index
    %swap3A_787 = tpu.vector_load %arg7[%swap3A_785, %swap3A_786] {strides = array<i32>} : memref<4x128xi32, #tpu.memory_space<vmem>>, vector<16xi32>,
    tpu.vector_store %arg7[%swap3A_785, %swap3A_786], %select_n3A_780 {strides = array<i32>} : memref<4x128xi32, #tpu.memory_space<vmem>>, vector<16xi32>,
    %swap3A_788 = arith.constant 0 : i32
    %swap3A_789 = arith.index_cast %swap3A_788 : i32 to index
    %swap3A_790 = arith.constant 112 : index
    %swap3A_791 = tpu.vector_load %arg8[%swap3A_789, %swap3A_790] {strides = array<i32>} : memref<4x128xi32, #tpu.memory_space<vmem>>, vector<16xi32>,
    tpu.vector_store %arg8[%swap3A_789, %swap3A_790], %select_n3A_783 {strides = array<i32>} : memref<4x128xi32, #tpu.memory_space<vmem>>, vector<16xi32>,
    %broadcast_in_dim3A_792 = vector.shape_cast %add3A_3 : vector<16xi32> to vector<16x1xi32>
    %gather3A_793 = vector.shape_cast %broadcast_in_dim3A_792 : vector<16x1xi32> to vector<16xi32>
    %gather3A_794 = tpu.dynamic_gather %add3A_768[%gather3A_793] in [0] : vector<16xi32>, vector<16xi32> -> vector<16xi32>
    %add3A_795 = arith.addi %add3A_699, %gather3A_794 : vector<16xi32>
    %get3A_796 = arith.constant 128 : index
    %get3A_797 = tpu.vector_load %arg5[%get3A_796] {strides = array<i32>} : memref<512xi32, #tpu.memory_space<vmem>>, vector<16xi32>,
    %gt3A_798 = arith.constant 0 : i32
    %gt3A_799 = vector.broadcast %gt3A_798 : i32 to vector<16xi32>
    %gt3A_800 = arith.cmpi sgt, %get3A_797, %gt3A_799 : vector<16xi32>
    %sub3A_801 = arith.constant 1 : i32
    %sub3A_802 = vector.broadcast %sub3A_801 : i32 to vector<16xi32>
    %sub3A_803 = arith.subi %iota3A, %sub3A_802 : vector<16xi32>
    %max3A_804 = arith.constant 0 : i32
    %max3A_805 = vector.broadcast %max3A_804 : i32 to vector<16xi32>
    %max3A_806 = arith.maxsi %sub3A_803, %max3A_805 : vector<16xi32>
    %broadcast_in_dim3A_807 = vector.shape_cast %max3A_806 : vector<16xi32> to vector<16x1xi32>
    %gather3A_808 = vector.shape_cast %broadcast_in_dim3A_807 : vector<16x1xi32> to vector<16xi32>
    %gather3A_809 = tpu.dynamic_gather %get3A_797[%gather3A_808] in [0] : vector<16xi32>, vector<16xi32> -> vector<16xi32>
    %ge3A_810 = arith.constant 1 : i32
    %ge3A_811 = vector.broadcast %ge3A_810 : i32 to vector<16xi32>
    %ge3A_812 = arith.cmpi sge, %iota3A, %ge3A_811 : vector<16xi32>
    %jit3A_813 = arith.constant 0 : i32
    %broadcast_in_dim3A_814 = vector.broadcast %jit3A_813 : i32 to vector<16xi32>
    %select_n3A_815 = arith.select %ge3A_812, %gather3A_809, %broadcast_in_dim3A_814 : vector<16xi1>, vector<16xi32>
    %add3A_816 = arith.addi %get3A_797, %select_n3A_815 : vector<16xi32>
    %sub3A_817 = arith.constant 2 : i32
    %sub3A_818 = vector.broadcast %sub3A_817 : i32 to vector<16xi32>
    %sub3A_819 = arith.subi %iota3A, %sub3A_818 : vector<16xi32>
    %max3A_820 = arith.constant 0 : i32
    %max3A_821 = vector.broadcast %max3A_820 : i32 to vector<16xi32>
    %max3A_822 = arith.maxsi %sub3A_819, %max3A_821 : vector<16xi32>
    %broadcast_in_dim3A_823 = vector.shape_cast %max3A_822 : vector<16xi32> to vector<16x1xi32>
    %gather3A_824 = vector.shape_cast %broadcast_in_dim3A_823 : vector<16x1xi32> to vector<16xi32>
    %gather3A_825 = tpu.dynamic_gather %add3A_816[%gather3A_824] in [0] : vector<16xi32>, vector<16xi32> -> vector<16xi32>
    %ge3A_826 = arith.constant 2 : i32
    %ge3A_827 = vector.broadcast %ge3A_826 : i32 to vector<16xi32>
    %ge3A_828 = arith.cmpi sge, %iota3A, %ge3A_827 : vector<16xi32>
    %jit3A_829 = arith.constant 0 : i32
    %broadcast_in_dim3A_830 = vector.broadcast %jit3A_829 : i32 to vector<16xi32>
    %select_n3A_831 = arith.select %ge3A_828, %gather3A_825, %broadcast_in_dim3A_830 : vector<16xi1>, vector<16xi32>
    %add3A_832 = arith.addi %add3A_816, %select_n3A_831 : vector<16xi32>
    %sub3A_833 = arith.constant 4 : i32
    %sub3A_834 = vector.broadcast %sub3A_833 : i32 to vector<16xi32>
    %sub3A_835 = arith.subi %iota3A, %sub3A_834 : vector<16xi32>
    %max3A_836 = arith.constant 0 : i32
    %max3A_837 = vector.broadcast %max3A_836 : i32 to vector<16xi32>
    %max3A_838 = arith.maxsi %sub3A_835, %max3A_837 : vector<16xi32>
    %broadcast_in_dim3A_839 = vector.shape_cast %max3A_838 : vector<16xi32> to vector<16x1xi32>
    %gather3A_840 = vector.shape_cast %broadcast_in_dim3A_839 : vector<16x1xi32> to vector<16xi32>
    %gather3A_841 = tpu.dynamic_gather %add3A_832[%gather3A_840] in [0] : vector<16xi32>, vector<16xi32> -> vector<16xi32>
    %ge3A_842 = arith.constant 4 : i32
    %ge3A_843 = vector.broadcast %ge3A_842 : i32 to vector<16xi32>
    %ge3A_844 = arith.cmpi sge, %iota3A, %ge3A_843 : vector<16xi32>
    %jit3A_845 = arith.constant 0 : i32
    %broadcast_in_dim3A_846 = vector.broadcast %jit3A_845 : i32 to vector<16xi32>
    %select_n3A_847 = arith.select %ge3A_844, %gather3A_841, %broadcast_in_dim3A_846 : vector<16xi1>, vector<16xi32>
    %add3A_848 = arith.addi %add3A_832, %select_n3A_847 : vector<16xi32>
    %sub3A_849 = arith.constant 8 : i32
    %sub3A_850 = vector.broadcast %sub3A_849 : i32 to vector<16xi32>
    %sub3A_851 = arith.subi %iota3A, %sub3A_850 : vector<16xi32>
    %max3A_852 = arith.constant 0 : i32
    %max3A_853 = vector.broadcast %max3A_852 : i32 to vector<16xi32>
    %max3A_854 = arith.maxsi %sub3A_851, %max3A_853 : vector<16xi32>
    %broadcast_in_dim3A_855 = vector.shape_cast %max3A_854 : vector<16xi32> to vector<16x1xi32>
    %gather3A_856 = vector.shape_cast %broadcast_in_dim3A_855 : vector<16x1xi32> to vector<16xi32>
    %gather3A_857 = tpu.dynamic_gather %add3A_848[%gather3A_856] in [0] : vector<16xi32>, vector<16xi32> -> vector<16xi32>
    %ge3A_858 = arith.constant 8 : i32
    %ge3A_859 = vector.broadcast %ge3A_858 : i32 to vector<16xi32>
    %ge3A_860 = arith.cmpi sge, %iota3A, %ge3A_859 : vector<16xi32>
    %jit3A_861 = arith.constant 0 : i32
    %broadcast_in_dim3A_862 = vector.broadcast %jit3A_861 : i32 to vector<16xi32>
    %select_n3A_863 = arith.select %ge3A_860, %gather3A_857, %broadcast_in_dim3A_862 : vector<16xi1>, vector<16xi32>
    %add3A_864 = arith.addi %add3A_848, %select_n3A_863 : vector<16xi32>
    %mul3A_865 = arith.constant 512 : i32
    %mul3A_866 = arith.muli %arg1, %mul3A_865 : i32
    %add3A_867 = arith.constant 128 : i32
    %add3A_868 = arith.addi %mul3A_866, %add3A_867 : i32
    %add3A_869 = vector.broadcast %add3A_868 : i32 to vector<16xi32>
    %add3A_870 = arith.addi %add3A_869, %iota3A : vector<16xi32>
    %add3A_871 = arith.addi %gather3A_24, %add3A_795 : vector<16xi32>
    %add3A_872 = arith.addi %add3A_871, %add3A_864 : vector<16xi32>
    %sub3A_873 = arith.subi %add3A_872, %get3A_797 : vector<16xi32>
    %add3A_874 = arith.addi %gather3A_32, %add3A_870 : vector<16xi32>
    %sub3A_875 = arith.subi %add3A_874, %sub3A_873 : vector<16xi32>
    %select_n3A_876 = arith.select %gt3A_800, %sub3A_873, %sub3A_875 : vector<16xi1>, vector<16xi32>
    %jit3A_877 = arith.constant -1 : i32
    %broadcast_in_dim3A_878 = vector.broadcast %jit3A_877 : i32 to vector<16xi32>
    %select_n3A_879 = arith.select %gt3A_800, %add3A_870, %broadcast_in_dim3A_878 : vector<16xi1>, vector<16xi32>
    %swap3A_880 = arith.constant 1 : i32
    %swap3A_881 = arith.index_cast %swap3A_880 : i32 to index
    %swap3A_882 = arith.constant 0 : index
    %swap3A_883 = tpu.vector_load %arg7[%swap3A_881, %swap3A_882] {strides = array<i32>} : memref<4x128xi32, #tpu.memory_space<vmem>>, vector<16xi32>,
    tpu.vector_store %arg7[%swap3A_881, %swap3A_882], %select_n3A_876 {strides = array<i32>} : memref<4x128xi32, #tpu.memory_space<vmem>>, vector<16xi32>,
    %swap3A_884 = arith.constant 1 : i32
    %swap3A_885 = arith.index_cast %swap3A_884 : i32 to index
    %swap3A_886 = arith.constant 0 : index
    %swap3A_887 = tpu.vector_load %arg8[%swap3A_885, %swap3A_886] {strides = array<i32>} : memref<4x128xi32, #tpu.memory_space<vmem>>, vector<16xi32>,
    tpu.vector_store %arg8[%swap3A_885, %swap3A_886], %select_n3A_879 {strides = array<i32>} : memref<4x128xi32, #tpu.memory_space<vmem>>, vector<16xi32>,
    %broadcast_in_dim3A_888 = vector.shape_cast %add3A_3 : vector<16xi32> to vector<16x1xi32>
    %gather3A_889 = vector.shape_cast %broadcast_in_dim3A_888 : vector<16x1xi32> to vector<16xi32>
    %gather3A_890 = tpu.dynamic_gather %add3A_864[%gather3A_889] in [0] : vector<16xi32>, vector<16xi32> -> vector<16xi32>
    %add3A_891 = arith.addi %add3A_795, %gather3A_890 : vector<16xi32>
    %get3A_892 = arith.constant 144 : index
    %get3A_893 = tpu.vector_load %arg5[%get3A_892] {strides = array<i32>} : memref<512xi32, #tpu.memory_space<vmem>>, vector<16xi32>,
    %gt3A_894 = arith.constant 0 : i32
    %gt3A_895 = vector.broadcast %gt3A_894 : i32 to vector<16xi32>
    %gt3A_896 = arith.cmpi sgt, %get3A_893, %gt3A_895 : vector<16xi32>
    %sub3A_897 = arith.constant 1 : i32
    %sub3A_898 = vector.broadcast %sub3A_897 : i32 to vector<16xi32>
    %sub3A_899 = arith.subi %iota3A, %sub3A_898 : vector<16xi32>
    %max3A_900 = arith.constant 0 : i32
    %max3A_901 = vector.broadcast %max3A_900 : i32 to vector<16xi32>
    %max3A_902 = arith.maxsi %sub3A_899, %max3A_901 : vector<16xi32>
    %broadcast_in_dim3A_903 = vector.shape_cast %max3A_902 : vector<16xi32> to vector<16x1xi32>
    %gather3A_904 = vector.shape_cast %broadcast_in_dim3A_903 : vector<16x1xi32> to vector<16xi32>
    %gather3A_905 = tpu.dynamic_gather %get3A_893[%gather3A_904] in [0] : vector<16xi32>, vector<16xi32> -> vector<16xi32>
    %ge3A_906 = arith.constant 1 : i32
    %ge3A_907 = vector.broadcast %ge3A_906 : i32 to vector<16xi32>
    %ge3A_908 = arith.cmpi sge, %iota3A, %ge3A_907 : vector<16xi32>
    %jit3A_909 = arith.constant 0 : i32
    %broadcast_in_dim3A_910 = vector.broadcast %jit3A_909 : i32 to vector<16xi32>
    %select_n3A_911 = arith.select %ge3A_908, %gather3A_905, %broadcast_in_dim3A_910 : vector<16xi1>, vector<16xi32>
    %add3A_912 = arith.addi %get3A_893, %select_n3A_911 : vector<16xi32>
    %sub3A_913 = arith.constant 2 : i32
    %sub3A_914 = vector.broadcast %sub3A_913 : i32 to vector<16xi32>
    %sub3A_915 = arith.subi %iota3A, %sub3A_914 : vector<16xi32>
    %max3A_916 = arith.constant 0 : i32
    %max3A_917 = vector.broadcast %max3A_916 : i32 to vector<16xi32>
    %max3A_918 = arith.maxsi %sub3A_915, %max3A_917 : vector<16xi32>
    %broadcast_in_dim3A_919 = vector.shape_cast %max3A_918 : vector<16xi32> to vector<16x1xi32>
    %gather3A_920 = vector.shape_cast %broadcast_in_dim3A_919 : vector<16x1xi32> to vector<16xi32>
    %gather3A_921 = tpu.dynamic_gather %add3A_912[%gather3A_920] in [0] : vector<16xi32>, vector<16xi32> -> vector<16xi32>
    %ge3A_922 = arith.constant 2 : i32
    %ge3A_923 = vector.broadcast %ge3A_922 : i32 to vector<16xi32>
    %ge3A_924 = arith.cmpi sge, %iota3A, %ge3A_923 : vector<16xi32>
    %jit3A_925 = arith.constant 0 : i32
    %broadcast_in_dim3A_926 = vector.broadcast %jit3A_925 : i32 to vector<16xi32>
    %select_n3A_927 = arith.select %ge3A_924, %gather3A_921, %broadcast_in_dim3A_926 : vector<16xi1>, vector<16xi32>
    %add3A_928 = arith.addi %add3A_912, %select_n3A_927 : vector<16xi32>
    %sub3A_929 = arith.constant 4 : i32
    %sub3A_930 = vector.broadcast %sub3A_929 : i32 to vector<16xi32>
    %sub3A_931 = arith.subi %iota3A, %sub3A_930 : vector<16xi32>
    %max3A_932 = arith.constant 0 : i32
    %max3A_933 = vector.broadcast %max3A_932 : i32 to vector<16xi32>
    %max3A_934 = arith.maxsi %sub3A_931, %max3A_933 : vector<16xi32>
    %broadcast_in_dim3A_935 = vector.shape_cast %max3A_934 : vector<16xi32> to vector<16x1xi32>
    %gather3A_936 = vector.shape_cast %broadcast_in_dim3A_935 : vector<16x1xi32> to vector<16xi32>
    %gather3A_937 = tpu.dynamic_gather %add3A_928[%gather3A_936] in [0] : vector<16xi32>, vector<16xi32> -> vector<16xi32>
    %ge3A_938 = arith.constant 4 : i32
    %ge3A_939 = vector.broadcast %ge3A_938 : i32 to vector<16xi32>
    %ge3A_940 = arith.cmpi sge, %iota3A, %ge3A_939 : vector<16xi32>
    %jit3A_941 = arith.constant 0 : i32
    %broadcast_in_dim3A_942 = vector.broadcast %jit3A_941 : i32 to vector<16xi32>
    %select_n3A_943 = arith.select %ge3A_940, %gather3A_937, %broadcast_in_dim3A_942 : vector<16xi1>, vector<16xi32>
    %add3A_944 = arith.addi %add3A_928, %select_n3A_943 : vector<16xi32>
    %sub3A_945 = arith.constant 8 : i32
    %sub3A_946 = vector.broadcast %sub3A_945 : i32 to vector<16xi32>
    %sub3A_947 = arith.subi %iota3A, %sub3A_946 : vector<16xi32>
    %max3A_948 = arith.constant 0 : i32
    %max3A_949 = vector.broadcast %max3A_948 : i32 to vector<16xi32>
    %max3A_950 = arith.maxsi %sub3A_947, %max3A_949 : vector<16xi32>
    %broadcast_in_dim3A_951 = vector.shape_cast %max3A_950 : vector<16xi32> to vector<16x1xi32>
    %gather3A_952 = vector.shape_cast %broadcast_in_dim3A_951 : vector<16x1xi32> to vector<16xi32>
    %gather3A_953 = tpu.dynamic_gather %add3A_944[%gather3A_952] in [0] : vector<16xi32>, vector<16xi32> -> vector<16xi32>
    %ge3A_954 = arith.constant 8 : i32
    %ge3A_955 = vector.broadcast %ge3A_954 : i32 to vector<16xi32>
    %ge3A_956 = arith.cmpi sge, %iota3A, %ge3A_955 : vector<16xi32>
    %jit3A_957 = arith.constant 0 : i32
    %broadcast_in_dim3A_958 = vector.broadcast %jit3A_957 : i32 to vector<16xi32>
    %select_n3A_959 = arith.select %ge3A_956, %gather3A_953, %broadcast_in_dim3A_958 : vector<16xi1>, vector<16xi32>
    %add3A_960 = arith.addi %add3A_944, %select_n3A_959 : vector<16xi32>
    %mul3A_961 = arith.constant 512 : i32
    %mul3A_962 = arith.muli %arg1, %mul3A_961 : i32
    %add3A_963 = arith.constant 144 : i32
    %add3A_964 = arith.addi %mul3A_962, %add3A_963 : i32
    %add3A_965 = vector.broadcast %add3A_964 : i32 to vector<16xi32>
    %add3A_966 = arith.addi %add3A_965, %iota3A : vector<16xi32>
    %add3A_967 = arith.addi %gather3A_24, %add3A_891 : vector<16xi32>
    %add3A_968 = arith.addi %add3A_967, %add3A_960 : vector<16xi32>
    %sub3A_969 = arith.subi %add3A_968, %get3A_893 : vector<16xi32>
    %add3A_970 = arith.addi %gather3A_32, %add3A_966 : vector<16xi32>
    %sub3A_971 = arith.subi %add3A_970, %sub3A_969 : vector<16xi32>
    %select_n3A_972 = arith.select %gt3A_896, %sub3A_969, %sub3A_971 : vector<16xi1>, vector<16xi32>
    %jit3A_973 = arith.constant -1 : i32
    %broadcast_in_dim3A_974 = vector.broadcast %jit3A_973 : i32 to vector<16xi32>
    %select_n3A_975 = arith.select %gt3A_896, %add3A_966, %broadcast_in_dim3A_974 : vector<16xi1>, vector<16xi32>
    %swap3A_976 = arith.constant 1 : i32
    %swap3A_977 = arith.index_cast %swap3A_976 : i32 to index
    %swap3A_978 = arith.constant 16 : index
    %swap3A_979 = tpu.vector_load %arg7[%swap3A_977, %swap3A_978] {strides = array<i32>} : memref<4x128xi32, #tpu.memory_space<vmem>>, vector<16xi32>,
    tpu.vector_store %arg7[%swap3A_977, %swap3A_978], %select_n3A_972 {strides = array<i32>} : memref<4x128xi32, #tpu.memory_space<vmem>>, vector<16xi32>,
    %swap3A_980 = arith.constant 1 : i32
    %swap3A_981 = arith.index_cast %swap3A_980 : i32 to index
    %swap3A_982 = arith.constant 16 : index
    %swap3A_983 = tpu.vector_load %arg8[%swap3A_981, %swap3A_982] {strides = array<i32>} : memref<4x128xi32, #tpu.memory_space<vmem>>, vector<16xi32>,
    tpu.vector_store %arg8[%swap3A_981, %swap3A_982], %select_n3A_975 {strides = array<i32>} : memref<4x128xi32, #tpu.memory_space<vmem>>, vector<16xi32>,
    %broadcast_in_dim3A_984 = vector.shape_cast %add3A_3 : vector<16xi32> to vector<16x1xi32>
    %gather3A_985 = vector.shape_cast %broadcast_in_dim3A_984 : vector<16x1xi32> to vector<16xi32>
    %gather3A_986 = tpu.dynamic_gather %add3A_960[%gather3A_985] in [0] : vector<16xi32>, vector<16xi32> -> vector<16xi32>
    %add3A_987 = arith.addi %add3A_891, %gather3A_986 : vector<16xi32>
    %get3A_988 = arith.constant 160 : index
    %get3A_989 = tpu.vector_load %arg5[%get3A_988] {strides = array<i32>} : memref<512xi32, #tpu.memory_space<vmem>>, vector<16xi32>,
    %gt3A_990 = arith.constant 0 : i32
    %gt3A_991 = vector.broadcast %gt3A_990 : i32 to vector<16xi32>
    %gt3A_992 = arith.cmpi sgt, %get3A_989, %gt3A_991 : vector<16xi32>
    %sub3A_993 = arith.constant 1 : i32
    %sub3A_994 = vector.broadcast %sub3A_993 : i32 to vector<16xi32>
    %sub3A_995 = arith.subi %iota3A, %sub3A_994 : vector<16xi32>
    %max3A_996 = arith.constant 0 : i32
    %max3A_997 = vector.broadcast %max3A_996 : i32 to vector<16xi32>
    %max3A_998 = arith.maxsi %sub3A_995, %max3A_997 : vector<16xi32>
    %broadcast_in_dim3A_999 = vector.shape_cast %max3A_998 : vector<16xi32> to vector<16x1xi32>
    %gather3A_1000 = vector.shape_cast %broadcast_in_dim3A_999 : vector<16x1xi32> to vector<16xi32>
    %gather3A_1001 = tpu.dynamic_gather %get3A_989[%gather3A_1000] in [0] : vector<16xi32>, vector<16xi32> -> vector<16xi32>
    %ge3A_1002 = arith.constant 1 : i32
    %ge3A_1003 = vector.broadcast %ge3A_1002 : i32 to vector<16xi32>
    %ge3A_1004 = arith.cmpi sge, %iota3A, %ge3A_1003 : vector<16xi32>
    %jit3A_1005 = arith.constant 0 : i32
    %broadcast_in_dim3A_1006 = vector.broadcast %jit3A_1005 : i32 to vector<16xi32>
    %select_n3A_1007 = arith.select %ge3A_1004, %gather3A_1001, %broadcast_in_dim3A_1006 : vector<16xi1>, vector<16xi32>
    %add3A_1008 = arith.addi %get3A_989, %select_n3A_1007 : vector<16xi32>
    %sub3A_1009 = arith.constant 2 : i32
    %sub3A_1010 = vector.broadcast %sub3A_1009 : i32 to vector<16xi32>
    %sub3A_1011 = arith.subi %iota3A, %sub3A_1010 : vector<16xi32>
    %max3A_1012 = arith.constant 0 : i32
    %max3A_1013 = vector.broadcast %max3A_1012 : i32 to vector<16xi32>
    %max3A_1014 = arith.maxsi %sub3A_1011, %max3A_1013 : vector<16xi32>
    %broadcast_in_dim3A_1015 = vector.shape_cast %max3A_1014 : vector<16xi32> to vector<16x1xi32>
    %gather3A_1016 = vector.shape_cast %broadcast_in_dim3A_1015 : vector<16x1xi32> to vector<16xi32>
    %gather3A_1017 = tpu.dynamic_gather %add3A_1008[%gather3A_1016] in [0] : vector<16xi32>, vector<16xi32> -> vector<16xi32>
    %ge3A_1018 = arith.constant 2 : i32
    %ge3A_1019 = vector.broadcast %ge3A_1018 : i32 to vector<16xi32>
    %ge3A_1020 = arith.cmpi sge, %iota3A, %ge3A_1019 : vector<16xi32>
    %jit3A_1021 = arith.constant 0 : i32
    %broadcast_in_dim3A_1022 = vector.broadcast %jit3A_1021 : i32 to vector<16xi32>
    %select_n3A_1023 = arith.select %ge3A_1020, %gather3A_1017, %broadcast_in_dim3A_1022 : vector<16xi1>, vector<16xi32>
    %add3A_1024 = arith.addi %add3A_1008, %select_n3A_1023 : vector<16xi32>
    %sub3A_1025 = arith.constant 4 : i32
    %sub3A_1026 = vector.broadcast %sub3A_1025 : i32 to vector<16xi32>
    %sub3A_1027 = arith.subi %iota3A, %sub3A_1026 : vector<16xi32>
    %max3A_1028 = arith.constant 0 : i32
    %max3A_1029 = vector.broadcast %max3A_1028 : i32 to vector<16xi32>
    %max3A_1030 = arith.maxsi %sub3A_1027, %max3A_1029 : vector<16xi32>
    %broadcast_in_dim3A_1031 = vector.shape_cast %max3A_1030 : vector<16xi32> to vector<16x1xi32>
    %gather3A_1032 = vector.shape_cast %broadcast_in_dim3A_1031 : vector<16x1xi32> to vector<16xi32>
    %gather3A_1033 = tpu.dynamic_gather %add3A_1024[%gather3A_1032] in [0] : vector<16xi32>, vector<16xi32> -> vector<16xi32>
    %ge3A_1034 = arith.constant 4 : i32
    %ge3A_1035 = vector.broadcast %ge3A_1034 : i32 to vector<16xi32>
    %ge3A_1036 = arith.cmpi sge, %iota3A, %ge3A_1035 : vector<16xi32>
    %jit3A_1037 = arith.constant 0 : i32
    %broadcast_in_dim3A_1038 = vector.broadcast %jit3A_1037 : i32 to vector<16xi32>
    %select_n3A_1039 = arith.select %ge3A_1036, %gather3A_1033, %broadcast_in_dim3A_1038 : vector<16xi1>, vector<16xi32>
    %add3A_1040 = arith.addi %add3A_1024, %select_n3A_1039 : vector<16xi32>
    %sub3A_1041 = arith.constant 8 : i32
    %sub3A_1042 = vector.broadcast %sub3A_1041 : i32 to vector<16xi32>
    %sub3A_1043 = arith.subi %iota3A, %sub3A_1042 : vector<16xi32>
    %max3A_1044 = arith.constant 0 : i32
    %max3A_1045 = vector.broadcast %max3A_1044 : i32 to vector<16xi32>
    %max3A_1046 = arith.maxsi %sub3A_1043, %max3A_1045 : vector<16xi32>
    %broadcast_in_dim3A_1047 = vector.shape_cast %max3A_1046 : vector<16xi32> to vector<16x1xi32>
    %gather3A_1048 = vector.shape_cast %broadcast_in_dim3A_1047 : vector<16x1xi32> to vector<16xi32>
    %gather3A_1049 = tpu.dynamic_gather %add3A_1040[%gather3A_1048] in [0] : vector<16xi32>, vector<16xi32> -> vector<16xi32>
    %ge3A_1050 = arith.constant 8 : i32
    %ge3A_1051 = vector.broadcast %ge3A_1050 : i32 to vector<16xi32>
    %ge3A_1052 = arith.cmpi sge, %iota3A, %ge3A_1051 : vector<16xi32>
    %jit3A_1053 = arith.constant 0 : i32
    %broadcast_in_dim3A_1054 = vector.broadcast %jit3A_1053 : i32 to vector<16xi32>
    %select_n3A_1055 = arith.select %ge3A_1052, %gather3A_1049, %broadcast_in_dim3A_1054 : vector<16xi1>, vector<16xi32>
    %add3A_1056 = arith.addi %add3A_1040, %select_n3A_1055 : vector<16xi32>
    %mul3A_1057 = arith.constant 512 : i32
    %mul3A_1058 = arith.muli %arg1, %mul3A_1057 : i32
    %add3A_1059 = arith.constant 160 : i32
    %add3A_1060 = arith.addi %mul3A_1058, %add3A_1059 : i32
    %add3A_1061 = vector.broadcast %add3A_1060 : i32 to vector<16xi32>
    %add3A_1062 = arith.addi %add3A_1061, %iota3A : vector<16xi32>
    %add3A_1063 = arith.addi %gather3A_24, %add3A_987 : vector<16xi32>
    %add3A_1064 = arith.addi %add3A_1063, %add3A_1056 : vector<16xi32>
    %sub3A_1065 = arith.subi %add3A_1064, %get3A_989 : vector<16xi32>
    %add3A_1066 = arith.addi %gather3A_32, %add3A_1062 : vector<16xi32>
    %sub3A_1067 = arith.subi %add3A_1066, %sub3A_1065 : vector<16xi32>
    %select_n3A_1068 = arith.select %gt3A_992, %sub3A_1065, %sub3A_1067 : vector<16xi1>, vector<16xi32>
    %jit3A_1069 = arith.constant -1 : i32
    %broadcast_in_dim3A_1070 = vector.broadcast %jit3A_1069 : i32 to vector<16xi32>
    %select_n3A_1071 = arith.select %gt3A_992, %add3A_1062, %broadcast_in_dim3A_1070 : vector<16xi1>, vector<16xi32>
    %swap3A_1072 = arith.constant 1 : i32
    %swap3A_1073 = arith.index_cast %swap3A_1072 : i32 to index
    %swap3A_1074 = arith.constant 32 : index
    %swap3A_1075 = tpu.vector_load %arg7[%swap3A_1073, %swap3A_1074] {strides = array<i32>} : memref<4x128xi32, #tpu.memory_space<vmem>>, vector<16xi32>,
    tpu.vector_store %arg7[%swap3A_1073, %swap3A_1074], %select_n3A_1068 {strides = array<i32>} : memref<4x128xi32, #tpu.memory_space<vmem>>, vector<16xi32>,
    %swap3A_1076 = arith.constant 1 : i32
    %swap3A_1077 = arith.index_cast %swap3A_1076 : i32 to index
    %swap3A_1078 = arith.constant 32 : index
    %swap3A_1079 = tpu.vector_load %arg8[%swap3A_1077, %swap3A_1078] {strides = array<i32>} : memref<4x128xi32, #tpu.memory_space<vmem>>, vector<16xi32>,
    tpu.vector_store %arg8[%swap3A_1077, %swap3A_1078], %select_n3A_1071 {strides = array<i32>} : memref<4x128xi32, #tpu.memory_space<vmem>>, vector<16xi32>,
    %broadcast_in_dim3A_1080 = vector.shape_cast %add3A_3 : vector<16xi32> to vector<16x1xi32>
    %gather3A_1081 = vector.shape_cast %broadcast_in_dim3A_1080 : vector<16x1xi32> to vector<16xi32>
    %gather3A_1082 = tpu.dynamic_gather %add3A_1056[%gather3A_1081] in [0] : vector<16xi32>, vector<16xi32> -> vector<16xi32>
    %add3A_1083 = arith.addi %add3A_987, %gather3A_1082 : vector<16xi32>
    %get3A_1084 = arith.constant 176 : index
    %get3A_1085 = tpu.vector_load %arg5[%get3A_1084] {strides = array<i32>} : memref<512xi32, #tpu.memory_space<vmem>>, vector<16xi32>,
    %gt3A_1086 = arith.constant 0 : i32
    %gt3A_1087 = vector.broadcast %gt3A_1086 : i32 to vector<16xi32>
    %gt3A_1088 = arith.cmpi sgt, %get3A_1085, %gt3A_1087 : vector<16xi32>
    %sub3A_1089 = arith.constant 1 : i32
    %sub3A_1090 = vector.broadcast %sub3A_1089 : i32 to vector<16xi32>
    %sub3A_1091 = arith.subi %iota3A, %sub3A_1090 : vector<16xi32>
    %max3A_1092 = arith.constant 0 : i32
    %max3A_1093 = vector.broadcast %max3A_1092 : i32 to vector<16xi32>
    %max3A_1094 = arith.maxsi %sub3A_1091, %max3A_1093 : vector<16xi32>
    %broadcast_in_dim3A_1095 = vector.shape_cast %max3A_1094 : vector<16xi32> to vector<16x1xi32>
    %gather3A_1096 = vector.shape_cast %broadcast_in_dim3A_1095 : vector<16x1xi32> to vector<16xi32>
    %gather3A_1097 = tpu.dynamic_gather %get3A_1085[%gather3A_1096] in [0] : vector<16xi32>, vector<16xi32> -> vector<16xi32>
    %ge3A_1098 = arith.constant 1 : i32
    %ge3A_1099 = vector.broadcast %ge3A_1098 : i32 to vector<16xi32>
    %ge3A_1100 = arith.cmpi sge, %iota3A, %ge3A_1099 : vector<16xi32>
    %jit3A_1101 = arith.constant 0 : i32
    %broadcast_in_dim3A_1102 = vector.broadcast %jit3A_1101 : i32 to vector<16xi32>
    %select_n3A_1103 = arith.select %ge3A_1100, %gather3A_1097, %broadcast_in_dim3A_1102 : vector<16xi1>, vector<16xi32>
    %add3A_1104 = arith.addi %get3A_1085, %select_n3A_1103 : vector<16xi32>
    %sub3A_1105 = arith.constant 2 : i32
    %sub3A_1106 = vector.broadcast %sub3A_1105 : i32 to vector<16xi32>
    %sub3A_1107 = arith.subi %iota3A, %sub3A_1106 : vector<16xi32>
    %max3A_1108 = arith.constant 0 : i32
    %max3A_1109 = vector.broadcast %max3A_1108 : i32 to vector<16xi32>
    %max3A_1110 = arith.maxsi %sub3A_1107, %max3A_1109 : vector<16xi32>
    %broadcast_in_dim3A_1111 = vector.shape_cast %max3A_1110 : vector<16xi32> to vector<16x1xi32>
    %gather3A_1112 = vector.shape_cast %broadcast_in_dim3A_1111 : vector<16x1xi32> to vector<16xi32>
    %gather3A_1113 = tpu.dynamic_gather %add3A_1104[%gather3A_1112] in [0] : vector<16xi32>, vector<16xi32> -> vector<16xi32>
    %ge3A_1114 = arith.constant 2 : i32
    %ge3A_1115 = vector.broadcast %ge3A_1114 : i32 to vector<16xi32>
    %ge3A_1116 = arith.cmpi sge, %iota3A, %ge3A_1115 : vector<16xi32>
    %jit3A_1117 = arith.constant 0 : i32
    %broadcast_in_dim3A_1118 = vector.broadcast %jit3A_1117 : i32 to vector<16xi32>
    %select_n3A_1119 = arith.select %ge3A_1116, %gather3A_1113, %broadcast_in_dim3A_1118 : vector<16xi1>, vector<16xi32>
    %add3A_1120 = arith.addi %add3A_1104, %select_n3A_1119 : vector<16xi32>
    %sub3A_1121 = arith.constant 4 : i32
    %sub3A_1122 = vector.broadcast %sub3A_1121 : i32 to vector<16xi32>
    %sub3A_1123 = arith.subi %iota3A, %sub3A_1122 : vector<16xi32>
    %max3A_1124 = arith.constant 0 : i32
    %max3A_1125 = vector.broadcast %max3A_1124 : i32 to vector<16xi32>
    %max3A_1126 = arith.maxsi %sub3A_1123, %max3A_1125 : vector<16xi32>
    %broadcast_in_dim3A_1127 = vector.shape_cast %max3A_1126 : vector<16xi32> to vector<16x1xi32>
    %gather3A_1128 = vector.shape_cast %broadcast_in_dim3A_1127 : vector<16x1xi32> to vector<16xi32>
    %gather3A_1129 = tpu.dynamic_gather %add3A_1120[%gather3A_1128] in [0] : vector<16xi32>, vector<16xi32> -> vector<16xi32>
    %ge3A_1130 = arith.constant 4 : i32
    %ge3A_1131 = vector.broadcast %ge3A_1130 : i32 to vector<16xi32>
    %ge3A_1132 = arith.cmpi sge, %iota3A, %ge3A_1131 : vector<16xi32>
    %jit3A_1133 = arith.constant 0 : i32
    %broadcast_in_dim3A_1134 = vector.broadcast %jit3A_1133 : i32 to vector<16xi32>
    %select_n3A_1135 = arith.select %ge3A_1132, %gather3A_1129, %broadcast_in_dim3A_1134 : vector<16xi1>, vector<16xi32>
    %add3A_1136 = arith.addi %add3A_1120, %select_n3A_1135 : vector<16xi32>
    %sub3A_1137 = arith.constant 8 : i32
    %sub3A_1138 = vector.broadcast %sub3A_1137 : i32 to vector<16xi32>
    %sub3A_1139 = arith.subi %iota3A, %sub3A_1138 : vector<16xi32>
    %max3A_1140 = arith.constant 0 : i32
    %max3A_1141 = vector.broadcast %max3A_1140 : i32 to vector<16xi32>
    %max3A_1142 = arith.maxsi %sub3A_1139, %max3A_1141 : vector<16xi32>
    %broadcast_in_dim3A_1143 = vector.shape_cast %max3A_1142 : vector<16xi32> to vector<16x1xi32>
    %gather3A_1144 = vector.shape_cast %broadcast_in_dim3A_1143 : vector<16x1xi32> to vector<16xi32>
    %gather3A_1145 = tpu.dynamic_gather %add3A_1136[%gather3A_1144] in [0] : vector<16xi32>, vector<16xi32> -> vector<16xi32>
    %ge3A_1146 = arith.constant 8 : i32
    %ge3A_1147 = vector.broadcast %ge3A_1146 : i32 to vector<16xi32>
    %ge3A_1148 = arith.cmpi sge, %iota3A, %ge3A_1147 : vector<16xi32>
    %jit3A_1149 = arith.constant 0 : i32
    %broadcast_in_dim3A_1150 = vector.broadcast %jit3A_1149 : i32 to vector<16xi32>
    %select_n3A_1151 = arith.select %ge3A_1148, %gather3A_1145, %broadcast_in_dim3A_1150 : vector<16xi1>, vector<16xi32>
    %add3A_1152 = arith.addi %add3A_1136, %select_n3A_1151 : vector<16xi32>
    %mul3A_1153 = arith.constant 512 : i32
    %mul3A_1154 = arith.muli %arg1, %mul3A_1153 : i32
    %add3A_1155 = arith.constant 176 : i32
    %add3A_1156 = arith.addi %mul3A_1154, %add3A_1155 : i32
    %add3A_1157 = vector.broadcast %add3A_1156 : i32 to vector<16xi32>
    %add3A_1158 = arith.addi %add3A_1157, %iota3A : vector<16xi32>
    %add3A_1159 = arith.addi %gather3A_24, %add3A_1083 : vector<16xi32>
    %add3A_1160 = arith.addi %add3A_1159, %add3A_1152 : vector<16xi32>
    %sub3A_1161 = arith.subi %add3A_1160, %get3A_1085 : vector<16xi32>
    %add3A_1162 = arith.addi %gather3A_32, %add3A_1158 : vector<16xi32>
    %sub3A_1163 = arith.subi %add3A_1162, %sub3A_1161 : vector<16xi32>
    %select_n3A_1164 = arith.select %gt3A_1088, %sub3A_1161, %sub3A_1163 : vector<16xi1>, vector<16xi32>
    %jit3A_1165 = arith.constant -1 : i32
    %broadcast_in_dim3A_1166 = vector.broadcast %jit3A_1165 : i32 to vector<16xi32>
    %select_n3A_1167 = arith.select %gt3A_1088, %add3A_1158, %broadcast_in_dim3A_1166 : vector<16xi1>, vector<16xi32>
    %swap3A_1168 = arith.constant 1 : i32
    %swap3A_1169 = arith.index_cast %swap3A_1168 : i32 to index
    %swap3A_1170 = arith.constant 48 : index
    %swap3A_1171 = tpu.vector_load %arg7[%swap3A_1169, %swap3A_1170] {strides = array<i32>} : memref<4x128xi32, #tpu.memory_space<vmem>>, vector<16xi32>,
    tpu.vector_store %arg7[%swap3A_1169, %swap3A_1170], %select_n3A_1164 {strides = array<i32>} : memref<4x128xi32, #tpu.memory_space<vmem>>, vector<16xi32>,
    %swap3A_1172 = arith.constant 1 : i32
    %swap3A_1173 = arith.index_cast %swap3A_1172 : i32 to index
    %swap3A_1174 = arith.constant 48 : index
    %swap3A_1175 = tpu.vector_load %arg8[%swap3A_1173, %swap3A_1174] {strides = array<i32>} : memref<4x128xi32, #tpu.memory_space<vmem>>, vector<16xi32>,
    tpu.vector_store %arg8[%swap3A_1173, %swap3A_1174], %select_n3A_1167 {strides = array<i32>} : memref<4x128xi32, #tpu.memory_space<vmem>>, vector<16xi32>,
    %broadcast_in_dim3A_1176 = vector.shape_cast %add3A_3 : vector<16xi32> to vector<16x1xi32>
    %gather3A_1177 = vector.shape_cast %broadcast_in_dim3A_1176 : vector<16x1xi32> to vector<16xi32>
    %gather3A_1178 = tpu.dynamic_gather %add3A_1152[%gather3A_1177] in [0] : vector<16xi32>, vector<16xi32> -> vector<16xi32>
    %add3A_1179 = arith.addi %add3A_1083, %gather3A_1178 : vector<16xi32>
    %get3A_1180 = arith.constant 192 : index
    %get3A_1181 = tpu.vector_load %arg5[%get3A_1180] {strides = array<i32>} : memref<512xi32, #tpu.memory_space<vmem>>, vector<16xi32>,
    %gt3A_1182 = arith.constant 0 : i32
    %gt3A_1183 = vector.broadcast %gt3A_1182 : i32 to vector<16xi32>
    %gt3A_1184 = arith.cmpi sgt, %get3A_1181, %gt3A_1183 : vector<16xi32>
    %sub3A_1185 = arith.constant 1 : i32
    %sub3A_1186 = vector.broadcast %sub3A_1185 : i32 to vector<16xi32>
    %sub3A_1187 = arith.subi %iota3A, %sub3A_1186 : vector<16xi32>
    %max3A_1188 = arith.constant 0 : i32
    %max3A_1189 = vector.broadcast %max3A_1188 : i32 to vector<16xi32>
    %max3A_1190 = arith.maxsi %sub3A_1187, %max3A_1189 : vector<16xi32>
    %broadcast_in_dim3A_1191 = vector.shape_cast %max3A_1190 : vector<16xi32> to vector<16x1xi32>
    %gather3A_1192 = vector.shape_cast %broadcast_in_dim3A_1191 : vector<16x1xi32> to vector<16xi32>
    %gather3A_1193 = tpu.dynamic_gather %get3A_1181[%gather3A_1192] in [0] : vector<16xi32>, vector<16xi32> -> vector<16xi32>
    %ge3A_1194 = arith.constant 1 : i32
    %ge3A_1195 = vector.broadcast %ge3A_1194 : i32 to vector<16xi32>
    %ge3A_1196 = arith.cmpi sge, %iota3A, %ge3A_1195 : vector<16xi32>
    %jit3A_1197 = arith.constant 0 : i32
    %broadcast_in_dim3A_1198 = vector.broadcast %jit3A_1197 : i32 to vector<16xi32>
    %select_n3A_1199 = arith.select %ge3A_1196, %gather3A_1193, %broadcast_in_dim3A_1198 : vector<16xi1>, vector<16xi32>
    %add3A_1200 = arith.addi %get3A_1181, %select_n3A_1199 : vector<16xi32>
    %sub3A_1201 = arith.constant 2 : i32
    %sub3A_1202 = vector.broadcast %sub3A_1201 : i32 to vector<16xi32>
    %sub3A_1203 = arith.subi %iota3A, %sub3A_1202 : vector<16xi32>
    %max3A_1204 = arith.constant 0 : i32
    %max3A_1205 = vector.broadcast %max3A_1204 : i32 to vector<16xi32>
    %max3A_1206 = arith.maxsi %sub3A_1203, %max3A_1205 : vector<16xi32>
    %broadcast_in_dim3A_1207 = vector.shape_cast %max3A_1206 : vector<16xi32> to vector<16x1xi32>
    %gather3A_1208 = vector.shape_cast %broadcast_in_dim3A_1207 : vector<16x1xi32> to vector<16xi32>
    %gather3A_1209 = tpu.dynamic_gather %add3A_1200[%gather3A_1208] in [0] : vector<16xi32>, vector<16xi32> -> vector<16xi32>
    %ge3A_1210 = arith.constant 2 : i32
    %ge3A_1211 = vector.broadcast %ge3A_1210 : i32 to vector<16xi32>
    %ge3A_1212 = arith.cmpi sge, %iota3A, %ge3A_1211 : vector<16xi32>
    %jit3A_1213 = arith.constant 0 : i32
    %broadcast_in_dim3A_1214 = vector.broadcast %jit3A_1213 : i32 to vector<16xi32>
    %select_n3A_1215 = arith.select %ge3A_1212, %gather3A_1209, %broadcast_in_dim3A_1214 : vector<16xi1>, vector<16xi32>
    %add3A_1216 = arith.addi %add3A_1200, %select_n3A_1215 : vector<16xi32>
    %sub3A_1217 = arith.constant 4 : i32
    %sub3A_1218 = vector.broadcast %sub3A_1217 : i32 to vector<16xi32>
    %sub3A_1219 = arith.subi %iota3A, %sub3A_1218 : vector<16xi32>
    %max3A_1220 = arith.constant 0 : i32
    %max3A_1221 = vector.broadcast %max3A_1220 : i32 to vector<16xi32>
    %max3A_1222 = arith.maxsi %sub3A_1219, %max3A_1221 : vector<16xi32>
    %broadcast_in_dim3A_1223 = vector.shape_cast %max3A_1222 : vector<16xi32> to vector<16x1xi32>
    %gather3A_1224 = vector.shape_cast %broadcast_in_dim3A_1223 : vector<16x1xi32> to vector<16xi32>
    %gather3A_1225 = tpu.dynamic_gather %add3A_1216[%gather3A_1224] in [0] : vector<16xi32>, vector<16xi32> -> vector<16xi32>
    %ge3A_1226 = arith.constant 4 : i32
    %ge3A_1227 = vector.broadcast %ge3A_1226 : i32 to vector<16xi32>
    %ge3A_1228 = arith.cmpi sge, %iota3A, %ge3A_1227 : vector<16xi32>
    %jit3A_1229 = arith.constant 0 : i32
    %broadcast_in_dim3A_1230 = vector.broadcast %jit3A_1229 : i32 to vector<16xi32>
    %select_n3A_1231 = arith.select %ge3A_1228, %gather3A_1225, %broadcast_in_dim3A_1230 : vector<16xi1>, vector<16xi32>
    %add3A_1232 = arith.addi %add3A_1216, %select_n3A_1231 : vector<16xi32>
    %sub3A_1233 = arith.constant 8 : i32
    %sub3A_1234 = vector.broadcast %sub3A_1233 : i32 to vector<16xi32>
    %sub3A_1235 = arith.subi %iota3A, %sub3A_1234 : vector<16xi32>
    %max3A_1236 = arith.constant 0 : i32
    %max3A_1237 = vector.broadcast %max3A_1236 : i32 to vector<16xi32>
    %max3A_1238 = arith.maxsi %sub3A_1235, %max3A_1237 : vector<16xi32>
    %broadcast_in_dim3A_1239 = vector.shape_cast %max3A_1238 : vector<16xi32> to vector<16x1xi32>
    %gather3A_1240 = vector.shape_cast %broadcast_in_dim3A_1239 : vector<16x1xi32> to vector<16xi32>
    %gather3A_1241 = tpu.dynamic_gather %add3A_1232[%gather3A_1240] in [0] : vector<16xi32>, vector<16xi32> -> vector<16xi32>
    %ge3A_1242 = arith.constant 8 : i32
    %ge3A_1243 = vector.broadcast %ge3A_1242 : i32 to vector<16xi32>
    %ge3A_1244 = arith.cmpi sge, %iota3A, %ge3A_1243 : vector<16xi32>
    %jit3A_1245 = arith.constant 0 : i32
    %broadcast_in_dim3A_1246 = vector.broadcast %jit3A_1245 : i32 to vector<16xi32>
    %select_n3A_1247 = arith.select %ge3A_1244, %gather3A_1241, %broadcast_in_dim3A_1246 : vector<16xi1>, vector<16xi32>
    %add3A_1248 = arith.addi %add3A_1232, %select_n3A_1247 : vector<16xi32>
    %mul3A_1249 = arith.constant 512 : i32
    %mul3A_1250 = arith.muli %arg1, %mul3A_1249 : i32
    %add3A_1251 = arith.constant 192 : i32
    %add3A_1252 = arith.addi %mul3A_1250, %add3A_1251 : i32
    %add3A_1253 = vector.broadcast %add3A_1252 : i32 to vector<16xi32>
    %add3A_1254 = arith.addi %add3A_1253, %iota3A : vector<16xi32>
    %add3A_1255 = arith.addi %gather3A_24, %add3A_1179 : vector<16xi32>
    %add3A_1256 = arith.addi %add3A_1255, %add3A_1248 : vector<16xi32>
    %sub3A_1257 = arith.subi %add3A_1256, %get3A_1181 : vector<16xi32>
    %add3A_1258 = arith.addi %gather3A_32, %add3A_1254 : vector<16xi32>
    %sub3A_1259 = arith.subi %add3A_1258, %sub3A_1257 : vector<16xi32>
    %select_n3A_1260 = arith.select %gt3A_1184, %sub3A_1257, %sub3A_1259 : vector<16xi1>, vector<16xi32>
    %jit3A_1261 = arith.constant -1 : i32
    %broadcast_in_dim3A_1262 = vector.broadcast %jit3A_1261 : i32 to vector<16xi32>
    %select_n3A_1263 = arith.select %gt3A_1184, %add3A_1254, %broadcast_in_dim3A_1262 : vector<16xi1>, vector<16xi32>
    %swap3A_1264 = arith.constant 1 : i32
    %swap3A_1265 = arith.index_cast %swap3A_1264 : i32 to index
    %swap3A_1266 = arith.constant 64 : index
    %swap3A_1267 = tpu.vector_load %arg7[%swap3A_1265, %swap3A_1266] {strides = array<i32>} : memref<4x128xi32, #tpu.memory_space<vmem>>, vector<16xi32>,
    tpu.vector_store %arg7[%swap3A_1265, %swap3A_1266], %select_n3A_1260 {strides = array<i32>} : memref<4x128xi32, #tpu.memory_space<vmem>>, vector<16xi32>,
    %swap3A_1268 = arith.constant 1 : i32
    %swap3A_1269 = arith.index_cast %swap3A_1268 : i32 to index
    %swap3A_1270 = arith.constant 64 : index
    %swap3A_1271 = tpu.vector_load %arg8[%swap3A_1269, %swap3A_1270] {strides = array<i32>} : memref<4x128xi32, #tpu.memory_space<vmem>>, vector<16xi32>,
    tpu.vector_store %arg8[%swap3A_1269, %swap3A_1270], %select_n3A_1263 {strides = array<i32>} : memref<4x128xi32, #tpu.memory_space<vmem>>, vector<16xi32>,
    %broadcast_in_dim3A_1272 = vector.shape_cast %add3A_3 : vector<16xi32> to vector<16x1xi32>
    %gather3A_1273 = vector.shape_cast %broadcast_in_dim3A_1272 : vector<16x1xi32> to vector<16xi32>
    %gather3A_1274 = tpu.dynamic_gather %add3A_1248[%gather3A_1273] in [0] : vector<16xi32>, vector<16xi32> -> vector<16xi32>
    %add3A_1275 = arith.addi %add3A_1179, %gather3A_1274 : vector<16xi32>
    %get3A_1276 = arith.constant 208 : index
    %get3A_1277 = tpu.vector_load %arg5[%get3A_1276] {strides = array<i32>} : memref<512xi32, #tpu.memory_space<vmem>>, vector<16xi32>,
    %gt3A_1278 = arith.constant 0 : i32
    %gt3A_1279 = vector.broadcast %gt3A_1278 : i32 to vector<16xi32>
    %gt3A_1280 = arith.cmpi sgt, %get3A_1277, %gt3A_1279 : vector<16xi32>
    %sub3A_1281 = arith.constant 1 : i32
    %sub3A_1282 = vector.broadcast %sub3A_1281 : i32 to vector<16xi32>
    %sub3A_1283 = arith.subi %iota3A, %sub3A_1282 : vector<16xi32>
    %max3A_1284 = arith.constant 0 : i32
    %max3A_1285 = vector.broadcast %max3A_1284 : i32 to vector<16xi32>
    %max3A_1286 = arith.maxsi %sub3A_1283, %max3A_1285 : vector<16xi32>
    %broadcast_in_dim3A_1287 = vector.shape_cast %max3A_1286 : vector<16xi32> to vector<16x1xi32>
    %gather3A_1288 = vector.shape_cast %broadcast_in_dim3A_1287 : vector<16x1xi32> to vector<16xi32>
    %gather3A_1289 = tpu.dynamic_gather %get3A_1277[%gather3A_1288] in [0] : vector<16xi32>, vector<16xi32> -> vector<16xi32>
    %ge3A_1290 = arith.constant 1 : i32
    %ge3A_1291 = vector.broadcast %ge3A_1290 : i32 to vector<16xi32>
    %ge3A_1292 = arith.cmpi sge, %iota3A, %ge3A_1291 : vector<16xi32>
    %jit3A_1293 = arith.constant 0 : i32
    %broadcast_in_dim3A_1294 = vector.broadcast %jit3A_1293 : i32 to vector<16xi32>
    %select_n3A_1295 = arith.select %ge3A_1292, %gather3A_1289, %broadcast_in_dim3A_1294 : vector<16xi1>, vector<16xi32>
    %add3A_1296 = arith.addi %get3A_1277, %select_n3A_1295 : vector<16xi32>
    %sub3A_1297 = arith.constant 2 : i32
    %sub3A_1298 = vector.broadcast %sub3A_1297 : i32 to vector<16xi32>
    %sub3A_1299 = arith.subi %iota3A, %sub3A_1298 : vector<16xi32>
    %max3A_1300 = arith.constant 0 : i32
    %max3A_1301 = vector.broadcast %max3A_1300 : i32 to vector<16xi32>
    %max3A_1302 = arith.maxsi %sub3A_1299, %max3A_1301 : vector<16xi32>
    %broadcast_in_dim3A_1303 = vector.shape_cast %max3A_1302 : vector<16xi32> to vector<16x1xi32>
    %gather3A_1304 = vector.shape_cast %broadcast_in_dim3A_1303 : vector<16x1xi32> to vector<16xi32>
    %gather3A_1305 = tpu.dynamic_gather %add3A_1296[%gather3A_1304] in [0] : vector<16xi32>, vector<16xi32> -> vector<16xi32>
    %ge3A_1306 = arith.constant 2 : i32
    %ge3A_1307 = vector.broadcast %ge3A_1306 : i32 to vector<16xi32>
    %ge3A_1308 = arith.cmpi sge, %iota3A, %ge3A_1307 : vector<16xi32>
    %jit3A_1309 = arith.constant 0 : i32
    %broadcast_in_dim3A_1310 = vector.broadcast %jit3A_1309 : i32 to vector<16xi32>
    %select_n3A_1311 = arith.select %ge3A_1308, %gather3A_1305, %broadcast_in_dim3A_1310 : vector<16xi1>, vector<16xi32>
    %add3A_1312 = arith.addi %add3A_1296, %select_n3A_1311 : vector<16xi32>
    %sub3A_1313 = arith.constant 4 : i32
    %sub3A_1314 = vector.broadcast %sub3A_1313 : i32 to vector<16xi32>
    %sub3A_1315 = arith.subi %iota3A, %sub3A_1314 : vector<16xi32>
    %max3A_1316 = arith.constant 0 : i32
    %max3A_1317 = vector.broadcast %max3A_1316 : i32 to vector<16xi32>
    %max3A_1318 = arith.maxsi %sub3A_1315, %max3A_1317 : vector<16xi32>
    %broadcast_in_dim3A_1319 = vector.shape_cast %max3A_1318 : vector<16xi32> to vector<16x1xi32>
    %gather3A_1320 = vector.shape_cast %broadcast_in_dim3A_1319 : vector<16x1xi32> to vector<16xi32>
    %gather3A_1321 = tpu.dynamic_gather %add3A_1312[%gather3A_1320] in [0] : vector<16xi32>, vector<16xi32> -> vector<16xi32>
    %ge3A_1322 = arith.constant 4 : i32
    %ge3A_1323 = vector.broadcast %ge3A_1322 : i32 to vector<16xi32>
    %ge3A_1324 = arith.cmpi sge, %iota3A, %ge3A_1323 : vector<16xi32>
    %jit3A_1325 = arith.constant 0 : i32
    %broadcast_in_dim3A_1326 = vector.broadcast %jit3A_1325 : i32 to vector<16xi32>
    %select_n3A_1327 = arith.select %ge3A_1324, %gather3A_1321, %broadcast_in_dim3A_1326 : vector<16xi1>, vector<16xi32>
    %add3A_1328 = arith.addi %add3A_1312, %select_n3A_1327 : vector<16xi32>
    %sub3A_1329 = arith.constant 8 : i32
    %sub3A_1330 = vector.broadcast %sub3A_1329 : i32 to vector<16xi32>
    %sub3A_1331 = arith.subi %iota3A, %sub3A_1330 : vector<16xi32>
    %max3A_1332 = arith.constant 0 : i32
    %max3A_1333 = vector.broadcast %max3A_1332 : i32 to vector<16xi32>
    %max3A_1334 = arith.maxsi %sub3A_1331, %max3A_1333 : vector<16xi32>
    %broadcast_in_dim3A_1335 = vector.shape_cast %max3A_1334 : vector<16xi32> to vector<16x1xi32>
    %gather3A_1336 = vector.shape_cast %broadcast_in_dim3A_1335 : vector<16x1xi32> to vector<16xi32>
    %gather3A_1337 = tpu.dynamic_gather %add3A_1328[%gather3A_1336] in [0] : vector<16xi32>, vector<16xi32> -> vector<16xi32>
    %ge3A_1338 = arith.constant 8 : i32
    %ge3A_1339 = vector.broadcast %ge3A_1338 : i32 to vector<16xi32>
    %ge3A_1340 = arith.cmpi sge, %iota3A, %ge3A_1339 : vector<16xi32>
    %jit3A_1341 = arith.constant 0 : i32
    %broadcast_in_dim3A_1342 = vector.broadcast %jit3A_1341 : i32 to vector<16xi32>
    %select_n3A_1343 = arith.select %ge3A_1340, %gather3A_1337, %broadcast_in_dim3A_1342 : vector<16xi1>, vector<16xi32>
    %add3A_1344 = arith.addi %add3A_1328, %select_n3A_1343 : vector<16xi32>
    %mul3A_1345 = arith.constant 512 : i32
    %mul3A_1346 = arith.muli %arg1, %mul3A_1345 : i32
    %add3A_1347 = arith.constant 208 : i32
    %add3A_1348 = arith.addi %mul3A_1346, %add3A_1347 : i32
    %add3A_1349 = vector.broadcast %add3A_1348 : i32 to vector<16xi32>
    %add3A_1350 = arith.addi %add3A_1349, %iota3A : vector<16xi32>
    %add3A_1351 = arith.addi %gather3A_24, %add3A_1275 : vector<16xi32>
    %add3A_1352 = arith.addi %add3A_1351, %add3A_1344 : vector<16xi32>
    %sub3A_1353 = arith.subi %add3A_1352, %get3A_1277 : vector<16xi32>
    %add3A_1354 = arith.addi %gather3A_32, %add3A_1350 : vector<16xi32>
    %sub3A_1355 = arith.subi %add3A_1354, %sub3A_1353 : vector<16xi32>
    %select_n3A_1356 = arith.select %gt3A_1280, %sub3A_1353, %sub3A_1355 : vector<16xi1>, vector<16xi32>
    %jit3A_1357 = arith.constant -1 : i32
    %broadcast_in_dim3A_1358 = vector.broadcast %jit3A_1357 : i32 to vector<16xi32>
    %select_n3A_1359 = arith.select %gt3A_1280, %add3A_1350, %broadcast_in_dim3A_1358 : vector<16xi1>, vector<16xi32>
    %swap3A_1360 = arith.constant 1 : i32
    %swap3A_1361 = arith.index_cast %swap3A_1360 : i32 to index
    %swap3A_1362 = arith.constant 80 : index
    %swap3A_1363 = tpu.vector_load %arg7[%swap3A_1361, %swap3A_1362] {strides = array<i32>} : memref<4x128xi32, #tpu.memory_space<vmem>>, vector<16xi32>,
    tpu.vector_store %arg7[%swap3A_1361, %swap3A_1362], %select_n3A_1356 {strides = array<i32>} : memref<4x128xi32, #tpu.memory_space<vmem>>, vector<16xi32>,
    %swap3A_1364 = arith.constant 1 : i32
    %swap3A_1365 = arith.index_cast %swap3A_1364 : i32 to index
    %swap3A_1366 = arith.constant 80 : index
    %swap3A_1367 = tpu.vector_load %arg8[%swap3A_1365, %swap3A_1366] {strides = array<i32>} : memref<4x128xi32, #tpu.memory_space<vmem>>, vector<16xi32>,
    tpu.vector_store %arg8[%swap3A_1365, %swap3A_1366], %select_n3A_1359 {strides = array<i32>} : memref<4x128xi32, #tpu.memory_space<vmem>>, vector<16xi32>,
    %broadcast_in_dim3A_1368 = vector.shape_cast %add3A_3 : vector<16xi32> to vector<16x1xi32>
    %gather3A_1369 = vector.shape_cast %broadcast_in_dim3A_1368 : vector<16x1xi32> to vector<16xi32>
    %gather3A_1370 = tpu.dynamic_gather %add3A_1344[%gather3A_1369] in [0] : vector<16xi32>, vector<16xi32> -> vector<16xi32>
    %add3A_1371 = arith.addi %add3A_1275, %gather3A_1370 : vector<16xi32>
    %get3A_1372 = arith.constant 224 : index
    %get3A_1373 = tpu.vector_load %arg5[%get3A_1372] {strides = array<i32>} : memref<512xi32, #tpu.memory_space<vmem>>, vector<16xi32>,
    %gt3A_1374 = arith.constant 0 : i32
    %gt3A_1375 = vector.broadcast %gt3A_1374 : i32 to vector<16xi32>
    %gt3A_1376 = arith.cmpi sgt, %get3A_1373, %gt3A_1375 : vector<16xi32>
    %sub3A_1377 = arith.constant 1 : i32
    %sub3A_1378 = vector.broadcast %sub3A_1377 : i32 to vector<16xi32>
    %sub3A_1379 = arith.subi %iota3A, %sub3A_1378 : vector<16xi32>
    %max3A_1380 = arith.constant 0 : i32
    %max3A_1381 = vector.broadcast %max3A_1380 : i32 to vector<16xi32>
    %max3A_1382 = arith.maxsi %sub3A_1379, %max3A_1381 : vector<16xi32>
    %broadcast_in_dim3A_1383 = vector.shape_cast %max3A_1382 : vector<16xi32> to vector<16x1xi32>
    %gather3A_1384 = vector.shape_cast %broadcast_in_dim3A_1383 : vector<16x1xi32> to vector<16xi32>
    %gather3A_1385 = tpu.dynamic_gather %get3A_1373[%gather3A_1384] in [0] : vector<16xi32>, vector<16xi32> -> vector<16xi32>
    %ge3A_1386 = arith.constant 1 : i32
    %ge3A_1387 = vector.broadcast %ge3A_1386 : i32 to vector<16xi32>
    %ge3A_1388 = arith.cmpi sge, %iota3A, %ge3A_1387 : vector<16xi32>
    %jit3A_1389 = arith.constant 0 : i32
    %broadcast_in_dim3A_1390 = vector.broadcast %jit3A_1389 : i32 to vector<16xi32>
    %select_n3A_1391 = arith.select %ge3A_1388, %gather3A_1385, %broadcast_in_dim3A_1390 : vector<16xi1>, vector<16xi32>
    %add3A_1392 = arith.addi %get3A_1373, %select_n3A_1391 : vector<16xi32>
    %sub3A_1393 = arith.constant 2 : i32
    %sub3A_1394 = vector.broadcast %sub3A_1393 : i32 to vector<16xi32>
    %sub3A_1395 = arith.subi %iota3A, %sub3A_1394 : vector<16xi32>
    %max3A_1396 = arith.constant 0 : i32
    %max3A_1397 = vector.broadcast %max3A_1396 : i32 to vector<16xi32>
    %max3A_1398 = arith.maxsi %sub3A_1395, %max3A_1397 : vector<16xi32>
    %broadcast_in_dim3A_1399 = vector.shape_cast %max3A_1398 : vector<16xi32> to vector<16x1xi32>
    %gather3A_1400 = vector.shape_cast %broadcast_in_dim3A_1399 : vector<16x1xi32> to vector<16xi32>
    %gather3A_1401 = tpu.dynamic_gather %add3A_1392[%gather3A_1400] in [0] : vector<16xi32>, vector<16xi32> -> vector<16xi32>
    %ge3A_1402 = arith.constant 2 : i32
    %ge3A_1403 = vector.broadcast %ge3A_1402 : i32 to vector<16xi32>
    %ge3A_1404 = arith.cmpi sge, %iota3A, %ge3A_1403 : vector<16xi32>
    %jit3A_1405 = arith.constant 0 : i32
    %broadcast_in_dim3A_1406 = vector.broadcast %jit3A_1405 : i32 to vector<16xi32>
    %select_n3A_1407 = arith.select %ge3A_1404, %gather3A_1401, %broadcast_in_dim3A_1406 : vector<16xi1>, vector<16xi32>
    %add3A_1408 = arith.addi %add3A_1392, %select_n3A_1407 : vector<16xi32>
    %sub3A_1409 = arith.constant 4 : i32
    %sub3A_1410 = vector.broadcast %sub3A_1409 : i32 to vector<16xi32>
    %sub3A_1411 = arith.subi %iota3A, %sub3A_1410 : vector<16xi32>
    %max3A_1412 = arith.constant 0 : i32
    %max3A_1413 = vector.broadcast %max3A_1412 : i32 to vector<16xi32>
    %max3A_1414 = arith.maxsi %sub3A_1411, %max3A_1413 : vector<16xi32>
    %broadcast_in_dim3A_1415 = vector.shape_cast %max3A_1414 : vector<16xi32> to vector<16x1xi32>
    %gather3A_1416 = vector.shape_cast %broadcast_in_dim3A_1415 : vector<16x1xi32> to vector<16xi32>
    %gather3A_1417 = tpu.dynamic_gather %add3A_1408[%gather3A_1416] in [0] : vector<16xi32>, vector<16xi32> -> vector<16xi32>
    %ge3A_1418 = arith.constant 4 : i32
    %ge3A_1419 = vector.broadcast %ge3A_1418 : i32 to vector<16xi32>
    %ge3A_1420 = arith.cmpi sge, %iota3A, %ge3A_1419 : vector<16xi32>
    %jit3A_1421 = arith.constant 0 : i32
    %broadcast_in_dim3A_1422 = vector.broadcast %jit3A_1421 : i32 to vector<16xi32>
    %select_n3A_1423 = arith.select %ge3A_1420, %gather3A_1417, %broadcast_in_dim3A_1422 : vector<16xi1>, vector<16xi32>
    %add3A_1424 = arith.addi %add3A_1408, %select_n3A_1423 : vector<16xi32>
    %sub3A_1425 = arith.constant 8 : i32
    %sub3A_1426 = vector.broadcast %sub3A_1425 : i32 to vector<16xi32>
    %sub3A_1427 = arith.subi %iota3A, %sub3A_1426 : vector<16xi32>
    %max3A_1428 = arith.constant 0 : i32
    %max3A_1429 = vector.broadcast %max3A_1428 : i32 to vector<16xi32>
    %max3A_1430 = arith.maxsi %sub3A_1427, %max3A_1429 : vector<16xi32>
    %broadcast_in_dim3A_1431 = vector.shape_cast %max3A_1430 : vector<16xi32> to vector<16x1xi32>
    %gather3A_1432 = vector.shape_cast %broadcast_in_dim3A_1431 : vector<16x1xi32> to vector<16xi32>
    %gather3A_1433 = tpu.dynamic_gather %add3A_1424[%gather3A_1432] in [0] : vector<16xi32>, vector<16xi32> -> vector<16xi32>
    %ge3A_1434 = arith.constant 8 : i32
    %ge3A_1435 = vector.broadcast %ge3A_1434 : i32 to vector<16xi32>
    %ge3A_1436 = arith.cmpi sge, %iota3A, %ge3A_1435 : vector<16xi32>
    %jit3A_1437 = arith.constant 0 : i32
    %broadcast_in_dim3A_1438 = vector.broadcast %jit3A_1437 : i32 to vector<16xi32>
    %select_n3A_1439 = arith.select %ge3A_1436, %gather3A_1433, %broadcast_in_dim3A_1438 : vector<16xi1>, vector<16xi32>
    %add3A_1440 = arith.addi %add3A_1424, %select_n3A_1439 : vector<16xi32>
    %mul3A_1441 = arith.constant 512 : i32
    %mul3A_1442 = arith.muli %arg1, %mul3A_1441 : i32
    %add3A_1443 = arith.constant 224 : i32
    %add3A_1444 = arith.addi %mul3A_1442, %add3A_1443 : i32
    %add3A_1445 = vector.broadcast %add3A_1444 : i32 to vector<16xi32>
    %add3A_1446 = arith.addi %add3A_1445, %iota3A : vector<16xi32>
    %add3A_1447 = arith.addi %gather3A_24, %add3A_1371 : vector<16xi32>
    %add3A_1448 = arith.addi %add3A_1447, %add3A_1440 : vector<16xi32>
    %sub3A_1449 = arith.subi %add3A_1448, %get3A_1373 : vector<16xi32>
    %add3A_1450 = arith.addi %gather3A_32, %add3A_1446 : vector<16xi32>
    %sub3A_1451 = arith.subi %add3A_1450, %sub3A_1449 : vector<16xi32>
    %select_n3A_1452 = arith.select %gt3A_1376, %sub3A_1449, %sub3A_1451 : vector<16xi1>, vector<16xi32>
    %jit3A_1453 = arith.constant -1 : i32
    %broadcast_in_dim3A_1454 = vector.broadcast %jit3A_1453 : i32 to vector<16xi32>
    %select_n3A_1455 = arith.select %gt3A_1376, %add3A_1446, %broadcast_in_dim3A_1454 : vector<16xi1>, vector<16xi32>
    %swap3A_1456 = arith.constant 1 : i32
    %swap3A_1457 = arith.index_cast %swap3A_1456 : i32 to index
    %swap3A_1458 = arith.constant 96 : index
    %swap3A_1459 = tpu.vector_load %arg7[%swap3A_1457, %swap3A_1458] {strides = array<i32>} : memref<4x128xi32, #tpu.memory_space<vmem>>, vector<16xi32>,
    tpu.vector_store %arg7[%swap3A_1457, %swap3A_1458], %select_n3A_1452 {strides = array<i32>} : memref<4x128xi32, #tpu.memory_space<vmem>>, vector<16xi32>,
    %swap3A_1460 = arith.constant 1 : i32
    %swap3A_1461 = arith.index_cast %swap3A_1460 : i32 to index
    %swap3A_1462 = arith.constant 96 : index
    %swap3A_1463 = tpu.vector_load %arg8[%swap3A_1461, %swap3A_1462] {strides = array<i32>} : memref<4x128xi32, #tpu.memory_space<vmem>>, vector<16xi32>,
    tpu.vector_store %arg8[%swap3A_1461, %swap3A_1462], %select_n3A_1455 {strides = array<i32>} : memref<4x128xi32, #tpu.memory_space<vmem>>, vector<16xi32>,
    %broadcast_in_dim3A_1464 = vector.shape_cast %add3A_3 : vector<16xi32> to vector<16x1xi32>
    %gather3A_1465 = vector.shape_cast %broadcast_in_dim3A_1464 : vector<16x1xi32> to vector<16xi32>
    %gather3A_1466 = tpu.dynamic_gather %add3A_1440[%gather3A_1465] in [0] : vector<16xi32>, vector<16xi32> -> vector<16xi32>
    %add3A_1467 = arith.addi %add3A_1371, %gather3A_1466 : vector<16xi32>
    %get3A_1468 = arith.constant 240 : index
    %get3A_1469 = tpu.vector_load %arg5[%get3A_1468] {strides = array<i32>} : memref<512xi32, #tpu.memory_space<vmem>>, vector<16xi32>,
    %gt3A_1470 = arith.constant 0 : i32
    %gt3A_1471 = vector.broadcast %gt3A_1470 : i32 to vector<16xi32>
    %gt3A_1472 = arith.cmpi sgt, %get3A_1469, %gt3A_1471 : vector<16xi32>
    %sub3A_1473 = arith.constant 1 : i32
    %sub3A_1474 = vector.broadcast %sub3A_1473 : i32 to vector<16xi32>
    %sub3A_1475 = arith.subi %iota3A, %sub3A_1474 : vector<16xi32>
    %max3A_1476 = arith.constant 0 : i32
    %max3A_1477 = vector.broadcast %max3A_1476 : i32 to vector<16xi32>
    %max3A_1478 = arith.maxsi %sub3A_1475, %max3A_1477 : vector<16xi32>
    %broadcast_in_dim3A_1479 = vector.shape_cast %max3A_1478 : vector<16xi32> to vector<16x1xi32>
    %gather3A_1480 = vector.shape_cast %broadcast_in_dim3A_1479 : vector<16x1xi32> to vector<16xi32>
    %gather3A_1481 = tpu.dynamic_gather %get3A_1469[%gather3A_1480] in [0] : vector<16xi32>, vector<16xi32> -> vector<16xi32>
    %ge3A_1482 = arith.constant 1 : i32
    %ge3A_1483 = vector.broadcast %ge3A_1482 : i32 to vector<16xi32>
    %ge3A_1484 = arith.cmpi sge, %iota3A, %ge3A_1483 : vector<16xi32>
    %jit3A_1485 = arith.constant 0 : i32
    %broadcast_in_dim3A_1486 = vector.broadcast %jit3A_1485 : i32 to vector<16xi32>
    %select_n3A_1487 = arith.select %ge3A_1484, %gather3A_1481, %broadcast_in_dim3A_1486 : vector<16xi1>, vector<16xi32>
    %add3A_1488 = arith.addi %get3A_1469, %select_n3A_1487 : vector<16xi32>
    %sub3A_1489 = arith.constant 2 : i32
    %sub3A_1490 = vector.broadcast %sub3A_1489 : i32 to vector<16xi32>
    %sub3A_1491 = arith.subi %iota3A, %sub3A_1490 : vector<16xi32>
    %max3A_1492 = arith.constant 0 : i32
    %max3A_1493 = vector.broadcast %max3A_1492 : i32 to vector<16xi32>
    %max3A_1494 = arith.maxsi %sub3A_1491, %max3A_1493 : vector<16xi32>
    %broadcast_in_dim3A_1495 = vector.shape_cast %max3A_1494 : vector<16xi32> to vector<16x1xi32>
    %gather3A_1496 = vector.shape_cast %broadcast_in_dim3A_1495 : vector<16x1xi32> to vector<16xi32>
    %gather3A_1497 = tpu.dynamic_gather %add3A_1488[%gather3A_1496] in [0] : vector<16xi32>, vector<16xi32> -> vector<16xi32>
    %ge3A_1498 = arith.constant 2 : i32
    %ge3A_1499 = vector.broadcast %ge3A_1498 : i32 to vector<16xi32>
    %ge3A_1500 = arith.cmpi sge, %iota3A, %ge3A_1499 : vector<16xi32>
    %jit3A_1501 = arith.constant 0 : i32
    %broadcast_in_dim3A_1502 = vector.broadcast %jit3A_1501 : i32 to vector<16xi32>
    %select_n3A_1503 = arith.select %ge3A_1500, %gather3A_1497, %broadcast_in_dim3A_1502 : vector<16xi1>, vector<16xi32>
    %add3A_1504 = arith.addi %add3A_1488, %select_n3A_1503 : vector<16xi32>
    %sub3A_1505 = arith.constant 4 : i32
    %sub3A_1506 = vector.broadcast %sub3A_1505 : i32 to vector<16xi32>
    %sub3A_1507 = arith.subi %iota3A, %sub3A_1506 : vector<16xi32>
    %max3A_1508 = arith.constant 0 : i32
    %max3A_1509 = vector.broadcast %max3A_1508 : i32 to vector<16xi32>
    %max3A_1510 = arith.maxsi %sub3A_1507, %max3A_1509 : vector<16xi32>
    %broadcast_in_dim3A_1511 = vector.shape_cast %max3A_1510 : vector<16xi32> to vector<16x1xi32>
    %gather3A_1512 = vector.shape_cast %broadcast_in_dim3A_1511 : vector<16x1xi32> to vector<16xi32>
    %gather3A_1513 = tpu.dynamic_gather %add3A_1504[%gather3A_1512] in [0] : vector<16xi32>, vector<16xi32> -> vector<16xi32>
    %ge3A_1514 = arith.constant 4 : i32
    %ge3A_1515 = vector.broadcast %ge3A_1514 : i32 to vector<16xi32>
    %ge3A_1516 = arith.cmpi sge, %iota3A, %ge3A_1515 : vector<16xi32>
    %jit3A_1517 = arith.constant 0 : i32
    %broadcast_in_dim3A_1518 = vector.broadcast %jit3A_1517 : i32 to vector<16xi32>
    %select_n3A_1519 = arith.select %ge3A_1516, %gather3A_1513, %broadcast_in_dim3A_1518 : vector<16xi1>, vector<16xi32>
    %add3A_1520 = arith.addi %add3A_1504, %select_n3A_1519 : vector<16xi32>
    %sub3A_1521 = arith.constant 8 : i32
    %sub3A_1522 = vector.broadcast %sub3A_1521 : i32 to vector<16xi32>
    %sub3A_1523 = arith.subi %iota3A, %sub3A_1522 : vector<16xi32>
    %max3A_1524 = arith.constant 0 : i32
    %max3A_1525 = vector.broadcast %max3A_1524 : i32 to vector<16xi32>
    %max3A_1526 = arith.maxsi %sub3A_1523, %max3A_1525 : vector<16xi32>
    %broadcast_in_dim3A_1527 = vector.shape_cast %max3A_1526 : vector<16xi32> to vector<16x1xi32>
    %gather3A_1528 = vector.shape_cast %broadcast_in_dim3A_1527 : vector<16x1xi32> to vector<16xi32>
    %gather3A_1529 = tpu.dynamic_gather %add3A_1520[%gather3A_1528] in [0] : vector<16xi32>, vector<16xi32> -> vector<16xi32>
    %ge3A_1530 = arith.constant 8 : i32
    %ge3A_1531 = vector.broadcast %ge3A_1530 : i32 to vector<16xi32>
    %ge3A_1532 = arith.cmpi sge, %iota3A, %ge3A_1531 : vector<16xi32>
    %jit3A_1533 = arith.constant 0 : i32
    %broadcast_in_dim3A_1534 = vector.broadcast %jit3A_1533 : i32 to vector<16xi32>
    %select_n3A_1535 = arith.select %ge3A_1532, %gather3A_1529, %broadcast_in_dim3A_1534 : vector<16xi1>, vector<16xi32>
    %add3A_1536 = arith.addi %add3A_1520, %select_n3A_1535 : vector<16xi32>
    %mul3A_1537 = arith.constant 512 : i32
    %mul3A_1538 = arith.muli %arg1, %mul3A_1537 : i32
    %add3A_1539 = arith.constant 240 : i32
    %add3A_1540 = arith.addi %mul3A_1538, %add3A_1539 : i32
    %add3A_1541 = vector.broadcast %add3A_1540 : i32 to vector<16xi32>
    %add3A_1542 = arith.addi %add3A_1541, %iota3A : vector<16xi32>
    %add3A_1543 = arith.addi %gather3A_24, %add3A_1467 : vector<16xi32>
    %add3A_1544 = arith.addi %add3A_1543, %add3A_1536 : vector<16xi32>
    %sub3A_1545 = arith.subi %add3A_1544, %get3A_1469 : vector<16xi32>
    %add3A_1546 = arith.addi %gather3A_32, %add3A_1542 : vector<16xi32>
    %sub3A_1547 = arith.subi %add3A_1546, %sub3A_1545 : vector<16xi32>
    %select_n3A_1548 = arith.select %gt3A_1472, %sub3A_1545, %sub3A_1547 : vector<16xi1>, vector<16xi32>
    %jit3A_1549 = arith.constant -1 : i32
    %broadcast_in_dim3A_1550 = vector.broadcast %jit3A_1549 : i32 to vector<16xi32>
    %select_n3A_1551 = arith.select %gt3A_1472, %add3A_1542, %broadcast_in_dim3A_1550 : vector<16xi1>, vector<16xi32>
    %swap3A_1552 = arith.constant 1 : i32
    %swap3A_1553 = arith.index_cast %swap3A_1552 : i32 to index
    %swap3A_1554 = arith.constant 112 : index
    %swap3A_1555 = tpu.vector_load %arg7[%swap3A_1553, %swap3A_1554] {strides = array<i32>} : memref<4x128xi32, #tpu.memory_space<vmem>>, vector<16xi32>,
    tpu.vector_store %arg7[%swap3A_1553, %swap3A_1554], %select_n3A_1548 {strides = array<i32>} : memref<4x128xi32, #tpu.memory_space<vmem>>, vector<16xi32>,
    %swap3A_1556 = arith.constant 1 : i32
    %swap3A_1557 = arith.index_cast %swap3A_1556 : i32 to index
    %swap3A_1558 = arith.constant 112 : index
    %swap3A_1559 = tpu.vector_load %arg8[%swap3A_1557, %swap3A_1558] {strides = array<i32>} : memref<4x128xi32, #tpu.memory_space<vmem>>, vector<16xi32>,
    tpu.vector_store %arg8[%swap3A_1557, %swap3A_1558], %select_n3A_1551 {strides = array<i32>} : memref<4x128xi32, #tpu.memory_space<vmem>>, vector<16xi32>,
    %broadcast_in_dim3A_1560 = vector.shape_cast %add3A_3 : vector<16xi32> to vector<16x1xi32>
    %gather3A_1561 = vector.shape_cast %broadcast_in_dim3A_1560 : vector<16x1xi32> to vector<16xi32>
    %gather3A_1562 = tpu.dynamic_gather %add3A_1536[%gather3A_1561] in [0] : vector<16xi32>, vector<16xi32> -> vector<16xi32>
    %add3A_1563 = arith.addi %add3A_1467, %gather3A_1562 : vector<16xi32>
    %get3A_1564 = arith.constant 256 : index
    %get3A_1565 = tpu.vector_load %arg5[%get3A_1564] {strides = array<i32>} : memref<512xi32, #tpu.memory_space<vmem>>, vector<16xi32>,
    %gt3A_1566 = arith.constant 0 : i32
    %gt3A_1567 = vector.broadcast %gt3A_1566 : i32 to vector<16xi32>
    %gt3A_1568 = arith.cmpi sgt, %get3A_1565, %gt3A_1567 : vector<16xi32>
    %sub3A_1569 = arith.constant 1 : i32
    %sub3A_1570 = vector.broadcast %sub3A_1569 : i32 to vector<16xi32>
    %sub3A_1571 = arith.subi %iota3A, %sub3A_1570 : vector<16xi32>
    %max3A_1572 = arith.constant 0 : i32
    %max3A_1573 = vector.broadcast %max3A_1572 : i32 to vector<16xi32>
    %max3A_1574 = arith.maxsi %sub3A_1571, %max3A_1573 : vector<16xi32>
    %broadcast_in_dim3A_1575 = vector.shape_cast %max3A_1574 : vector<16xi32> to vector<16x1xi32>
    %gather3A_1576 = vector.shape_cast %broadcast_in_dim3A_1575 : vector<16x1xi32> to vector<16xi32>
    %gather3A_1577 = tpu.dynamic_gather %get3A_1565[%gather3A_1576] in [0] : vector<16xi32>, vector<16xi32> -> vector<16xi32>
    %ge3A_1578 = arith.constant 1 : i32
    %ge3A_1579 = vector.broadcast %ge3A_1578 : i32 to vector<16xi32>
    %ge3A_1580 = arith.cmpi sge, %iota3A, %ge3A_1579 : vector<16xi32>
    %jit3A_1581 = arith.constant 0 : i32
    %broadcast_in_dim3A_1582 = vector.broadcast %jit3A_1581 : i32 to vector<16xi32>
    %select_n3A_1583 = arith.select %ge3A_1580, %gather3A_1577, %broadcast_in_dim3A_1582 : vector<16xi1>, vector<16xi32>
    %add3A_1584 = arith.addi %get3A_1565, %select_n3A_1583 : vector<16xi32>
    %sub3A_1585 = arith.constant 2 : i32
    %sub3A_1586 = vector.broadcast %sub3A_1585 : i32 to vector<16xi32>
    %sub3A_1587 = arith.subi %iota3A, %sub3A_1586 : vector<16xi32>
    %max3A_1588 = arith.constant 0 : i32
    %max3A_1589 = vector.broadcast %max3A_1588 : i32 to vector<16xi32>
    %max3A_1590 = arith.maxsi %sub3A_1587, %max3A_1589 : vector<16xi32>
    %broadcast_in_dim3A_1591 = vector.shape_cast %max3A_1590 : vector<16xi32> to vector<16x1xi32>
    %gather3A_1592 = vector.shape_cast %broadcast_in_dim3A_1591 : vector<16x1xi32> to vector<16xi32>
    %gather3A_1593 = tpu.dynamic_gather %add3A_1584[%gather3A_1592] in [0] : vector<16xi32>, vector<16xi32> -> vector<16xi32>
    %ge3A_1594 = arith.constant 2 : i32
    %ge3A_1595 = vector.broadcast %ge3A_1594 : i32 to vector<16xi32>
    %ge3A_1596 = arith.cmpi sge, %iota3A, %ge3A_1595 : vector<16xi32>
    %jit3A_1597 = arith.constant 0 : i32
    %broadcast_in_dim3A_1598 = vector.broadcast %jit3A_1597 : i32 to vector<16xi32>
    %select_n3A_1599 = arith.select %ge3A_1596, %gather3A_1593, %broadcast_in_dim3A_1598 : vector<16xi1>, vector<16xi32>
    %add3A_1600 = arith.addi %add3A_1584, %select_n3A_1599 : vector<16xi32>
    %sub3A_1601 = arith.constant 4 : i32
    %sub3A_1602 = vector.broadcast %sub3A_1601 : i32 to vector<16xi32>
    %sub3A_1603 = arith.subi %iota3A, %sub3A_1602 : vector<16xi32>
    %max3A_1604 = arith.constant 0 : i32
    %max3A_1605 = vector.broadcast %max3A_1604 : i32 to vector<16xi32>
    %max3A_1606 = arith.maxsi %sub3A_1603, %max3A_1605 : vector<16xi32>
    %broadcast_in_dim3A_1607 = vector.shape_cast %max3A_1606 : vector<16xi32> to vector<16x1xi32>
    %gather3A_1608 = vector.shape_cast %broadcast_in_dim3A_1607 : vector<16x1xi32> to vector<16xi32>
    %gather3A_1609 = tpu.dynamic_gather %add3A_1600[%gather3A_1608] in [0] : vector<16xi32>, vector<16xi32> -> vector<16xi32>
    %ge3A_1610 = arith.constant 4 : i32
    %ge3A_1611 = vector.broadcast %ge3A_1610 : i32 to vector<16xi32>
    %ge3A_1612 = arith.cmpi sge, %iota3A, %ge3A_1611 : vector<16xi32>
    %jit3A_1613 = arith.constant 0 : i32
    %broadcast_in_dim3A_1614 = vector.broadcast %jit3A_1613 : i32 to vector<16xi32>
    %select_n3A_1615 = arith.select %ge3A_1612, %gather3A_1609, %broadcast_in_dim3A_1614 : vector<16xi1>, vector<16xi32>
    %add3A_1616 = arith.addi %add3A_1600, %select_n3A_1615 : vector<16xi32>
    %sub3A_1617 = arith.constant 8 : i32
    %sub3A_1618 = vector.broadcast %sub3A_1617 : i32 to vector<16xi32>
    %sub3A_1619 = arith.subi %iota3A, %sub3A_1618 : vector<16xi32>
    %max3A_1620 = arith.constant 0 : i32
    %max3A_1621 = vector.broadcast %max3A_1620 : i32 to vector<16xi32>
    %max3A_1622 = arith.maxsi %sub3A_1619, %max3A_1621 : vector<16xi32>
    %broadcast_in_dim3A_1623 = vector.shape_cast %max3A_1622 : vector<16xi32> to vector<16x1xi32>
    %gather3A_1624 = vector.shape_cast %broadcast_in_dim3A_1623 : vector<16x1xi32> to vector<16xi32>
    %gather3A_1625 = tpu.dynamic_gather %add3A_1616[%gather3A_1624] in [0] : vector<16xi32>, vector<16xi32> -> vector<16xi32>
    %ge3A_1626 = arith.constant 8 : i32
    %ge3A_1627 = vector.broadcast %ge3A_1626 : i32 to vector<16xi32>
    %ge3A_1628 = arith.cmpi sge, %iota3A, %ge3A_1627 : vector<16xi32>
    %jit3A_1629 = arith.constant 0 : i32
    %broadcast_in_dim3A_1630 = vector.broadcast %jit3A_1629 : i32 to vector<16xi32>
    %select_n3A_1631 = arith.select %ge3A_1628, %gather3A_1625, %broadcast_in_dim3A_1630 : vector<16xi1>, vector<16xi32>
    %add3A_1632 = arith.addi %add3A_1616, %select_n3A_1631 : vector<16xi32>
    %mul3A_1633 = arith.constant 512 : i32
    %mul3A_1634 = arith.muli %arg1, %mul3A_1633 : i32
    %add3A_1635 = arith.constant 256 : i32
    %add3A_1636 = arith.addi %mul3A_1634, %add3A_1635 : i32
    %add3A_1637 = vector.broadcast %add3A_1636 : i32 to vector<16xi32>
    %add3A_1638 = arith.addi %add3A_1637, %iota3A : vector<16xi32>
    %add3A_1639 = arith.addi %gather3A_24, %add3A_1563 : vector<16xi32>
    %add3A_1640 = arith.addi %add3A_1639, %add3A_1632 : vector<16xi32>
    %sub3A_1641 = arith.subi %add3A_1640, %get3A_1565 : vector<16xi32>
    %add3A_1642 = arith.addi %gather3A_32, %add3A_1638 : vector<16xi32>
    %sub3A_1643 = arith.subi %add3A_1642, %sub3A_1641 : vector<16xi32>
    %select_n3A_1644 = arith.select %gt3A_1568, %sub3A_1641, %sub3A_1643 : vector<16xi1>, vector<16xi32>
    %jit3A_1645 = arith.constant -1 : i32
    %broadcast_in_dim3A_1646 = vector.broadcast %jit3A_1645 : i32 to vector<16xi32>
    %select_n3A_1647 = arith.select %gt3A_1568, %add3A_1638, %broadcast_in_dim3A_1646 : vector<16xi1>, vector<16xi32>
    %swap3A_1648 = arith.constant 2 : i32
    %swap3A_1649 = arith.index_cast %swap3A_1648 : i32 to index
    %swap3A_1650 = arith.constant 0 : index
    %swap3A_1651 = tpu.vector_load %arg7[%swap3A_1649, %swap3A_1650] {strides = array<i32>} : memref<4x128xi32, #tpu.memory_space<vmem>>, vector<16xi32>,
    tpu.vector_store %arg7[%swap3A_1649, %swap3A_1650], %select_n3A_1644 {strides = array<i32>} : memref<4x128xi32, #tpu.memory_space<vmem>>, vector<16xi32>,
    %swap3A_1652 = arith.constant 2 : i32
    %swap3A_1653 = arith.index_cast %swap3A_1652 : i32 to index
    %swap3A_1654 = arith.constant 0 : index
    %swap3A_1655 = tpu.vector_load %arg8[%swap3A_1653, %swap3A_1654] {strides = array<i32>} : memref<4x128xi32, #tpu.memory_space<vmem>>, vector<16xi32>,
    tpu.vector_store %arg8[%swap3A_1653, %swap3A_1654], %select_n3A_1647 {strides = array<i32>} : memref<4x128xi32, #tpu.memory_space<vmem>>, vector<16xi32>,
    %broadcast_in_dim3A_1656 = vector.shape_cast %add3A_3 : vector<16xi32> to vector<16x1xi32>
    %gather3A_1657 = vector.shape_cast %broadcast_in_dim3A_1656 : vector<16x1xi32> to vector<16xi32>
    %gather3A_1658 = tpu.dynamic_gather %add3A_1632[%gather3A_1657] in [0] : vector<16xi32>, vector<16xi32> -> vector<16xi32>
    %add3A_1659 = arith.addi %add3A_1563, %gather3A_1658 : vector<16xi32>
    %get3A_1660 = arith.constant 272 : index
    %get3A_1661 = tpu.vector_load %arg5[%get3A_1660] {strides = array<i32>} : memref<512xi32, #tpu.memory_space<vmem>>, vector<16xi32>,
    %gt3A_1662 = arith.constant 0 : i32
    %gt3A_1663 = vector.broadcast %gt3A_1662 : i32 to vector<16xi32>
    %gt3A_1664 = arith.cmpi sgt, %get3A_1661, %gt3A_1663 : vector<16xi32>
    %sub3A_1665 = arith.constant 1 : i32
    %sub3A_1666 = vector.broadcast %sub3A_1665 : i32 to vector<16xi32>
    %sub3A_1667 = arith.subi %iota3A, %sub3A_1666 : vector<16xi32>
    %max3A_1668 = arith.constant 0 : i32
    %max3A_1669 = vector.broadcast %max3A_1668 : i32 to vector<16xi32>
    %max3A_1670 = arith.maxsi %sub3A_1667, %max3A_1669 : vector<16xi32>
    %broadcast_in_dim3A_1671 = vector.shape_cast %max3A_1670 : vector<16xi32> to vector<16x1xi32>
    %gather3A_1672 = vector.shape_cast %broadcast_in_dim3A_1671 : vector<16x1xi32> to vector<16xi32>
    %gather3A_1673 = tpu.dynamic_gather %get3A_1661[%gather3A_1672] in [0] : vector<16xi32>, vector<16xi32> -> vector<16xi32>
    %ge3A_1674 = arith.constant 1 : i32
    %ge3A_1675 = vector.broadcast %ge3A_1674 : i32 to vector<16xi32>
    %ge3A_1676 = arith.cmpi sge, %iota3A, %ge3A_1675 : vector<16xi32>
    %jit3A_1677 = arith.constant 0 : i32
    %broadcast_in_dim3A_1678 = vector.broadcast %jit3A_1677 : i32 to vector<16xi32>
    %select_n3A_1679 = arith.select %ge3A_1676, %gather3A_1673, %broadcast_in_dim3A_1678 : vector<16xi1>, vector<16xi32>
    %add3A_1680 = arith.addi %get3A_1661, %select_n3A_1679 : vector<16xi32>
    %sub3A_1681 = arith.constant 2 : i32
    %sub3A_1682 = vector.broadcast %sub3A_1681 : i32 to vector<16xi32>
    %sub3A_1683 = arith.subi %iota3A, %sub3A_1682 : vector<16xi32>
    %max3A_1684 = arith.constant 0 : i32
    %max3A_1685 = vector.broadcast %max3A_1684 : i32 to vector<16xi32>
    %max3A_1686 = arith.maxsi %sub3A_1683, %max3A_1685 : vector<16xi32>
    %broadcast_in_dim3A_1687 = vector.shape_cast %max3A_1686 : vector<16xi32> to vector<16x1xi32>
    %gather3A_1688 = vector.shape_cast %broadcast_in_dim3A_1687 : vector<16x1xi32> to vector<16xi32>
    %gather3A_1689 = tpu.dynamic_gather %add3A_1680[%gather3A_1688] in [0] : vector<16xi32>, vector<16xi32> -> vector<16xi32>
    %ge3A_1690 = arith.constant 2 : i32
    %ge3A_1691 = vector.broadcast %ge3A_1690 : i32 to vector<16xi32>
    %ge3A_1692 = arith.cmpi sge, %iota3A, %ge3A_1691 : vector<16xi32>
    %jit3A_1693 = arith.constant 0 : i32
    %broadcast_in_dim3A_1694 = vector.broadcast %jit3A_1693 : i32 to vector<16xi32>
    %select_n3A_1695 = arith.select %ge3A_1692, %gather3A_1689, %broadcast_in_dim3A_1694 : vector<16xi1>, vector<16xi32>
    %add3A_1696 = arith.addi %add3A_1680, %select_n3A_1695 : vector<16xi32>
    %sub3A_1697 = arith.constant 4 : i32
    %sub3A_1698 = vector.broadcast %sub3A_1697 : i32 to vector<16xi32>
    %sub3A_1699 = arith.subi %iota3A, %sub3A_1698 : vector<16xi32>
    %max3A_1700 = arith.constant 0 : i32
    %max3A_1701 = vector.broadcast %max3A_1700 : i32 to vector<16xi32>
    %max3A_1702 = arith.maxsi %sub3A_1699, %max3A_1701 : vector<16xi32>
    %broadcast_in_dim3A_1703 = vector.shape_cast %max3A_1702 : vector<16xi32> to vector<16x1xi32>
    %gather3A_1704 = vector.shape_cast %broadcast_in_dim3A_1703 : vector<16x1xi32> to vector<16xi32>
    %gather3A_1705 = tpu.dynamic_gather %add3A_1696[%gather3A_1704] in [0] : vector<16xi32>, vector<16xi32> -> vector<16xi32>
    %ge3A_1706 = arith.constant 4 : i32
    %ge3A_1707 = vector.broadcast %ge3A_1706 : i32 to vector<16xi32>
    %ge3A_1708 = arith.cmpi sge, %iota3A, %ge3A_1707 : vector<16xi32>
    %jit3A_1709 = arith.constant 0 : i32
    %broadcast_in_dim3A_1710 = vector.broadcast %jit3A_1709 : i32 to vector<16xi32>
    %select_n3A_1711 = arith.select %ge3A_1708, %gather3A_1705, %broadcast_in_dim3A_1710 : vector<16xi1>, vector<16xi32>
    %add3A_1712 = arith.addi %add3A_1696, %select_n3A_1711 : vector<16xi32>
    %sub3A_1713 = arith.constant 8 : i32
    %sub3A_1714 = vector.broadcast %sub3A_1713 : i32 to vector<16xi32>
    %sub3A_1715 = arith.subi %iota3A, %sub3A_1714 : vector<16xi32>
    %max3A_1716 = arith.constant 0 : i32
    %max3A_1717 = vector.broadcast %max3A_1716 : i32 to vector<16xi32>
    %max3A_1718 = arith.maxsi %sub3A_1715, %max3A_1717 : vector<16xi32>
    %broadcast_in_dim3A_1719 = vector.shape_cast %max3A_1718 : vector<16xi32> to vector<16x1xi32>
    %gather3A_1720 = vector.shape_cast %broadcast_in_dim3A_1719 : vector<16x1xi32> to vector<16xi32>
    %gather3A_1721 = tpu.dynamic_gather %add3A_1712[%gather3A_1720] in [0] : vector<16xi32>, vector<16xi32> -> vector<16xi32>
    %ge3A_1722 = arith.constant 8 : i32
    %ge3A_1723 = vector.broadcast %ge3A_1722 : i32 to vector<16xi32>
    %ge3A_1724 = arith.cmpi sge, %iota3A, %ge3A_1723 : vector<16xi32>
    %jit3A_1725 = arith.constant 0 : i32
    %broadcast_in_dim3A_1726 = vector.broadcast %jit3A_1725 : i32 to vector<16xi32>
    %select_n3A_1727 = arith.select %ge3A_1724, %gather3A_1721, %broadcast_in_dim3A_1726 : vector<16xi1>, vector<16xi32>
    %add3A_1728 = arith.addi %add3A_1712, %select_n3A_1727 : vector<16xi32>
    %mul3A_1729 = arith.constant 512 : i32
    %mul3A_1730 = arith.muli %arg1, %mul3A_1729 : i32
    %add3A_1731 = arith.constant 272 : i32
    %add3A_1732 = arith.addi %mul3A_1730, %add3A_1731 : i32
    %add3A_1733 = vector.broadcast %add3A_1732 : i32 to vector<16xi32>
    %add3A_1734 = arith.addi %add3A_1733, %iota3A : vector<16xi32>
    %add3A_1735 = arith.addi %gather3A_24, %add3A_1659 : vector<16xi32>
    %add3A_1736 = arith.addi %add3A_1735, %add3A_1728 : vector<16xi32>
    %sub3A_1737 = arith.subi %add3A_1736, %get3A_1661 : vector<16xi32>
    %add3A_1738 = arith.addi %gather3A_32, %add3A_1734 : vector<16xi32>
    %sub3A_1739 = arith.subi %add3A_1738, %sub3A_1737 : vector<16xi32>
    %select_n3A_1740 = arith.select %gt3A_1664, %sub3A_1737, %sub3A_1739 : vector<16xi1>, vector<16xi32>
    %jit3A_1741 = arith.constant -1 : i32
    %broadcast_in_dim3A_1742 = vector.broadcast %jit3A_1741 : i32 to vector<16xi32>
    %select_n3A_1743 = arith.select %gt3A_1664, %add3A_1734, %broadcast_in_dim3A_1742 : vector<16xi1>, vector<16xi32>
    %swap3A_1744 = arith.constant 2 : i32
    %swap3A_1745 = arith.index_cast %swap3A_1744 : i32 to index
    %swap3A_1746 = arith.constant 16 : index
    %swap3A_1747 = tpu.vector_load %arg7[%swap3A_1745, %swap3A_1746] {strides = array<i32>} : memref<4x128xi32, #tpu.memory_space<vmem>>, vector<16xi32>,
    tpu.vector_store %arg7[%swap3A_1745, %swap3A_1746], %select_n3A_1740 {strides = array<i32>} : memref<4x128xi32, #tpu.memory_space<vmem>>, vector<16xi32>,
    %swap3A_1748 = arith.constant 2 : i32
    %swap3A_1749 = arith.index_cast %swap3A_1748 : i32 to index
    %swap3A_1750 = arith.constant 16 : index
    %swap3A_1751 = tpu.vector_load %arg8[%swap3A_1749, %swap3A_1750] {strides = array<i32>} : memref<4x128xi32, #tpu.memory_space<vmem>>, vector<16xi32>,
    tpu.vector_store %arg8[%swap3A_1749, %swap3A_1750], %select_n3A_1743 {strides = array<i32>} : memref<4x128xi32, #tpu.memory_space<vmem>>, vector<16xi32>,
    %broadcast_in_dim3A_1752 = vector.shape_cast %add3A_3 : vector<16xi32> to vector<16x1xi32>
    %gather3A_1753 = vector.shape_cast %broadcast_in_dim3A_1752 : vector<16x1xi32> to vector<16xi32>
    %gather3A_1754 = tpu.dynamic_gather %add3A_1728[%gather3A_1753] in [0] : vector<16xi32>, vector<16xi32> -> vector<16xi32>
    %add3A_1755 = arith.addi %add3A_1659, %gather3A_1754 : vector<16xi32>
    %get3A_1756 = arith.constant 288 : index
    %get3A_1757 = tpu.vector_load %arg5[%get3A_1756] {strides = array<i32>} : memref<512xi32, #tpu.memory_space<vmem>>, vector<16xi32>,
    %gt3A_1758 = arith.constant 0 : i32
    %gt3A_1759 = vector.broadcast %gt3A_1758 : i32 to vector<16xi32>
    %gt3A_1760 = arith.cmpi sgt, %get3A_1757, %gt3A_1759 : vector<16xi32>
    %sub3A_1761 = arith.constant 1 : i32
    %sub3A_1762 = vector.broadcast %sub3A_1761 : i32 to vector<16xi32>
    %sub3A_1763 = arith.subi %iota3A, %sub3A_1762 : vector<16xi32>
    %max3A_1764 = arith.constant 0 : i32
    %max3A_1765 = vector.broadcast %max3A_1764 : i32 to vector<16xi32>
    %max3A_1766 = arith.maxsi %sub3A_1763, %max3A_1765 : vector<16xi32>
    %broadcast_in_dim3A_1767 = vector.shape_cast %max3A_1766 : vector<16xi32> to vector<16x1xi32>
    %gather3A_1768 = vector.shape_cast %broadcast_in_dim3A_1767 : vector<16x1xi32> to vector<16xi32>
    %gather3A_1769 = tpu.dynamic_gather %get3A_1757[%gather3A_1768] in [0] : vector<16xi32>, vector<16xi32> -> vector<16xi32>
    %ge3A_1770 = arith.constant 1 : i32
    %ge3A_1771 = vector.broadcast %ge3A_1770 : i32 to vector<16xi32>
    %ge3A_1772 = arith.cmpi sge, %iota3A, %ge3A_1771 : vector<16xi32>
    %jit3A_1773 = arith.constant 0 : i32
    %broadcast_in_dim3A_1774 = vector.broadcast %jit3A_1773 : i32 to vector<16xi32>
    %select_n3A_1775 = arith.select %ge3A_1772, %gather3A_1769, %broadcast_in_dim3A_1774 : vector<16xi1>, vector<16xi32>
    %add3A_1776 = arith.addi %get3A_1757, %select_n3A_1775 : vector<16xi32>
    %sub3A_1777 = arith.constant 2 : i32
    %sub3A_1778 = vector.broadcast %sub3A_1777 : i32 to vector<16xi32>
    %sub3A_1779 = arith.subi %iota3A, %sub3A_1778 : vector<16xi32>
    %max3A_1780 = arith.constant 0 : i32
    %max3A_1781 = vector.broadcast %max3A_1780 : i32 to vector<16xi32>
    %max3A_1782 = arith.maxsi %sub3A_1779, %max3A_1781 : vector<16xi32>
    %broadcast_in_dim3A_1783 = vector.shape_cast %max3A_1782 : vector<16xi32> to vector<16x1xi32>
    %gather3A_1784 = vector.shape_cast %broadcast_in_dim3A_1783 : vector<16x1xi32> to vector<16xi32>
    %gather3A_1785 = tpu.dynamic_gather %add3A_1776[%gather3A_1784] in [0] : vector<16xi32>, vector<16xi32> -> vector<16xi32>
    %ge3A_1786 = arith.constant 2 : i32
    %ge3A_1787 = vector.broadcast %ge3A_1786 : i32 to vector<16xi32>
    %ge3A_1788 = arith.cmpi sge, %iota3A, %ge3A_1787 : vector<16xi32>
    %jit3A_1789 = arith.constant 0 : i32
    %broadcast_in_dim3A_1790 = vector.broadcast %jit3A_1789 : i32 to vector<16xi32>
    %select_n3A_1791 = arith.select %ge3A_1788, %gather3A_1785, %broadcast_in_dim3A_1790 : vector<16xi1>, vector<16xi32>
    %add3A_1792 = arith.addi %add3A_1776, %select_n3A_1791 : vector<16xi32>
    %sub3A_1793 = arith.constant 4 : i32
    %sub3A_1794 = vector.broadcast %sub3A_1793 : i32 to vector<16xi32>
    %sub3A_1795 = arith.subi %iota3A, %sub3A_1794 : vector<16xi32>
    %max3A_1796 = arith.constant 0 : i32
    %max3A_1797 = vector.broadcast %max3A_1796 : i32 to vector<16xi32>
    %max3A_1798 = arith.maxsi %sub3A_1795, %max3A_1797 : vector<16xi32>
    %broadcast_in_dim3A_1799 = vector.shape_cast %max3A_1798 : vector<16xi32> to vector<16x1xi32>
    %gather3A_1800 = vector.shape_cast %broadcast_in_dim3A_1799 : vector<16x1xi32> to vector<16xi32>
    %gather3A_1801 = tpu.dynamic_gather %add3A_1792[%gather3A_1800] in [0] : vector<16xi32>, vector<16xi32> -> vector<16xi32>
    %ge3A_1802 = arith.constant 4 : i32
    %ge3A_1803 = vector.broadcast %ge3A_1802 : i32 to vector<16xi32>
    %ge3A_1804 = arith.cmpi sge, %iota3A, %ge3A_1803 : vector<16xi32>
    %jit3A_1805 = arith.constant 0 : i32
    %broadcast_in_dim3A_1806 = vector.broadcast %jit3A_1805 : i32 to vector<16xi32>
    %select_n3A_1807 = arith.select %ge3A_1804, %gather3A_1801, %broadcast_in_dim3A_1806 : vector<16xi1>, vector<16xi32>
    %add3A_1808 = arith.addi %add3A_1792, %select_n3A_1807 : vector<16xi32>
    %sub3A_1809 = arith.constant 8 : i32
    %sub3A_1810 = vector.broadcast %sub3A_1809 : i32 to vector<16xi32>
    %sub3A_1811 = arith.subi %iota3A, %sub3A_1810 : vector<16xi32>
    %max3A_1812 = arith.constant 0 : i32
    %max3A_1813 = vector.broadcast %max3A_1812 : i32 to vector<16xi32>
    %max3A_1814 = arith.maxsi %sub3A_1811, %max3A_1813 : vector<16xi32>
    %broadcast_in_dim3A_1815 = vector.shape_cast %max3A_1814 : vector<16xi32> to vector<16x1xi32>
    %gather3A_1816 = vector.shape_cast %broadcast_in_dim3A_1815 : vector<16x1xi32> to vector<16xi32>
    %gather3A_1817 = tpu.dynamic_gather %add3A_1808[%gather3A_1816] in [0] : vector<16xi32>, vector<16xi32> -> vector<16xi32>
    %ge3A_1818 = arith.constant 8 : i32
    %ge3A_1819 = vector.broadcast %ge3A_1818 : i32 to vector<16xi32>
    %ge3A_1820 = arith.cmpi sge, %iota3A, %ge3A_1819 : vector<16xi32>
    %jit3A_1821 = arith.constant 0 : i32
    %broadcast_in_dim3A_1822 = vector.broadcast %jit3A_1821 : i32 to vector<16xi32>
    %select_n3A_1823 = arith.select %ge3A_1820, %gather3A_1817, %broadcast_in_dim3A_1822 : vector<16xi1>, vector<16xi32>
    %add3A_1824 = arith.addi %add3A_1808, %select_n3A_1823 : vector<16xi32>
    %mul3A_1825 = arith.constant 512 : i32
    %mul3A_1826 = arith.muli %arg1, %mul3A_1825 : i32
    %add3A_1827 = arith.constant 288 : i32
    %add3A_1828 = arith.addi %mul3A_1826, %add3A_1827 : i32
    %add3A_1829 = vector.broadcast %add3A_1828 : i32 to vector<16xi32>
    %add3A_1830 = arith.addi %add3A_1829, %iota3A : vector<16xi32>
    %add3A_1831 = arith.addi %gather3A_24, %add3A_1755 : vector<16xi32>
    %add3A_1832 = arith.addi %add3A_1831, %add3A_1824 : vector<16xi32>
    %sub3A_1833 = arith.subi %add3A_1832, %get3A_1757 : vector<16xi32>
    %add3A_1834 = arith.addi %gather3A_32, %add3A_1830 : vector<16xi32>
    %sub3A_1835 = arith.subi %add3A_1834, %sub3A_1833 : vector<16xi32>
    %select_n3A_1836 = arith.select %gt3A_1760, %sub3A_1833, %sub3A_1835 : vector<16xi1>, vector<16xi32>
    %jit3A_1837 = arith.constant -1 : i32
    %broadcast_in_dim3A_1838 = vector.broadcast %jit3A_1837 : i32 to vector<16xi32>
    %select_n3A_1839 = arith.select %gt3A_1760, %add3A_1830, %broadcast_in_dim3A_1838 : vector<16xi1>, vector<16xi32>
    %swap3A_1840 = arith.constant 2 : i32
    %swap3A_1841 = arith.index_cast %swap3A_1840 : i32 to index
    %swap3A_1842 = arith.constant 32 : index
    %swap3A_1843 = tpu.vector_load %arg7[%swap3A_1841, %swap3A_1842] {strides = array<i32>} : memref<4x128xi32, #tpu.memory_space<vmem>>, vector<16xi32>,
    tpu.vector_store %arg7[%swap3A_1841, %swap3A_1842], %select_n3A_1836 {strides = array<i32>} : memref<4x128xi32, #tpu.memory_space<vmem>>, vector<16xi32>,
    %swap3A_1844 = arith.constant 2 : i32
    %swap3A_1845 = arith.index_cast %swap3A_1844 : i32 to index
    %swap3A_1846 = arith.constant 32 : index
    %swap3A_1847 = tpu.vector_load %arg8[%swap3A_1845, %swap3A_1846] {strides = array<i32>} : memref<4x128xi32, #tpu.memory_space<vmem>>, vector<16xi32>,
    tpu.vector_store %arg8[%swap3A_1845, %swap3A_1846], %select_n3A_1839 {strides = array<i32>} : memref<4x128xi32, #tpu.memory_space<vmem>>, vector<16xi32>,
    %broadcast_in_dim3A_1848 = vector.shape_cast %add3A_3 : vector<16xi32> to vector<16x1xi32>
    %gather3A_1849 = vector.shape_cast %broadcast_in_dim3A_1848 : vector<16x1xi32> to vector<16xi32>
    %gather3A_1850 = tpu.dynamic_gather %add3A_1824[%gather3A_1849] in [0] : vector<16xi32>, vector<16xi32> -> vector<16xi32>
    %add3A_1851 = arith.addi %add3A_1755, %gather3A_1850 : vector<16xi32>
    %get3A_1852 = arith.constant 304 : index
    %get3A_1853 = tpu.vector_load %arg5[%get3A_1852] {strides = array<i32>} : memref<512xi32, #tpu.memory_space<vmem>>, vector<16xi32>,
    %gt3A_1854 = arith.constant 0 : i32
    %gt3A_1855 = vector.broadcast %gt3A_1854 : i32 to vector<16xi32>
    %gt3A_1856 = arith.cmpi sgt, %get3A_1853, %gt3A_1855 : vector<16xi32>
    %sub3A_1857 = arith.constant 1 : i32
    %sub3A_1858 = vector.broadcast %sub3A_1857 : i32 to vector<16xi32>
    %sub3A_1859 = arith.subi %iota3A, %sub3A_1858 : vector<16xi32>
    %max3A_1860 = arith.constant 0 : i32
    %max3A_1861 = vector.broadcast %max3A_1860 : i32 to vector<16xi32>
    %max3A_1862 = arith.maxsi %sub3A_1859, %max3A_1861 : vector<16xi32>
    %broadcast_in_dim3A_1863 = vector.shape_cast %max3A_1862 : vector<16xi32> to vector<16x1xi32>
    %gather3A_1864 = vector.shape_cast %broadcast_in_dim3A_1863 : vector<16x1xi32> to vector<16xi32>
    %gather3A_1865 = tpu.dynamic_gather %get3A_1853[%gather3A_1864] in [0] : vector<16xi32>, vector<16xi32> -> vector<16xi32>
    %ge3A_1866 = arith.constant 1 : i32
    %ge3A_1867 = vector.broadcast %ge3A_1866 : i32 to vector<16xi32>
    %ge3A_1868 = arith.cmpi sge, %iota3A, %ge3A_1867 : vector<16xi32>
    %jit3A_1869 = arith.constant 0 : i32
    %broadcast_in_dim3A_1870 = vector.broadcast %jit3A_1869 : i32 to vector<16xi32>
    %select_n3A_1871 = arith.select %ge3A_1868, %gather3A_1865, %broadcast_in_dim3A_1870 : vector<16xi1>, vector<16xi32>
    %add3A_1872 = arith.addi %get3A_1853, %select_n3A_1871 : vector<16xi32>
    %sub3A_1873 = arith.constant 2 : i32
    %sub3A_1874 = vector.broadcast %sub3A_1873 : i32 to vector<16xi32>
    %sub3A_1875 = arith.subi %iota3A, %sub3A_1874 : vector<16xi32>
    %max3A_1876 = arith.constant 0 : i32
    %max3A_1877 = vector.broadcast %max3A_1876 : i32 to vector<16xi32>
    %max3A_1878 = arith.maxsi %sub3A_1875, %max3A_1877 : vector<16xi32>
    %broadcast_in_dim3A_1879 = vector.shape_cast %max3A_1878 : vector<16xi32> to vector<16x1xi32>
    %gather3A_1880 = vector.shape_cast %broadcast_in_dim3A_1879 : vector<16x1xi32> to vector<16xi32>
    %gather3A_1881 = tpu.dynamic_gather %add3A_1872[%gather3A_1880] in [0] : vector<16xi32>, vector<16xi32> -> vector<16xi32>
    %ge3A_1882 = arith.constant 2 : i32
    %ge3A_1883 = vector.broadcast %ge3A_1882 : i32 to vector<16xi32>
    %ge3A_1884 = arith.cmpi sge, %iota3A, %ge3A_1883 : vector<16xi32>
    %jit3A_1885 = arith.constant 0 : i32
    %broadcast_in_dim3A_1886 = vector.broadcast %jit3A_1885 : i32 to vector<16xi32>
    %select_n3A_1887 = arith.select %ge3A_1884, %gather3A_1881, %broadcast_in_dim3A_1886 : vector<16xi1>, vector<16xi32>
    %add3A_1888 = arith.addi %add3A_1872, %select_n3A_1887 : vector<16xi32>
    %sub3A_1889 = arith.constant 4 : i32
    %sub3A_1890 = vector.broadcast %sub3A_1889 : i32 to vector<16xi32>
    %sub3A_1891 = arith.subi %iota3A, %sub3A_1890 : vector<16xi32>
    %max3A_1892 = arith.constant 0 : i32
    %max3A_1893 = vector.broadcast %max3A_1892 : i32 to vector<16xi32>
    %max3A_1894 = arith.maxsi %sub3A_1891, %max3A_1893 : vector<16xi32>
    %broadcast_in_dim3A_1895 = vector.shape_cast %max3A_1894 : vector<16xi32> to vector<16x1xi32>
    %gather3A_1896 = vector.shape_cast %broadcast_in_dim3A_1895 : vector<16x1xi32> to vector<16xi32>
    %gather3A_1897 = tpu.dynamic_gather %add3A_1888[%gather3A_1896] in [0] : vector<16xi32>, vector<16xi32> -> vector<16xi32>
    %ge3A_1898 = arith.constant 4 : i32
    %ge3A_1899 = vector.broadcast %ge3A_1898 : i32 to vector<16xi32>
    %ge3A_1900 = arith.cmpi sge, %iota3A, %ge3A_1899 : vector<16xi32>
    %jit3A_1901 = arith.constant 0 : i32
    %broadcast_in_dim3A_1902 = vector.broadcast %jit3A_1901 : i32 to vector<16xi32>
    %select_n3A_1903 = arith.select %ge3A_1900, %gather3A_1897, %broadcast_in_dim3A_1902 : vector<16xi1>, vector<16xi32>
    %add3A_1904 = arith.addi %add3A_1888, %select_n3A_1903 : vector<16xi32>
    %sub3A_1905 = arith.constant 8 : i32
    %sub3A_1906 = vector.broadcast %sub3A_1905 : i32 to vector<16xi32>
    %sub3A_1907 = arith.subi %iota3A, %sub3A_1906 : vector<16xi32>
    %max3A_1908 = arith.constant 0 : i32
    %max3A_1909 = vector.broadcast %max3A_1908 : i32 to vector<16xi32>
    %max3A_1910 = arith.maxsi %sub3A_1907, %max3A_1909 : vector<16xi32>
    %broadcast_in_dim3A_1911 = vector.shape_cast %max3A_1910 : vector<16xi32> to vector<16x1xi32>
    %gather3A_1912 = vector.shape_cast %broadcast_in_dim3A_1911 : vector<16x1xi32> to vector<16xi32>
    %gather3A_1913 = tpu.dynamic_gather %add3A_1904[%gather3A_1912] in [0] : vector<16xi32>, vector<16xi32> -> vector<16xi32>
    %ge3A_1914 = arith.constant 8 : i32
    %ge3A_1915 = vector.broadcast %ge3A_1914 : i32 to vector<16xi32>
    %ge3A_1916 = arith.cmpi sge, %iota3A, %ge3A_1915 : vector<16xi32>
    %jit3A_1917 = arith.constant 0 : i32
    %broadcast_in_dim3A_1918 = vector.broadcast %jit3A_1917 : i32 to vector<16xi32>
    %select_n3A_1919 = arith.select %ge3A_1916, %gather3A_1913, %broadcast_in_dim3A_1918 : vector<16xi1>, vector<16xi32>
    %add3A_1920 = arith.addi %add3A_1904, %select_n3A_1919 : vector<16xi32>
    %mul3A_1921 = arith.constant 512 : i32
    %mul3A_1922 = arith.muli %arg1, %mul3A_1921 : i32
    %add3A_1923 = arith.constant 304 : i32
    %add3A_1924 = arith.addi %mul3A_1922, %add3A_1923 : i32
    %add3A_1925 = vector.broadcast %add3A_1924 : i32 to vector<16xi32>
    %add3A_1926 = arith.addi %add3A_1925, %iota3A : vector<16xi32>
    %add3A_1927 = arith.addi %gather3A_24, %add3A_1851 : vector<16xi32>
    %add3A_1928 = arith.addi %add3A_1927, %add3A_1920 : vector<16xi32>
    %sub3A_1929 = arith.subi %add3A_1928, %get3A_1853 : vector<16xi32>
    %add3A_1930 = arith.addi %gather3A_32, %add3A_1926 : vector<16xi32>
    %sub3A_1931 = arith.subi %add3A_1930, %sub3A_1929 : vector<16xi32>
    %select_n3A_1932 = arith.select %gt3A_1856, %sub3A_1929, %sub3A_1931 : vector<16xi1>, vector<16xi32>
    %jit3A_1933 = arith.constant -1 : i32
    %broadcast_in_dim3A_1934 = vector.broadcast %jit3A_1933 : i32 to vector<16xi32>
    %select_n3A_1935 = arith.select %gt3A_1856, %add3A_1926, %broadcast_in_dim3A_1934 : vector<16xi1>, vector<16xi32>
    %swap3A_1936 = arith.constant 2 : i32
    %swap3A_1937 = arith.index_cast %swap3A_1936 : i32 to index
    %swap3A_1938 = arith.constant 48 : index
    %swap3A_1939 = tpu.vector_load %arg7[%swap3A_1937, %swap3A_1938] {strides = array<i32>} : memref<4x128xi32, #tpu.memory_space<vmem>>, vector<16xi32>,
    tpu.vector_store %arg7[%swap3A_1937, %swap3A_1938], %select_n3A_1932 {strides = array<i32>} : memref<4x128xi32, #tpu.memory_space<vmem>>, vector<16xi32>,
    %swap3A_1940 = arith.constant 2 : i32
    %swap3A_1941 = arith.index_cast %swap3A_1940 : i32 to index
    %swap3A_1942 = arith.constant 48 : index
    %swap3A_1943 = tpu.vector_load %arg8[%swap3A_1941, %swap3A_1942] {strides = array<i32>} : memref<4x128xi32, #tpu.memory_space<vmem>>, vector<16xi32>,
    tpu.vector_store %arg8[%swap3A_1941, %swap3A_1942], %select_n3A_1935 {strides = array<i32>} : memref<4x128xi32, #tpu.memory_space<vmem>>, vector<16xi32>,
    %broadcast_in_dim3A_1944 = vector.shape_cast %add3A_3 : vector<16xi32> to vector<16x1xi32>
    %gather3A_1945 = vector.shape_cast %broadcast_in_dim3A_1944 : vector<16x1xi32> to vector<16xi32>
    %gather3A_1946 = tpu.dynamic_gather %add3A_1920[%gather3A_1945] in [0] : vector<16xi32>, vector<16xi32> -> vector<16xi32>
    %add3A_1947 = arith.addi %add3A_1851, %gather3A_1946 : vector<16xi32>
    %get3A_1948 = arith.constant 320 : index
    %get3A_1949 = tpu.vector_load %arg5[%get3A_1948] {strides = array<i32>} : memref<512xi32, #tpu.memory_space<vmem>>, vector<16xi32>,
    %gt3A_1950 = arith.constant 0 : i32
    %gt3A_1951 = vector.broadcast %gt3A_1950 : i32 to vector<16xi32>
    %gt3A_1952 = arith.cmpi sgt, %get3A_1949, %gt3A_1951 : vector<16xi32>
    %sub3A_1953 = arith.constant 1 : i32
    %sub3A_1954 = vector.broadcast %sub3A_1953 : i32 to vector<16xi32>
    %sub3A_1955 = arith.subi %iota3A, %sub3A_1954 : vector<16xi32>
    %max3A_1956 = arith.constant 0 : i32
    %max3A_1957 = vector.broadcast %max3A_1956 : i32 to vector<16xi32>
    %max3A_1958 = arith.maxsi %sub3A_1955, %max3A_1957 : vector<16xi32>
    %broadcast_in_dim3A_1959 = vector.shape_cast %max3A_1958 : vector<16xi32> to vector<16x1xi32>
    %gather3A_1960 = vector.shape_cast %broadcast_in_dim3A_1959 : vector<16x1xi32> to vector<16xi32>
    %gather3A_1961 = tpu.dynamic_gather %get3A_1949[%gather3A_1960] in [0] : vector<16xi32>, vector<16xi32> -> vector<16xi32>
    %ge3A_1962 = arith.constant 1 : i32
    %ge3A_1963 = vector.broadcast %ge3A_1962 : i32 to vector<16xi32>
    %ge3A_1964 = arith.cmpi sge, %iota3A, %ge3A_1963 : vector<16xi32>
    %jit3A_1965 = arith.constant 0 : i32
    %broadcast_in_dim3A_1966 = vector.broadcast %jit3A_1965 : i32 to vector<16xi32>
    %select_n3A_1967 = arith.select %ge3A_1964, %gather3A_1961, %broadcast_in_dim3A_1966 : vector<16xi1>, vector<16xi32>
    %add3A_1968 = arith.addi %get3A_1949, %select_n3A_1967 : vector<16xi32>
    %sub3A_1969 = arith.constant 2 : i32
    %sub3A_1970 = vector.broadcast %sub3A_1969 : i32 to vector<16xi32>
    %sub3A_1971 = arith.subi %iota3A, %sub3A_1970 : vector<16xi32>
    %max3A_1972 = arith.constant 0 : i32
    %max3A_1973 = vector.broadcast %max3A_1972 : i32 to vector<16xi32>
    %max3A_1974 = arith.maxsi %sub3A_1971, %max3A_1973 : vector<16xi32>
    %broadcast_in_dim3A_1975 = vector.shape_cast %max3A_1974 : vector<16xi32> to vector<16x1xi32>
    %gather3A_1976 = vector.shape_cast %broadcast_in_dim3A_1975 : vector<16x1xi32> to vector<16xi32>
    %gather3A_1977 = tpu.dynamic_gather %add3A_1968[%gather3A_1976] in [0] : vector<16xi32>, vector<16xi32> -> vector<16xi32>
    %ge3A_1978 = arith.constant 2 : i32
    %ge3A_1979 = vector.broadcast %ge3A_1978 : i32 to vector<16xi32>
    %ge3A_1980 = arith.cmpi sge, %iota3A, %ge3A_1979 : vector<16xi32>
    %jit3A_1981 = arith.constant 0 : i32
    %broadcast_in_dim3A_1982 = vector.broadcast %jit3A_1981 : i32 to vector<16xi32>
    %select_n3A_1983 = arith.select %ge3A_1980, %gather3A_1977, %broadcast_in_dim3A_1982 : vector<16xi1>, vector<16xi32>
    %add3A_1984 = arith.addi %add3A_1968, %select_n3A_1983 : vector<16xi32>
    %sub3A_1985 = arith.constant 4 : i32
    %sub3A_1986 = vector.broadcast %sub3A_1985 : i32 to vector<16xi32>
    %sub3A_1987 = arith.subi %iota3A, %sub3A_1986 : vector<16xi32>
    %max3A_1988 = arith.constant 0 : i32
    %max3A_1989 = vector.broadcast %max3A_1988 : i32 to vector<16xi32>
    %max3A_1990 = arith.maxsi %sub3A_1987, %max3A_1989 : vector<16xi32>
    %broadcast_in_dim3A_1991 = vector.shape_cast %max3A_1990 : vector<16xi32> to vector<16x1xi32>
    %gather3A_1992 = vector.shape_cast %broadcast_in_dim3A_1991 : vector<16x1xi32> to vector<16xi32>
    %gather3A_1993 = tpu.dynamic_gather %add3A_1984[%gather3A_1992] in [0] : vector<16xi32>, vector<16xi32> -> vector<16xi32>
    %ge3A_1994 = arith.constant 4 : i32
    %ge3A_1995 = vector.broadcast %ge3A_1994 : i32 to vector<16xi32>
    %ge3A_1996 = arith.cmpi sge, %iota3A, %ge3A_1995 : vector<16xi32>
    %jit3A_1997 = arith.constant 0 : i32
    %broadcast_in_dim3A_1998 = vector.broadcast %jit3A_1997 : i32 to vector<16xi32>
    %select_n3A_1999 = arith.select %ge3A_1996, %gather3A_1993, %broadcast_in_dim3A_1998 : vector<16xi1>, vector<16xi32>
    %add3A_2000 = arith.addi %add3A_1984, %select_n3A_1999 : vector<16xi32>
    %sub3A_2001 = arith.constant 8 : i32
    %sub3A_2002 = vector.broadcast %sub3A_2001 : i32 to vector<16xi32>
    %sub3A_2003 = arith.subi %iota3A, %sub3A_2002 : vector<16xi32>
    %max3A_2004 = arith.constant 0 : i32
    %max3A_2005 = vector.broadcast %max3A_2004 : i32 to vector<16xi32>
    %max3A_2006 = arith.maxsi %sub3A_2003, %max3A_2005 : vector<16xi32>
    %broadcast_in_dim3A_2007 = vector.shape_cast %max3A_2006 : vector<16xi32> to vector<16x1xi32>
    %gather3A_2008 = vector.shape_cast %broadcast_in_dim3A_2007 : vector<16x1xi32> to vector<16xi32>
    %gather3A_2009 = tpu.dynamic_gather %add3A_2000[%gather3A_2008] in [0] : vector<16xi32>, vector<16xi32> -> vector<16xi32>
    %ge3A_2010 = arith.constant 8 : i32
    %ge3A_2011 = vector.broadcast %ge3A_2010 : i32 to vector<16xi32>
    %ge3A_2012 = arith.cmpi sge, %iota3A, %ge3A_2011 : vector<16xi32>
    %jit3A_2013 = arith.constant 0 : i32
    %broadcast_in_dim3A_2014 = vector.broadcast %jit3A_2013 : i32 to vector<16xi32>
    %select_n3A_2015 = arith.select %ge3A_2012, %gather3A_2009, %broadcast_in_dim3A_2014 : vector<16xi1>, vector<16xi32>
    %add3A_2016 = arith.addi %add3A_2000, %select_n3A_2015 : vector<16xi32>
    %mul3A_2017 = arith.constant 512 : i32
    %mul3A_2018 = arith.muli %arg1, %mul3A_2017 : i32
    %add3A_2019 = arith.constant 320 : i32
    %add3A_2020 = arith.addi %mul3A_2018, %add3A_2019 : i32
    %add3A_2021 = vector.broadcast %add3A_2020 : i32 to vector<16xi32>
    %add3A_2022 = arith.addi %add3A_2021, %iota3A : vector<16xi32>
    %add3A_2023 = arith.addi %gather3A_24, %add3A_1947 : vector<16xi32>
    %add3A_2024 = arith.addi %add3A_2023, %add3A_2016 : vector<16xi32>
    %sub3A_2025 = arith.subi %add3A_2024, %get3A_1949 : vector<16xi32>
    %add3A_2026 = arith.addi %gather3A_32, %add3A_2022 : vector<16xi32>
    %sub3A_2027 = arith.subi %add3A_2026, %sub3A_2025 : vector<16xi32>
    %select_n3A_2028 = arith.select %gt3A_1952, %sub3A_2025, %sub3A_2027 : vector<16xi1>, vector<16xi32>
    %jit3A_2029 = arith.constant -1 : i32
    %broadcast_in_dim3A_2030 = vector.broadcast %jit3A_2029 : i32 to vector<16xi32>
    %select_n3A_2031 = arith.select %gt3A_1952, %add3A_2022, %broadcast_in_dim3A_2030 : vector<16xi1>, vector<16xi32>
    %swap3A_2032 = arith.constant 2 : i32
    %swap3A_2033 = arith.index_cast %swap3A_2032 : i32 to index
    %swap3A_2034 = arith.constant 64 : index
    %swap3A_2035 = tpu.vector_load %arg7[%swap3A_2033, %swap3A_2034] {strides = array<i32>} : memref<4x128xi32, #tpu.memory_space<vmem>>, vector<16xi32>,
    tpu.vector_store %arg7[%swap3A_2033, %swap3A_2034], %select_n3A_2028 {strides = array<i32>} : memref<4x128xi32, #tpu.memory_space<vmem>>, vector<16xi32>,
    %swap3A_2036 = arith.constant 2 : i32
    %swap3A_2037 = arith.index_cast %swap3A_2036 : i32 to index
    %swap3A_2038 = arith.constant 64 : index
    %swap3A_2039 = tpu.vector_load %arg8[%swap3A_2037, %swap3A_2038] {strides = array<i32>} : memref<4x128xi32, #tpu.memory_space<vmem>>, vector<16xi32>,
    tpu.vector_store %arg8[%swap3A_2037, %swap3A_2038], %select_n3A_2031 {strides = array<i32>} : memref<4x128xi32, #tpu.memory_space<vmem>>, vector<16xi32>,
    %broadcast_in_dim3A_2040 = vector.shape_cast %add3A_3 : vector<16xi32> to vector<16x1xi32>
    %gather3A_2041 = vector.shape_cast %broadcast_in_dim3A_2040 : vector<16x1xi32> to vector<16xi32>
    %gather3A_2042 = tpu.dynamic_gather %add3A_2016[%gather3A_2041] in [0] : vector<16xi32>, vector<16xi32> -> vector<16xi32>
    %add3A_2043 = arith.addi %add3A_1947, %gather3A_2042 : vector<16xi32>
    %get3A_2044 = arith.constant 336 : index
    %get3A_2045 = tpu.vector_load %arg5[%get3A_2044] {strides = array<i32>} : memref<512xi32, #tpu.memory_space<vmem>>, vector<16xi32>,
    %gt3A_2046 = arith.constant 0 : i32
    %gt3A_2047 = vector.broadcast %gt3A_2046 : i32 to vector<16xi32>
    %gt3A_2048 = arith.cmpi sgt, %get3A_2045, %gt3A_2047 : vector<16xi32>
    %sub3A_2049 = arith.constant 1 : i32
    %sub3A_2050 = vector.broadcast %sub3A_2049 : i32 to vector<16xi32>
    %sub3A_2051 = arith.subi %iota3A, %sub3A_2050 : vector<16xi32>
    %max3A_2052 = arith.constant 0 : i32
    %max3A_2053 = vector.broadcast %max3A_2052 : i32 to vector<16xi32>
    %max3A_2054 = arith.maxsi %sub3A_2051, %max3A_2053 : vector<16xi32>
    %broadcast_in_dim3A_2055 = vector.shape_cast %max3A_2054 : vector<16xi32> to vector<16x1xi32>
    %gather3A_2056 = vector.shape_cast %broadcast_in_dim3A_2055 : vector<16x1xi32> to vector<16xi32>
    %gather3A_2057 = tpu.dynamic_gather %get3A_2045[%gather3A_2056] in [0] : vector<16xi32>, vector<16xi32> -> vector<16xi32>
    %ge3A_2058 = arith.constant 1 : i32
    %ge3A_2059 = vector.broadcast %ge3A_2058 : i32 to vector<16xi32>
    %ge3A_2060 = arith.cmpi sge, %iota3A, %ge3A_2059 : vector<16xi32>
    %jit3A_2061 = arith.constant 0 : i32
    %broadcast_in_dim3A_2062 = vector.broadcast %jit3A_2061 : i32 to vector<16xi32>
    %select_n3A_2063 = arith.select %ge3A_2060, %gather3A_2057, %broadcast_in_dim3A_2062 : vector<16xi1>, vector<16xi32>
    %add3A_2064 = arith.addi %get3A_2045, %select_n3A_2063 : vector<16xi32>
    %sub3A_2065 = arith.constant 2 : i32
    %sub3A_2066 = vector.broadcast %sub3A_2065 : i32 to vector<16xi32>
    %sub3A_2067 = arith.subi %iota3A, %sub3A_2066 : vector<16xi32>
    %max3A_2068 = arith.constant 0 : i32
    %max3A_2069 = vector.broadcast %max3A_2068 : i32 to vector<16xi32>
    %max3A_2070 = arith.maxsi %sub3A_2067, %max3A_2069 : vector<16xi32>
    %broadcast_in_dim3A_2071 = vector.shape_cast %max3A_2070 : vector<16xi32> to vector<16x1xi32>
    %gather3A_2072 = vector.shape_cast %broadcast_in_dim3A_2071 : vector<16x1xi32> to vector<16xi32>
    %gather3A_2073 = tpu.dynamic_gather %add3A_2064[%gather3A_2072] in [0] : vector<16xi32>, vector<16xi32> -> vector<16xi32>
    %ge3A_2074 = arith.constant 2 : i32
    %ge3A_2075 = vector.broadcast %ge3A_2074 : i32 to vector<16xi32>
    %ge3A_2076 = arith.cmpi sge, %iota3A, %ge3A_2075 : vector<16xi32>
    %jit3A_2077 = arith.constant 0 : i32
    %broadcast_in_dim3A_2078 = vector.broadcast %jit3A_2077 : i32 to vector<16xi32>
    %select_n3A_2079 = arith.select %ge3A_2076, %gather3A_2073, %broadcast_in_dim3A_2078 : vector<16xi1>, vector<16xi32>
    %add3A_2080 = arith.addi %add3A_2064, %select_n3A_2079 : vector<16xi32>
    %sub3A_2081 = arith.constant 4 : i32
    %sub3A_2082 = vector.broadcast %sub3A_2081 : i32 to vector<16xi32>
    %sub3A_2083 = arith.subi %iota3A, %sub3A_2082 : vector<16xi32>
    %max3A_2084 = arith.constant 0 : i32
    %max3A_2085 = vector.broadcast %max3A_2084 : i32 to vector<16xi32>
    %max3A_2086 = arith.maxsi %sub3A_2083, %max3A_2085 : vector<16xi32>
    %broadcast_in_dim3A_2087 = vector.shape_cast %max3A_2086 : vector<16xi32> to vector<16x1xi32>
    %gather3A_2088 = vector.shape_cast %broadcast_in_dim3A_2087 : vector<16x1xi32> to vector<16xi32>
    %gather3A_2089 = tpu.dynamic_gather %add3A_2080[%gather3A_2088] in [0] : vector<16xi32>, vector<16xi32> -> vector<16xi32>
    %ge3A_2090 = arith.constant 4 : i32
    %ge3A_2091 = vector.broadcast %ge3A_2090 : i32 to vector<16xi32>
    %ge3A_2092 = arith.cmpi sge, %iota3A, %ge3A_2091 : vector<16xi32>
    %jit3A_2093 = arith.constant 0 : i32
    %broadcast_in_dim3A_2094 = vector.broadcast %jit3A_2093 : i32 to vector<16xi32>
    %select_n3A_2095 = arith.select %ge3A_2092, %gather3A_2089, %broadcast_in_dim3A_2094 : vector<16xi1>, vector<16xi32>
    %add3A_2096 = arith.addi %add3A_2080, %select_n3A_2095 : vector<16xi32>
    %sub3A_2097 = arith.constant 8 : i32
    %sub3A_2098 = vector.broadcast %sub3A_2097 : i32 to vector<16xi32>
    %sub3A_2099 = arith.subi %iota3A, %sub3A_2098 : vector<16xi32>
    %max3A_2100 = arith.constant 0 : i32
    %max3A_2101 = vector.broadcast %max3A_2100 : i32 to vector<16xi32>
    %max3A_2102 = arith.maxsi %sub3A_2099, %max3A_2101 : vector<16xi32>
    %broadcast_in_dim3A_2103 = vector.shape_cast %max3A_2102 : vector<16xi32> to vector<16x1xi32>
    %gather3A_2104 = vector.shape_cast %broadcast_in_dim3A_2103 : vector<16x1xi32> to vector<16xi32>
    %gather3A_2105 = tpu.dynamic_gather %add3A_2096[%gather3A_2104] in [0] : vector<16xi32>, vector<16xi32> -> vector<16xi32>
    %ge3A_2106 = arith.constant 8 : i32
    %ge3A_2107 = vector.broadcast %ge3A_2106 : i32 to vector<16xi32>
    %ge3A_2108 = arith.cmpi sge, %iota3A, %ge3A_2107 : vector<16xi32>
    %jit3A_2109 = arith.constant 0 : i32
    %broadcast_in_dim3A_2110 = vector.broadcast %jit3A_2109 : i32 to vector<16xi32>
    %select_n3A_2111 = arith.select %ge3A_2108, %gather3A_2105, %broadcast_in_dim3A_2110 : vector<16xi1>, vector<16xi32>
    %add3A_2112 = arith.addi %add3A_2096, %select_n3A_2111 : vector<16xi32>
    %mul3A_2113 = arith.constant 512 : i32
    %mul3A_2114 = arith.muli %arg1, %mul3A_2113 : i32
    %add3A_2115 = arith.constant 336 : i32
    %add3A_2116 = arith.addi %mul3A_2114, %add3A_2115 : i32
    %add3A_2117 = vector.broadcast %add3A_2116 : i32 to vector<16xi32>
    %add3A_2118 = arith.addi %add3A_2117, %iota3A : vector<16xi32>
    %add3A_2119 = arith.addi %gather3A_24, %add3A_2043 : vector<16xi32>
    %add3A_2120 = arith.addi %add3A_2119, %add3A_2112 : vector<16xi32>
    %sub3A_2121 = arith.subi %add3A_2120, %get3A_2045 : vector<16xi32>
    %add3A_2122 = arith.addi %gather3A_32, %add3A_2118 : vector<16xi32>
    %sub3A_2123 = arith.subi %add3A_2122, %sub3A_2121 : vector<16xi32>
    %select_n3A_2124 = arith.select %gt3A_2048, %sub3A_2121, %sub3A_2123 : vector<16xi1>, vector<16xi32>
    %jit3A_2125 = arith.constant -1 : i32
    %broadcast_in_dim3A_2126 = vector.broadcast %jit3A_2125 : i32 to vector<16xi32>
    %select_n3A_2127 = arith.select %gt3A_2048, %add3A_2118, %broadcast_in_dim3A_2126 : vector<16xi1>, vector<16xi32>
    %swap3A_2128 = arith.constant 2 : i32
    %swap3A_2129 = arith.index_cast %swap3A_2128 : i32 to index
    %swap3A_2130 = arith.constant 80 : index
    %swap3A_2131 = tpu.vector_load %arg7[%swap3A_2129, %swap3A_2130] {strides = array<i32>} : memref<4x128xi32, #tpu.memory_space<vmem>>, vector<16xi32>,
    tpu.vector_store %arg7[%swap3A_2129, %swap3A_2130], %select_n3A_2124 {strides = array<i32>} : memref<4x128xi32, #tpu.memory_space<vmem>>, vector<16xi32>,
    %swap3A_2132 = arith.constant 2 : i32
    %swap3A_2133 = arith.index_cast %swap3A_2132 : i32 to index
    %swap3A_2134 = arith.constant 80 : index
    %swap3A_2135 = tpu.vector_load %arg8[%swap3A_2133, %swap3A_2134] {strides = array<i32>} : memref<4x128xi32, #tpu.memory_space<vmem>>, vector<16xi32>,
    tpu.vector_store %arg8[%swap3A_2133, %swap3A_2134], %select_n3A_2127 {strides = array<i32>} : memref<4x128xi32, #tpu.memory_space<vmem>>, vector<16xi32>,
    %broadcast_in_dim3A_2136 = vector.shape_cast %add3A_3 : vector<16xi32> to vector<16x1xi32>
    %gather3A_2137 = vector.shape_cast %broadcast_in_dim3A_2136 : vector<16x1xi32> to vector<16xi32>
    %gather3A_2138 = tpu.dynamic_gather %add3A_2112[%gather3A_2137] in [0] : vector<16xi32>, vector<16xi32> -> vector<16xi32>
    %add3A_2139 = arith.addi %add3A_2043, %gather3A_2138 : vector<16xi32>
    %get3A_2140 = arith.constant 352 : index
    %get3A_2141 = tpu.vector_load %arg5[%get3A_2140] {strides = array<i32>} : memref<512xi32, #tpu.memory_space<vmem>>, vector<16xi32>,
    %gt3A_2142 = arith.constant 0 : i32
    %gt3A_2143 = vector.broadcast %gt3A_2142 : i32 to vector<16xi32>
    %gt3A_2144 = arith.cmpi sgt, %get3A_2141, %gt3A_2143 : vector<16xi32>
    %sub3A_2145 = arith.constant 1 : i32
    %sub3A_2146 = vector.broadcast %sub3A_2145 : i32 to vector<16xi32>
    %sub3A_2147 = arith.subi %iota3A, %sub3A_2146 : vector<16xi32>
    %max3A_2148 = arith.constant 0 : i32
    %max3A_2149 = vector.broadcast %max3A_2148 : i32 to vector<16xi32>
    %max3A_2150 = arith.maxsi %sub3A_2147, %max3A_2149 : vector<16xi32>
    %broadcast_in_dim3A_2151 = vector.shape_cast %max3A_2150 : vector<16xi32> to vector<16x1xi32>
    %gather3A_2152 = vector.shape_cast %broadcast_in_dim3A_2151 : vector<16x1xi32> to vector<16xi32>
    %gather3A_2153 = tpu.dynamic_gather %get3A_2141[%gather3A_2152] in [0] : vector<16xi32>, vector<16xi32> -> vector<16xi32>
    %ge3A_2154 = arith.constant 1 : i32
    %ge3A_2155 = vector.broadcast %ge3A_2154 : i32 to vector<16xi32>
    %ge3A_2156 = arith.cmpi sge, %iota3A, %ge3A_2155 : vector<16xi32>
    %jit3A_2157 = arith.constant 0 : i32
    %broadcast_in_dim3A_2158 = vector.broadcast %jit3A_2157 : i32 to vector<16xi32>
    %select_n3A_2159 = arith.select %ge3A_2156, %gather3A_2153, %broadcast_in_dim3A_2158 : vector<16xi1>, vector<16xi32>
    %add3A_2160 = arith.addi %get3A_2141, %select_n3A_2159 : vector<16xi32>
    %sub3A_2161 = arith.constant 2 : i32
    %sub3A_2162 = vector.broadcast %sub3A_2161 : i32 to vector<16xi32>
    %sub3A_2163 = arith.subi %iota3A, %sub3A_2162 : vector<16xi32>
    %max3A_2164 = arith.constant 0 : i32
    %max3A_2165 = vector.broadcast %max3A_2164 : i32 to vector<16xi32>
    %max3A_2166 = arith.maxsi %sub3A_2163, %max3A_2165 : vector<16xi32>
    %broadcast_in_dim3A_2167 = vector.shape_cast %max3A_2166 : vector<16xi32> to vector<16x1xi32>
    %gather3A_2168 = vector.shape_cast %broadcast_in_dim3A_2167 : vector<16x1xi32> to vector<16xi32>
    %gather3A_2169 = tpu.dynamic_gather %add3A_2160[%gather3A_2168] in [0] : vector<16xi32>, vector<16xi32> -> vector<16xi32>
    %ge3A_2170 = arith.constant 2 : i32
    %ge3A_2171 = vector.broadcast %ge3A_2170 : i32 to vector<16xi32>
    %ge3A_2172 = arith.cmpi sge, %iota3A, %ge3A_2171 : vector<16xi32>
    %jit3A_2173 = arith.constant 0 : i32
    %broadcast_in_dim3A_2174 = vector.broadcast %jit3A_2173 : i32 to vector<16xi32>
    %select_n3A_2175 = arith.select %ge3A_2172, %gather3A_2169, %broadcast_in_dim3A_2174 : vector<16xi1>, vector<16xi32>
    %add3A_2176 = arith.addi %add3A_2160, %select_n3A_2175 : vector<16xi32>
    %sub3A_2177 = arith.constant 4 : i32
    %sub3A_2178 = vector.broadcast %sub3A_2177 : i32 to vector<16xi32>
    %sub3A_2179 = arith.subi %iota3A, %sub3A_2178 : vector<16xi32>
    %max3A_2180 = arith.constant 0 : i32
    %max3A_2181 = vector.broadcast %max3A_2180 : i32 to vector<16xi32>
    %max3A_2182 = arith.maxsi %sub3A_2179, %max3A_2181 : vector<16xi32>
    %broadcast_in_dim3A_2183 = vector.shape_cast %max3A_2182 : vector<16xi32> to vector<16x1xi32>
    %gather3A_2184 = vector.shape_cast %broadcast_in_dim3A_2183 : vector<16x1xi32> to vector<16xi32>
    %gather3A_2185 = tpu.dynamic_gather %add3A_2176[%gather3A_2184] in [0] : vector<16xi32>, vector<16xi32> -> vector<16xi32>
    %ge3A_2186 = arith.constant 4 : i32
    %ge3A_2187 = vector.broadcast %ge3A_2186 : i32 to vector<16xi32>
    %ge3A_2188 = arith.cmpi sge, %iota3A, %ge3A_2187 : vector<16xi32>
    %jit3A_2189 = arith.constant 0 : i32
    %broadcast_in_dim3A_2190 = vector.broadcast %jit3A_2189 : i32 to vector<16xi32>
    %select_n3A_2191 = arith.select %ge3A_2188, %gather3A_2185, %broadcast_in_dim3A_2190 : vector<16xi1>, vector<16xi32>
    %add3A_2192 = arith.addi %add3A_2176, %select_n3A_2191 : vector<16xi32>
    %sub3A_2193 = arith.constant 8 : i32
    %sub3A_2194 = vector.broadcast %sub3A_2193 : i32 to vector<16xi32>
    %sub3A_2195 = arith.subi %iota3A, %sub3A_2194 : vector<16xi32>
    %max3A_2196 = arith.constant 0 : i32
    %max3A_2197 = vector.broadcast %max3A_2196 : i32 to vector<16xi32>
    %max3A_2198 = arith.maxsi %sub3A_2195, %max3A_2197 : vector<16xi32>
    %broadcast_in_dim3A_2199 = vector.shape_cast %max3A_2198 : vector<16xi32> to vector<16x1xi32>
    %gather3A_2200 = vector.shape_cast %broadcast_in_dim3A_2199 : vector<16x1xi32> to vector<16xi32>
    %gather3A_2201 = tpu.dynamic_gather %add3A_2192[%gather3A_2200] in [0] : vector<16xi32>, vector<16xi32> -> vector<16xi32>
    %ge3A_2202 = arith.constant 8 : i32
    %ge3A_2203 = vector.broadcast %ge3A_2202 : i32 to vector<16xi32>
    %ge3A_2204 = arith.cmpi sge, %iota3A, %ge3A_2203 : vector<16xi32>
    %jit3A_2205 = arith.constant 0 : i32
    %broadcast_in_dim3A_2206 = vector.broadcast %jit3A_2205 : i32 to vector<16xi32>
    %select_n3A_2207 = arith.select %ge3A_2204, %gather3A_2201, %broadcast_in_dim3A_2206 : vector<16xi1>, vector<16xi32>
    %add3A_2208 = arith.addi %add3A_2192, %select_n3A_2207 : vector<16xi32>
    %mul3A_2209 = arith.constant 512 : i32
    %mul3A_2210 = arith.muli %arg1, %mul3A_2209 : i32
    %add3A_2211 = arith.constant 352 : i32
    %add3A_2212 = arith.addi %mul3A_2210, %add3A_2211 : i32
    %add3A_2213 = vector.broadcast %add3A_2212 : i32 to vector<16xi32>
    %add3A_2214 = arith.addi %add3A_2213, %iota3A : vector<16xi32>
    %add3A_2215 = arith.addi %gather3A_24, %add3A_2139 : vector<16xi32>
    %add3A_2216 = arith.addi %add3A_2215, %add3A_2208 : vector<16xi32>
    %sub3A_2217 = arith.subi %add3A_2216, %get3A_2141 : vector<16xi32>
    %add3A_2218 = arith.addi %gather3A_32, %add3A_2214 : vector<16xi32>
    %sub3A_2219 = arith.subi %add3A_2218, %sub3A_2217 : vector<16xi32>
    %select_n3A_2220 = arith.select %gt3A_2144, %sub3A_2217, %sub3A_2219 : vector<16xi1>, vector<16xi32>
    %jit3A_2221 = arith.constant -1 : i32
    %broadcast_in_dim3A_2222 = vector.broadcast %jit3A_2221 : i32 to vector<16xi32>
    %select_n3A_2223 = arith.select %gt3A_2144, %add3A_2214, %broadcast_in_dim3A_2222 : vector<16xi1>, vector<16xi32>
    %swap3A_2224 = arith.constant 2 : i32
    %swap3A_2225 = arith.index_cast %swap3A_2224 : i32 to index
    %swap3A_2226 = arith.constant 96 : index
    %swap3A_2227 = tpu.vector_load %arg7[%swap3A_2225, %swap3A_2226] {strides = array<i32>} : memref<4x128xi32, #tpu.memory_space<vmem>>, vector<16xi32>,
    tpu.vector_store %arg7[%swap3A_2225, %swap3A_2226], %select_n3A_2220 {strides = array<i32>} : memref<4x128xi32, #tpu.memory_space<vmem>>, vector<16xi32>,
    %swap3A_2228 = arith.constant 2 : i32
    %swap3A_2229 = arith.index_cast %swap3A_2228 : i32 to index
    %swap3A_2230 = arith.constant 96 : index
    %swap3A_2231 = tpu.vector_load %arg8[%swap3A_2229, %swap3A_2230] {strides = array<i32>} : memref<4x128xi32, #tpu.memory_space<vmem>>, vector<16xi32>,
    tpu.vector_store %arg8[%swap3A_2229, %swap3A_2230], %select_n3A_2223 {strides = array<i32>} : memref<4x128xi32, #tpu.memory_space<vmem>>, vector<16xi32>,
    %broadcast_in_dim3A_2232 = vector.shape_cast %add3A_3 : vector<16xi32> to vector<16x1xi32>
    %gather3A_2233 = vector.shape_cast %broadcast_in_dim3A_2232 : vector<16x1xi32> to vector<16xi32>
    %gather3A_2234 = tpu.dynamic_gather %add3A_2208[%gather3A_2233] in [0] : vector<16xi32>, vector<16xi32> -> vector<16xi32>
    %add3A_2235 = arith.addi %add3A_2139, %gather3A_2234 : vector<16xi32>
    %get3A_2236 = arith.constant 368 : index
    %get3A_2237 = tpu.vector_load %arg5[%get3A_2236] {strides = array<i32>} : memref<512xi32, #tpu.memory_space<vmem>>, vector<16xi32>,
    %gt3A_2238 = arith.constant 0 : i32
    %gt3A_2239 = vector.broadcast %gt3A_2238 : i32 to vector<16xi32>
    %gt3A_2240 = arith.cmpi sgt, %get3A_2237, %gt3A_2239 : vector<16xi32>
    %sub3A_2241 = arith.constant 1 : i32
    %sub3A_2242 = vector.broadcast %sub3A_2241 : i32 to vector<16xi32>
    %sub3A_2243 = arith.subi %iota3A, %sub3A_2242 : vector<16xi32>
    %max3A_2244 = arith.constant 0 : i32
    %max3A_2245 = vector.broadcast %max3A_2244 : i32 to vector<16xi32>
    %max3A_2246 = arith.maxsi %sub3A_2243, %max3A_2245 : vector<16xi32>
    %broadcast_in_dim3A_2247 = vector.shape_cast %max3A_2246 : vector<16xi32> to vector<16x1xi32>
    %gather3A_2248 = vector.shape_cast %broadcast_in_dim3A_2247 : vector<16x1xi32> to vector<16xi32>
    %gather3A_2249 = tpu.dynamic_gather %get3A_2237[%gather3A_2248] in [0] : vector<16xi32>, vector<16xi32> -> vector<16xi32>
    %ge3A_2250 = arith.constant 1 : i32
    %ge3A_2251 = vector.broadcast %ge3A_2250 : i32 to vector<16xi32>
    %ge3A_2252 = arith.cmpi sge, %iota3A, %ge3A_2251 : vector<16xi32>
    %jit3A_2253 = arith.constant 0 : i32
    %broadcast_in_dim3A_2254 = vector.broadcast %jit3A_2253 : i32 to vector<16xi32>
    %select_n3A_2255 = arith.select %ge3A_2252, %gather3A_2249, %broadcast_in_dim3A_2254 : vector<16xi1>, vector<16xi32>
    %add3A_2256 = arith.addi %get3A_2237, %select_n3A_2255 : vector<16xi32>
    %sub3A_2257 = arith.constant 2 : i32
    %sub3A_2258 = vector.broadcast %sub3A_2257 : i32 to vector<16xi32>
    %sub3A_2259 = arith.subi %iota3A, %sub3A_2258 : vector<16xi32>
    %max3A_2260 = arith.constant 0 : i32
    %max3A_2261 = vector.broadcast %max3A_2260 : i32 to vector<16xi32>
    %max3A_2262 = arith.maxsi %sub3A_2259, %max3A_2261 : vector<16xi32>
    %broadcast_in_dim3A_2263 = vector.shape_cast %max3A_2262 : vector<16xi32> to vector<16x1xi32>
    %gather3A_2264 = vector.shape_cast %broadcast_in_dim3A_2263 : vector<16x1xi32> to vector<16xi32>
    %gather3A_2265 = tpu.dynamic_gather %add3A_2256[%gather3A_2264] in [0] : vector<16xi32>, vector<16xi32> -> vector<16xi32>
    %ge3A_2266 = arith.constant 2 : i32
    %ge3A_2267 = vector.broadcast %ge3A_2266 : i32 to vector<16xi32>
    %ge3A_2268 = arith.cmpi sge, %iota3A, %ge3A_2267 : vector<16xi32>
    %jit3A_2269 = arith.constant 0 : i32
    %broadcast_in_dim3A_2270 = vector.broadcast %jit3A_2269 : i32 to vector<16xi32>
    %select_n3A_2271 = arith.select %ge3A_2268, %gather3A_2265, %broadcast_in_dim3A_2270 : vector<16xi1>, vector<16xi32>
    %add3A_2272 = arith.addi %add3A_2256, %select_n3A_2271 : vector<16xi32>
    %sub3A_2273 = arith.constant 4 : i32
    %sub3A_2274 = vector.broadcast %sub3A_2273 : i32 to vector<16xi32>
    %sub3A_2275 = arith.subi %iota3A, %sub3A_2274 : vector<16xi32>
    %max3A_2276 = arith.constant 0 : i32
    %max3A_2277 = vector.broadcast %max3A_2276 : i32 to vector<16xi32>
    %max3A_2278 = arith.maxsi %sub3A_2275, %max3A_2277 : vector<16xi32>
    %broadcast_in_dim3A_2279 = vector.shape_cast %max3A_2278 : vector<16xi32> to vector<16x1xi32>
    %gather3A_2280 = vector.shape_cast %broadcast_in_dim3A_2279 : vector<16x1xi32> to vector<16xi32>
    %gather3A_2281 = tpu.dynamic_gather %add3A_2272[%gather3A_2280] in [0] : vector<16xi32>, vector<16xi32> -> vector<16xi32>
    %ge3A_2282 = arith.constant 4 : i32
    %ge3A_2283 = vector.broadcast %ge3A_2282 : i32 to vector<16xi32>
    %ge3A_2284 = arith.cmpi sge, %iota3A, %ge3A_2283 : vector<16xi32>
    %jit3A_2285 = arith.constant 0 : i32
    %broadcast_in_dim3A_2286 = vector.broadcast %jit3A_2285 : i32 to vector<16xi32>
    %select_n3A_2287 = arith.select %ge3A_2284, %gather3A_2281, %broadcast_in_dim3A_2286 : vector<16xi1>, vector<16xi32>
    %add3A_2288 = arith.addi %add3A_2272, %select_n3A_2287 : vector<16xi32>
    %sub3A_2289 = arith.constant 8 : i32
    %sub3A_2290 = vector.broadcast %sub3A_2289 : i32 to vector<16xi32>
    %sub3A_2291 = arith.subi %iota3A, %sub3A_2290 : vector<16xi32>
    %max3A_2292 = arith.constant 0 : i32
    %max3A_2293 = vector.broadcast %max3A_2292 : i32 to vector<16xi32>
    %max3A_2294 = arith.maxsi %sub3A_2291, %max3A_2293 : vector<16xi32>
    %broadcast_in_dim3A_2295 = vector.shape_cast %max3A_2294 : vector<16xi32> to vector<16x1xi32>
    %gather3A_2296 = vector.shape_cast %broadcast_in_dim3A_2295 : vector<16x1xi32> to vector<16xi32>
    %gather3A_2297 = tpu.dynamic_gather %add3A_2288[%gather3A_2296] in [0] : vector<16xi32>, vector<16xi32> -> vector<16xi32>
    %ge3A_2298 = arith.constant 8 : i32
    %ge3A_2299 = vector.broadcast %ge3A_2298 : i32 to vector<16xi32>
    %ge3A_2300 = arith.cmpi sge, %iota3A, %ge3A_2299 : vector<16xi32>
    %jit3A_2301 = arith.constant 0 : i32
    %broadcast_in_dim3A_2302 = vector.broadcast %jit3A_2301 : i32 to vector<16xi32>
    %select_n3A_2303 = arith.select %ge3A_2300, %gather3A_2297, %broadcast_in_dim3A_2302 : vector<16xi1>, vector<16xi32>
    %add3A_2304 = arith.addi %add3A_2288, %select_n3A_2303 : vector<16xi32>
    %mul3A_2305 = arith.constant 512 : i32
    %mul3A_2306 = arith.muli %arg1, %mul3A_2305 : i32
    %add3A_2307 = arith.constant 368 : i32
    %add3A_2308 = arith.addi %mul3A_2306, %add3A_2307 : i32
    %add3A_2309 = vector.broadcast %add3A_2308 : i32 to vector<16xi32>
    %add3A_2310 = arith.addi %add3A_2309, %iota3A : vector<16xi32>
    %add3A_2311 = arith.addi %gather3A_24, %add3A_2235 : vector<16xi32>
    %add3A_2312 = arith.addi %add3A_2311, %add3A_2304 : vector<16xi32>
    %sub3A_2313 = arith.subi %add3A_2312, %get3A_2237 : vector<16xi32>
    %add3A_2314 = arith.addi %gather3A_32, %add3A_2310 : vector<16xi32>
    %sub3A_2315 = arith.subi %add3A_2314, %sub3A_2313 : vector<16xi32>
    %select_n3A_2316 = arith.select %gt3A_2240, %sub3A_2313, %sub3A_2315 : vector<16xi1>, vector<16xi32>
    %jit3A_2317 = arith.constant -1 : i32
    %broadcast_in_dim3A_2318 = vector.broadcast %jit3A_2317 : i32 to vector<16xi32>
    %select_n3A_2319 = arith.select %gt3A_2240, %add3A_2310, %broadcast_in_dim3A_2318 : vector<16xi1>, vector<16xi32>
    %swap3A_2320 = arith.constant 2 : i32
    %swap3A_2321 = arith.index_cast %swap3A_2320 : i32 to index
    %swap3A_2322 = arith.constant 112 : index
    %swap3A_2323 = tpu.vector_load %arg7[%swap3A_2321, %swap3A_2322] {strides = array<i32>} : memref<4x128xi32, #tpu.memory_space<vmem>>, vector<16xi32>,
    tpu.vector_store %arg7[%swap3A_2321, %swap3A_2322], %select_n3A_2316 {strides = array<i32>} : memref<4x128xi32, #tpu.memory_space<vmem>>, vector<16xi32>,
    %swap3A_2324 = arith.constant 2 : i32
    %swap3A_2325 = arith.index_cast %swap3A_2324 : i32 to index
    %swap3A_2326 = arith.constant 112 : index
    %swap3A_2327 = tpu.vector_load %arg8[%swap3A_2325, %swap3A_2326] {strides = array<i32>} : memref<4x128xi32, #tpu.memory_space<vmem>>, vector<16xi32>,
    tpu.vector_store %arg8[%swap3A_2325, %swap3A_2326], %select_n3A_2319 {strides = array<i32>} : memref<4x128xi32, #tpu.memory_space<vmem>>, vector<16xi32>,
    %broadcast_in_dim3A_2328 = vector.shape_cast %add3A_3 : vector<16xi32> to vector<16x1xi32>
    %gather3A_2329 = vector.shape_cast %broadcast_in_dim3A_2328 : vector<16x1xi32> to vector<16xi32>
    %gather3A_2330 = tpu.dynamic_gather %add3A_2304[%gather3A_2329] in [0] : vector<16xi32>, vector<16xi32> -> vector<16xi32>
    %add3A_2331 = arith.addi %add3A_2235, %gather3A_2330 : vector<16xi32>
    %get3A_2332 = arith.constant 384 : index
    %get3A_2333 = tpu.vector_load %arg5[%get3A_2332] {strides = array<i32>} : memref<512xi32, #tpu.memory_space<vmem>>, vector<16xi32>,
    %gt3A_2334 = arith.constant 0 : i32
    %gt3A_2335 = vector.broadcast %gt3A_2334 : i32 to vector<16xi32>
    %gt3A_2336 = arith.cmpi sgt, %get3A_2333, %gt3A_2335 : vector<16xi32>
    %sub3A_2337 = arith.constant 1 : i32
    %sub3A_2338 = vector.broadcast %sub3A_2337 : i32 to vector<16xi32>
    %sub3A_2339 = arith.subi %iota3A, %sub3A_2338 : vector<16xi32>
    %max3A_2340 = arith.constant 0 : i32
    %max3A_2341 = vector.broadcast %max3A_2340 : i32 to vector<16xi32>
    %max3A_2342 = arith.maxsi %sub3A_2339, %max3A_2341 : vector<16xi32>
    %broadcast_in_dim3A_2343 = vector.shape_cast %max3A_2342 : vector<16xi32> to vector<16x1xi32>
    %gather3A_2344 = vector.shape_cast %broadcast_in_dim3A_2343 : vector<16x1xi32> to vector<16xi32>
    %gather3A_2345 = tpu.dynamic_gather %get3A_2333[%gather3A_2344] in [0] : vector<16xi32>, vector<16xi32> -> vector<16xi32>
    %ge3A_2346 = arith.constant 1 : i32
    %ge3A_2347 = vector.broadcast %ge3A_2346 : i32 to vector<16xi32>
    %ge3A_2348 = arith.cmpi sge, %iota3A, %ge3A_2347 : vector<16xi32>
    %jit3A_2349 = arith.constant 0 : i32
    %broadcast_in_dim3A_2350 = vector.broadcast %jit3A_2349 : i32 to vector<16xi32>
    %select_n3A_2351 = arith.select %ge3A_2348, %gather3A_2345, %broadcast_in_dim3A_2350 : vector<16xi1>, vector<16xi32>
    %add3A_2352 = arith.addi %get3A_2333, %select_n3A_2351 : vector<16xi32>
    %sub3A_2353 = arith.constant 2 : i32
    %sub3A_2354 = vector.broadcast %sub3A_2353 : i32 to vector<16xi32>
    %sub3A_2355 = arith.subi %iota3A, %sub3A_2354 : vector<16xi32>
    %max3A_2356 = arith.constant 0 : i32
    %max3A_2357 = vector.broadcast %max3A_2356 : i32 to vector<16xi32>
    %max3A_2358 = arith.maxsi %sub3A_2355, %max3A_2357 : vector<16xi32>
    %broadcast_in_dim3A_2359 = vector.shape_cast %max3A_2358 : vector<16xi32> to vector<16x1xi32>
    %gather3A_2360 = vector.shape_cast %broadcast_in_dim3A_2359 : vector<16x1xi32> to vector<16xi32>
    %gather3A_2361 = tpu.dynamic_gather %add3A_2352[%gather3A_2360] in [0] : vector<16xi32>, vector<16xi32> -> vector<16xi32>
    %ge3A_2362 = arith.constant 2 : i32
    %ge3A_2363 = vector.broadcast %ge3A_2362 : i32 to vector<16xi32>
    %ge3A_2364 = arith.cmpi sge, %iota3A, %ge3A_2363 : vector<16xi32>
    %jit3A_2365 = arith.constant 0 : i32
    %broadcast_in_dim3A_2366 = vector.broadcast %jit3A_2365 : i32 to vector<16xi32>
    %select_n3A_2367 = arith.select %ge3A_2364, %gather3A_2361, %broadcast_in_dim3A_2366 : vector<16xi1>, vector<16xi32>
    %add3A_2368 = arith.addi %add3A_2352, %select_n3A_2367 : vector<16xi32>
    %sub3A_2369 = arith.constant 4 : i32
    %sub3A_2370 = vector.broadcast %sub3A_2369 : i32 to vector<16xi32>
    %sub3A_2371 = arith.subi %iota3A, %sub3A_2370 : vector<16xi32>
    %max3A_2372 = arith.constant 0 : i32
    %max3A_2373 = vector.broadcast %max3A_2372 : i32 to vector<16xi32>
    %max3A_2374 = arith.maxsi %sub3A_2371, %max3A_2373 : vector<16xi32>
    %broadcast_in_dim3A_2375 = vector.shape_cast %max3A_2374 : vector<16xi32> to vector<16x1xi32>
    %gather3A_2376 = vector.shape_cast %broadcast_in_dim3A_2375 : vector<16x1xi32> to vector<16xi32>
    %gather3A_2377 = tpu.dynamic_gather %add3A_2368[%gather3A_2376] in [0] : vector<16xi32>, vector<16xi32> -> vector<16xi32>
    %ge3A_2378 = arith.constant 4 : i32
    %ge3A_2379 = vector.broadcast %ge3A_2378 : i32 to vector<16xi32>
    %ge3A_2380 = arith.cmpi sge, %iota3A, %ge3A_2379 : vector<16xi32>
    %jit3A_2381 = arith.constant 0 : i32
    %broadcast_in_dim3A_2382 = vector.broadcast %jit3A_2381 : i32 to vector<16xi32>
    %select_n3A_2383 = arith.select %ge3A_2380, %gather3A_2377, %broadcast_in_dim3A_2382 : vector<16xi1>, vector<16xi32>
    %add3A_2384 = arith.addi %add3A_2368, %select_n3A_2383 : vector<16xi32>
    %sub3A_2385 = arith.constant 8 : i32
    %sub3A_2386 = vector.broadcast %sub3A_2385 : i32 to vector<16xi32>
    %sub3A_2387 = arith.subi %iota3A, %sub3A_2386 : vector<16xi32>
    %max3A_2388 = arith.constant 0 : i32
    %max3A_2389 = vector.broadcast %max3A_2388 : i32 to vector<16xi32>
    %max3A_2390 = arith.maxsi %sub3A_2387, %max3A_2389 : vector<16xi32>
    %broadcast_in_dim3A_2391 = vector.shape_cast %max3A_2390 : vector<16xi32> to vector<16x1xi32>
    %gather3A_2392 = vector.shape_cast %broadcast_in_dim3A_2391 : vector<16x1xi32> to vector<16xi32>
    %gather3A_2393 = tpu.dynamic_gather %add3A_2384[%gather3A_2392] in [0] : vector<16xi32>, vector<16xi32> -> vector<16xi32>
    %ge3A_2394 = arith.constant 8 : i32
    %ge3A_2395 = vector.broadcast %ge3A_2394 : i32 to vector<16xi32>
    %ge3A_2396 = arith.cmpi sge, %iota3A, %ge3A_2395 : vector<16xi32>
    %jit3A_2397 = arith.constant 0 : i32
    %broadcast_in_dim3A_2398 = vector.broadcast %jit3A_2397 : i32 to vector<16xi32>
    %select_n3A_2399 = arith.select %ge3A_2396, %gather3A_2393, %broadcast_in_dim3A_2398 : vector<16xi1>, vector<16xi32>
    %add3A_2400 = arith.addi %add3A_2384, %select_n3A_2399 : vector<16xi32>
    %mul3A_2401 = arith.constant 512 : i32
    %mul3A_2402 = arith.muli %arg1, %mul3A_2401 : i32
    %add3A_2403 = arith.constant 384 : i32
    %add3A_2404 = arith.addi %mul3A_2402, %add3A_2403 : i32
    %add3A_2405 = vector.broadcast %add3A_2404 : i32 to vector<16xi32>
    %add3A_2406 = arith.addi %add3A_2405, %iota3A : vector<16xi32>
    %add3A_2407 = arith.addi %gather3A_24, %add3A_2331 : vector<16xi32>
    %add3A_2408 = arith.addi %add3A_2407, %add3A_2400 : vector<16xi32>
    %sub3A_2409 = arith.subi %add3A_2408, %get3A_2333 : vector<16xi32>
    %add3A_2410 = arith.addi %gather3A_32, %add3A_2406 : vector<16xi32>
    %sub3A_2411 = arith.subi %add3A_2410, %sub3A_2409 : vector<16xi32>
    %select_n3A_2412 = arith.select %gt3A_2336, %sub3A_2409, %sub3A_2411 : vector<16xi1>, vector<16xi32>
    %jit3A_2413 = arith.constant -1 : i32
    %broadcast_in_dim3A_2414 = vector.broadcast %jit3A_2413 : i32 to vector<16xi32>
    %select_n3A_2415 = arith.select %gt3A_2336, %add3A_2406, %broadcast_in_dim3A_2414 : vector<16xi1>, vector<16xi32>
    %swap3A_2416 = arith.constant 3 : i32
    %swap3A_2417 = arith.index_cast %swap3A_2416 : i32 to index
    %swap3A_2418 = arith.constant 0 : index
    %swap3A_2419 = tpu.vector_load %arg7[%swap3A_2417, %swap3A_2418] {strides = array<i32>} : memref<4x128xi32, #tpu.memory_space<vmem>>, vector<16xi32>,
    tpu.vector_store %arg7[%swap3A_2417, %swap3A_2418], %select_n3A_2412 {strides = array<i32>} : memref<4x128xi32, #tpu.memory_space<vmem>>, vector<16xi32>,
    %swap3A_2420 = arith.constant 3 : i32
    %swap3A_2421 = arith.index_cast %swap3A_2420 : i32 to index
    %swap3A_2422 = arith.constant 0 : index
    %swap3A_2423 = tpu.vector_load %arg8[%swap3A_2421, %swap3A_2422] {strides = array<i32>} : memref<4x128xi32, #tpu.memory_space<vmem>>, vector<16xi32>,
    tpu.vector_store %arg8[%swap3A_2421, %swap3A_2422], %select_n3A_2415 {strides = array<i32>} : memref<4x128xi32, #tpu.memory_space<vmem>>, vector<16xi32>,
    %broadcast_in_dim3A_2424 = vector.shape_cast %add3A_3 : vector<16xi32> to vector<16x1xi32>
    %gather3A_2425 = vector.shape_cast %broadcast_in_dim3A_2424 : vector<16x1xi32> to vector<16xi32>
    %gather3A_2426 = tpu.dynamic_gather %add3A_2400[%gather3A_2425] in [0] : vector<16xi32>, vector<16xi32> -> vector<16xi32>
    %add3A_2427 = arith.addi %add3A_2331, %gather3A_2426 : vector<16xi32>
    %get3A_2428 = arith.constant 400 : index
    %get3A_2429 = tpu.vector_load %arg5[%get3A_2428] {strides = array<i32>} : memref<512xi32, #tpu.memory_space<vmem>>, vector<16xi32>,
    %gt3A_2430 = arith.constant 0 : i32
    %gt3A_2431 = vector.broadcast %gt3A_2430 : i32 to vector<16xi32>
    %gt3A_2432 = arith.cmpi sgt, %get3A_2429, %gt3A_2431 : vector<16xi32>
    %sub3A_2433 = arith.constant 1 : i32
    %sub3A_2434 = vector.broadcast %sub3A_2433 : i32 to vector<16xi32>
    %sub3A_2435 = arith.subi %iota3A, %sub3A_2434 : vector<16xi32>
    %max3A_2436 = arith.constant 0 : i32
    %max3A_2437 = vector.broadcast %max3A_2436 : i32 to vector<16xi32>
    %max3A_2438 = arith.maxsi %sub3A_2435, %max3A_2437 : vector<16xi32>
    %broadcast_in_dim3A_2439 = vector.shape_cast %max3A_2438 : vector<16xi32> to vector<16x1xi32>
    %gather3A_2440 = vector.shape_cast %broadcast_in_dim3A_2439 : vector<16x1xi32> to vector<16xi32>
    %gather3A_2441 = tpu.dynamic_gather %get3A_2429[%gather3A_2440] in [0] : vector<16xi32>, vector<16xi32> -> vector<16xi32>
    %ge3A_2442 = arith.constant 1 : i32
    %ge3A_2443 = vector.broadcast %ge3A_2442 : i32 to vector<16xi32>
    %ge3A_2444 = arith.cmpi sge, %iota3A, %ge3A_2443 : vector<16xi32>
    %jit3A_2445 = arith.constant 0 : i32
    %broadcast_in_dim3A_2446 = vector.broadcast %jit3A_2445 : i32 to vector<16xi32>
    %select_n3A_2447 = arith.select %ge3A_2444, %gather3A_2441, %broadcast_in_dim3A_2446 : vector<16xi1>, vector<16xi32>
    %add3A_2448 = arith.addi %get3A_2429, %select_n3A_2447 : vector<16xi32>
    %sub3A_2449 = arith.constant 2 : i32
    %sub3A_2450 = vector.broadcast %sub3A_2449 : i32 to vector<16xi32>
    %sub3A_2451 = arith.subi %iota3A, %sub3A_2450 : vector<16xi32>
    %max3A_2452 = arith.constant 0 : i32
    %max3A_2453 = vector.broadcast %max3A_2452 : i32 to vector<16xi32>
    %max3A_2454 = arith.maxsi %sub3A_2451, %max3A_2453 : vector<16xi32>
    %broadcast_in_dim3A_2455 = vector.shape_cast %max3A_2454 : vector<16xi32> to vector<16x1xi32>
    %gather3A_2456 = vector.shape_cast %broadcast_in_dim3A_2455 : vector<16x1xi32> to vector<16xi32>
    %gather3A_2457 = tpu.dynamic_gather %add3A_2448[%gather3A_2456] in [0] : vector<16xi32>, vector<16xi32> -> vector<16xi32>
    %ge3A_2458 = arith.constant 2 : i32
    %ge3A_2459 = vector.broadcast %ge3A_2458 : i32 to vector<16xi32>
    %ge3A_2460 = arith.cmpi sge, %iota3A, %ge3A_2459 : vector<16xi32>
    %jit3A_2461 = arith.constant 0 : i32
    %broadcast_in_dim3A_2462 = vector.broadcast %jit3A_2461 : i32 to vector<16xi32>
    %select_n3A_2463 = arith.select %ge3A_2460, %gather3A_2457, %broadcast_in_dim3A_2462 : vector<16xi1>, vector<16xi32>
    %add3A_2464 = arith.addi %add3A_2448, %select_n3A_2463 : vector<16xi32>
    %sub3A_2465 = arith.constant 4 : i32
    %sub3A_2466 = vector.broadcast %sub3A_2465 : i32 to vector<16xi32>
    %sub3A_2467 = arith.subi %iota3A, %sub3A_2466 : vector<16xi32>
    %max3A_2468 = arith.constant 0 : i32
    %max3A_2469 = vector.broadcast %max3A_2468 : i32 to vector<16xi32>
    %max3A_2470 = arith.maxsi %sub3A_2467, %max3A_2469 : vector<16xi32>
    %broadcast_in_dim3A_2471 = vector.shape_cast %max3A_2470 : vector<16xi32> to vector<16x1xi32>
    %gather3A_2472 = vector.shape_cast %broadcast_in_dim3A_2471 : vector<16x1xi32> to vector<16xi32>
    %gather3A_2473 = tpu.dynamic_gather %add3A_2464[%gather3A_2472] in [0] : vector<16xi32>, vector<16xi32> -> vector<16xi32>
    %ge3A_2474 = arith.constant 4 : i32
    %ge3A_2475 = vector.broadcast %ge3A_2474 : i32 to vector<16xi32>
    %ge3A_2476 = arith.cmpi sge, %iota3A, %ge3A_2475 : vector<16xi32>
    %jit3A_2477 = arith.constant 0 : i32
    %broadcast_in_dim3A_2478 = vector.broadcast %jit3A_2477 : i32 to vector<16xi32>
    %select_n3A_2479 = arith.select %ge3A_2476, %gather3A_2473, %broadcast_in_dim3A_2478 : vector<16xi1>, vector<16xi32>
    %add3A_2480 = arith.addi %add3A_2464, %select_n3A_2479 : vector<16xi32>
    %sub3A_2481 = arith.constant 8 : i32
    %sub3A_2482 = vector.broadcast %sub3A_2481 : i32 to vector<16xi32>
    %sub3A_2483 = arith.subi %iota3A, %sub3A_2482 : vector<16xi32>
    %max3A_2484 = arith.constant 0 : i32
    %max3A_2485 = vector.broadcast %max3A_2484 : i32 to vector<16xi32>
    %max3A_2486 = arith.maxsi %sub3A_2483, %max3A_2485 : vector<16xi32>
    %broadcast_in_dim3A_2487 = vector.shape_cast %max3A_2486 : vector<16xi32> to vector<16x1xi32>
    %gather3A_2488 = vector.shape_cast %broadcast_in_dim3A_2487 : vector<16x1xi32> to vector<16xi32>
    %gather3A_2489 = tpu.dynamic_gather %add3A_2480[%gather3A_2488] in [0] : vector<16xi32>, vector<16xi32> -> vector<16xi32>
    %ge3A_2490 = arith.constant 8 : i32
    %ge3A_2491 = vector.broadcast %ge3A_2490 : i32 to vector<16xi32>
    %ge3A_2492 = arith.cmpi sge, %iota3A, %ge3A_2491 : vector<16xi32>
    %jit3A_2493 = arith.constant 0 : i32
    %broadcast_in_dim3A_2494 = vector.broadcast %jit3A_2493 : i32 to vector<16xi32>
    %select_n3A_2495 = arith.select %ge3A_2492, %gather3A_2489, %broadcast_in_dim3A_2494 : vector<16xi1>, vector<16xi32>
    %add3A_2496 = arith.addi %add3A_2480, %select_n3A_2495 : vector<16xi32>
    %mul3A_2497 = arith.constant 512 : i32
    %mul3A_2498 = arith.muli %arg1, %mul3A_2497 : i32
    %add3A_2499 = arith.constant 400 : i32
    %add3A_2500 = arith.addi %mul3A_2498, %add3A_2499 : i32
    %add3A_2501 = vector.broadcast %add3A_2500 : i32 to vector<16xi32>
    %add3A_2502 = arith.addi %add3A_2501, %iota3A : vector<16xi32>
    %add3A_2503 = arith.addi %gather3A_24, %add3A_2427 : vector<16xi32>
    %add3A_2504 = arith.addi %add3A_2503, %add3A_2496 : vector<16xi32>
    %sub3A_2505 = arith.subi %add3A_2504, %get3A_2429 : vector<16xi32>
    %add3A_2506 = arith.addi %gather3A_32, %add3A_2502 : vector<16xi32>
    %sub3A_2507 = arith.subi %add3A_2506, %sub3A_2505 : vector<16xi32>
    %select_n3A_2508 = arith.select %gt3A_2432, %sub3A_2505, %sub3A_2507 : vector<16xi1>, vector<16xi32>
    %jit3A_2509 = arith.constant -1 : i32
    %broadcast_in_dim3A_2510 = vector.broadcast %jit3A_2509 : i32 to vector<16xi32>
    %select_n3A_2511 = arith.select %gt3A_2432, %add3A_2502, %broadcast_in_dim3A_2510 : vector<16xi1>, vector<16xi32>
    %swap3A_2512 = arith.constant 3 : i32
    %swap3A_2513 = arith.index_cast %swap3A_2512 : i32 to index
    %swap3A_2514 = arith.constant 16 : index
    %swap3A_2515 = tpu.vector_load %arg7[%swap3A_2513, %swap3A_2514] {strides = array<i32>} : memref<4x128xi32, #tpu.memory_space<vmem>>, vector<16xi32>,
    tpu.vector_store %arg7[%swap3A_2513, %swap3A_2514], %select_n3A_2508 {strides = array<i32>} : memref<4x128xi32, #tpu.memory_space<vmem>>, vector<16xi32>,
    %swap3A_2516 = arith.constant 3 : i32
    %swap3A_2517 = arith.index_cast %swap3A_2516 : i32 to index
    %swap3A_2518 = arith.constant 16 : index
    %swap3A_2519 = tpu.vector_load %arg8[%swap3A_2517, %swap3A_2518] {strides = array<i32>} : memref<4x128xi32, #tpu.memory_space<vmem>>, vector<16xi32>,
    tpu.vector_store %arg8[%swap3A_2517, %swap3A_2518], %select_n3A_2511 {strides = array<i32>} : memref<4x128xi32, #tpu.memory_space<vmem>>, vector<16xi32>,
    %broadcast_in_dim3A_2520 = vector.shape_cast %add3A_3 : vector<16xi32> to vector<16x1xi32>
    %gather3A_2521 = vector.shape_cast %broadcast_in_dim3A_2520 : vector<16x1xi32> to vector<16xi32>
    %gather3A_2522 = tpu.dynamic_gather %add3A_2496[%gather3A_2521] in [0] : vector<16xi32>, vector<16xi32> -> vector<16xi32>
    %add3A_2523 = arith.addi %add3A_2427, %gather3A_2522 : vector<16xi32>
    %get3A_2524 = arith.constant 416 : index
    %get3A_2525 = tpu.vector_load %arg5[%get3A_2524] {strides = array<i32>} : memref<512xi32, #tpu.memory_space<vmem>>, vector<16xi32>,
    %gt3A_2526 = arith.constant 0 : i32
    %gt3A_2527 = vector.broadcast %gt3A_2526 : i32 to vector<16xi32>
    %gt3A_2528 = arith.cmpi sgt, %get3A_2525, %gt3A_2527 : vector<16xi32>
    %sub3A_2529 = arith.constant 1 : i32
    %sub3A_2530 = vector.broadcast %sub3A_2529 : i32 to vector<16xi32>
    %sub3A_2531 = arith.subi %iota3A, %sub3A_2530 : vector<16xi32>
    %max3A_2532 = arith.constant 0 : i32
    %max3A_2533 = vector.broadcast %max3A_2532 : i32 to vector<16xi32>
    %max3A_2534 = arith.maxsi %sub3A_2531, %max3A_2533 : vector<16xi32>
    %broadcast_in_dim3A_2535 = vector.shape_cast %max3A_2534 : vector<16xi32> to vector<16x1xi32>
    %gather3A_2536 = vector.shape_cast %broadcast_in_dim3A_2535 : vector<16x1xi32> to vector<16xi32>
    %gather3A_2537 = tpu.dynamic_gather %get3A_2525[%gather3A_2536] in [0] : vector<16xi32>, vector<16xi32> -> vector<16xi32>
    %ge3A_2538 = arith.constant 1 : i32
    %ge3A_2539 = vector.broadcast %ge3A_2538 : i32 to vector<16xi32>
    %ge3A_2540 = arith.cmpi sge, %iota3A, %ge3A_2539 : vector<16xi32>
    %jit3A_2541 = arith.constant 0 : i32
    %broadcast_in_dim3A_2542 = vector.broadcast %jit3A_2541 : i32 to vector<16xi32>
    %select_n3A_2543 = arith.select %ge3A_2540, %gather3A_2537, %broadcast_in_dim3A_2542 : vector<16xi1>, vector<16xi32>
    %add3A_2544 = arith.addi %get3A_2525, %select_n3A_2543 : vector<16xi32>
    %sub3A_2545 = arith.constant 2 : i32
    %sub3A_2546 = vector.broadcast %sub3A_2545 : i32 to vector<16xi32>
    %sub3A_2547 = arith.subi %iota3A, %sub3A_2546 : vector<16xi32>
    %max3A_2548 = arith.constant 0 : i32
    %max3A_2549 = vector.broadcast %max3A_2548 : i32 to vector<16xi32>
    %max3A_2550 = arith.maxsi %sub3A_2547, %max3A_2549 : vector<16xi32>
    %broadcast_in_dim3A_2551 = vector.shape_cast %max3A_2550 : vector<16xi32> to vector<16x1xi32>
    %gather3A_2552 = vector.shape_cast %broadcast_in_dim3A_2551 : vector<16x1xi32> to vector<16xi32>
    %gather3A_2553 = tpu.dynamic_gather %add3A_2544[%gather3A_2552] in [0] : vector<16xi32>, vector<16xi32> -> vector<16xi32>
    %ge3A_2554 = arith.constant 2 : i32
    %ge3A_2555 = vector.broadcast %ge3A_2554 : i32 to vector<16xi32>
    %ge3A_2556 = arith.cmpi sge, %iota3A, %ge3A_2555 : vector<16xi32>
    %jit3A_2557 = arith.constant 0 : i32
    %broadcast_in_dim3A_2558 = vector.broadcast %jit3A_2557 : i32 to vector<16xi32>
    %select_n3A_2559 = arith.select %ge3A_2556, %gather3A_2553, %broadcast_in_dim3A_2558 : vector<16xi1>, vector<16xi32>
    %add3A_2560 = arith.addi %add3A_2544, %select_n3A_2559 : vector<16xi32>
    %sub3A_2561 = arith.constant 4 : i32
    %sub3A_2562 = vector.broadcast %sub3A_2561 : i32 to vector<16xi32>
    %sub3A_2563 = arith.subi %iota3A, %sub3A_2562 : vector<16xi32>
    %max3A_2564 = arith.constant 0 : i32
    %max3A_2565 = vector.broadcast %max3A_2564 : i32 to vector<16xi32>
    %max3A_2566 = arith.maxsi %sub3A_2563, %max3A_2565 : vector<16xi32>
    %broadcast_in_dim3A_2567 = vector.shape_cast %max3A_2566 : vector<16xi32> to vector<16x1xi32>
    %gather3A_2568 = vector.shape_cast %broadcast_in_dim3A_2567 : vector<16x1xi32> to vector<16xi32>
    %gather3A_2569 = tpu.dynamic_gather %add3A_2560[%gather3A_2568] in [0] : vector<16xi32>, vector<16xi32> -> vector<16xi32>
    %ge3A_2570 = arith.constant 4 : i32
    %ge3A_2571 = vector.broadcast %ge3A_2570 : i32 to vector<16xi32>
    %ge3A_2572 = arith.cmpi sge, %iota3A, %ge3A_2571 : vector<16xi32>
    %jit3A_2573 = arith.constant 0 : i32
    %broadcast_in_dim3A_2574 = vector.broadcast %jit3A_2573 : i32 to vector<16xi32>
    %select_n3A_2575 = arith.select %ge3A_2572, %gather3A_2569, %broadcast_in_dim3A_2574 : vector<16xi1>, vector<16xi32>
    %add3A_2576 = arith.addi %add3A_2560, %select_n3A_2575 : vector<16xi32>
    %sub3A_2577 = arith.constant 8 : i32
    %sub3A_2578 = vector.broadcast %sub3A_2577 : i32 to vector<16xi32>
    %sub3A_2579 = arith.subi %iota3A, %sub3A_2578 : vector<16xi32>
    %max3A_2580 = arith.constant 0 : i32
    %max3A_2581 = vector.broadcast %max3A_2580 : i32 to vector<16xi32>
    %max3A_2582 = arith.maxsi %sub3A_2579, %max3A_2581 : vector<16xi32>
    %broadcast_in_dim3A_2583 = vector.shape_cast %max3A_2582 : vector<16xi32> to vector<16x1xi32>
    %gather3A_2584 = vector.shape_cast %broadcast_in_dim3A_2583 : vector<16x1xi32> to vector<16xi32>
    %gather3A_2585 = tpu.dynamic_gather %add3A_2576[%gather3A_2584] in [0] : vector<16xi32>, vector<16xi32> -> vector<16xi32>
    %ge3A_2586 = arith.constant 8 : i32
    %ge3A_2587 = vector.broadcast %ge3A_2586 : i32 to vector<16xi32>
    %ge3A_2588 = arith.cmpi sge, %iota3A, %ge3A_2587 : vector<16xi32>
    %jit3A_2589 = arith.constant 0 : i32
    %broadcast_in_dim3A_2590 = vector.broadcast %jit3A_2589 : i32 to vector<16xi32>
    %select_n3A_2591 = arith.select %ge3A_2588, %gather3A_2585, %broadcast_in_dim3A_2590 : vector<16xi1>, vector<16xi32>
    %add3A_2592 = arith.addi %add3A_2576, %select_n3A_2591 : vector<16xi32>
    %mul3A_2593 = arith.constant 512 : i32
    %mul3A_2594 = arith.muli %arg1, %mul3A_2593 : i32
    %add3A_2595 = arith.constant 416 : i32
    %add3A_2596 = arith.addi %mul3A_2594, %add3A_2595 : i32
    %add3A_2597 = vector.broadcast %add3A_2596 : i32 to vector<16xi32>
    %add3A_2598 = arith.addi %add3A_2597, %iota3A : vector<16xi32>
    %add3A_2599 = arith.addi %gather3A_24, %add3A_2523 : vector<16xi32>
    %add3A_2600 = arith.addi %add3A_2599, %add3A_2592 : vector<16xi32>
    %sub3A_2601 = arith.subi %add3A_2600, %get3A_2525 : vector<16xi32>
    %add3A_2602 = arith.addi %gather3A_32, %add3A_2598 : vector<16xi32>
    %sub3A_2603 = arith.subi %add3A_2602, %sub3A_2601 : vector<16xi32>
    %select_n3A_2604 = arith.select %gt3A_2528, %sub3A_2601, %sub3A_2603 : vector<16xi1>, vector<16xi32>
    %jit3A_2605 = arith.constant -1 : i32
    %broadcast_in_dim3A_2606 = vector.broadcast %jit3A_2605 : i32 to vector<16xi32>
    %select_n3A_2607 = arith.select %gt3A_2528, %add3A_2598, %broadcast_in_dim3A_2606 : vector<16xi1>, vector<16xi32>
    %swap3A_2608 = arith.constant 3 : i32
    %swap3A_2609 = arith.index_cast %swap3A_2608 : i32 to index
    %swap3A_2610 = arith.constant 32 : index
    %swap3A_2611 = tpu.vector_load %arg7[%swap3A_2609, %swap3A_2610] {strides = array<i32>} : memref<4x128xi32, #tpu.memory_space<vmem>>, vector<16xi32>,
    tpu.vector_store %arg7[%swap3A_2609, %swap3A_2610], %select_n3A_2604 {strides = array<i32>} : memref<4x128xi32, #tpu.memory_space<vmem>>, vector<16xi32>,
    %swap3A_2612 = arith.constant 3 : i32
    %swap3A_2613 = arith.index_cast %swap3A_2612 : i32 to index
    %swap3A_2614 = arith.constant 32 : index
    %swap3A_2615 = tpu.vector_load %arg8[%swap3A_2613, %swap3A_2614] {strides = array<i32>} : memref<4x128xi32, #tpu.memory_space<vmem>>, vector<16xi32>,
    tpu.vector_store %arg8[%swap3A_2613, %swap3A_2614], %select_n3A_2607 {strides = array<i32>} : memref<4x128xi32, #tpu.memory_space<vmem>>, vector<16xi32>,
    %broadcast_in_dim3A_2616 = vector.shape_cast %add3A_3 : vector<16xi32> to vector<16x1xi32>
    %gather3A_2617 = vector.shape_cast %broadcast_in_dim3A_2616 : vector<16x1xi32> to vector<16xi32>
    %gather3A_2618 = tpu.dynamic_gather %add3A_2592[%gather3A_2617] in [0] : vector<16xi32>, vector<16xi32> -> vector<16xi32>
    %add3A_2619 = arith.addi %add3A_2523, %gather3A_2618 : vector<16xi32>
    %get3A_2620 = arith.constant 432 : index
    %get3A_2621 = tpu.vector_load %arg5[%get3A_2620] {strides = array<i32>} : memref<512xi32, #tpu.memory_space<vmem>>, vector<16xi32>,
    %gt3A_2622 = arith.constant 0 : i32
    %gt3A_2623 = vector.broadcast %gt3A_2622 : i32 to vector<16xi32>
    %gt3A_2624 = arith.cmpi sgt, %get3A_2621, %gt3A_2623 : vector<16xi32>
    %sub3A_2625 = arith.constant 1 : i32
    %sub3A_2626 = vector.broadcast %sub3A_2625 : i32 to vector<16xi32>
    %sub3A_2627 = arith.subi %iota3A, %sub3A_2626 : vector<16xi32>
    %max3A_2628 = arith.constant 0 : i32
    %max3A_2629 = vector.broadcast %max3A_2628 : i32 to vector<16xi32>
    %max3A_2630 = arith.maxsi %sub3A_2627, %max3A_2629 : vector<16xi32>
    %broadcast_in_dim3A_2631 = vector.shape_cast %max3A_2630 : vector<16xi32> to vector<16x1xi32>
    %gather3A_2632 = vector.shape_cast %broadcast_in_dim3A_2631 : vector<16x1xi32> to vector<16xi32>
    %gather3A_2633 = tpu.dynamic_gather %get3A_2621[%gather3A_2632] in [0] : vector<16xi32>, vector<16xi32> -> vector<16xi32>
    %ge3A_2634 = arith.constant 1 : i32
    %ge3A_2635 = vector.broadcast %ge3A_2634 : i32 to vector<16xi32>
    %ge3A_2636 = arith.cmpi sge, %iota3A, %ge3A_2635 : vector<16xi32>
    %jit3A_2637 = arith.constant 0 : i32
    %broadcast_in_dim3A_2638 = vector.broadcast %jit3A_2637 : i32 to vector<16xi32>
    %select_n3A_2639 = arith.select %ge3A_2636, %gather3A_2633, %broadcast_in_dim3A_2638 : vector<16xi1>, vector<16xi32>
    %add3A_2640 = arith.addi %get3A_2621, %select_n3A_2639 : vector<16xi32>
    %sub3A_2641 = arith.constant 2 : i32
    %sub3A_2642 = vector.broadcast %sub3A_2641 : i32 to vector<16xi32>
    %sub3A_2643 = arith.subi %iota3A, %sub3A_2642 : vector<16xi32>
    %max3A_2644 = arith.constant 0 : i32
    %max3A_2645 = vector.broadcast %max3A_2644 : i32 to vector<16xi32>
    %max3A_2646 = arith.maxsi %sub3A_2643, %max3A_2645 : vector<16xi32>
    %broadcast_in_dim3A_2647 = vector.shape_cast %max3A_2646 : vector<16xi32> to vector<16x1xi32>
    %gather3A_2648 = vector.shape_cast %broadcast_in_dim3A_2647 : vector<16x1xi32> to vector<16xi32>
    %gather3A_2649 = tpu.dynamic_gather %add3A_2640[%gather3A_2648] in [0] : vector<16xi32>, vector<16xi32> -> vector<16xi32>
    %ge3A_2650 = arith.constant 2 : i32
    %ge3A_2651 = vector.broadcast %ge3A_2650 : i32 to vector<16xi32>
    %ge3A_2652 = arith.cmpi sge, %iota3A, %ge3A_2651 : vector<16xi32>
    %jit3A_2653 = arith.constant 0 : i32
    %broadcast_in_dim3A_2654 = vector.broadcast %jit3A_2653 : i32 to vector<16xi32>
    %select_n3A_2655 = arith.select %ge3A_2652, %gather3A_2649, %broadcast_in_dim3A_2654 : vector<16xi1>, vector<16xi32>
    %add3A_2656 = arith.addi %add3A_2640, %select_n3A_2655 : vector<16xi32>
    %sub3A_2657 = arith.constant 4 : i32
    %sub3A_2658 = vector.broadcast %sub3A_2657 : i32 to vector<16xi32>
    %sub3A_2659 = arith.subi %iota3A, %sub3A_2658 : vector<16xi32>
    %max3A_2660 = arith.constant 0 : i32
    %max3A_2661 = vector.broadcast %max3A_2660 : i32 to vector<16xi32>
    %max3A_2662 = arith.maxsi %sub3A_2659, %max3A_2661 : vector<16xi32>
    %broadcast_in_dim3A_2663 = vector.shape_cast %max3A_2662 : vector<16xi32> to vector<16x1xi32>
    %gather3A_2664 = vector.shape_cast %broadcast_in_dim3A_2663 : vector<16x1xi32> to vector<16xi32>
    %gather3A_2665 = tpu.dynamic_gather %add3A_2656[%gather3A_2664] in [0] : vector<16xi32>, vector<16xi32> -> vector<16xi32>
    %ge3A_2666 = arith.constant 4 : i32
    %ge3A_2667 = vector.broadcast %ge3A_2666 : i32 to vector<16xi32>
    %ge3A_2668 = arith.cmpi sge, %iota3A, %ge3A_2667 : vector<16xi32>
    %jit3A_2669 = arith.constant 0 : i32
    %broadcast_in_dim3A_2670 = vector.broadcast %jit3A_2669 : i32 to vector<16xi32>
    %select_n3A_2671 = arith.select %ge3A_2668, %gather3A_2665, %broadcast_in_dim3A_2670 : vector<16xi1>, vector<16xi32>
    %add3A_2672 = arith.addi %add3A_2656, %select_n3A_2671 : vector<16xi32>
    %sub3A_2673 = arith.constant 8 : i32
    %sub3A_2674 = vector.broadcast %sub3A_2673 : i32 to vector<16xi32>
    %sub3A_2675 = arith.subi %iota3A, %sub3A_2674 : vector<16xi32>
    %max3A_2676 = arith.constant 0 : i32
    %max3A_2677 = vector.broadcast %max3A_2676 : i32 to vector<16xi32>
    %max3A_2678 = arith.maxsi %sub3A_2675, %max3A_2677 : vector<16xi32>
    %broadcast_in_dim3A_2679 = vector.shape_cast %max3A_2678 : vector<16xi32> to vector<16x1xi32>
    %gather3A_2680 = vector.shape_cast %broadcast_in_dim3A_2679 : vector<16x1xi32> to vector<16xi32>
    %gather3A_2681 = tpu.dynamic_gather %add3A_2672[%gather3A_2680] in [0] : vector<16xi32>, vector<16xi32> -> vector<16xi32>
    %ge3A_2682 = arith.constant 8 : i32
    %ge3A_2683 = vector.broadcast %ge3A_2682 : i32 to vector<16xi32>
    %ge3A_2684 = arith.cmpi sge, %iota3A, %ge3A_2683 : vector<16xi32>
    %jit3A_2685 = arith.constant 0 : i32
    %broadcast_in_dim3A_2686 = vector.broadcast %jit3A_2685 : i32 to vector<16xi32>
    %select_n3A_2687 = arith.select %ge3A_2684, %gather3A_2681, %broadcast_in_dim3A_2686 : vector<16xi1>, vector<16xi32>
    %add3A_2688 = arith.addi %add3A_2672, %select_n3A_2687 : vector<16xi32>
    %mul3A_2689 = arith.constant 512 : i32
    %mul3A_2690 = arith.muli %arg1, %mul3A_2689 : i32
    %add3A_2691 = arith.constant 432 : i32
    %add3A_2692 = arith.addi %mul3A_2690, %add3A_2691 : i32
    %add3A_2693 = vector.broadcast %add3A_2692 : i32 to vector<16xi32>
    %add3A_2694 = arith.addi %add3A_2693, %iota3A : vector<16xi32>
    %add3A_2695 = arith.addi %gather3A_24, %add3A_2619 : vector<16xi32>
    %add3A_2696 = arith.addi %add3A_2695, %add3A_2688 : vector<16xi32>
    %sub3A_2697 = arith.subi %add3A_2696, %get3A_2621 : vector<16xi32>
    %add3A_2698 = arith.addi %gather3A_32, %add3A_2694 : vector<16xi32>
    %sub3A_2699 = arith.subi %add3A_2698, %sub3A_2697 : vector<16xi32>
    %select_n3A_2700 = arith.select %gt3A_2624, %sub3A_2697, %sub3A_2699 : vector<16xi1>, vector<16xi32>
    %jit3A_2701 = arith.constant -1 : i32
    %broadcast_in_dim3A_2702 = vector.broadcast %jit3A_2701 : i32 to vector<16xi32>
    %select_n3A_2703 = arith.select %gt3A_2624, %add3A_2694, %broadcast_in_dim3A_2702 : vector<16xi1>, vector<16xi32>
    %swap3A_2704 = arith.constant 3 : i32
    %swap3A_2705 = arith.index_cast %swap3A_2704 : i32 to index
    %swap3A_2706 = arith.constant 48 : index
    %swap3A_2707 = tpu.vector_load %arg7[%swap3A_2705, %swap3A_2706] {strides = array<i32>} : memref<4x128xi32, #tpu.memory_space<vmem>>, vector<16xi32>,
    tpu.vector_store %arg7[%swap3A_2705, %swap3A_2706], %select_n3A_2700 {strides = array<i32>} : memref<4x128xi32, #tpu.memory_space<vmem>>, vector<16xi32>,
    %swap3A_2708 = arith.constant 3 : i32
    %swap3A_2709 = arith.index_cast %swap3A_2708 : i32 to index
    %swap3A_2710 = arith.constant 48 : index
    %swap3A_2711 = tpu.vector_load %arg8[%swap3A_2709, %swap3A_2710] {strides = array<i32>} : memref<4x128xi32, #tpu.memory_space<vmem>>, vector<16xi32>,
    tpu.vector_store %arg8[%swap3A_2709, %swap3A_2710], %select_n3A_2703 {strides = array<i32>} : memref<4x128xi32, #tpu.memory_space<vmem>>, vector<16xi32>,
    %broadcast_in_dim3A_2712 = vector.shape_cast %add3A_3 : vector<16xi32> to vector<16x1xi32>
    %gather3A_2713 = vector.shape_cast %broadcast_in_dim3A_2712 : vector<16x1xi32> to vector<16xi32>
    %gather3A_2714 = tpu.dynamic_gather %add3A_2688[%gather3A_2713] in [0] : vector<16xi32>, vector<16xi32> -> vector<16xi32>
    %add3A_2715 = arith.addi %add3A_2619, %gather3A_2714 : vector<16xi32>
    %get3A_2716 = arith.constant 448 : index
    %get3A_2717 = tpu.vector_load %arg5[%get3A_2716] {strides = array<i32>} : memref<512xi32, #tpu.memory_space<vmem>>, vector<16xi32>,
    %gt3A_2718 = arith.constant 0 : i32
    %gt3A_2719 = vector.broadcast %gt3A_2718 : i32 to vector<16xi32>
    %gt3A_2720 = arith.cmpi sgt, %get3A_2717, %gt3A_2719 : vector<16xi32>
    %sub3A_2721 = arith.constant 1 : i32
    %sub3A_2722 = vector.broadcast %sub3A_2721 : i32 to vector<16xi32>
    %sub3A_2723 = arith.subi %iota3A, %sub3A_2722 : vector<16xi32>
    %max3A_2724 = arith.constant 0 : i32
    %max3A_2725 = vector.broadcast %max3A_2724 : i32 to vector<16xi32>
    %max3A_2726 = arith.maxsi %sub3A_2723, %max3A_2725 : vector<16xi32>
    %broadcast_in_dim3A_2727 = vector.shape_cast %max3A_2726 : vector<16xi32> to vector<16x1xi32>
    %gather3A_2728 = vector.shape_cast %broadcast_in_dim3A_2727 : vector<16x1xi32> to vector<16xi32>
    %gather3A_2729 = tpu.dynamic_gather %get3A_2717[%gather3A_2728] in [0] : vector<16xi32>, vector<16xi32> -> vector<16xi32>
    %ge3A_2730 = arith.constant 1 : i32
    %ge3A_2731 = vector.broadcast %ge3A_2730 : i32 to vector<16xi32>
    %ge3A_2732 = arith.cmpi sge, %iota3A, %ge3A_2731 : vector<16xi32>
    %jit3A_2733 = arith.constant 0 : i32
    %broadcast_in_dim3A_2734 = vector.broadcast %jit3A_2733 : i32 to vector<16xi32>
    %select_n3A_2735 = arith.select %ge3A_2732, %gather3A_2729, %broadcast_in_dim3A_2734 : vector<16xi1>, vector<16xi32>
    %add3A_2736 = arith.addi %get3A_2717, %select_n3A_2735 : vector<16xi32>
    %sub3A_2737 = arith.constant 2 : i32
    %sub3A_2738 = vector.broadcast %sub3A_2737 : i32 to vector<16xi32>
    %sub3A_2739 = arith.subi %iota3A, %sub3A_2738 : vector<16xi32>
    %max3A_2740 = arith.constant 0 : i32
    %max3A_2741 = vector.broadcast %max3A_2740 : i32 to vector<16xi32>
    %max3A_2742 = arith.maxsi %sub3A_2739, %max3A_2741 : vector<16xi32>
    %broadcast_in_dim3A_2743 = vector.shape_cast %max3A_2742 : vector<16xi32> to vector<16x1xi32>
    %gather3A_2744 = vector.shape_cast %broadcast_in_dim3A_2743 : vector<16x1xi32> to vector<16xi32>
    %gather3A_2745 = tpu.dynamic_gather %add3A_2736[%gather3A_2744] in [0] : vector<16xi32>, vector<16xi32> -> vector<16xi32>
    %ge3A_2746 = arith.constant 2 : i32
    %ge3A_2747 = vector.broadcast %ge3A_2746 : i32 to vector<16xi32>
    %ge3A_2748 = arith.cmpi sge, %iota3A, %ge3A_2747 : vector<16xi32>
    %jit3A_2749 = arith.constant 0 : i32
    %broadcast_in_dim3A_2750 = vector.broadcast %jit3A_2749 : i32 to vector<16xi32>
    %select_n3A_2751 = arith.select %ge3A_2748, %gather3A_2745, %broadcast_in_dim3A_2750 : vector<16xi1>, vector<16xi32>
    %add3A_2752 = arith.addi %add3A_2736, %select_n3A_2751 : vector<16xi32>
    %sub3A_2753 = arith.constant 4 : i32
    %sub3A_2754 = vector.broadcast %sub3A_2753 : i32 to vector<16xi32>
    %sub3A_2755 = arith.subi %iota3A, %sub3A_2754 : vector<16xi32>
    %max3A_2756 = arith.constant 0 : i32
    %max3A_2757 = vector.broadcast %max3A_2756 : i32 to vector<16xi32>
    %max3A_2758 = arith.maxsi %sub3A_2755, %max3A_2757 : vector<16xi32>
    %broadcast_in_dim3A_2759 = vector.shape_cast %max3A_2758 : vector<16xi32> to vector<16x1xi32>
    %gather3A_2760 = vector.shape_cast %broadcast_in_dim3A_2759 : vector<16x1xi32> to vector<16xi32>
    %gather3A_2761 = tpu.dynamic_gather %add3A_2752[%gather3A_2760] in [0] : vector<16xi32>, vector<16xi32> -> vector<16xi32>
    %ge3A_2762 = arith.constant 4 : i32
    %ge3A_2763 = vector.broadcast %ge3A_2762 : i32 to vector<16xi32>
    %ge3A_2764 = arith.cmpi sge, %iota3A, %ge3A_2763 : vector<16xi32>
    %jit3A_2765 = arith.constant 0 : i32
    %broadcast_in_dim3A_2766 = vector.broadcast %jit3A_2765 : i32 to vector<16xi32>
    %select_n3A_2767 = arith.select %ge3A_2764, %gather3A_2761, %broadcast_in_dim3A_2766 : vector<16xi1>, vector<16xi32>
    %add3A_2768 = arith.addi %add3A_2752, %select_n3A_2767 : vector<16xi32>
    %sub3A_2769 = arith.constant 8 : i32
    %sub3A_2770 = vector.broadcast %sub3A_2769 : i32 to vector<16xi32>
    %sub3A_2771 = arith.subi %iota3A, %sub3A_2770 : vector<16xi32>
    %max3A_2772 = arith.constant 0 : i32
    %max3A_2773 = vector.broadcast %max3A_2772 : i32 to vector<16xi32>
    %max3A_2774 = arith.maxsi %sub3A_2771, %max3A_2773 : vector<16xi32>
    %broadcast_in_dim3A_2775 = vector.shape_cast %max3A_2774 : vector<16xi32> to vector<16x1xi32>
    %gather3A_2776 = vector.shape_cast %broadcast_in_dim3A_2775 : vector<16x1xi32> to vector<16xi32>
    %gather3A_2777 = tpu.dynamic_gather %add3A_2768[%gather3A_2776] in [0] : vector<16xi32>, vector<16xi32> -> vector<16xi32>
    %ge3A_2778 = arith.constant 8 : i32
    %ge3A_2779 = vector.broadcast %ge3A_2778 : i32 to vector<16xi32>
    %ge3A_2780 = arith.cmpi sge, %iota3A, %ge3A_2779 : vector<16xi32>
    %jit3A_2781 = arith.constant 0 : i32
    %broadcast_in_dim3A_2782 = vector.broadcast %jit3A_2781 : i32 to vector<16xi32>
    %select_n3A_2783 = arith.select %ge3A_2780, %gather3A_2777, %broadcast_in_dim3A_2782 : vector<16xi1>, vector<16xi32>
    %add3A_2784 = arith.addi %add3A_2768, %select_n3A_2783 : vector<16xi32>
    %mul3A_2785 = arith.constant 512 : i32
    %mul3A_2786 = arith.muli %arg1, %mul3A_2785 : i32
    %add3A_2787 = arith.constant 448 : i32
    %add3A_2788 = arith.addi %mul3A_2786, %add3A_2787 : i32
    %add3A_2789 = vector.broadcast %add3A_2788 : i32 to vector<16xi32>
    %add3A_2790 = arith.addi %add3A_2789, %iota3A : vector<16xi32>
    %add3A_2791 = arith.addi %gather3A_24, %add3A_2715 : vector<16xi32>
    %add3A_2792 = arith.addi %add3A_2791, %add3A_2784 : vector<16xi32>
    %sub3A_2793 = arith.subi %add3A_2792, %get3A_2717 : vector<16xi32>
    %add3A_2794 = arith.addi %gather3A_32, %add3A_2790 : vector<16xi32>
    %sub3A_2795 = arith.subi %add3A_2794, %sub3A_2793 : vector<16xi32>
    %select_n3A_2796 = arith.select %gt3A_2720, %sub3A_2793, %sub3A_2795 : vector<16xi1>, vector<16xi32>
    %jit3A_2797 = arith.constant -1 : i32
    %broadcast_in_dim3A_2798 = vector.broadcast %jit3A_2797 : i32 to vector<16xi32>
    %select_n3A_2799 = arith.select %gt3A_2720, %add3A_2790, %broadcast_in_dim3A_2798 : vector<16xi1>, vector<16xi32>
    %swap3A_2800 = arith.constant 3 : i32
    %swap3A_2801 = arith.index_cast %swap3A_2800 : i32 to index
    %swap3A_2802 = arith.constant 64 : index
    %swap3A_2803 = tpu.vector_load %arg7[%swap3A_2801, %swap3A_2802] {strides = array<i32>} : memref<4x128xi32, #tpu.memory_space<vmem>>, vector<16xi32>,
    tpu.vector_store %arg7[%swap3A_2801, %swap3A_2802], %select_n3A_2796 {strides = array<i32>} : memref<4x128xi32, #tpu.memory_space<vmem>>, vector<16xi32>,
    %swap3A_2804 = arith.constant 3 : i32
    %swap3A_2805 = arith.index_cast %swap3A_2804 : i32 to index
    %swap3A_2806 = arith.constant 64 : index
    %swap3A_2807 = tpu.vector_load %arg8[%swap3A_2805, %swap3A_2806] {strides = array<i32>} : memref<4x128xi32, #tpu.memory_space<vmem>>, vector<16xi32>,
    tpu.vector_store %arg8[%swap3A_2805, %swap3A_2806], %select_n3A_2799 {strides = array<i32>} : memref<4x128xi32, #tpu.memory_space<vmem>>, vector<16xi32>,
    %broadcast_in_dim3A_2808 = vector.shape_cast %add3A_3 : vector<16xi32> to vector<16x1xi32>
    %gather3A_2809 = vector.shape_cast %broadcast_in_dim3A_2808 : vector<16x1xi32> to vector<16xi32>
    %gather3A_2810 = tpu.dynamic_gather %add3A_2784[%gather3A_2809] in [0] : vector<16xi32>, vector<16xi32> -> vector<16xi32>
    %add3A_2811 = arith.addi %add3A_2715, %gather3A_2810 : vector<16xi32>
    %get3A_2812 = arith.constant 464 : index
    %get3A_2813 = tpu.vector_load %arg5[%get3A_2812] {strides = array<i32>} : memref<512xi32, #tpu.memory_space<vmem>>, vector<16xi32>,
    %gt3A_2814 = arith.constant 0 : i32
    %gt3A_2815 = vector.broadcast %gt3A_2814 : i32 to vector<16xi32>
    %gt3A_2816 = arith.cmpi sgt, %get3A_2813, %gt3A_2815 : vector<16xi32>
    %sub3A_2817 = arith.constant 1 : i32
    %sub3A_2818 = vector.broadcast %sub3A_2817 : i32 to vector<16xi32>
    %sub3A_2819 = arith.subi %iota3A, %sub3A_2818 : vector<16xi32>
    %max3A_2820 = arith.constant 0 : i32
    %max3A_2821 = vector.broadcast %max3A_2820 : i32 to vector<16xi32>
    %max3A_2822 = arith.maxsi %sub3A_2819, %max3A_2821 : vector<16xi32>
    %broadcast_in_dim3A_2823 = vector.shape_cast %max3A_2822 : vector<16xi32> to vector<16x1xi32>
    %gather3A_2824 = vector.shape_cast %broadcast_in_dim3A_2823 : vector<16x1xi32> to vector<16xi32>
    %gather3A_2825 = tpu.dynamic_gather %get3A_2813[%gather3A_2824] in [0] : vector<16xi32>, vector<16xi32> -> vector<16xi32>
    %ge3A_2826 = arith.constant 1 : i32
    %ge3A_2827 = vector.broadcast %ge3A_2826 : i32 to vector<16xi32>
    %ge3A_2828 = arith.cmpi sge, %iota3A, %ge3A_2827 : vector<16xi32>
    %jit3A_2829 = arith.constant 0 : i32
    %broadcast_in_dim3A_2830 = vector.broadcast %jit3A_2829 : i32 to vector<16xi32>
    %select_n3A_2831 = arith.select %ge3A_2828, %gather3A_2825, %broadcast_in_dim3A_2830 : vector<16xi1>, vector<16xi32>
    %add3A_2832 = arith.addi %get3A_2813, %select_n3A_2831 : vector<16xi32>
    %sub3A_2833 = arith.constant 2 : i32
    %sub3A_2834 = vector.broadcast %sub3A_2833 : i32 to vector<16xi32>
    %sub3A_2835 = arith.subi %iota3A, %sub3A_2834 : vector<16xi32>
    %max3A_2836 = arith.constant 0 : i32
    %max3A_2837 = vector.broadcast %max3A_2836 : i32 to vector<16xi32>
    %max3A_2838 = arith.maxsi %sub3A_2835, %max3A_2837 : vector<16xi32>
    %broadcast_in_dim3A_2839 = vector.shape_cast %max3A_2838 : vector<16xi32> to vector<16x1xi32>
    %gather3A_2840 = vector.shape_cast %broadcast_in_dim3A_2839 : vector<16x1xi32> to vector<16xi32>
    %gather3A_2841 = tpu.dynamic_gather %add3A_2832[%gather3A_2840] in [0] : vector<16xi32>, vector<16xi32> -> vector<16xi32>
    %ge3A_2842 = arith.constant 2 : i32
    %ge3A_2843 = vector.broadcast %ge3A_2842 : i32 to vector<16xi32>
    %ge3A_2844 = arith.cmpi sge, %iota3A, %ge3A_2843 : vector<16xi32>
    %jit3A_2845 = arith.constant 0 : i32
    %broadcast_in_dim3A_2846 = vector.broadcast %jit3A_2845 : i32 to vector<16xi32>
    %select_n3A_2847 = arith.select %ge3A_2844, %gather3A_2841, %broadcast_in_dim3A_2846 : vector<16xi1>, vector<16xi32>
    %add3A_2848 = arith.addi %add3A_2832, %select_n3A_2847 : vector<16xi32>
    %sub3A_2849 = arith.constant 4 : i32
    %sub3A_2850 = vector.broadcast %sub3A_2849 : i32 to vector<16xi32>
    %sub3A_2851 = arith.subi %iota3A, %sub3A_2850 : vector<16xi32>
    %max3A_2852 = arith.constant 0 : i32
    %max3A_2853 = vector.broadcast %max3A_2852 : i32 to vector<16xi32>
    %max3A_2854 = arith.maxsi %sub3A_2851, %max3A_2853 : vector<16xi32>
    %broadcast_in_dim3A_2855 = vector.shape_cast %max3A_2854 : vector<16xi32> to vector<16x1xi32>
    %gather3A_2856 = vector.shape_cast %broadcast_in_dim3A_2855 : vector<16x1xi32> to vector<16xi32>
    %gather3A_2857 = tpu.dynamic_gather %add3A_2848[%gather3A_2856] in [0] : vector<16xi32>, vector<16xi32> -> vector<16xi32>
    %ge3A_2858 = arith.constant 4 : i32
    %ge3A_2859 = vector.broadcast %ge3A_2858 : i32 to vector<16xi32>
    %ge3A_2860 = arith.cmpi sge, %iota3A, %ge3A_2859 : vector<16xi32>
    %jit3A_2861 = arith.constant 0 : i32
    %broadcast_in_dim3A_2862 = vector.broadcast %jit3A_2861 : i32 to vector<16xi32>
    %select_n3A_2863 = arith.select %ge3A_2860, %gather3A_2857, %broadcast_in_dim3A_2862 : vector<16xi1>, vector<16xi32>
    %add3A_2864 = arith.addi %add3A_2848, %select_n3A_2863 : vector<16xi32>
    %sub3A_2865 = arith.constant 8 : i32
    %sub3A_2866 = vector.broadcast %sub3A_2865 : i32 to vector<16xi32>
    %sub3A_2867 = arith.subi %iota3A, %sub3A_2866 : vector<16xi32>
    %max3A_2868 = arith.constant 0 : i32
    %max3A_2869 = vector.broadcast %max3A_2868 : i32 to vector<16xi32>
    %max3A_2870 = arith.maxsi %sub3A_2867, %max3A_2869 : vector<16xi32>
    %broadcast_in_dim3A_2871 = vector.shape_cast %max3A_2870 : vector<16xi32> to vector<16x1xi32>
    %gather3A_2872 = vector.shape_cast %broadcast_in_dim3A_2871 : vector<16x1xi32> to vector<16xi32>
    %gather3A_2873 = tpu.dynamic_gather %add3A_2864[%gather3A_2872] in [0] : vector<16xi32>, vector<16xi32> -> vector<16xi32>
    %ge3A_2874 = arith.constant 8 : i32
    %ge3A_2875 = vector.broadcast %ge3A_2874 : i32 to vector<16xi32>
    %ge3A_2876 = arith.cmpi sge, %iota3A, %ge3A_2875 : vector<16xi32>
    %jit3A_2877 = arith.constant 0 : i32
    %broadcast_in_dim3A_2878 = vector.broadcast %jit3A_2877 : i32 to vector<16xi32>
    %select_n3A_2879 = arith.select %ge3A_2876, %gather3A_2873, %broadcast_in_dim3A_2878 : vector<16xi1>, vector<16xi32>
    %add3A_2880 = arith.addi %add3A_2864, %select_n3A_2879 : vector<16xi32>
    %mul3A_2881 = arith.constant 512 : i32
    %mul3A_2882 = arith.muli %arg1, %mul3A_2881 : i32
    %add3A_2883 = arith.constant 464 : i32
    %add3A_2884 = arith.addi %mul3A_2882, %add3A_2883 : i32
    %add3A_2885 = vector.broadcast %add3A_2884 : i32 to vector<16xi32>
    %add3A_2886 = arith.addi %add3A_2885, %iota3A : vector<16xi32>
    %add3A_2887 = arith.addi %gather3A_24, %add3A_2811 : vector<16xi32>
    %add3A_2888 = arith.addi %add3A_2887, %add3A_2880 : vector<16xi32>
    %sub3A_2889 = arith.subi %add3A_2888, %get3A_2813 : vector<16xi32>
    %add3A_2890 = arith.addi %gather3A_32, %add3A_2886 : vector<16xi32>
    %sub3A_2891 = arith.subi %add3A_2890, %sub3A_2889 : vector<16xi32>
    %select_n3A_2892 = arith.select %gt3A_2816, %sub3A_2889, %sub3A_2891 : vector<16xi1>, vector<16xi32>
    %jit3A_2893 = arith.constant -1 : i32
    %broadcast_in_dim3A_2894 = vector.broadcast %jit3A_2893 : i32 to vector<16xi32>
    %select_n3A_2895 = arith.select %gt3A_2816, %add3A_2886, %broadcast_in_dim3A_2894 : vector<16xi1>, vector<16xi32>
    %swap3A_2896 = arith.constant 3 : i32
    %swap3A_2897 = arith.index_cast %swap3A_2896 : i32 to index
    %swap3A_2898 = arith.constant 80 : index
    %swap3A_2899 = tpu.vector_load %arg7[%swap3A_2897, %swap3A_2898] {strides = array<i32>} : memref<4x128xi32, #tpu.memory_space<vmem>>, vector<16xi32>,
    tpu.vector_store %arg7[%swap3A_2897, %swap3A_2898], %select_n3A_2892 {strides = array<i32>} : memref<4x128xi32, #tpu.memory_space<vmem>>, vector<16xi32>,
    %swap3A_2900 = arith.constant 3 : i32
    %swap3A_2901 = arith.index_cast %swap3A_2900 : i32 to index
    %swap3A_2902 = arith.constant 80 : index
    %swap3A_2903 = tpu.vector_load %arg8[%swap3A_2901, %swap3A_2902] {strides = array<i32>} : memref<4x128xi32, #tpu.memory_space<vmem>>, vector<16xi32>,
    tpu.vector_store %arg8[%swap3A_2901, %swap3A_2902], %select_n3A_2895 {strides = array<i32>} : memref<4x128xi32, #tpu.memory_space<vmem>>, vector<16xi32>,
    %broadcast_in_dim3A_2904 = vector.shape_cast %add3A_3 : vector<16xi32> to vector<16x1xi32>
    %gather3A_2905 = vector.shape_cast %broadcast_in_dim3A_2904 : vector<16x1xi32> to vector<16xi32>
    %gather3A_2906 = tpu.dynamic_gather %add3A_2880[%gather3A_2905] in [0] : vector<16xi32>, vector<16xi32> -> vector<16xi32>
    %add3A_2907 = arith.addi %add3A_2811, %gather3A_2906 : vector<16xi32>
    %get3A_2908 = arith.constant 480 : index
    %get3A_2909 = tpu.vector_load %arg5[%get3A_2908] {strides = array<i32>} : memref<512xi32, #tpu.memory_space<vmem>>, vector<16xi32>,
    %gt3A_2910 = arith.constant 0 : i32
    %gt3A_2911 = vector.broadcast %gt3A_2910 : i32 to vector<16xi32>
    %gt3A_2912 = arith.cmpi sgt, %get3A_2909, %gt3A_2911 : vector<16xi32>
    %sub3A_2913 = arith.constant 1 : i32
    %sub3A_2914 = vector.broadcast %sub3A_2913 : i32 to vector<16xi32>
    %sub3A_2915 = arith.subi %iota3A, %sub3A_2914 : vector<16xi32>
    %max3A_2916 = arith.constant 0 : i32
    %max3A_2917 = vector.broadcast %max3A_2916 : i32 to vector<16xi32>
    %max3A_2918 = arith.maxsi %sub3A_2915, %max3A_2917 : vector<16xi32>
    %broadcast_in_dim3A_2919 = vector.shape_cast %max3A_2918 : vector<16xi32> to vector<16x1xi32>
    %gather3A_2920 = vector.shape_cast %broadcast_in_dim3A_2919 : vector<16x1xi32> to vector<16xi32>
    %gather3A_2921 = tpu.dynamic_gather %get3A_2909[%gather3A_2920] in [0] : vector<16xi32>, vector<16xi32> -> vector<16xi32>
    %ge3A_2922 = arith.constant 1 : i32
    %ge3A_2923 = vector.broadcast %ge3A_2922 : i32 to vector<16xi32>
    %ge3A_2924 = arith.cmpi sge, %iota3A, %ge3A_2923 : vector<16xi32>
    %jit3A_2925 = arith.constant 0 : i32
    %broadcast_in_dim3A_2926 = vector.broadcast %jit3A_2925 : i32 to vector<16xi32>
    %select_n3A_2927 = arith.select %ge3A_2924, %gather3A_2921, %broadcast_in_dim3A_2926 : vector<16xi1>, vector<16xi32>
    %add3A_2928 = arith.addi %get3A_2909, %select_n3A_2927 : vector<16xi32>
    %sub3A_2929 = arith.constant 2 : i32
    %sub3A_2930 = vector.broadcast %sub3A_2929 : i32 to vector<16xi32>
    %sub3A_2931 = arith.subi %iota3A, %sub3A_2930 : vector<16xi32>
    %max3A_2932 = arith.constant 0 : i32
    %max3A_2933 = vector.broadcast %max3A_2932 : i32 to vector<16xi32>
    %max3A_2934 = arith.maxsi %sub3A_2931, %max3A_2933 : vector<16xi32>
    %broadcast_in_dim3A_2935 = vector.shape_cast %max3A_2934 : vector<16xi32> to vector<16x1xi32>
    %gather3A_2936 = vector.shape_cast %broadcast_in_dim3A_2935 : vector<16x1xi32> to vector<16xi32>
    %gather3A_2937 = tpu.dynamic_gather %add3A_2928[%gather3A_2936] in [0] : vector<16xi32>, vector<16xi32> -> vector<16xi32>
    %ge3A_2938 = arith.constant 2 : i32
    %ge3A_2939 = vector.broadcast %ge3A_2938 : i32 to vector<16xi32>
    %ge3A_2940 = arith.cmpi sge, %iota3A, %ge3A_2939 : vector<16xi32>
    %jit3A_2941 = arith.constant 0 : i32
    %broadcast_in_dim3A_2942 = vector.broadcast %jit3A_2941 : i32 to vector<16xi32>
    %select_n3A_2943 = arith.select %ge3A_2940, %gather3A_2937, %broadcast_in_dim3A_2942 : vector<16xi1>, vector<16xi32>
    %add3A_2944 = arith.addi %add3A_2928, %select_n3A_2943 : vector<16xi32>
    %sub3A_2945 = arith.constant 4 : i32
    %sub3A_2946 = vector.broadcast %sub3A_2945 : i32 to vector<16xi32>
    %sub3A_2947 = arith.subi %iota3A, %sub3A_2946 : vector<16xi32>
    %max3A_2948 = arith.constant 0 : i32
    %max3A_2949 = vector.broadcast %max3A_2948 : i32 to vector<16xi32>
    %max3A_2950 = arith.maxsi %sub3A_2947, %max3A_2949 : vector<16xi32>
    %broadcast_in_dim3A_2951 = vector.shape_cast %max3A_2950 : vector<16xi32> to vector<16x1xi32>
    %gather3A_2952 = vector.shape_cast %broadcast_in_dim3A_2951 : vector<16x1xi32> to vector<16xi32>
    %gather3A_2953 = tpu.dynamic_gather %add3A_2944[%gather3A_2952] in [0] : vector<16xi32>, vector<16xi32> -> vector<16xi32>
    %ge3A_2954 = arith.constant 4 : i32
    %ge3A_2955 = vector.broadcast %ge3A_2954 : i32 to vector<16xi32>
    %ge3A_2956 = arith.cmpi sge, %iota3A, %ge3A_2955 : vector<16xi32>
    %jit3A_2957 = arith.constant 0 : i32
    %broadcast_in_dim3A_2958 = vector.broadcast %jit3A_2957 : i32 to vector<16xi32>
    %select_n3A_2959 = arith.select %ge3A_2956, %gather3A_2953, %broadcast_in_dim3A_2958 : vector<16xi1>, vector<16xi32>
    %add3A_2960 = arith.addi %add3A_2944, %select_n3A_2959 : vector<16xi32>
    %sub3A_2961 = arith.constant 8 : i32
    %sub3A_2962 = vector.broadcast %sub3A_2961 : i32 to vector<16xi32>
    %sub3A_2963 = arith.subi %iota3A, %sub3A_2962 : vector<16xi32>
    %max3A_2964 = arith.constant 0 : i32
    %max3A_2965 = vector.broadcast %max3A_2964 : i32 to vector<16xi32>
    %max3A_2966 = arith.maxsi %sub3A_2963, %max3A_2965 : vector<16xi32>
    %broadcast_in_dim3A_2967 = vector.shape_cast %max3A_2966 : vector<16xi32> to vector<16x1xi32>
    %gather3A_2968 = vector.shape_cast %broadcast_in_dim3A_2967 : vector<16x1xi32> to vector<16xi32>
    %gather3A_2969 = tpu.dynamic_gather %add3A_2960[%gather3A_2968] in [0] : vector<16xi32>, vector<16xi32> -> vector<16xi32>
    %ge3A_2970 = arith.constant 8 : i32
    %ge3A_2971 = vector.broadcast %ge3A_2970 : i32 to vector<16xi32>
    %ge3A_2972 = arith.cmpi sge, %iota3A, %ge3A_2971 : vector<16xi32>
    %jit3A_2973 = arith.constant 0 : i32
    %broadcast_in_dim3A_2974 = vector.broadcast %jit3A_2973 : i32 to vector<16xi32>
    %select_n3A_2975 = arith.select %ge3A_2972, %gather3A_2969, %broadcast_in_dim3A_2974 : vector<16xi1>, vector<16xi32>
    %add3A_2976 = arith.addi %add3A_2960, %select_n3A_2975 : vector<16xi32>
    %mul3A_2977 = arith.constant 512 : i32
    %mul3A_2978 = arith.muli %arg1, %mul3A_2977 : i32
    %add3A_2979 = arith.constant 480 : i32
    %add3A_2980 = arith.addi %mul3A_2978, %add3A_2979 : i32
    %add3A_2981 = vector.broadcast %add3A_2980 : i32 to vector<16xi32>
    %add3A_2982 = arith.addi %add3A_2981, %iota3A : vector<16xi32>
    %add3A_2983 = arith.addi %gather3A_24, %add3A_2907 : vector<16xi32>
    %add3A_2984 = arith.addi %add3A_2983, %add3A_2976 : vector<16xi32>
    %sub3A_2985 = arith.subi %add3A_2984, %get3A_2909 : vector<16xi32>
    %add3A_2986 = arith.addi %gather3A_32, %add3A_2982 : vector<16xi32>
    %sub3A_2987 = arith.subi %add3A_2986, %sub3A_2985 : vector<16xi32>
    %select_n3A_2988 = arith.select %gt3A_2912, %sub3A_2985, %sub3A_2987 : vector<16xi1>, vector<16xi32>
    %jit3A_2989 = arith.constant -1 : i32
    %broadcast_in_dim3A_2990 = vector.broadcast %jit3A_2989 : i32 to vector<16xi32>
    %select_n3A_2991 = arith.select %gt3A_2912, %add3A_2982, %broadcast_in_dim3A_2990 : vector<16xi1>, vector<16xi32>
    %swap3A_2992 = arith.constant 3 : i32
    %swap3A_2993 = arith.index_cast %swap3A_2992 : i32 to index
    %swap3A_2994 = arith.constant 96 : index
    %swap3A_2995 = tpu.vector_load %arg7[%swap3A_2993, %swap3A_2994] {strides = array<i32>} : memref<4x128xi32, #tpu.memory_space<vmem>>, vector<16xi32>,
    tpu.vector_store %arg7[%swap3A_2993, %swap3A_2994], %select_n3A_2988 {strides = array<i32>} : memref<4x128xi32, #tpu.memory_space<vmem>>, vector<16xi32>,
    %swap3A_2996 = arith.constant 3 : i32
    %swap3A_2997 = arith.index_cast %swap3A_2996 : i32 to index
    %swap3A_2998 = arith.constant 96 : index
    %swap3A_2999 = tpu.vector_load %arg8[%swap3A_2997, %swap3A_2998] {strides = array<i32>} : memref<4x128xi32, #tpu.memory_space<vmem>>, vector<16xi32>,
    tpu.vector_store %arg8[%swap3A_2997, %swap3A_2998], %select_n3A_2991 {strides = array<i32>} : memref<4x128xi32, #tpu.memory_space<vmem>>, vector<16xi32>,
    %broadcast_in_dim3A_3000 = vector.shape_cast %add3A_3 : vector<16xi32> to vector<16x1xi32>
    %gather3A_3001 = vector.shape_cast %broadcast_in_dim3A_3000 : vector<16x1xi32> to vector<16xi32>
    %gather3A_3002 = tpu.dynamic_gather %add3A_2976[%gather3A_3001] in [0] : vector<16xi32>, vector<16xi32> -> vector<16xi32>
    %add3A_3003 = arith.addi %add3A_2907, %gather3A_3002 : vector<16xi32>
    %get3A_3004 = arith.constant 496 : index
    %get3A_3005 = tpu.vector_load %arg5[%get3A_3004] {strides = array<i32>} : memref<512xi32, #tpu.memory_space<vmem>>, vector<16xi32>,
    %gt3A_3006 = arith.constant 0 : i32
    %gt3A_3007 = vector.broadcast %gt3A_3006 : i32 to vector<16xi32>
    %gt3A_3008 = arith.cmpi sgt, %get3A_3005, %gt3A_3007 : vector<16xi32>
    %sub3A_3009 = arith.constant 1 : i32
    %sub3A_3010 = vector.broadcast %sub3A_3009 : i32 to vector<16xi32>
    %sub3A_3011 = arith.subi %iota3A, %sub3A_3010 : vector<16xi32>
    %max3A_3012 = arith.constant 0 : i32
    %max3A_3013 = vector.broadcast %max3A_3012 : i32 to vector<16xi32>
    %max3A_3014 = arith.maxsi %sub3A_3011, %max3A_3013 : vector<16xi32>
    %broadcast_in_dim3A_3015 = vector.shape_cast %max3A_3014 : vector<16xi32> to vector<16x1xi32>
    %gather3A_3016 = vector.shape_cast %broadcast_in_dim3A_3015 : vector<16x1xi32> to vector<16xi32>
    %gather3A_3017 = tpu.dynamic_gather %get3A_3005[%gather3A_3016] in [0] : vector<16xi32>, vector<16xi32> -> vector<16xi32>
    %ge3A_3018 = arith.constant 1 : i32
    %ge3A_3019 = vector.broadcast %ge3A_3018 : i32 to vector<16xi32>
    %ge3A_3020 = arith.cmpi sge, %iota3A, %ge3A_3019 : vector<16xi32>
    %jit3A_3021 = arith.constant 0 : i32
    %broadcast_in_dim3A_3022 = vector.broadcast %jit3A_3021 : i32 to vector<16xi32>
    %select_n3A_3023 = arith.select %ge3A_3020, %gather3A_3017, %broadcast_in_dim3A_3022 : vector<16xi1>, vector<16xi32>
    %add3A_3024 = arith.addi %get3A_3005, %select_n3A_3023 : vector<16xi32>
    %sub3A_3025 = arith.constant 2 : i32
    %sub3A_3026 = vector.broadcast %sub3A_3025 : i32 to vector<16xi32>
    %sub3A_3027 = arith.subi %iota3A, %sub3A_3026 : vector<16xi32>
    %max3A_3028 = arith.constant 0 : i32
    %max3A_3029 = vector.broadcast %max3A_3028 : i32 to vector<16xi32>
    %max3A_3030 = arith.maxsi %sub3A_3027, %max3A_3029 : vector<16xi32>
    %broadcast_in_dim3A_3031 = vector.shape_cast %max3A_3030 : vector<16xi32> to vector<16x1xi32>
    %gather3A_3032 = vector.shape_cast %broadcast_in_dim3A_3031 : vector<16x1xi32> to vector<16xi32>
    %gather3A_3033 = tpu.dynamic_gather %add3A_3024[%gather3A_3032] in [0] : vector<16xi32>, vector<16xi32> -> vector<16xi32>
    %ge3A_3034 = arith.constant 2 : i32
    %ge3A_3035 = vector.broadcast %ge3A_3034 : i32 to vector<16xi32>
    %ge3A_3036 = arith.cmpi sge, %iota3A, %ge3A_3035 : vector<16xi32>
    %jit3A_3037 = arith.constant 0 : i32
    %broadcast_in_dim3A_3038 = vector.broadcast %jit3A_3037 : i32 to vector<16xi32>
    %select_n3A_3039 = arith.select %ge3A_3036, %gather3A_3033, %broadcast_in_dim3A_3038 : vector<16xi1>, vector<16xi32>
    %add3A_3040 = arith.addi %add3A_3024, %select_n3A_3039 : vector<16xi32>
    %sub3A_3041 = arith.constant 4 : i32
    %sub3A_3042 = vector.broadcast %sub3A_3041 : i32 to vector<16xi32>
    %sub3A_3043 = arith.subi %iota3A, %sub3A_3042 : vector<16xi32>
    %max3A_3044 = arith.constant 0 : i32
    %max3A_3045 = vector.broadcast %max3A_3044 : i32 to vector<16xi32>
    %max3A_3046 = arith.maxsi %sub3A_3043, %max3A_3045 : vector<16xi32>
    %broadcast_in_dim3A_3047 = vector.shape_cast %max3A_3046 : vector<16xi32> to vector<16x1xi32>
    %gather3A_3048 = vector.shape_cast %broadcast_in_dim3A_3047 : vector<16x1xi32> to vector<16xi32>
    %gather3A_3049 = tpu.dynamic_gather %add3A_3040[%gather3A_3048] in [0] : vector<16xi32>, vector<16xi32> -> vector<16xi32>
    %ge3A_3050 = arith.constant 4 : i32
    %ge3A_3051 = vector.broadcast %ge3A_3050 : i32 to vector<16xi32>
    %ge3A_3052 = arith.cmpi sge, %iota3A, %ge3A_3051 : vector<16xi32>
    %jit3A_3053 = arith.constant 0 : i32
    %broadcast_in_dim3A_3054 = vector.broadcast %jit3A_3053 : i32 to vector<16xi32>
    %select_n3A_3055 = arith.select %ge3A_3052, %gather3A_3049, %broadcast_in_dim3A_3054 : vector<16xi1>, vector<16xi32>
    %add3A_3056 = arith.addi %add3A_3040, %select_n3A_3055 : vector<16xi32>
    %sub3A_3057 = arith.constant 8 : i32
    %sub3A_3058 = vector.broadcast %sub3A_3057 : i32 to vector<16xi32>
    %sub3A_3059 = arith.subi %iota3A, %sub3A_3058 : vector<16xi32>
    %max3A_3060 = arith.constant 0 : i32
    %max3A_3061 = vector.broadcast %max3A_3060 : i32 to vector<16xi32>
    %max3A_3062 = arith.maxsi %sub3A_3059, %max3A_3061 : vector<16xi32>
    %broadcast_in_dim3A_3063 = vector.shape_cast %max3A_3062 : vector<16xi32> to vector<16x1xi32>
    %gather3A_3064 = vector.shape_cast %broadcast_in_dim3A_3063 : vector<16x1xi32> to vector<16xi32>
    %gather3A_3065 = tpu.dynamic_gather %add3A_3056[%gather3A_3064] in [0] : vector<16xi32>, vector<16xi32> -> vector<16xi32>
    %ge3A_3066 = arith.constant 8 : i32
    %ge3A_3067 = vector.broadcast %ge3A_3066 : i32 to vector<16xi32>
    %ge3A_3068 = arith.cmpi sge, %iota3A, %ge3A_3067 : vector<16xi32>
    %jit3A_3069 = arith.constant 0 : i32
    %broadcast_in_dim3A_3070 = vector.broadcast %jit3A_3069 : i32 to vector<16xi32>
    %select_n3A_3071 = arith.select %ge3A_3068, %gather3A_3065, %broadcast_in_dim3A_3070 : vector<16xi1>, vector<16xi32>
    %add3A_3072 = arith.addi %add3A_3056, %select_n3A_3071 : vector<16xi32>
    %mul3A_3073 = arith.constant 512 : i32
    %mul3A_3074 = arith.muli %arg1, %mul3A_3073 : i32
    %add3A_3075 = arith.constant 496 : i32
    %add3A_3076 = arith.addi %mul3A_3074, %add3A_3075 : i32
    %add3A_3077 = vector.broadcast %add3A_3076 : i32 to vector<16xi32>
    %add3A_3078 = arith.addi %add3A_3077, %iota3A : vector<16xi32>
    %add3A_3079 = arith.addi %gather3A_24, %add3A_3003 : vector<16xi32>
    %add3A_3080 = arith.addi %add3A_3079, %add3A_3072 : vector<16xi32>
    %sub3A_3081 = arith.subi %add3A_3080, %get3A_3005 : vector<16xi32>
    %add3A_3082 = arith.addi %gather3A_32, %add3A_3078 : vector<16xi32>
    %sub3A_3083 = arith.subi %add3A_3082, %sub3A_3081 : vector<16xi32>
    %select_n3A_3084 = arith.select %gt3A_3008, %sub3A_3081, %sub3A_3083 : vector<16xi1>, vector<16xi32>
    %jit3A_3085 = arith.constant -1 : i32
    %broadcast_in_dim3A_3086 = vector.broadcast %jit3A_3085 : i32 to vector<16xi32>
    %select_n3A_3087 = arith.select %gt3A_3008, %add3A_3078, %broadcast_in_dim3A_3086 : vector<16xi1>, vector<16xi32>
    %swap3A_3088 = arith.constant 3 : i32
    %swap3A_3089 = arith.index_cast %swap3A_3088 : i32 to index
    %swap3A_3090 = arith.constant 112 : index
    %swap3A_3091 = tpu.vector_load %arg7[%swap3A_3089, %swap3A_3090] {strides = array<i32>} : memref<4x128xi32, #tpu.memory_space<vmem>>, vector<16xi32>,
    tpu.vector_store %arg7[%swap3A_3089, %swap3A_3090], %select_n3A_3084 {strides = array<i32>} : memref<4x128xi32, #tpu.memory_space<vmem>>, vector<16xi32>,
    %swap3A_3092 = arith.constant 3 : i32
    %swap3A_3093 = arith.index_cast %swap3A_3092 : i32 to index
    %swap3A_3094 = arith.constant 112 : index
    %swap3A_3095 = tpu.vector_load %arg8[%swap3A_3093, %swap3A_3094] {strides = array<i32>} : memref<4x128xi32, #tpu.memory_space<vmem>>, vector<16xi32>,
    tpu.vector_store %arg8[%swap3A_3093, %swap3A_3094], %select_n3A_3087 {strides = array<i32>} : memref<4x128xi32, #tpu.memory_space<vmem>>, vector<16xi32>,
    %broadcast_in_dim3A_3096 = vector.shape_cast %add3A_3 : vector<16xi32> to vector<16x1xi32>
    %gather3A_3097 = vector.shape_cast %broadcast_in_dim3A_3096 : vector<16x1xi32> to vector<16xi32>
    %gather3A_3098 = tpu.dynamic_gather %add3A_3072[%gather3A_3097] in [0] : vector<16xi32>, vector<16xi32> -> vector<16xi32>
    %add3A_3099 = arith.addi %add3A_3003, %gather3A_3098 : vector<16xi32>
    %run_scoped3A = arith.constant 0 : i32
    %run_scoped3A_3100 = arith.constant 0 : i32
    "tpu.region"() ({
      %run_scoped3A_3111 = tpu.sem_alloc : memref<!tpu.dma_semaphore, #tpu.memory_space<semaphore_mem>>
      %dma_start3A_3112 = arith.constant 0 : i32
      %dma_start3A_3113 = tpu.memref_slice %arg8[%run_scoped3A, %dma_start3A_3112] : memref<4x128xi32, #tpu.memory_space<vmem>> -> memref<1x128xi32, #tpu.memory_space<vmem>>
      %dma_start3A_3114 = tpu.memref_squeeze %dma_start3A_3113 : memref<1x128xi32, #tpu.memory_space<vmem>> -> memref<128xi32, #tpu.memory_space<vmem>>
      %dma_start3A_3115 = arith.constant 0 : i32
      %dma_start3A_3116 = tpu.memref_slice %arg7[%run_scoped3A_3100, %dma_start3A_3115] : memref<4x128xi32, #tpu.memory_space<vmem>> -> memref<1x128xi32, #tpu.memory_space<vmem>>
      %dma_start3A_3117 = tpu.memref_squeeze %dma_start3A_3116 : memref<1x128xi32, #tpu.memory_space<vmem>> -> memref<128xi32, #tpu.memory_space<vmem>>
      %dma_start3A_3118 = arith.constant 0 : i32
      %dma_start3A_3119 = tpu.memref_slice %arg9[%dma_start3A_3118] : memref<8192xi32, #tpu.memory_space<vmem_shared>> -> memref<8192xi32, #tpu.memory_space<vmem_shared>>
      tpu.enqueue_indirect_dma source(%dma_start3A_3114 : memref<128xi32, #tpu.memory_space<vmem>>) target(%dma_start3A_3119 : memref<8192xi32, #tpu.memory_space<vmem_shared>>) offsets(%dma_start3A_3117 : memref<128xi32, #tpu.memory_space<vmem>>) semaphore(%run_scoped3A_3111 : memref<!tpu.dma_semaphore, #tpu.memory_space<semaphore_mem>>)
      %dma_wait3A_3120 = arith.constant 0 : i32
      %dma_wait3A_3121 = tpu.memref_slice %arg8[%run_scoped3A, %dma_wait3A_3120] : memref<4x128xi32, #tpu.memory_space<vmem>> -> memref<1x128xi32, #tpu.memory_space<vmem>>
      %dma_wait3A_3122 = tpu.memref_squeeze %dma_wait3A_3121 : memref<1x128xi32, #tpu.memory_space<vmem>> -> memref<128xi32, #tpu.memory_space<vmem>>
      %dma_wait3A_3123 = arith.constant 0 : i32
      %dma_wait3A_3124 = tpu.memref_slice %arg7[%run_scoped3A_3100, %dma_wait3A_3123] : memref<4x128xi32, #tpu.memory_space<vmem>> -> memref<1x128xi32, #tpu.memory_space<vmem>>
      %dma_wait3A_3125 = tpu.memref_squeeze %dma_wait3A_3124 : memref<1x128xi32, #tpu.memory_space<vmem>> -> memref<128xi32, #tpu.memory_space<vmem>>
      %dma_wait3A_3126 = arith.constant 0 : i32
      %dma_wait3A_3127 = tpu.memref_slice %arg9[%dma_wait3A_3126] : memref<8192xi32, #tpu.memory_space<vmem_shared>> -> memref<8192xi32, #tpu.memory_space<vmem_shared>>
      tpu.wait_indirect_dma semaphore(%run_scoped3A_3111 : memref<!tpu.dma_semaphore, #tpu.memory_space<semaphore_mem>>) src(%dma_wait3A_3122 : memref<128xi32, #tpu.memory_space<vmem>>) dst(%dma_wait3A_3127 : memref<8192xi32, #tpu.memory_space<vmem_shared>>)
      tpu.yield
    }) : () -> ()
    %run_scoped3A_3101 = arith.constant 1 : i32
    %run_scoped3A_3102 = arith.constant 1 : i32
    "tpu.region"() ({
      %run_scoped3A_3111 = tpu.sem_alloc : memref<!tpu.dma_semaphore, #tpu.memory_space<semaphore_mem>>
      %dma_start3A_3112 = arith.constant 0 : i32
      %dma_start3A_3113 = tpu.memref_slice %arg8[%run_scoped3A_3101, %dma_start3A_3112] : memref<4x128xi32, #tpu.memory_space<vmem>> -> memref<1x128xi32, #tpu.memory_space<vmem>>
      %dma_start3A_3114 = tpu.memref_squeeze %dma_start3A_3113 : memref<1x128xi32, #tpu.memory_space<vmem>> -> memref<128xi32, #tpu.memory_space<vmem>>
      %dma_start3A_3115 = arith.constant 0 : i32
      %dma_start3A_3116 = tpu.memref_slice %arg7[%run_scoped3A_3102, %dma_start3A_3115] : memref<4x128xi32, #tpu.memory_space<vmem>> -> memref<1x128xi32, #tpu.memory_space<vmem>>
      %dma_start3A_3117 = tpu.memref_squeeze %dma_start3A_3116 : memref<1x128xi32, #tpu.memory_space<vmem>> -> memref<128xi32, #tpu.memory_space<vmem>>
      %dma_start3A_3118 = arith.constant 0 : i32
      %dma_start3A_3119 = tpu.memref_slice %arg9[%dma_start3A_3118] : memref<8192xi32, #tpu.memory_space<vmem_shared>> -> memref<8192xi32, #tpu.memory_space<vmem_shared>>
      tpu.enqueue_indirect_dma source(%dma_start3A_3114 : memref<128xi32, #tpu.memory_space<vmem>>) target(%dma_start3A_3119 : memref<8192xi32, #tpu.memory_space<vmem_shared>>) offsets(%dma_start3A_3117 : memref<128xi32, #tpu.memory_space<vmem>>) semaphore(%run_scoped3A_3111 : memref<!tpu.dma_semaphore, #tpu.memory_space<semaphore_mem>>)
      %dma_wait3A_3120 = arith.constant 0 : i32
      %dma_wait3A_3121 = tpu.memref_slice %arg8[%run_scoped3A_3101, %dma_wait3A_3120] : memref<4x128xi32, #tpu.memory_space<vmem>> -> memref<1x128xi32, #tpu.memory_space<vmem>>
      %dma_wait3A_3122 = tpu.memref_squeeze %dma_wait3A_3121 : memref<1x128xi32, #tpu.memory_space<vmem>> -> memref<128xi32, #tpu.memory_space<vmem>>
      %dma_wait3A_3123 = arith.constant 0 : i32
      %dma_wait3A_3124 = tpu.memref_slice %arg7[%run_scoped3A_3102, %dma_wait3A_3123] : memref<4x128xi32, #tpu.memory_space<vmem>> -> memref<1x128xi32, #tpu.memory_space<vmem>>
      %dma_wait3A_3125 = tpu.memref_squeeze %dma_wait3A_3124 : memref<1x128xi32, #tpu.memory_space<vmem>> -> memref<128xi32, #tpu.memory_space<vmem>>
      %dma_wait3A_3126 = arith.constant 0 : i32
      %dma_wait3A_3127 = tpu.memref_slice %arg9[%dma_wait3A_3126] : memref<8192xi32, #tpu.memory_space<vmem_shared>> -> memref<8192xi32, #tpu.memory_space<vmem_shared>>
      tpu.wait_indirect_dma semaphore(%run_scoped3A_3111 : memref<!tpu.dma_semaphore, #tpu.memory_space<semaphore_mem>>) src(%dma_wait3A_3122 : memref<128xi32, #tpu.memory_space<vmem>>) dst(%dma_wait3A_3127 : memref<8192xi32, #tpu.memory_space<vmem_shared>>)
      tpu.yield
    }) : () -> ()
    %run_scoped3A_3103 = arith.constant 2 : i32
    %run_scoped3A_3104 = arith.constant 2 : i32
    "tpu.region"() ({
      %run_scoped3A_3111 = tpu.sem_alloc : memref<!tpu.dma_semaphore, #tpu.memory_space<semaphore_mem>>
      %dma_start3A_3112 = arith.constant 0 : i32
      %dma_start3A_3113 = tpu.memref_slice %arg8[%run_scoped3A_3103, %dma_start3A_3112] : memref<4x128xi32, #tpu.memory_space<vmem>> -> memref<1x128xi32, #tpu.memory_space<vmem>>
      %dma_start3A_3114 = tpu.memref_squeeze %dma_start3A_3113 : memref<1x128xi32, #tpu.memory_space<vmem>> -> memref<128xi32, #tpu.memory_space<vmem>>
      %dma_start3A_3115 = arith.constant 0 : i32
      %dma_start3A_3116 = tpu.memref_slice %arg7[%run_scoped3A_3104, %dma_start3A_3115] : memref<4x128xi32, #tpu.memory_space<vmem>> -> memref<1x128xi32, #tpu.memory_space<vmem>>
      %dma_start3A_3117 = tpu.memref_squeeze %dma_start3A_3116 : memref<1x128xi32, #tpu.memory_space<vmem>> -> memref<128xi32, #tpu.memory_space<vmem>>
      %dma_start3A_3118 = arith.constant 0 : i32
      %dma_start3A_3119 = tpu.memref_slice %arg9[%dma_start3A_3118] : memref<8192xi32, #tpu.memory_space<vmem_shared>> -> memref<8192xi32, #tpu.memory_space<vmem_shared>>
      tpu.enqueue_indirect_dma source(%dma_start3A_3114 : memref<128xi32, #tpu.memory_space<vmem>>) target(%dma_start3A_3119 : memref<8192xi32, #tpu.memory_space<vmem_shared>>) offsets(%dma_start3A_3117 : memref<128xi32, #tpu.memory_space<vmem>>) semaphore(%run_scoped3A_3111 : memref<!tpu.dma_semaphore, #tpu.memory_space<semaphore_mem>>)
      %dma_wait3A_3120 = arith.constant 0 : i32
      %dma_wait3A_3121 = tpu.memref_slice %arg8[%run_scoped3A_3103, %dma_wait3A_3120] : memref<4x128xi32, #tpu.memory_space<vmem>> -> memref<1x128xi32, #tpu.memory_space<vmem>>
      %dma_wait3A_3122 = tpu.memref_squeeze %dma_wait3A_3121 : memref<1x128xi32, #tpu.memory_space<vmem>> -> memref<128xi32, #tpu.memory_space<vmem>>
      %dma_wait3A_3123 = arith.constant 0 : i32
      %dma_wait3A_3124 = tpu.memref_slice %arg7[%run_scoped3A_3104, %dma_wait3A_3123] : memref<4x128xi32, #tpu.memory_space<vmem>> -> memref<1x128xi32, #tpu.memory_space<vmem>>
      %dma_wait3A_3125 = tpu.memref_squeeze %dma_wait3A_3124 : memref<1x128xi32, #tpu.memory_space<vmem>> -> memref<128xi32, #tpu.memory_space<vmem>>
      %dma_wait3A_3126 = arith.constant 0 : i32
      %dma_wait3A_3127 = tpu.memref_slice %arg9[%dma_wait3A_3126] : memref<8192xi32, #tpu.memory_space<vmem_shared>> -> memref<8192xi32, #tpu.memory_space<vmem_shared>>
      tpu.wait_indirect_dma semaphore(%run_scoped3A_3111 : memref<!tpu.dma_semaphore, #tpu.memory_space<semaphore_mem>>) src(%dma_wait3A_3122 : memref<128xi32, #tpu.memory_space<vmem>>) dst(%dma_wait3A_3127 : memref<8192xi32, #tpu.memory_space<vmem_shared>>)
      tpu.yield
    }) : () -> ()
    %run_scoped3A_3105 = arith.constant 3 : i32
    %run_scoped3A_3106 = arith.constant 3 : i32
    "tpu.region"() ({
      %run_scoped3A_3111 = tpu.sem_alloc : memref<!tpu.dma_semaphore, #tpu.memory_space<semaphore_mem>>
      %dma_start3A_3112 = arith.constant 0 : i32
      %dma_start3A_3113 = tpu.memref_slice %arg8[%run_scoped3A_3105, %dma_start3A_3112] : memref<4x128xi32, #tpu.memory_space<vmem>> -> memref<1x128xi32, #tpu.memory_space<vmem>>
      %dma_start3A_3114 = tpu.memref_squeeze %dma_start3A_3113 : memref<1x128xi32, #tpu.memory_space<vmem>> -> memref<128xi32, #tpu.memory_space<vmem>>
      %dma_start3A_3115 = arith.constant 0 : i32
      %dma_start3A_3116 = tpu.memref_slice %arg7[%run_scoped3A_3106, %dma_start3A_3115] : memref<4x128xi32, #tpu.memory_space<vmem>> -> memref<1x128xi32, #tpu.memory_space<vmem>>
      %dma_start3A_3117 = tpu.memref_squeeze %dma_start3A_3116 : memref<1x128xi32, #tpu.memory_space<vmem>> -> memref<128xi32, #tpu.memory_space<vmem>>
      %dma_start3A_3118 = arith.constant 0 : i32
      %dma_start3A_3119 = tpu.memref_slice %arg9[%dma_start3A_3118] : memref<8192xi32, #tpu.memory_space<vmem_shared>> -> memref<8192xi32, #tpu.memory_space<vmem_shared>>
      tpu.enqueue_indirect_dma source(%dma_start3A_3114 : memref<128xi32, #tpu.memory_space<vmem>>) target(%dma_start3A_3119 : memref<8192xi32, #tpu.memory_space<vmem_shared>>) offsets(%dma_start3A_3117 : memref<128xi32, #tpu.memory_space<vmem>>) semaphore(%run_scoped3A_3111 : memref<!tpu.dma_semaphore, #tpu.memory_space<semaphore_mem>>)
      %dma_wait3A_3120 = arith.constant 0 : i32
      %dma_wait3A_3121 = tpu.memref_slice %arg8[%run_scoped3A_3105, %dma_wait3A_3120] : memref<4x128xi32, #tpu.memory_space<vmem>> -> memref<1x128xi32, #tpu.memory_space<vmem>>
      %dma_wait3A_3122 = tpu.memref_squeeze %dma_wait3A_3121 : memref<1x128xi32, #tpu.memory_space<vmem>> -> memref<128xi32, #tpu.memory_space<vmem>>
      %dma_wait3A_3123 = arith.constant 0 : i32
      %dma_wait3A_3124 = tpu.memref_slice %arg7[%run_scoped3A_3106, %dma_wait3A_3123] : memref<4x128xi32, #tpu.memory_space<vmem>> -> memref<1x128xi32, #tpu.memory_space<vmem>>
      %dma_wait3A_3125 = tpu.memref_squeeze %dma_wait3A_3124 : memref<1x128xi32, #tpu.memory_space<vmem>> -> memref<128xi32, #tpu.memory_space<vmem>>
      %dma_wait3A_3126 = arith.constant 0 : i32
      %dma_wait3A_3127 = tpu.memref_slice %arg9[%dma_wait3A_3126] : memref<8192xi32, #tpu.memory_space<vmem_shared>> -> memref<8192xi32, #tpu.memory_space<vmem_shared>>
      tpu.wait_indirect_dma semaphore(%run_scoped3A_3111 : memref<!tpu.dma_semaphore, #tpu.memory_space<semaphore_mem>>) src(%dma_wait3A_3122 : memref<128xi32, #tpu.memory_space<vmem>>) dst(%dma_wait3A_3127 : memref<8192xi32, #tpu.memory_space<vmem_shared>>)
      tpu.yield
    }) : () -> ()
    %barrier3A = arith.constant 0 : index
    tpu.barrier barrier_id(%barrier3A)
    %mul3A_3107 = arith.constant 512 : i32
    %mul3A_3108 = arith.muli %arg1, %mul3A_3107 : i32
    %mul3A_3109 = arith.constant 512 : i32
    %mul3A_3110 = arith.muli %arg1, %mul3A_3109 : i32
    "tpu.region"() ({
      %run_scoped3A_3111 = tpu.sem_alloc : memref<!tpu.dma_semaphore, #tpu.memory_space<semaphore_mem>>
      %dma_start3A_3112 = tpu.memref_slice %arg4[%mul3A_3110] : memref<8192xi32, #tpu.memory_space<hbm>> -> memref<512xi32, #tpu.memory_space<hbm>>
      %dma_start3A_3113 = tpu.memref_slice %arg9[%mul3A_3108] : memref<8192xi32, #tpu.memory_space<vmem_shared>> -> memref<512xi32, #tpu.memory_space<vmem_shared>>
      tpu.enqueue_dma source(%dma_start3A_3113 : memref<512xi32, #tpu.memory_space<vmem_shared>>) target(%dma_start3A_3112 : memref<512xi32, #tpu.memory_space<hbm>>) target_semaphore(%run_scoped3A_3111 : memref<!tpu.dma_semaphore, #tpu.memory_space<semaphore_mem>>)
      %dma_wait3A_3114 = tpu.memref_slice %arg4[%mul3A_3110] : memref<8192xi32, #tpu.memory_space<hbm>> -> memref<512xi32, #tpu.memory_space<hbm>>
      %dma_wait3A_3115 = tpu.memref_slice %arg9[%mul3A_3108] : memref<8192xi32, #tpu.memory_space<vmem_shared>> -> memref<512xi32, #tpu.memory_space<vmem_shared>>
      tpu.wait_dma2 semaphore(%run_scoped3A_3111 : memref<!tpu.dma_semaphore, #tpu.memory_space<semaphore_mem>>) src(%dma_wait3A_3115 : memref<512xi32, #tpu.memory_space<vmem_shared>>) dst(%dma_wait3A_3114 : memref<512xi32, #tpu.memory_space<hbm>>)
      tpu.yield
    }) : () -> ()
    return
  }
}

module attributes {stable_mosaic.version = 14 : i64} {
  func.func @_tc_body(%arg0: i32, %arg1: memref<1x4096xf32, #tpu.memory_space<vmem>>, %arg2: memref<4096x512xf32, #tpu.memory_space<vmem>>, %arg3: memref<1x8192xi32, #tpu.memory_space<vmem>>, %arg4: memref<8x128xi32, #tpu.memory_space<vmem>>, %arg5: memref<1x8192xf32, #tpu.memory_space<vmem>>) attributes {dimension_semantics = [#tpu.dimension_semantics<arbitrary>], iteration_bounds = array<i64: 16>, scalar_prefetch = 0 : i64, scratch_operands = 1 : i64, tpu.core_type = #tpu.core_type<tc>, window_params = [{pipeline_mode = #tpu.pipeline_mode<synchronous>, transform_indices = @transform_0, window_bounds = array<i64: 1, 4096>}, {transform_indices = @transform_1, window_bounds = array<i64: 4096, 512>}, {pipeline_mode = #tpu.pipeline_mode<synchronous>, transform_indices = @transform_2, window_bounds = array<i64: 1, 8192>}, {pipeline_mode = #tpu.pipeline_mode<synchronous>, transform_indices = @transform_3, window_bounds = array<i64: 8, 128>}]} {
    %get3A = arith.constant 0 : index
    %get3A_0 = arith.constant 0 : index
    %get3A_1 = vector.load %arg1[%get3A, %get3A_0] : memref<1x4096xf32, #tpu.memory_space<vmem>>, vector<1x4096xf32>
    %get3A_2 = arith.constant 0 : index
    %get3A_3 = arith.constant 0 : index
    %get3A_4 = vector.load %arg2[%get3A_2, %get3A_3] : memref<4096x512xf32, #tpu.memory_space<vmem>>, vector<4096x512xf32>
    %dot_general3A = arith.constant dense<0.000000e+00> : vector<1x512xf32>
    %dot_general3A_5 = tpu.matmul %get3A_1, %get3A_4, %dot_general3A {dimension_numbers = #tpu.dot_dimension_numbers<[1], [0], [0], [1], [0, 0, 1, 1], [], []>, transpose_lhs_hint = false} : vector<1x4096xf32>, vector<4096x512xf32>, vector<1x512xf32> -> vector<1x512xf32>
    %mul3A = arith.constant 512 : i32
    %mul3A_6 = arith.muli %arg0, %mul3A : i32
    %swap3A = arith.constant 0 : index
    %swap3A_7 = arith.index_cast %mul3A_6 : i32 to index
    %swap3A_8 = vector.load %arg5[%swap3A, %swap3A_7] : memref<1x8192xf32, #tpu.memory_space<vmem>>, vector<1x512xf32>
    tpu.vector_store %arg5[%swap3A, %swap3A_7], %dot_general3A_5 {strides = array<i32>} : memref<1x8192xf32, #tpu.memory_space<vmem>>, vector<1x512xf32>,
    %eq3A = arith.constant 15 : i32
    %eq3A_9 = arith.cmpi eq, %arg0, %eq3A : i32
    %convert_element_type3A = arith.extui %eq3A_9 : i1 to i32
    %cond3A = arith.constant 0 : i32
    %cond3A_10 = arith.cmpi ne, %convert_element_type3A, %cond3A : i32
    scf.if %cond3A_10 {
      %get3A_11 = arith.constant 0 : index
      %get3A_12 = arith.constant 0 : index
      %get3A_13 = vector.load %arg5[%get3A_11, %get3A_12] : memref<1x8192xf32, #tpu.memory_space<vmem>>, vector<1x8192xf32>
      %reduce_max3A = vector.shape_cast %get3A_13 : vector<1x8192xf32> to vector<1x1x8192xf32>
      %reduce_max3A_14 = arith.constant dense<0xFF800000> : vector<1xf32>
      %reduce_max3A_15 = vector.multi_reduction <maximumf>, %reduce_max3A, %reduce_max3A_14 [1, 2] : vector<1x1x8192xf32> to vector<1xf32>
      %reduce_max3A_16 = vector.shape_cast %reduce_max3A_15 : vector<1xf32> to vector<1x1x1xf32>
      %reduce_max3A_17 = vector.extract %reduce_max3A_16[0, 0, 0] : f32 from vector<1x1x1xf32>
      %sub3A = vector.broadcast %reduce_max3A_17 : f32 to vector<1x8192xf32>
      %sub3A_18 = arith.subf %get3A_13, %sub3A : vector<1x8192xf32>
      %exp3A = math.exp %sub3A_18 : vector<1x8192xf32>
      %reduce_sum3A = vector.shape_cast %exp3A : vector<1x8192xf32> to vector<1x1x8192xf32>
      %reduce_sum3A_19 = arith.constant dense<0.000000e+00> : vector<1xf32>
      %reduce_sum3A_20 = vector.multi_reduction <add>, %reduce_sum3A, %reduce_sum3A_19 [1, 2] : vector<1x1x8192xf32> to vector<1xf32>
      %reduce_sum3A_21 = vector.shape_cast %reduce_sum3A_20 : vector<1xf32> to vector<1x1x1xf32>
      %reduce_sum3A_22 = vector.extract %reduce_sum3A_21[0, 0, 0] : f32 from vector<1x1x1xf32>
      %div3A = vector.broadcast %reduce_sum3A_22 : f32 to vector<1x8192xf32>
      %div3A_23 = arith.divf %exp3A, %div3A : vector<1x8192xf32>
      %gt3A = arith.constant 6.10351563E-5 : f32
      %gt3A_24 = vector.broadcast %gt3A : f32 to vector<1x8192xf32>
      %gt3A_25 = arith.cmpf ogt, %div3A_23, %gt3A_24 : vector<1x8192xf32>
      %convert_element_type3A_26 = arith.extui %gt3A_25 : vector<1x8192xi1> to vector<1x8192xi32>
      %swap3A_27 = arith.constant 0 : index
      %swap3A_28 = arith.constant 0 : index
      %swap3A_29 = vector.load %arg3[%swap3A_27, %swap3A_28] : memref<1x8192xi32, #tpu.memory_space<vmem>>, vector<1x8192xi32>
      tpu.vector_store %arg3[%swap3A_27, %swap3A_28], %convert_element_type3A_26 {strides = array<i32>} : memref<1x8192xi32, #tpu.memory_space<vmem>>, vector<1x8192xi32>,
      %iota3A = tpu.iota {dimensions = array<i32: 1>} : vector<8x128xi32>
      %broadcast_in_dim3A = arith.constant 0 : i32
      %broadcast_in_dim3A_30 = vector.broadcast %broadcast_in_dim3A : i32 to vector<8x128xi32>
      %eq3A_31 = arith.constant 0 : i32
      %eq3A_32 = vector.broadcast %eq3A_31 : i32 to vector<8x128xi32>
      %eq3A_33 = arith.cmpi eq, %iota3A, %eq3A_32 : vector<8x128xi32>
      %jit3A = arith.constant 0 : i32
      %broadcast_in_dim3A_34 = vector.broadcast %jit3A : i32 to vector<8x128xi32>
      %select_n3A = arith.select %eq3A_33, %broadcast_in_dim3A_34, %broadcast_in_dim3A_30 : vector<8x128xi1>, vector<8x128xi32>
      %slice3A = vector.extract_strided_slice %convert_element_type3A_26 {offsets = [0, 0], sizes = [1, 512], strides = [1, 1]} : vector<1x8192xi32> to vector<1x512xi32>
      %reduce_sum3A_35 = vector.shape_cast %slice3A : vector<1x512xi32> to vector<1x1x512xi32>
      %reduce_sum3A_36 = arith.constant dense<0> : vector<1xi32>
      %reduce_sum3A_37 = vector.multi_reduction <add>, %reduce_sum3A_35, %reduce_sum3A_36 [1, 2] : vector<1x1x512xi32> to vector<1xi32>
      %reduce_sum3A_38 = vector.shape_cast %reduce_sum3A_37 : vector<1xi32> to vector<1x1x1xi32>
      %reduce_sum3A_39 = vector.extract %reduce_sum3A_38[0, 0, 0] : i32 from vector<1x1x1xi32>
      %add3A = arith.constant 0 : i32
      %add3A_40 = arith.addi %add3A, %reduce_sum3A_39 : i32
      %eq3A_41 = arith.constant 1 : i32
      %eq3A_42 = vector.broadcast %eq3A_41 : i32 to vector<8x128xi32>
      %eq3A_43 = arith.cmpi eq, %iota3A, %eq3A_42 : vector<8x128xi32>
      %broadcast_in_dim3A_44 = vector.broadcast %add3A_40 : i32 to vector<8x128xi32>
      %select_n3A_45 = arith.select %eq3A_43, %broadcast_in_dim3A_44, %select_n3A : vector<8x128xi1>, vector<8x128xi32>
      %slice3A_46 = vector.extract_strided_slice %convert_element_type3A_26 {offsets = [0, 512], sizes = [1, 512], strides = [1, 1]} : vector<1x8192xi32> to vector<1x512xi32>
      %reduce_sum3A_47 = vector.shape_cast %slice3A_46 : vector<1x512xi32> to vector<1x1x512xi32>
      %reduce_sum3A_48 = arith.constant dense<0> : vector<1xi32>
      %reduce_sum3A_49 = vector.multi_reduction <add>, %reduce_sum3A_47, %reduce_sum3A_48 [1, 2] : vector<1x1x512xi32> to vector<1xi32>
      %reduce_sum3A_50 = vector.shape_cast %reduce_sum3A_49 : vector<1xi32> to vector<1x1x1xi32>
      %reduce_sum3A_51 = vector.extract %reduce_sum3A_50[0, 0, 0] : i32 from vector<1x1x1xi32>
      %add3A_52 = arith.addi %add3A_40, %reduce_sum3A_51 : i32
      %eq3A_53 = arith.constant 2 : i32
      %eq3A_54 = vector.broadcast %eq3A_53 : i32 to vector<8x128xi32>
      %eq3A_55 = arith.cmpi eq, %iota3A, %eq3A_54 : vector<8x128xi32>
      %broadcast_in_dim3A_56 = vector.broadcast %add3A_52 : i32 to vector<8x128xi32>
      %select_n3A_57 = arith.select %eq3A_55, %broadcast_in_dim3A_56, %select_n3A_45 : vector<8x128xi1>, vector<8x128xi32>
      %slice3A_58 = vector.extract_strided_slice %convert_element_type3A_26 {offsets = [0, 1024], sizes = [1, 512], strides = [1, 1]} : vector<1x8192xi32> to vector<1x512xi32>
      %reduce_sum3A_59 = vector.shape_cast %slice3A_58 : vector<1x512xi32> to vector<1x1x512xi32>
      %reduce_sum3A_60 = arith.constant dense<0> : vector<1xi32>
      %reduce_sum3A_61 = vector.multi_reduction <add>, %reduce_sum3A_59, %reduce_sum3A_60 [1, 2] : vector<1x1x512xi32> to vector<1xi32>
      %reduce_sum3A_62 = vector.shape_cast %reduce_sum3A_61 : vector<1xi32> to vector<1x1x1xi32>
      %reduce_sum3A_63 = vector.extract %reduce_sum3A_62[0, 0, 0] : i32 from vector<1x1x1xi32>
      %add3A_64 = arith.addi %add3A_52, %reduce_sum3A_63 : i32
      %eq3A_65 = arith.constant 3 : i32
      %eq3A_66 = vector.broadcast %eq3A_65 : i32 to vector<8x128xi32>
      %eq3A_67 = arith.cmpi eq, %iota3A, %eq3A_66 : vector<8x128xi32>
      %broadcast_in_dim3A_68 = vector.broadcast %add3A_64 : i32 to vector<8x128xi32>
      %select_n3A_69 = arith.select %eq3A_67, %broadcast_in_dim3A_68, %select_n3A_57 : vector<8x128xi1>, vector<8x128xi32>
      %slice3A_70 = vector.extract_strided_slice %convert_element_type3A_26 {offsets = [0, 1536], sizes = [1, 512], strides = [1, 1]} : vector<1x8192xi32> to vector<1x512xi32>
      %reduce_sum3A_71 = vector.shape_cast %slice3A_70 : vector<1x512xi32> to vector<1x1x512xi32>
      %reduce_sum3A_72 = arith.constant dense<0> : vector<1xi32>
      %reduce_sum3A_73 = vector.multi_reduction <add>, %reduce_sum3A_71, %reduce_sum3A_72 [1, 2] : vector<1x1x512xi32> to vector<1xi32>
      %reduce_sum3A_74 = vector.shape_cast %reduce_sum3A_73 : vector<1xi32> to vector<1x1x1xi32>
      %reduce_sum3A_75 = vector.extract %reduce_sum3A_74[0, 0, 0] : i32 from vector<1x1x1xi32>
      %add3A_76 = arith.addi %add3A_64, %reduce_sum3A_75 : i32
      %eq3A_77 = arith.constant 4 : i32
      %eq3A_78 = vector.broadcast %eq3A_77 : i32 to vector<8x128xi32>
      %eq3A_79 = arith.cmpi eq, %iota3A, %eq3A_78 : vector<8x128xi32>
      %broadcast_in_dim3A_80 = vector.broadcast %add3A_76 : i32 to vector<8x128xi32>
      %select_n3A_81 = arith.select %eq3A_79, %broadcast_in_dim3A_80, %select_n3A_69 : vector<8x128xi1>, vector<8x128xi32>
      %slice3A_82 = vector.extract_strided_slice %convert_element_type3A_26 {offsets = [0, 2048], sizes = [1, 512], strides = [1, 1]} : vector<1x8192xi32> to vector<1x512xi32>
      %reduce_sum3A_83 = vector.shape_cast %slice3A_82 : vector<1x512xi32> to vector<1x1x512xi32>
      %reduce_sum3A_84 = arith.constant dense<0> : vector<1xi32>
      %reduce_sum3A_85 = vector.multi_reduction <add>, %reduce_sum3A_83, %reduce_sum3A_84 [1, 2] : vector<1x1x512xi32> to vector<1xi32>
      %reduce_sum3A_86 = vector.shape_cast %reduce_sum3A_85 : vector<1xi32> to vector<1x1x1xi32>
      %reduce_sum3A_87 = vector.extract %reduce_sum3A_86[0, 0, 0] : i32 from vector<1x1x1xi32>
      %add3A_88 = arith.addi %add3A_76, %reduce_sum3A_87 : i32
      %eq3A_89 = arith.constant 5 : i32
      %eq3A_90 = vector.broadcast %eq3A_89 : i32 to vector<8x128xi32>
      %eq3A_91 = arith.cmpi eq, %iota3A, %eq3A_90 : vector<8x128xi32>
      %broadcast_in_dim3A_92 = vector.broadcast %add3A_88 : i32 to vector<8x128xi32>
      %select_n3A_93 = arith.select %eq3A_91, %broadcast_in_dim3A_92, %select_n3A_81 : vector<8x128xi1>, vector<8x128xi32>
      %slice3A_94 = vector.extract_strided_slice %convert_element_type3A_26 {offsets = [0, 2560], sizes = [1, 512], strides = [1, 1]} : vector<1x8192xi32> to vector<1x512xi32>
      %reduce_sum3A_95 = vector.shape_cast %slice3A_94 : vector<1x512xi32> to vector<1x1x512xi32>
      %reduce_sum3A_96 = arith.constant dense<0> : vector<1xi32>
      %reduce_sum3A_97 = vector.multi_reduction <add>, %reduce_sum3A_95, %reduce_sum3A_96 [1, 2] : vector<1x1x512xi32> to vector<1xi32>
      %reduce_sum3A_98 = vector.shape_cast %reduce_sum3A_97 : vector<1xi32> to vector<1x1x1xi32>
      %reduce_sum3A_99 = vector.extract %reduce_sum3A_98[0, 0, 0] : i32 from vector<1x1x1xi32>
      %add3A_100 = arith.addi %add3A_88, %reduce_sum3A_99 : i32
      %eq3A_101 = arith.constant 6 : i32
      %eq3A_102 = vector.broadcast %eq3A_101 : i32 to vector<8x128xi32>
      %eq3A_103 = arith.cmpi eq, %iota3A, %eq3A_102 : vector<8x128xi32>
      %broadcast_in_dim3A_104 = vector.broadcast %add3A_100 : i32 to vector<8x128xi32>
      %select_n3A_105 = arith.select %eq3A_103, %broadcast_in_dim3A_104, %select_n3A_93 : vector<8x128xi1>, vector<8x128xi32>
      %slice3A_106 = vector.extract_strided_slice %convert_element_type3A_26 {offsets = [0, 3072], sizes = [1, 512], strides = [1, 1]} : vector<1x8192xi32> to vector<1x512xi32>
      %reduce_sum3A_107 = vector.shape_cast %slice3A_106 : vector<1x512xi32> to vector<1x1x512xi32>
      %reduce_sum3A_108 = arith.constant dense<0> : vector<1xi32>
      %reduce_sum3A_109 = vector.multi_reduction <add>, %reduce_sum3A_107, %reduce_sum3A_108 [1, 2] : vector<1x1x512xi32> to vector<1xi32>
      %reduce_sum3A_110 = vector.shape_cast %reduce_sum3A_109 : vector<1xi32> to vector<1x1x1xi32>
      %reduce_sum3A_111 = vector.extract %reduce_sum3A_110[0, 0, 0] : i32 from vector<1x1x1xi32>
      %add3A_112 = arith.addi %add3A_100, %reduce_sum3A_111 : i32
      %eq3A_113 = arith.constant 7 : i32
      %eq3A_114 = vector.broadcast %eq3A_113 : i32 to vector<8x128xi32>
      %eq3A_115 = arith.cmpi eq, %iota3A, %eq3A_114 : vector<8x128xi32>
      %broadcast_in_dim3A_116 = vector.broadcast %add3A_112 : i32 to vector<8x128xi32>
      %select_n3A_117 = arith.select %eq3A_115, %broadcast_in_dim3A_116, %select_n3A_105 : vector<8x128xi1>, vector<8x128xi32>
      %slice3A_118 = vector.extract_strided_slice %convert_element_type3A_26 {offsets = [0, 3584], sizes = [1, 512], strides = [1, 1]} : vector<1x8192xi32> to vector<1x512xi32>
      %reduce_sum3A_119 = vector.shape_cast %slice3A_118 : vector<1x512xi32> to vector<1x1x512xi32>
      %reduce_sum3A_120 = arith.constant dense<0> : vector<1xi32>
      %reduce_sum3A_121 = vector.multi_reduction <add>, %reduce_sum3A_119, %reduce_sum3A_120 [1, 2] : vector<1x1x512xi32> to vector<1xi32>
      %reduce_sum3A_122 = vector.shape_cast %reduce_sum3A_121 : vector<1xi32> to vector<1x1x1xi32>
      %reduce_sum3A_123 = vector.extract %reduce_sum3A_122[0, 0, 0] : i32 from vector<1x1x1xi32>
      %add3A_124 = arith.addi %add3A_112, %reduce_sum3A_123 : i32
      %eq3A_125 = arith.constant 8 : i32
      %eq3A_126 = vector.broadcast %eq3A_125 : i32 to vector<8x128xi32>
      %eq3A_127 = arith.cmpi eq, %iota3A, %eq3A_126 : vector<8x128xi32>
      %broadcast_in_dim3A_128 = vector.broadcast %add3A_124 : i32 to vector<8x128xi32>
      %select_n3A_129 = arith.select %eq3A_127, %broadcast_in_dim3A_128, %select_n3A_117 : vector<8x128xi1>, vector<8x128xi32>
      %slice3A_130 = vector.extract_strided_slice %convert_element_type3A_26 {offsets = [0, 4096], sizes = [1, 512], strides = [1, 1]} : vector<1x8192xi32> to vector<1x512xi32>
      %reduce_sum3A_131 = vector.shape_cast %slice3A_130 : vector<1x512xi32> to vector<1x1x512xi32>
      %reduce_sum3A_132 = arith.constant dense<0> : vector<1xi32>
      %reduce_sum3A_133 = vector.multi_reduction <add>, %reduce_sum3A_131, %reduce_sum3A_132 [1, 2] : vector<1x1x512xi32> to vector<1xi32>
      %reduce_sum3A_134 = vector.shape_cast %reduce_sum3A_133 : vector<1xi32> to vector<1x1x1xi32>
      %reduce_sum3A_135 = vector.extract %reduce_sum3A_134[0, 0, 0] : i32 from vector<1x1x1xi32>
      %add3A_136 = arith.addi %add3A_124, %reduce_sum3A_135 : i32
      %eq3A_137 = arith.constant 9 : i32
      %eq3A_138 = vector.broadcast %eq3A_137 : i32 to vector<8x128xi32>
      %eq3A_139 = arith.cmpi eq, %iota3A, %eq3A_138 : vector<8x128xi32>
      %broadcast_in_dim3A_140 = vector.broadcast %add3A_136 : i32 to vector<8x128xi32>
      %select_n3A_141 = arith.select %eq3A_139, %broadcast_in_dim3A_140, %select_n3A_129 : vector<8x128xi1>, vector<8x128xi32>
      %slice3A_142 = vector.extract_strided_slice %convert_element_type3A_26 {offsets = [0, 4608], sizes = [1, 512], strides = [1, 1]} : vector<1x8192xi32> to vector<1x512xi32>
      %reduce_sum3A_143 = vector.shape_cast %slice3A_142 : vector<1x512xi32> to vector<1x1x512xi32>
      %reduce_sum3A_144 = arith.constant dense<0> : vector<1xi32>
      %reduce_sum3A_145 = vector.multi_reduction <add>, %reduce_sum3A_143, %reduce_sum3A_144 [1, 2] : vector<1x1x512xi32> to vector<1xi32>
      %reduce_sum3A_146 = vector.shape_cast %reduce_sum3A_145 : vector<1xi32> to vector<1x1x1xi32>
      %reduce_sum3A_147 = vector.extract %reduce_sum3A_146[0, 0, 0] : i32 from vector<1x1x1xi32>
      %add3A_148 = arith.addi %add3A_136, %reduce_sum3A_147 : i32
      %eq3A_149 = arith.constant 10 : i32
      %eq3A_150 = vector.broadcast %eq3A_149 : i32 to vector<8x128xi32>
      %eq3A_151 = arith.cmpi eq, %iota3A, %eq3A_150 : vector<8x128xi32>
      %broadcast_in_dim3A_152 = vector.broadcast %add3A_148 : i32 to vector<8x128xi32>
      %select_n3A_153 = arith.select %eq3A_151, %broadcast_in_dim3A_152, %select_n3A_141 : vector<8x128xi1>, vector<8x128xi32>
      %slice3A_154 = vector.extract_strided_slice %convert_element_type3A_26 {offsets = [0, 5120], sizes = [1, 512], strides = [1, 1]} : vector<1x8192xi32> to vector<1x512xi32>
      %reduce_sum3A_155 = vector.shape_cast %slice3A_154 : vector<1x512xi32> to vector<1x1x512xi32>
      %reduce_sum3A_156 = arith.constant dense<0> : vector<1xi32>
      %reduce_sum3A_157 = vector.multi_reduction <add>, %reduce_sum3A_155, %reduce_sum3A_156 [1, 2] : vector<1x1x512xi32> to vector<1xi32>
      %reduce_sum3A_158 = vector.shape_cast %reduce_sum3A_157 : vector<1xi32> to vector<1x1x1xi32>
      %reduce_sum3A_159 = vector.extract %reduce_sum3A_158[0, 0, 0] : i32 from vector<1x1x1xi32>
      %add3A_160 = arith.addi %add3A_148, %reduce_sum3A_159 : i32
      %eq3A_161 = arith.constant 11 : i32
      %eq3A_162 = vector.broadcast %eq3A_161 : i32 to vector<8x128xi32>
      %eq3A_163 = arith.cmpi eq, %iota3A, %eq3A_162 : vector<8x128xi32>
      %broadcast_in_dim3A_164 = vector.broadcast %add3A_160 : i32 to vector<8x128xi32>
      %select_n3A_165 = arith.select %eq3A_163, %broadcast_in_dim3A_164, %select_n3A_153 : vector<8x128xi1>, vector<8x128xi32>
      %slice3A_166 = vector.extract_strided_slice %convert_element_type3A_26 {offsets = [0, 5632], sizes = [1, 512], strides = [1, 1]} : vector<1x8192xi32> to vector<1x512xi32>
      %reduce_sum3A_167 = vector.shape_cast %slice3A_166 : vector<1x512xi32> to vector<1x1x512xi32>
      %reduce_sum3A_168 = arith.constant dense<0> : vector<1xi32>
      %reduce_sum3A_169 = vector.multi_reduction <add>, %reduce_sum3A_167, %reduce_sum3A_168 [1, 2] : vector<1x1x512xi32> to vector<1xi32>
      %reduce_sum3A_170 = vector.shape_cast %reduce_sum3A_169 : vector<1xi32> to vector<1x1x1xi32>
      %reduce_sum3A_171 = vector.extract %reduce_sum3A_170[0, 0, 0] : i32 from vector<1x1x1xi32>
      %add3A_172 = arith.addi %add3A_160, %reduce_sum3A_171 : i32
      %eq3A_173 = arith.constant 12 : i32
      %eq3A_174 = vector.broadcast %eq3A_173 : i32 to vector<8x128xi32>
      %eq3A_175 = arith.cmpi eq, %iota3A, %eq3A_174 : vector<8x128xi32>
      %broadcast_in_dim3A_176 = vector.broadcast %add3A_172 : i32 to vector<8x128xi32>
      %select_n3A_177 = arith.select %eq3A_175, %broadcast_in_dim3A_176, %select_n3A_165 : vector<8x128xi1>, vector<8x128xi32>
      %slice3A_178 = vector.extract_strided_slice %convert_element_type3A_26 {offsets = [0, 6144], sizes = [1, 512], strides = [1, 1]} : vector<1x8192xi32> to vector<1x512xi32>
      %reduce_sum3A_179 = vector.shape_cast %slice3A_178 : vector<1x512xi32> to vector<1x1x512xi32>
      %reduce_sum3A_180 = arith.constant dense<0> : vector<1xi32>
      %reduce_sum3A_181 = vector.multi_reduction <add>, %reduce_sum3A_179, %reduce_sum3A_180 [1, 2] : vector<1x1x512xi32> to vector<1xi32>
      %reduce_sum3A_182 = vector.shape_cast %reduce_sum3A_181 : vector<1xi32> to vector<1x1x1xi32>
      %reduce_sum3A_183 = vector.extract %reduce_sum3A_182[0, 0, 0] : i32 from vector<1x1x1xi32>
      %add3A_184 = arith.addi %add3A_172, %reduce_sum3A_183 : i32
      %eq3A_185 = arith.constant 13 : i32
      %eq3A_186 = vector.broadcast %eq3A_185 : i32 to vector<8x128xi32>
      %eq3A_187 = arith.cmpi eq, %iota3A, %eq3A_186 : vector<8x128xi32>
      %broadcast_in_dim3A_188 = vector.broadcast %add3A_184 : i32 to vector<8x128xi32>
      %select_n3A_189 = arith.select %eq3A_187, %broadcast_in_dim3A_188, %select_n3A_177 : vector<8x128xi1>, vector<8x128xi32>
      %slice3A_190 = vector.extract_strided_slice %convert_element_type3A_26 {offsets = [0, 6656], sizes = [1, 512], strides = [1, 1]} : vector<1x8192xi32> to vector<1x512xi32>
      %reduce_sum3A_191 = vector.shape_cast %slice3A_190 : vector<1x512xi32> to vector<1x1x512xi32>
      %reduce_sum3A_192 = arith.constant dense<0> : vector<1xi32>
      %reduce_sum3A_193 = vector.multi_reduction <add>, %reduce_sum3A_191, %reduce_sum3A_192 [1, 2] : vector<1x1x512xi32> to vector<1xi32>
      %reduce_sum3A_194 = vector.shape_cast %reduce_sum3A_193 : vector<1xi32> to vector<1x1x1xi32>
      %reduce_sum3A_195 = vector.extract %reduce_sum3A_194[0, 0, 0] : i32 from vector<1x1x1xi32>
      %add3A_196 = arith.addi %add3A_184, %reduce_sum3A_195 : i32
      %eq3A_197 = arith.constant 14 : i32
      %eq3A_198 = vector.broadcast %eq3A_197 : i32 to vector<8x128xi32>
      %eq3A_199 = arith.cmpi eq, %iota3A, %eq3A_198 : vector<8x128xi32>
      %broadcast_in_dim3A_200 = vector.broadcast %add3A_196 : i32 to vector<8x128xi32>
      %select_n3A_201 = arith.select %eq3A_199, %broadcast_in_dim3A_200, %select_n3A_189 : vector<8x128xi1>, vector<8x128xi32>
      %slice3A_202 = vector.extract_strided_slice %convert_element_type3A_26 {offsets = [0, 7168], sizes = [1, 512], strides = [1, 1]} : vector<1x8192xi32> to vector<1x512xi32>
      %reduce_sum3A_203 = vector.shape_cast %slice3A_202 : vector<1x512xi32> to vector<1x1x512xi32>
      %reduce_sum3A_204 = arith.constant dense<0> : vector<1xi32>
      %reduce_sum3A_205 = vector.multi_reduction <add>, %reduce_sum3A_203, %reduce_sum3A_204 [1, 2] : vector<1x1x512xi32> to vector<1xi32>
      %reduce_sum3A_206 = vector.shape_cast %reduce_sum3A_205 : vector<1xi32> to vector<1x1x1xi32>
      %reduce_sum3A_207 = vector.extract %reduce_sum3A_206[0, 0, 0] : i32 from vector<1x1x1xi32>
      %add3A_208 = arith.addi %add3A_196, %reduce_sum3A_207 : i32
      %eq3A_209 = arith.constant 15 : i32
      %eq3A_210 = vector.broadcast %eq3A_209 : i32 to vector<8x128xi32>
      %eq3A_211 = arith.cmpi eq, %iota3A, %eq3A_210 : vector<8x128xi32>
      %broadcast_in_dim3A_212 = vector.broadcast %add3A_208 : i32 to vector<8x128xi32>
      %select_n3A_213 = arith.select %eq3A_211, %broadcast_in_dim3A_212, %select_n3A_201 : vector<8x128xi1>, vector<8x128xi32>
      %slice3A_214 = vector.extract_strided_slice %convert_element_type3A_26 {offsets = [0, 7680], sizes = [1, 512], strides = [1, 1]} : vector<1x8192xi32> to vector<1x512xi32>
      %reduce_sum3A_215 = vector.shape_cast %slice3A_214 : vector<1x512xi32> to vector<1x1x512xi32>
      %reduce_sum3A_216 = arith.constant dense<0> : vector<1xi32>
      %reduce_sum3A_217 = vector.multi_reduction <add>, %reduce_sum3A_215, %reduce_sum3A_216 [1, 2] : vector<1x1x512xi32> to vector<1xi32>
      %reduce_sum3A_218 = vector.shape_cast %reduce_sum3A_217 : vector<1xi32> to vector<1x1x1xi32>
      %reduce_sum3A_219 = vector.extract %reduce_sum3A_218[0, 0, 0] : i32 from vector<1x1x1xi32>
      %add3A_220 = arith.addi %add3A_208, %reduce_sum3A_219 : i32
      %eq3A_221 = arith.constant 16 : i32
      %eq3A_222 = vector.broadcast %eq3A_221 : i32 to vector<8x128xi32>
      %eq3A_223 = arith.cmpi eq, %iota3A, %eq3A_222 : vector<8x128xi32>
      %broadcast_in_dim3A_224 = vector.broadcast %add3A_220 : i32 to vector<8x128xi32>
      %select_n3A_225 = arith.select %eq3A_223, %broadcast_in_dim3A_224, %select_n3A_213 : vector<8x128xi1>, vector<8x128xi32>
      %swap3A_226 = arith.constant 0 : index
      %swap3A_227 = arith.constant 0 : index
      %swap3A_228 = vector.load %arg4[%swap3A_226, %swap3A_227] : memref<8x128xi32, #tpu.memory_space<vmem>>, vector<8x128xi32>
      tpu.vector_store %arg4[%swap3A_226, %swap3A_227], %select_n3A_225 {strides = array<i32>} : memref<8x128xi32, #tpu.memory_space<vmem>>, vector<8x128xi32>,
    } else {
    }
    return
  }
  func.func @transform_0(%arg0: i32) -> (i32, i32) {
    %c0_i32 = arith.constant 0 : i32
    %c0_i32_0 = arith.constant 0 : i32
    %c0_i32_1 = arith.constant 0 : i32
    return %c0_i32, %c0_i32_0 : i32, i32
  }
  func.func @transform_1(%arg0: i32) -> (i32, i32) {
    %c0_i32 = arith.constant 0 : i32
    %c0_i32_0 = arith.constant 0 : i32
    return %c0_i32, %arg0 : i32, i32
  }
  func.func @transform_2(%arg0: i32) -> (i32, i32) {
    %c0_i32 = arith.constant 0 : i32
    %c0_i32_0 = arith.constant 0 : i32
    %c0_i32_1 = arith.constant 0 : i32
    return %c0_i32, %c0_i32_0 : i32, i32
  }
  func.func @transform_3(%arg0: i32) -> (i32, i32) {
    %c0_i32 = arith.constant 0 : i32
    %c0_i32_0 = arith.constant 0 : i32
    %c0_i32_1 = arith.constant 0 : i32
    return %c0_i32, %c0_i32_0 : i32, i32
  }
}

</mosaic_0001>

<sc_bundles>
// kernel: kernel.4.cloned.1.call-start
scs
__scs_entry_jumppad:
0x0: {  	(pc) =	sbr.rel $0x88, $3  }
0x1: {  	(tag) =	ssettag $0x0;
	lr =	simm.s32 $0x1  }
0x2: {  	[smem:$0x3F9F] =	sst lr;
	_ =	strace $0xD0000000  }
0x3: {  	_ = 	snop  }
0x4: {  	_ = 	snop  }
0x5: {  	_ = 	snop  }
0x6: {  	_ = 	snop  }
0x7: {  	_ = 	snop  }
__scs_overlays_trampoline_lowered:
0x8: {  	[smem:$0x3FAE] =	sst s0  }
0x9: {  	[smem:$0x3FAF] =	sst s1  }
0xa: {  	[smem:$0x3FB0] =	sst s2  }
0xb: {  	[smem:$0x3FB1] =	sst s3  }
0xc: {  	[smem:$0x3FB2] =	sst s4  }
0xd: {  	[smem:$0x3FB3] =	sst s5  }
0xe: {  	[smem:$0x3FB4] =	sst s6  }
0xf: {  	[smem:$0x3FB5] =	sst s7  }
0x10: {  	[smem:$0x3FB6] =	sst s8  }
0x11: {  	[smem:$0x3FB7] =	sst s9;
	s0 =	simm.s32 @!p0 $0x0  }
0x12: {  	s1 =	sld [smem:$0x3F9D];
	s0 =	simm.s32 @p0 $0x1  }
0x13: {  	[smem:$0x3FB8] =	sst s0;
	s0 =	simm.s32 @!p1 $0x0  }
0x14: {  	s2 =	sld [smem:$0x3F9C];
	s0 =	simm.s32 @p1 $0x1  }
0x15: {  	[smem:$0x3FB9] =	sst s0;
	s0 =	simm.s32 @!p2 $0x0  }
0x16: {  	s3 =	sld [smem:$0x3FDB];
	s0 =	simm.s32 @p2 $0x1  }
0x17: {  	s4 =	simm.s32 $0x1BF5;
	[smem:$0x3FBB] =	sst s0  }
0x18: {  	s0 =	sld [smem:$0x3F9E];
	_ =	swait.ge [sflag:s4], $0x0  }
0x19: {  	s7 =	sld [smem:$0x3F9F]  }
0x1a: {  	s8 =	sadd.s32 $0xFFFFE003, lr  }
0x1b: {  	s9 =	sadd.s32 $0xFFFFFEF7, lr;
	s5 =	simm.s32 $0xFFFFFFFF;
	p2 =	slt.u32 s8, $0xFFFFF086  }
0x1c: {  	p1 =	slt.u32 s9, $0xF7A;
	s5 =	simm.s32 @!p2 $0x0  }
0x1d: {  	s5 =	simm.s32 @p1 $0x1;
	p0 =	seq.s32 s7, s2  }
0x1e: {  	s7 =	smul.u32 @!p0 $0xF7A, s2;
	p2 =	seq.s32 @!p0 s5, $0x0  }
0x1f: {  	s9 =	smul.u32 $0xF7A, s1;
	s8 =	simm.s32 @!p0 $0x1BF5;
	p2 =	por !p2, p0  }
0x20: {  	[sflag:s8] =	ssyncset.s32 @!p0 $0xFFFFF086;
	s6 =	sadd.s32 @!p0 s3, s7;
	s7 =	simm.s32 @!p0 $0x108  }
0x21: {  	s3 =	sadd.s32 s3, s9;
	s6 =	sadd.s32 @!p0 $0x88, s6;
	s7 =	simm.s32 @p2 $0x1082  }
0x22: {  	[simem:s7], [sflag:s8] =	dma.local @!p0 [hbm:s6], $0xF7A  }
0x23: {  	s9 =	sor.u32 $0xD0000000, s2;
	s6 =	simm.s32 $0x108;
	_ =	swait.ge @!p0 [sflag:s8], $0x0  }
0x24: {  	s3 =	sadd.s32 $0x88, s3;
	s6 =	simm.s32 @!p1 $0x1082;
	[sflag:s4] =	ssyncset.s32 $0xFFFFF086  }
0x25: {  	[simem:s6], [sflag:s4] =	dma.local [hbm:s3], $0xF7A  }
0x26: {  	[smem:$0x3F9F] =	sst s1;
	(tag) =	ssettag s2;
	_ =	strace s9  }
0x27: {  	s1 =	sld [smem:$0x3FAF]  }
0x28: {  	s2 =	sld [smem:$0x3FB0]  }
0x29: {  	s4 =	sld [smem:$0x3FB2]  }
0x2a: {  	p0 =	seq.s32 s5, $0x0;
	s5 =	sld [smem:$0x3FB3]  }
0x2b: {  	s6 =	sld [smem:$0x3FB4]  }
0x2c: {  	s7 =	sld [smem:$0x3FB5]  }
0x2d: {  	s3 =	simm.s32 $0x108;
	s8 =	sld [smem:$0x3FB6]  }
0x2e: {  	s3 =	simm.s32 @!p0 $0x1082;
	s9 =	sld [smem:$0x3FB7]  }
0x2f: {  	lr =	sadd.s32 s0, s3;
	s0 =	sld [smem:$0x3FAE]  }
0x30: {  	s3 =	sld [smem:$0x3FB1]  }
0x31: {  	[smem:$0x3FBA] =	sst s10  }
0x32: {  	s10 =	sld [smem:$0x3FB8];
	_ =	sdelay $0x3  }
0x33: {  	p0 =	seq.s32 s10, $0x1;
	s10 =	sld [smem:$0x3FBA];
	_ =	sdelay $0x3  }
0x34: {  	[smem:$0x3FBA] =	sst s10  }
0x35: {  	s10 =	sld [smem:$0x3FB9];
	_ =	sdelay $0x3  }
0x36: {  	p1 =	seq.s32 s10, $0x1;
	s10 =	sld [smem:$0x3FBA];
	_ =	sdelay $0x3  }
0x37: {  	[smem:$0x3FBA] =	sst s10  }
0x38: {  	s10 =	sld [smem:$0x3FBB]  }
0x39: {  	_ = 	snop;
	(pc) =	sbr.ind lr, $3  }
0x3a: {  	_ = 	snop  }
0x3b: {  	_ = 	snop  }
0x3c: {  	p2 =	seq.s32 s10, $0x1;
	s10 =	sld [smem:$0x3FBA]  }
0x3d: {  	_ =	shalt  }
0x3e: {  	_ =	shalt  }
0x3f: {  	_ =	shalt  }
0x40: {  	_ =	shalt  }
0x41: {  	_ =	shalt  }
0x42: {  	_ =	shalt  }
0x43: {  	_ =	shalt  }
0x44: {  	_ =	shalt  }
0x45: {  	_ =	shalt  }
0x46: {  	_ =	shalt  }
0x47: {  	_ =	shalt  }
0x48: {  	_ =	shalt  }
0x49: {  	_ =	shalt  }
0x4a: {  	_ =	shalt  }
0x4b: {  	_ =	shalt  }
0x4c: {  	_ =	shalt  }
0x4d: {  	_ =	shalt  }
0x4e: {  	_ =	shalt  }
0x4f: {  	_ =	shalt  }
0x50: {  	_ =	shalt  }
0x51: {  	_ =	shalt  }
0x52: {  	_ =	shalt  }
0x53: {  	_ =	shalt  }
0x54: {  	_ =	shalt  }
0x55: {  	_ =	shalt  }
0x56: {  	_ =	shalt  }
0x57: {  	_ =	shalt  }
0x58: {  	_ =	shalt  }
0x59: {  	_ =	shalt  }
0x5a: {  	_ =	shalt  }
0x5b: {  	_ =	shalt  }
0x5c: {  	_ =	shalt  }
0x5d: {  	_ =	shalt  }
0x5e: {  	_ =	shalt  }
0x5f: {  	_ =	shalt  }
0x60: {  	_ =	shalt  }
0x61: {  	_ =	shalt  }
0x62: {  	_ =	shalt  }
0x63: {  	_ =	shalt  }
0x64: {  	_ =	shalt  }
0x65: {  	_ =	shalt  }
0x66: {  	_ =	shalt  }
0x67: {  	_ =	shalt  }
0x68: {  	_ =	shalt  }
0x69: {  	_ =	shalt  }
0x6a: {  	_ =	shalt  }
0x6b: {  	_ =	shalt  }
0x6c: {  	_ =	shalt  }
0x6d: {  	_ =	shalt  }
0x6e: {  	_ =	shalt  }
0x6f: {  	_ =	shalt  }
0x70: {  	_ =	shalt  }
0x71: {  	_ =	shalt  }
0x72: {  	_ =	shalt  }
0x73: {  	_ =	shalt  }
0x74: {  	_ =	shalt  }
0x75: {  	_ =	shalt  }
0x76: {  	_ =	shalt  }
0x77: {  	_ =	shalt  }
0x78: {  	_ =	shalt  }
0x79: {  	_ =	shalt  }
0x7a: {  	_ =	shalt  }
0x7b: {  	_ =	shalt  }
0x7c: {  	_ =	shalt  }
0x7d: {  	_ =	shalt  }
0x7e: {  	_ =	shalt  }
0x7f: {  	_ =	shalt  }
0x80: {  	_ =	shalt  }
0x81: {  	_ =	shalt  }
0x82: {  	_ =	shalt  }
0x83: {  	_ =	shalt  }
0x84: {  	_ =	shalt  }
0x85: {  	_ =	shalt  }
0x86: {  	_ =	shalt  }
0x87: {  	_ =	shalt  }
.Lfunc_end0:
.L_simem_size_0:
called_computation_lowered:
.L_overlay_start_0:
0x88: {  	s0 =	sld [smem:$0x3FD9]  }
0x89: {  	s1 =	sld [smem:$0x3FFE];
	_ =	sdelay $0x3  }
0x8a: {  	s0 =	sadd.s32 s1, s0  }
0x8b: {  	[smem:$0x3FC6] =	sst s0  }
0x8c: {  	_ = 	snop  }
0x8d: {  	s0 =	sld [smem:$0x3FD0];
	_ =	sdelay $0x2  }
0x8e: {  	s13 =	simm.s32 $0xA;
	s2 =	simm.s32 $0x10  }
0x8f: {  	[smem:s2], [sflag:s13] =	dma.local [hbm:s0], $0x1  }
0x90: {  	_ =	swait.eq [sflag:s13], $0x1  }
0x91: {  	[sflag:s13] =	ssyncset.done $0x0  }
0x92: {  	s14 =	sld [smem:$0x10];
	[sflag:s13] =	ssyncadd.s32 $0xFFFFFFFF  }
0x93: {  	s15 =	sld [smem:$0x11];
	(tm) =	ssettm $0x1  }
0x94: {  	s16 =	sld [smem:$0x3FFB];
	_ =	sdelay $0x3  }
0x95: {  	_ =	strace s16  }
0x96: {  	s2 =	sld [smem:$0x3FFC];
	_ =	sdelay $0x3  }
0x97: {  	_ =	strace s2  }
0x98: {  	s2 =	sld [smem:$0x3FFD];
	_ =	sdelay $0x3  }
0x99: {  	_ =	strace s2  }
0x9a: {  	_ =	strace $0x8FFFFFFF  }
0x9b: {  	s17 =	sld [smem:$0x3FDB];
	_ =	sdelay $0x1  }
0x9c: {  	s3 =	simm.s32 $_scs_section_size  }
0x9d: {  	s4 =	simm.s32 $_size__tile_overlayer_lowered;
	s5 =	simm.s32 $_tile_overlayer_lowered  }
0x9e: {  	s20 =	simm.s32 $0x1BFF;
	s19 =	sshll.u32 s5, $0x1;
	s2 =	sadd.s32 s3, s17  }
0x9f: {  	s6 =	simm.s32 $0x0;
	s18 =	sshll.u32 s4, $0x1;
	s4 =	sadd.s32 s19, s2  }
0xa0: {  	[timem:s6], [sflag:s20] =	dma.local [hbm:s4], s18  }
0xa1: {  	_ =	swait.ge [sflag:s20], s18  }
0xa2: {  	s3 =	ssub.s32 $0x0, s18;
	[sflag:s20] =	ssyncset.done $0x0  }
0xa3: {  	[sflag:s20] =	ssyncadd.s32 s3;
	_ =	sdelay $0x1  }
0xa4: {  	s21 =	simm.s32 $0x1B8B  }
0xa5: {  	_ =	swait.ge [sflag:s21], $0x1  }
0xa6: {  	[sflag:s21] =	ssyncset.done $0x0  }
0xa7: {  	s23 =	simm.s32 $0x1B8E;
	s22 =	sld [smem:$0x3FFE];
	[sflag:s21] =	ssyncadd.s32 $0xFFFFFFFF  }
0xa8: {  	s24 =	simm.s32 $execute0_lowered;
	[smem:$0x3FD2] =	sst s23  }
0xa9: {  	s4 =	sshll.u32 s24, $0x1;
	_ =	strace $0x80000046;
	[dreg:$0x1] =	wrdreg $0xFFFFFFFF  }
0xaa: {  	s25 =	simm.s32 $_size_execute0_lowered;
	s2 =	sadd.s32 s2, s4;
	[dreg:$0x0] =	wrdreg $0x0  }
0xab: {  	s4 =	sshll.u32 s25, $0x1;
	[dreg:$0x2] =	wrdreg s2  }
0xac: {  	[dreg:$0x3] =	wrdreg s4  }
0xad: {  	[dreg:$0x4] =	wrdreg $0xC0  }
0xae: {  	_ =	task [dreg:s6], $0x5FFFF  }
0xaf: {  	[dreg:$0x1] =	wrdreg $0xFFFFFFFF  }
0xb0: {  	[dreg:$0x0] =	wrdreg $0x60  }
0xb1: {  	[dreg:$0x2] =	wrdreg s15  }
0xb2: {  	[dreg:$0x3] =	wrdreg s22  }
0xb3: {  	[dreg:$0x4] =	wrdreg s14  }
0xb4: {  	[dreg:$0x5] =	wrdreg $0x6800  }
0xb5: {  	[dreg:$0x6] =	wrdreg $0x9  }
0xb6: {  	_ =	task.clear_ibuf [dreg:s6], $0x7FFFF;
	_ =	strace $0x90000046  }
0xb7: {  	s26 =	simm.s32 $0x9;
	_ =	strace $0x80000048  }
0xb8: {  	_ =	swait.ge [sflag:s26], $0x1  }
0xb9: {  	[sflag:s26] =	ssyncadd.s32 $0xFFFFFFFF  }
0xba: {  	_ =	strace $0x90000048  }
0xbb: {  	_ =	sfence  }
0xbc: {  	s28 =	sld [smem:$0x0];
	_ =	sdelay $0x1  }
0xbd: {  	s29 =	srdreg.scid  }
0xbe: {  	s30 =	sshll.u32 s29, $0xD;
	s31 =	sshrl.u32 s29, $0x2  }
0xbf: {  	s1 =	sand.u32 $0x1, s29;
	s2 =	sand.u32 $0x4000, s30;
	s0 =	sadd.s32 s31, s28  }
0xc0: {  	s1 =	sor.u32 s2, s1;
	s0 =	sshll.u32 s0, $0x11  }
0xc1: {  	s0 =	sor.u32 s0, s1  }
0xc2: {  	s0 =	sadd.s32 $0x8F2B, s0  }
0xc3: {  	[sflag:s0] =	ssyncadd.remote.s32 $0x1  }
0xc4: {  	_ =	sfence.sel $0xFFFF  }
0xc5: {  	[dreg:$0x0] =	wrdreg $0xFFFFFFFF;
	(pc) =	sbr.abs _section_cstart, $3  }
0xc6: {  	[dreg:$0x1] =	wrdreg $0xFFFFFFFF  }
0xc7: {  	_ =	task.clear_ibuf [dreg:s6], $0x2FFFF;
	_ =	strace $0x9FFFFFFF  }
0xc8: {  	(tm) =	ssettm $0x7FFFFFFF  }
0xc9: {  	_ =	shalt  }
tec
execute0_lowered:
.L_overlay_start_1:
0x0: {  	(tag) =	ssettag $0x1  }
0x1: {  	s5 =	rddreg [dreg:$0x0]  }
0x2: {  	s4 =	rddreg [dreg:$0x1]  }
0x3: {  	s2 =	rddreg [dreg:$0x2]  }
0x4: {  	s3 =	rddreg [dreg:$0x3]  }
0x5: {  	s0 =	rddreg [dreg:$0x4];
	s7 =	simm.s32 $0x0  }
0x6: {  	s1 =	stileid.u32;
	s8 =	simm.s32 $0x200;
	v1 =	vimm.s32 $0xEDCBA987;
	v2 =	vimm.s32 $0x65432100;
	[smem:$0x7FF] =	sst s7  }
0x7: {  	v0 =	vlaneseq.u32;
	v3 =	vimm.s32 $0xDCBA9876;
	s6 =	sadd.s32 $0xA00, s4;
	s4 =	sshll.u32 s1, $0x6;
	_ =	strace $0x80000047  }
0x8: {  	v5 =	vimm.s32 $0x54321000;
	v53 =	vimm.s32 $0xBA987654;
	v8 =	vimm.s32 $0x32100000;
	[tilespmem:s8], [sflag:$0x1] =	stream.linear.gather [hbm4b:s6+s7], $0x80, $0x38;
	[tilespmem:$0x880] =	vst v63  }
0x9: {  	v9 =	vimm.s32 $0xE40000;
	vm2 =	vmmov $0x3;
	vm0 =	vmmov $0xf;
	s5 =	sadd.s32 s5, s4  }
0xa: {  	v15 =	vimm.s32 $0x7060504;
	vm3 =	vcmask $0x3F30;
	v60 =	vimm.s32 $0x0;
	[tilespmem:s7], [sflag:$0x2] =	stream.linear.gather [hbm4b:s5+s7], $0x200, $0x38;
	[tilespmem:$0x880] =	vst v63  }
0xb: {  	v4 =	vmov s1;
	v1 =	vunpack.c.l.s4.s8 v1;
	v2 =	vunpack.c.l.s4.s8 v2;
	s5 =	simm.s32 $0x2  }
0xc: {  	v7 =	vunpack.c.l.s4.s8 v3;
	v50 =	vunpack.c.l.s4.s8 v5;
	vm1 =	veq.s32 v0, $0x0;
	s6 =	sshll.u32 s1, $0x9;
	_ =	swait.ge [sflag:s5], $0x200  }
0xd: {  	s19 =	simm.s32 $0x1;
	v54 =	vunpack.c.l.s4.s8 v8;
	v9 =	vunpack.c.l.s2.s4 v9;
	v15 =	vunpack.c.0.s8.s32 v15;
	s14 =	sor.u32 $0x10, s6;
	[sflag:s5] =	ssyncset.done $0x0  }
0xe: {  	v1 =	vunpack.c.0.s8.s32 v1;
	v2 =	vunpack.c.0.s8.s32 v2;
	v51 =	vunpack.c.0.s8.s32 v7;
	s15 =	sor.u32 $0x20, s6;
	s9 =	sor.u32 $0x30, s6;
	[sflag:s5] =	ssyncadd.s32 $0xFFFFFE00  }
0xf: {  	v7 =	vunpack.c.l.s4.s8 v53;
	v56 =	vunpack.c.l.s4.s8 v9;
	s16 =	sor.u32 $0x40, s6;
	s17 =	sor.u32 $0x50, s6;
	v10 =	vor.u32 s6, v0;
	_ =	swait.ge [sflag:s19], $0x80  }
0x10: {  	s18 =	sor.u32 $0x60, s6;
	s20 =	sor.u32 $0x70, s6;
	v13 =	vor.u32 s14, v0;
	v16 =	vor.u32 s15, v0;
	v19 =	vor.u32 s9, v0;
	[sflag:s19] =	ssyncset.done $0x0  }
0x11: {  	s21 =	sor.u32 $0x80, s6;
	s22 =	sor.u32 $0x90, s6;
	v21 =	vor.u32 s16, v0;
	v25 =	vor.u32 s17, v0;
	v29 =	vor.u32 s18, v0;
	[sflag:s19] =	ssyncadd.s32 $0xFFFFFF80  }
0x12: {  	s23 =	sor.u32 $0xA0, s6;
	s24 =	sor.u32 $0xB0, s6;
	s25 =	sor.u32 $0xC0, s6;
	v31 =	vor.u32 s20, v0;
	v32 =	vor.u32 s21, v0;
	v35 =	vor.u32 s22, v0;
	v6 =	vld [tilespmem:$0x0]  }
0x13: {  	s26 =	sor.u32 $0xD0, s6;
	s28 =	sor.u32 $0xE0, s6;
	v40 =	vor.u32 s23, v0;
	v39 =	vor.u32 s24, v0;
	v37 =	vor.u32 s25, v0  }
0x14: {  	s29 =	sor.u32 $0xF0, s6;
	s30 =	sor.u32 $0x100, s6;
	v1 =	vand.u32 $0xF, v1;
	v34 =	vor.u32 s26, v0;
	v27 =	vor.u32 s28, v0;
	v14 =	vld [tilespmem:$0x10]  }
0x15: {  	s31 =	sor.u32 $0x110, s6;
	v23 =	vor.u32 s29, v0;
	v20 =	vor.u32 s30, v0;
	v3 =	vcombine.low v2, v1  }
0x16: {  	s8 =	sor.u32 $0x120, s6;
	v7 =	vunpack.c.0.s8.s32 v7;
	v24 =	vor.u32 s31, v0;
	v1 =	vunpack.c.0.s8.s32 v50  }
0x17: {  	s10 =	sor.u32 $0x140, s6;
	v17 =	vor.u32 s8, v0;
	v2 =	vand.u32 $0xF, v51;
	v57 =	vld [tilespmem:$0x200];
	v52 =	vperm.xlane v6, v3  }
0x18: {  	v12 =	vor.u32 s10, v0;
	v1 =	vcombine.low v1, v2;
	v2 =	vunpack.c.0.s8.s32 v54;
	v22 =	vld [tilespmem:$0x210]  }
0x19: {  	v7 =	vand.u32 $0xF, v7;
	v59 =	vld [tilespmem:$0x20];
	v18 =	vperm.xlane v14, v3;
	v5 =	vsel vm1, $0x0, v52  }
0x1a: {  	s9 =	sor.u32 $0x130, s6;
	v2 =	vcombine.low v2, v7;
	v7 =	vunpack.c.0.s8.s32 v56;
	v5 =	vadd.s32 v6, v5  }
0x1b: {  	v11 =	vor.u32 s9, v0;
	v18 =	vsel vm1, $0x0, v18;
	v55 =	vperm.xlane v5, v1  }
0x1c: {  	v7 =	vand.u32 $0x3, v7;
	v33 =	vperm.xlane v57, v4;
	v58 =	vadd.s32 v14, v18  }
0x1d: {  	v4 =	vperm.xlane v22, v60;
	v30 =	vperm.xlane v58, v1;
	v8 =	vsel vm2, $0x0, v55  }
0x1e: {  	v43 =	vperm.xlane v59, v3;
	vm4 =	vgt.s32 v6, $0x0;
	v5 =	vadd.s32 v8, v5  }
0x1f: {  	vm10 =	vgt.s32 v14, $0x0;
	v62 =	vsel vm2, $0x0, v30;
	v30 =	vld [tilespmem:$0x30];
	v8 =	vperm.xlane v5, v2  }
0x20: {  	vm11 =	vgt.s32 v59, $0x0;
	v41 =	vsub.s32 v33, v6;
	v45 =	vadd.s32 v10, v4  }
0x21: {  	v10 =	vnsel vm4, $0xFFFFFFFF, v10;
	v50 =	vadd.s32 v13, v4;
	v8 =	vsel vm0, $0x0, v8  }
0x22: {  	s11 =	sor.u32 $0x150, s6;
	s12 =	sor.u32 $0x160, s6;
	v13 =	vnsel vm10, $0xFFFFFFFF, v13;
	v6 =	vimm.s32 $0xF;
	v26 =	vadd.s32 v8, v5  }
0x23: {  	v5 =	vsel vm3, v15, v7;
	v8 =	vor.u32 s11, v0;
	v7 =	vor.u32 s12, v0  }
0x24: {  	v15 =	vadd.s32 v62, v58;
	v38 =	vperm.xlane v30, v3;
	v28 =	vperm.xlane v26, v5  }
0x25: {  	vm3 =	vmmov $0xff;
	vm12 =	vgt.s32 v30, $0x0;
	v42 =	vperm.xlane v15, v2  }
0x26: {  	v49 =	vsel vm1, $0x0, v38;
	v61 =	vsel vm3, $0x0, v28;
	v28 =	vsel vm1, $0x0, v43  }
0x27: {  	v63 =	vadd.s32 v61, v26;
	v26 =	vsel vm0, $0x0, v42;
	v46 =	vadd.s32 v59, v28  }
0x28: {  	v42 =	vadd.s32 v16, v4;
	v16 =	vnsel vm11, $0xFFFFFFFF, v16;
	v15 =	vadd.s32 v26, v15  }
0x29: {  	v44 =	vadd.s32 v63, v41;
	v36 =	vperm.xlane v46, v1;
	v47 =	vperm.xlane v15, v5  }
0x2a: {  	v22 =	vperm.xlane v63, v6;
	v63 =	vadd.s32 v19, v4;
	v19 =	vnsel vm12, $0xFFFFFFFF, v19  }
0x2b: {  	v9 =	vsub.s32 v45, v44;
	v36 =	vsel vm2, $0x0, v36;
	v28 =	vsel vm3, $0x0, v47  }
0x2c: {  	v9 =	vsel vm4, v44, v9;
	v26 =	vadd.s32 v36, v46;
	v15 =	vadd.s32 v28, v15;
	v28 =	vld [tilespmem:$0x40]  }
0x2d: {  	v22 =	vadd.s32 v33, v22;
	v36 =	vadd.s32 v30, v49;
	v48 =	vperm.xlane v26, v2  }
0x2e: {  	v14 =	vsub.s32 v22, v14;
	v46 =	vadd.s32 v29, v4;
	v41 =	vperm.xlane v36, v1  }
0x2f: {  	v14 =	vadd.s32 v15, v14;
	v15 =	vperm.xlane v15, v6;
	v33 =	vsel vm0, $0x0, v48  }
0x30: {  	v38 =	vsub.s32 v50, v14;
	v51 =	vsel vm2, $0x0, v41;
	v26 =	vadd.s32 v33, v26  }
0x31: {  	v36 =	vadd.s32 v51, v36;
	v33 =	vperm.xlane v26, v5;
	v52 =	vperm.xlane v28, v3  }
0x32: {  	v14 =	vsel vm10, v14, v38;
	v22 =	vadd.s32 v15, v22;
	v38 =	vperm.xlane v36, v2  }
0x33: {  	v15 =	vsub.s32 v22, v59;
	v33 =	vsel vm3, $0x0, v33;
	v41 =	vsel vm1, $0x0, v52  }
0x34: {  	v54 =	vsel vm0, $0x0, v38;
	v26 =	vadd.s32 v33, v26;
	v53 =	vadd.s32 v28, v41;
	v41 =	vld [tilespmem:$0x50]  }
0x35: {  	v18 =	vadd.s32 v54, v36;
	v15 =	vadd.s32 v26, v15;
	v55 =	vperm.xlane v53, v1  }
0x36: {  	v57 =	vperm.xlane v18, v5;
	v26 =	vperm.xlane v26, v6;
	v56 =	vsub.s32 v42, v15  }
0x37: {  	vm13 =	vgt.s32 v28, $0x0;
	v15 =	vsel vm11, v15, v56;
	v38 =	vsel vm2, $0x0, v55  }
0x38: {  	v58 =	vsel vm3, $0x0, v57;
	v22 =	vadd.s32 v26, v22;
	v33 =	vadd.s32 v38, v53  }
0x39: {  	v57 =	vadd.s32 v21, v4;
	v38 =	vperm.xlane v33, v2;
	v59 =	vperm.xlane v41, v3  }
0x3a: {  	v21 =	vnsel vm13, $0xFFFFFFFF, v21;
	v18 =	vadd.s32 v58, v18;
	v26 =	vsub.s32 v22, v30;
	v30 =	vld [tilespmem:$0x70]  }
0x3b: {  	v26 =	vadd.s32 v18, v26;
	v60 =	vsel vm0, $0x0, v38;
	v61 =	vsel vm1, $0x0, v59;
	v38 =	vld [tilespmem:$0x60]  }
0x3c: {  	v49 =	vperm.xlane v18, v6;
	v48 =	vsub.s32 v63, v26;
	v62 =	vadd.s32 v41, v61  }
0x3d: {  	vm14 =	vgt.s32 v41, $0x0;
	v18 =	vsel vm12, v26, v48;
	v44 =	vperm.xlane v62, v1  }
0x3e: {  	v52 =	vadd.s32 v49, v22;
	v48 =	vadd.s32 v25, v4;
	v25 =	vnsel vm14, $0xFFFFFFFF, v25  }
0x3f: {  	v33 =	vadd.s32 v60, v33;
	v60 =	vperm.xlane v30, v3;
	v51 =	vsel vm2, $0x0, v44  }
0x40: {  	v43 =	vperm.xlane v33, v5;
	v53 =	vadd.s32 v51, v62;
	v55 =	vperm.xlane v38, v3  }
0x41: {  	v54 =	vsub.s32 v52, v28;
	vm8 =	vgt.s32 v30, $0x0;
	v36 =	vperm.xlane v53, v2  }
0x42: {  	v63 =	vsel vm1, $0x0, v60;
	v50 =	vsel vm3, $0x0, v43;
	v42 =	vsel vm1, $0x0, v55  }
0x43: {  	v26 =	vadd.s32 v50, v33;
	v36 =	vsel vm0, $0x0, v36;
	v42 =	vadd.s32 v38, v42  }
0x44: {  	v56 =	vadd.s32 v26, v54;
	v36 =	vadd.s32 v36, v53;
	v59 =	vperm.xlane v42, v1  }
0x45: {  	v26 =	vperm.xlane v26, v6;
	v43 =	vsub.s32 v57, v56;
	v58 =	vperm.xlane v36, v5  }
0x46: {  	vm15 =	vgt.s32 v38, $0x0;
	v22 =	vsel vm13, v56, v43;
	v43 =	vsel vm2, $0x0, v59  }
0x47: {  	v33 =	vadd.s32 v26, v52;
	v28 =	vsel vm3, $0x0, v58;
	v61 =	vadd.s32 v43, v42;
	v42 =	vld [tilespmem:$0x80]  }
0x48: {  	v26 =	vsub.s32 v33, v41;
	v43 =	vadd.s32 v30, v63;
	v28 =	vadd.s32 v28, v36  }
0x49: {  	v62 =	vperm.xlane v61, v2;
	v45 =	vperm.xlane v43, v1;
	v26 =	vadd.s32 v28, v26  }
0x4a: {  	v29 =	vnsel vm15, $0xFFFFFFFF, v29;
	v28 =	vperm.xlane v28, v6;
	v44 =	vsub.s32 v48, v26  }
0x4b: {  	v41 =	vsel vm0, $0x0, v62;
	v49 =	vsel vm2, $0x0, v45;
	v26 =	vsel vm14, v26, v44  }
0x4c: {  	v36 =	vadd.s32 v41, v61;
	v43 =	vadd.s32 v49, v43;
	v50 =	vperm.xlane v42, v3  }
0x4d: {  	v33 =	vadd.s32 v28, v33;
	v41 =	vperm.xlane v36, v5;
	v44 =	vperm.xlane v43, v2  }
0x4e: {  	v61 =	vadd.s32 v31, v4;
	v28 =	vsub.s32 v33, v38;
	v45 =	vsel vm1, $0x0, v50  }
0x4f: {  	v41 =	vsel vm3, $0x0, v41;
	v52 =	vsel vm0, $0x0, v44;
	v51 =	vadd.s32 v42, v45  }
0x50: {  	v36 =	vadd.s32 v41, v36;
	v45 =	vld [tilespmem:$0x90];
	v38 =	vadd.s32 v52, v43;
	v53 =	vperm.xlane v51, v1  }
0x51: {  	v31 =	vnsel vm8, $0xFFFFFFFF, v31;
	v28 =	vadd.s32 v36, v28;
	v55 =	vperm.xlane v38, v5  }
0x52: {  	v36 =	vperm.xlane v36, v6;
	v54 =	vsub.s32 v46, v28;
	v44 =	vsel vm2, $0x0, v53  }
0x53: {  	vm9 =	vgt.s32 v42, $0x0;
	v28 =	vsel vm15, v28, v54;
	v41 =	vadd.s32 v44, v51  }
0x54: {  	v56 =	vsel vm3, $0x0, v55;
	v33 =	vadd.s32 v36, v33;
	v44 =	vperm.xlane v41, v2  }
0x55: {  	v38 =	vadd.s32 v56, v38;
	v36 =	vsub.s32 v33, v30;
	v57 =	vperm.xlane v45, v3  }
0x56: {  	v36 =	vadd.s32 v38, v36;
	v38 =	vperm.xlane v38, v6;
	v58 =	vsel vm0, $0x0, v44  }
0x57: {  	v53 =	vadd.s32 v32, v4;
	v59 =	vsel vm1, $0x0, v57;
	v44 =	vld [tilespmem:$0xA0];
	v41 =	vadd.s32 v58, v41  }
0x58: {  	v38 =	vadd.s32 v38, v33;
	v60 =	vadd.s32 v45, v59;
	v47 =	vperm.xlane v41, v5  }
0x59: {  	v32 =	vnsel vm9, $0xFFFFFFFF, v32;
	v51 =	vsub.s32 v38, v42;
	v42 =	vld [tilespmem:$0xB0];
	v48 =	vperm.xlane v60, v1  }
0x5a: {  	vm10 =	vgt.s32 v45, $0x0;
	v62 =	vsub.s32 v61, v36;
	v63 =	vsel vm3, $0x0, v47  }
0x5b: {  	v30 =	vsel vm8, v36, v62;
	v49 =	vsel vm2, $0x0, v48;
	v36 =	vadd.s32 v63, v41  }
0x5c: {  	v50 =	vadd.s32 v49, v60;
	v52 =	vperm.xlane v44, v3;
	v60 =	vadd.s32 v35, v4  }
0x5d: {  	v35 =	vnsel vm10, $0xFFFFFFFF, v35;
	vm11 =	vgt.s32 v44, $0x0;
	v43 =	vperm.xlane v50, v2  }
0x5e: {  	s18 =	sor.u32 $0x1C0, s6;
	v41 =	vadd.s32 v36, v51;
	v36 =	vperm.xlane v36, v6;
	v56 =	vperm.xlane v42, v3  }
0x5f: {  	vm12 =	vgt.s32 v42, $0x0;
	[tilespmem:$0x510] =	vst v35;
	v35 =	vor.u32 s18, v0;
	v46 =	vsel vm1, $0x0, v52  }
0x60: {  	v47 =	vsub.s32 v53, v41;
	v43 =	vsel vm0, $0x0, v43;
	v46 =	vadd.s32 v44, v46  }
0x61: {  	v33 =	vsel vm9, v41, v47;
	v43 =	vadd.s32 v43, v50;
	v55 =	vperm.xlane v46, v1  }
0x62: {  	v38 =	vadd.s32 v36, v38;
	v59 =	vsel vm1, $0x0, v56;
	v54 =	vperm.xlane v43, v5  }
0x63: {  	v36 =	vsub.s32 v38, v45;
	v50 =	vadd.s32 v40, v4;
	v47 =	vsel vm2, $0x0, v55  }
0x64: {  	v41 =	vsel vm3, $0x0, v54;
	v57 =	vadd.s32 v47, v46;
	v46 =	vld [tilespmem:$0xC0];
	v47 =	vadd.s32 v42, v59  }
0x65: {  	v41 =	vadd.s32 v41, v43;
	v58 =	vperm.xlane v57, v2;
	v49 =	vperm.xlane v47, v1  }
0x66: {  	v40 =	vnsel vm11, $0xFFFFFFFF, v40;
	v36 =	vadd.s32 v41, v36;
	v41 =	vperm.xlane v41, v6  }
0x67: {  	v48 =	vsub.s32 v60, v36;
	v45 =	vsel vm0, $0x0, v58;
	v61 =	vsel vm2, $0x0, v49  }
0x68: {  	v36 =	vsel vm10, v36, v48;
	v43 =	vadd.s32 v45, v57;
	v47 =	vadd.s32 v61, v47  }
0x69: {  	v41 =	vadd.s32 v41, v38;
	v62 =	vperm.xlane v46, v3;
	v48 =	vperm.xlane v47, v2  }
0x6a: {  	v61 =	vadd.s32 v39, v4;
	v39 =	vnsel vm12, $0xFFFFFFFF, v39;
	v45 =	vperm.xlane v43, v5  }
0x6b: {  	v38 =	vsub.s32 v41, v44;
	v49 =	vsel vm1, $0x0, v62;
	v52 =	vsel vm0, $0x0, v48  }
0x6c: {  	v45 =	vsel vm3, $0x0, v45;
	v63 =	vadd.s32 v46, v49;
	v49 =	vld [tilespmem:$0xD0];
	v44 =	vadd.s32 v52, v47  }
0x6d: {  	v43 =	vadd.s32 v45, v43;
	v53 =	vperm.xlane v63, v1;
	v55 =	vperm.xlane v44, v5  }
0x6e: {  	vm13 =	vgt.s32 v46, $0x0;
	v38 =	vadd.s32 v43, v38;
	v43 =	vperm.xlane v43, v6  }
0x6f: {  	v54 =	vsub.s32 v50, v38;
	v48 =	vsel vm2, $0x0, v53;
	v56 =	vsel vm3, $0x0, v55  }
0x70: {  	v43 =	vadd.s32 v43, v41;
	v45 =	vadd.s32 v48, v63;
	v44 =	vadd.s32 v56, v44  }
0x71: {  	s20 =	sor.u32 $0x1E0, s6;
	v41 =	vsub.s32 v43, v42;
	v48 =	vperm.xlane v45, v2;
	v57 =	vperm.xlane v49, v3  }
0x72: {  	[tilespmem:$0x310] =	vst v36;
	v36 =	vor.u32 s20, v0;
	v38 =	vsel vm11, v38, v54;
	v41 =	vadd.s32 v44, v41  }
0x73: {  	v44 =	vperm.xlane v44, v6;
	v58 =	vsel vm0, $0x0, v48;
	v59 =	vsel vm1, $0x0, v57  }
0x74: {  	v56 =	vadd.s32 v37, v4;
	v48 =	vld [tilespmem:$0xE0];
	v45 =	vadd.s32 v58, v45;
	v60 =	vadd.s32 v49, v59  }
0x75: {  	v43 =	vadd.s32 v44, v43;
	v51 =	vperm.xlane v45, v5;
	v52 =	vperm.xlane v60, v1  }
0x76: {  	v37 =	vnsel vm13, $0xFFFFFFFF, v37;
	vm14 =	vgt.s32 v49, $0x0;
	v44 =	vsub.s32 v43, v46;
	v46 =	vld [tilespmem:$0xF0]  }
0x77: {  	v62 =	vsub.s32 v61, v41;
	v63 =	vsel vm3, $0x0, v51;
	v53 =	vsel vm2, $0x0, v52  }
0x78: {  	v41 =	vsel vm12, v41, v62;
	v45 =	vadd.s32 v63, v45;
	v54 =	vadd.s32 v53, v60  }
0x79: {  	v55 =	vperm.xlane v48, v3;
	v63 =	vadd.s32 v34, v4;
	v47 =	vperm.xlane v54, v2  }
0x7a: {  	vm15 =	vgt.s32 v48, $0x0;
	v44 =	vadd.s32 v45, v44;
	v45 =	vperm.xlane v45, v6  }
0x7b: {  	v59 =	vperm.xlane v46, v3;
	v50 =	vsel vm1, $0x0, v55;
	v47 =	vsel vm0, $0x0, v47  }
0x7c: {  	vm5 =	vgt.s32 v46, $0x0;
	v50 =	vadd.s32 v48, v50;
	v47 =	vadd.s32 v47, v54  }
0x7d: {  	v51 =	vsub.s32 v56, v44;
	v58 =	vperm.xlane v50, v1;
	v54 =	vld [tilespmem:$0x110];
	v57 =	vperm.xlane v47, v5  }
0x7e: {  	v42 =	vsel vm13, v44, v51;
	v45 =	vadd.s32 v45, v43;
	v62 =	vsel vm1, $0x0, v59  }
0x7f: {  	v43 =	vsub.s32 v45, v49;
	v51 =	vsel vm2, $0x0, v58;
	v44 =	vsel vm3, $0x0, v57  }
0x80: {  	v60 =	vadd.s32 v51, v50;
	v50 =	vld [tilespmem:$0x100];
	v51 =	vadd.s32 v46, v62;
	v44 =	vadd.s32 v44, v47  }
0x81: {  	v61 =	vperm.xlane v60, v2;
	v53 =	vperm.xlane v51, v1;
	v43 =	vadd.s32 v44, v43  }
0x82: {  	v44 =	vperm.xlane v44, v6;
	v55 =	vperm.xlane v54, v3;
	vm9 =	vgt.s32 v54, $0x0  }
0x83: {  	v52 =	vsub.s32 v63, v43;
	v49 =	vsel vm0, $0x0, v61;
	v56 =	vsel vm2, $0x0, v53  }
0x84: {  	v61 =	vadd.s32 v27, v4;
	v47 =	vadd.s32 v49, v60;
	v51 =	vadd.s32 v56, v51  }
0x85: {  	v45 =	vadd.s32 v44, v45;
	v49 =	vperm.xlane v47, v5;
	v57 =	vperm.xlane v50, v3  }
0x86: {  	v43 =	vsel vm14, v43, v52;
	v56 =	vld [tilespmem:$0x120];
	v52 =	vperm.xlane v51, v2;
	v48 =	vsub.s32 v45, v48  }
0x87: {  	vm8 =	vgt.s32 v50, $0x0;
	v49 =	vsel vm3, $0x0, v49;
	v53 =	vsel vm1, $0x0, v57  }
0x88: {  	v59 =	vsel vm0, $0x0, v52;
	v47 =	vadd.s32 v49, v47;
	v58 =	vadd.s32 v50, v53  }
0x89: {  	v49 =	vadd.s32 v59, v51;
	v59 =	vsel vm1, $0x0, v55;
	v60 =	vperm.xlane v58, v1  }
0x8a: {  	v48 =	vadd.s32 v47, v48;
	v63 =	vperm.xlane v49, v5;
	v47 =	vperm.xlane v47, v6  }
0x8b: {  	vm10 =	vgt.s32 v56, $0x0;
	v62 =	vsub.s32 v61, v48;
	v52 =	vsel vm2, $0x0, v60  }
0x8c: {  	v44 =	vsel vm15, v48, v62;
	v57 =	vsel vm3, $0x0, v63;
	v45 =	vadd.s32 v47, v45  }
0x8d: {  	v47 =	vadd.s32 v54, v59;
	v62 =	vadd.s32 v23, v4;
	v52 =	vadd.s32 v52, v58  }
0x8e: {  	v48 =	vadd.s32 v57, v49;
	v60 =	vsub.s32 v45, v46;
	v58 =	vperm.xlane v52, v2  }
0x8f: {  	v61 =	vperm.xlane v47, v1;
	v49 =	vadd.s32 v48, v60;
	v48 =	vperm.xlane v48, v6  }
0x90: {  	v57 =	vadd.s32 v20, v4;
	v59 =	vsub.s32 v62, v49;
	v51 =	vsel vm0, $0x0, v58  }
0x91: {  	v48 =	vadd.s32 v48, v45;
	v51 =	vadd.s32 v51, v52;
	v52 =	vsel vm2, $0x0, v61  }
0x92: {  	v45 =	vnsel vm15, $0xFFFFFFFF, v27;
	v63 =	vperm.xlane v51, v5;
	v47 =	vadd.s32 v52, v47  }
0x93: {  	v27 =	vsel vm5, v49, v59;
	v59 =	vperm.xlane v56, v3;
	v62 =	vperm.xlane v47, v2  }
0x94: {  	v55 =	vld [tilespmem:$0x130];
	v46 =	vnsel vm5, $0xFFFFFFFF, v23;
	v61 =	vsub.s32 v48, v50;
	v60 =	vsel vm3, $0x0, v63  }
0x95: {  	v53 =	vsel vm1, $0x0, v59;
	v51 =	vadd.s32 v60, v51;
	v58 =	vsel vm0, $0x0, v62  }
0x96: {  	v63 =	vadd.s32 v51, v61;
	v47 =	vadd.s32 v58, v47;
	v51 =	vperm.xlane v51, v6  }
0x97: {  	v61 =	vadd.s32 v56, v53;
	v60 =	vsub.s32 v57, v63;
	v52 =	vperm.xlane v47, v5  }
0x98: {  	v59 =	vadd.s32 v24, v4;
	v23 =	vsel vm8, v63, v60;
	v63 =	vperm.xlane v61, v1  }
0x99: {  	v58 =	vperm.xlane v55, v3;
	v53 =	vld [tilespmem:$0x140];
	v51 =	vadd.s32 v51, v48;
	v62 =	vsel vm3, $0x0, v52  }
0x9a: {  	v57 =	vsub.s32 v51, v54;
	v50 =	vadd.s32 v62, v47;
	v48 =	vsel vm2, $0x0, v63  }
0x9b: {  	v60 =	vsel vm1, $0x0, v58;
	v47 =	vadd.s32 v50, v57;
	v49 =	vadd.s32 v48, v61  }
0x9c: {  	v57 =	vadd.s32 v55, v60;
	v48 =	vnsel vm8, $0xFFFFFFFF, v20;
	v50 =	vperm.xlane v50, v6  }
0x9d: {  	v61 =	vsub.s32 v59, v47;
	v62 =	vperm.xlane v49, v2;
	v63 =	vperm.xlane v57, v1  }
0x9e: {  	v20 =	vnsel vm9, $0xFFFFFFFF, v24;
	v59 =	vperm.xlane v53, v3;
	v47 =	vsel vm9, v47, v61  }
0x9f: {  	v50 =	vadd.s32 v50, v51;
	v58 =	vsel vm0, $0x0, v62;
	v60 =	vsel vm2, $0x0, v63  }
0xa0: {  	v54 =	vsel vm1, $0x0, v59;
	v63 =	vsub.s32 v50, v56;
	v24 =	vadd.s32 v58, v49  }
0xa1: {  	v56 =	vld [tilespmem:$0x150];
	v49 =	vadd.s32 v60, v57;
	v54 =	vadd.s32 v53, v54;
	v61 =	vperm.xlane v24, v5  }
0xa2: {  	s17 =	sor.u32 $0x1B0, s6;
	v34 =	vnsel vm14, $0xFFFFFFFF, v34;
	v57 =	vperm.xlane v49, v2;
	v62 =	vperm.xlane v54, v1  }
0xa3: {  	[tilespmem:$0x340] =	vst v42;
	v42 =	vor.u32 s17, v0;
	vm11 =	vgt.s32 v55, $0x0;
	vm12 =	vgt.s32 v53, $0x0  }
0xa4: {  	v52 =	vsel vm3, $0x0, v61;
	v60 =	vsel vm0, $0x0, v57;
	v51 =	vsel vm2, $0x0, v62  }
0xa5: {  	v61 =	vadd.s32 v17, v4;
	v17 =	vnsel vm10, $0xFFFFFFFF, v17;
	v24 =	vadd.s32 v52, v24  }
0xa6: {  	v49 =	vadd.s32 v60, v49;
	v51 =	vadd.s32 v51, v54;
	vm13 =	vgt.s32 v56, $0x0  }
0xa7: {  	v52 =	vadd.s32 v24, v63;
	v58 =	vperm.xlane v49, v5;
	v63 =	vperm.xlane v24, v6  }
0xa8: {  	v54 =	vld [tilespmem:$0x160];
	v59 =	vperm.xlane v51, v2;
	v62 =	vsub.s32 v61, v52;
	v61 =	vperm.xlane v56, v3  }
0xa9: {  	v24 =	vsel vm10, v52, v62;
	v58 =	vsel vm3, $0x0, v58;
	v50 =	vadd.s32 v63, v50  }
0xaa: {  	v60 =	vsel vm0, $0x0, v59;
	v63 =	vadd.s32 v11, v4;
	v49 =	vadd.s32 v58, v49  }
0xab: {  	v57 =	vsub.s32 v50, v55;
	v51 =	vadd.s32 v60, v51;
	v52 =	vsel vm1, $0x0, v61  }
0xac: {  	v55 =	vadd.s32 v49, v57;
	v62 =	vperm.xlane v51, v5;
	v49 =	vperm.xlane v49, v6  }
0xad: {  	v52 =	vadd.s32 v56, v52;
	v61 =	vperm.xlane v54, v3;
	vm14 =	vgt.s32 v54, $0x0  }
0xae: {  	[tilespmem:$0x480] =	vst v10;
	v58 =	vsub.s32 v63, v55;
	v60 =	vperm.xlane v52, v1;
	v10 =	vnsel vm14, $0xFFFFFFFF, v7  }
0xaf: {  	[tilespmem:$0x2C0] =	vst v22;
	v22 =	vld [tilespmem:$0x1B0];
	v57 =	vsel vm3, $0x0, v62;
	v59 =	vadd.s32 v49, v50;
	v50 =	vsel vm1, $0x0, v61  }
0xb0: {  	v51 =	vadd.s32 v57, v51;
	v53 =	vsub.s32 v59, v53;
	v49 =	vsel vm2, $0x0, v60  }
0xb1: {  	v57 =	vld [tilespmem:$0x170];
	v60 =	vadd.s32 v12, v4;
	v61 =	vadd.s32 v54, v50;
	v50 =	vsel vm11, v55, v58  }
0xb2: {  	v12 =	vnsel vm12, $0xFFFFFFFF, v12;
	v53 =	vadd.s32 v51, v53;
	v52 =	vadd.s32 v49, v52  }
0xb3: {  	[tilespmem:$0x2F0] =	vst v30;
	v30 =	vld [tilespmem:$0x1C0];
	v63 =	vperm.xlane v61, v1;
	v49 =	vnsel vm11, $0xFFFFFFFF, v11;
	v51 =	vperm.xlane v51, v6  }
0xb4: {  	vm11 =	vgt.s32 v22, $0x0;
	v60 =	vsub.s32 v60, v53;
	v62 =	vperm.xlane v52, v2  }
0xb5: {  	[tilespmem:$0x540] =	vst v37;
	v37 =	vnsel vm11, $0xFFFFFFFF, v42;
	v11 =	vsel vm12, v53, v60;
	v60 =	vsel vm2, $0x0, v63  }
0xb6: {  	v62 =	vsel vm0, $0x0, v62;
	v53 =	vadd.s32 v60, v61;
	v58 =	vperm.xlane v57, v3  }
0xb7: {  	v51 =	vadd.s32 v51, v59;
	v52 =	vadd.s32 v62, v52;
	v60 =	vperm.xlane v53, v2  }
0xb8: {  	vm12 =	vgt.s32 v30, $0x0;
	v55 =	vperm.xlane v52, v5;
	v58 =	vsel vm1, $0x0, v58  }
0xb9: {  	v56 =	vsub.s32 v51, v56;
	v60 =	vsel vm0, $0x0, v60;
	v58 =	vadd.s32 v57, v58  }
0xba: {  	v55 =	vsel vm3, $0x0, v55;
	v53 =	vadd.s32 v60, v53;
	v61 =	vperm.xlane v58, v1  }
0xbb: {  	vm15 =	vgt.s32 v57, $0x0;
	v52 =	vadd.s32 v55, v52;
	v55 =	vld [tilespmem:$0x180];
	v59 =	vperm.xlane v53, v5  }
0xbc: {  	v56 =	vadd.s32 v52, v56;
	v52 =	vperm.xlane v52, v6;
	v60 =	vsel vm2, $0x0, v61  }
0xbd: {  	v59 =	vsel vm3, $0x0, v59;
	v58 =	vadd.s32 v60, v58;
	v60 =	vadd.s32 v8, v4  }
0xbe: {  	v53 =	vadd.s32 v59, v53;
	v52 =	vadd.s32 v52, v51;
	v8 =	vnsel vm13, $0xFFFFFFFF, v8  }
0xbf: {  	[tilespmem:$0x550] =	vst v34;
	v34 =	vld [tilespmem:$0x1D0];
	v61 =	vperm.xlane v58, v2;
	v60 =	vsub.s32 v60, v56;
	v59 =	vsub.s32 v52, v54  }
0xc0: {  	v62 =	vperm.xlane v55, v3;
	v51 =	vsel vm13, v56, v60;
	v56 =	vadd.s32 v53, v59  }
0xc1: {  	v59 =	vld [tilespmem:$0x190];
	v60 =	vadd.s32 v7, v4;
	v53 =	vperm.xlane v53, v6;
	v61 =	vsel vm0, $0x0, v61  }
0xc2: {  	vm8 =	vgt.s32 v55, $0x0;
	v58 =	vadd.s32 v61, v58;
	v62 =	vsel vm1, $0x0, v62  }
0xc3: {  	v54 =	vsub.s32 v60, v56;
	v61 =	vperm.xlane v58, v5;
	v60 =	vadd.s32 v55, v62  }
0xc4: {  	vm13 =	vgt.s32 v34, $0x0;
	[tilespmem:$0x3D0] =	vst v51;
	v51 =	vnsel vm12, $0xFFFFFFFF, v35;
	v62 =	vperm.xlane v60, v1  }
0xc5: {  	[tilespmem:$0x280] =	vst v9;
	v9 =	vsel vm14, v56, v54;
	v52 =	vadd.s32 v53, v52;
	v61 =	vsel vm3, $0x0, v61  }
0xc6: {  	s13 =	sor.u32 $0x170, s6;
	v54 =	vadd.s32 v61, v58;
	v61 =	vsel vm2, $0x0, v62;
	v62 =	vperm.xlane v59, v3  }
0xc7: {  	[tilespmem:$0x290] =	vst v14;
	v56 =	vor.u32 s13, v0;
	v63 =	vsub.s32 v52, v57;
	v58 =	vld [tilespmem:$0x1A0];
	v14 =	vadd.s32 v61, v60  }
0xc8: {  	vm9 =	vgt.s32 v59, $0x0;
	v57 =	vperm.xlane v14, v2;
	v53 =	vsel vm1, $0x0, v62  }
0xc9: {  	v60 =	vadd.s32 v54, v63;
	v61 =	vadd.s32 v56, v4;
	v53 =	vadd.s32 v59, v53  }
0xca: {  	s14 =	sor.u32 $0x180, s6;
	[tilespmem:$0x490] =	vst v13;
	v62 =	vsub.s32 v61, v60;
	v13 =	vsel vm0, $0x0, v57;
	v63 =	vperm.xlane v53, v1  }
0xcb: {  	v7 =	vsel vm15, v60, v62;
	v57 =	vor.u32 s14, v0;
	v14 =	vadd.s32 v13, v14  }
0xcc: {  	v62 =	vperm.xlane v58, v3;
	v60 =	vperm.xlane v14, v5;
	v61 =	vsel vm2, $0x0, v63  }
0xcd: {  	[tilespmem:$0x4A0] =	vst v16;
	v13 =	vnsel vm15, $0xFFFFFFFF, v56;
	vm10 =	vgt.s32 v58, $0x0;
	v63 =	vadd.s32 v61, v53  }
0xce: {  	[tilespmem:$0x2A0] =	vst v15;
	v53 =	vperm.xlane v54, v6;
	v16 =	vsel vm1, $0x0, v62;
	v15 =	vsel vm3, $0x0, v60  }
0xcf: {  	[tilespmem:$0x4B0] =	vst v19;
	v54 =	vperm.xlane v63, v2;
	v16 =	vadd.s32 v58, v16;
	v60 =	vadd.s32 v57, v4  }
0xd0: {  	s15 =	sor.u32 $0x190, s6;
	[tilespmem:$0x4C0] =	vst v21;
	v19 =	vadd.s32 v53, v52;
	v15 =	vadd.s32 v15, v14;
	v56 =	vperm.xlane v16, v1  }
0xd1: {  	[tilespmem:$0x2B0] =	vst v18;
	v53 =	vor.u32 s15, v0;
	v55 =	vsub.s32 v19, v55;
	v21 =	vsel vm0, $0x0, v54  }
0xd2: {  	[tilespmem:$0x4D0] =	vst v25;
	v14 =	vadd.s32 v15, v55;
	v18 =	vadd.s32 v21, v63;
	v61 =	vsel vm2, $0x0, v56  }
0xd3: {  	[tilespmem:$0x4E0] =	vst v29;
	v63 =	vperm.xlane v15, v6;
	v15 =	vnsel vm8, $0xFFFFFFFF, v57;
	v55 =	vperm.xlane v22, v3  }
0xd4: {  	[tilespmem:$0x2D0] =	vst v26;
	v26 =	vsub.s32 v60, v14;
	v16 =	vadd.s32 v61, v16;
	v62 =	vperm.xlane v18, v5  }
0xd5: {  	s16 =	sor.u32 $0x1A0, s6;
	[tilespmem:$0x4F0] =	vst v31;
	v56 =	vadd.s32 v53, v4;
	v14 =	vsel vm8, v14, v26;
	v52 =	vperm.xlane v16, v2  }
0xd6: {  	[tilespmem:$0x2E0] =	vst v28;
	v19 =	vadd.s32 v63, v19;
	v63 =	vor.u32 s16, v0;
	v21 =	vsel vm3, $0x0, v62  }
0xd7: {  	[tilespmem:$0x520] =	vst v40;
	v26 =	vsub.s32 v19, v59;
	v62 =	vperm.xlane v30, v3;
	v40 =	vadd.s32 v63, v4  }
0xd8: {  	[tilespmem:$0x500] =	vst v32;
	v31 =	vnsel vm10, $0xFFFFFFFF, v63;
	v18 =	vadd.s32 v21, v18;
	v54 =	vsel vm0, $0x0, v52  }
0xd9: {  	[tilespmem:$0x300] =	vst v33;
	v21 =	vsel vm1, $0x0, v55;
	v16 =	vadd.s32 v54, v16;
	v26 =	vadd.s32 v18, v26  }
0xda: {  	[tilespmem:$0x530] =	vst v39;
	v18 =	vperm.xlane v18, v6;
	v21 =	vadd.s32 v22, v21;
	v54 =	vperm.xlane v34, v3  }
0xdb: {  	[tilespmem:$0x320] =	vst v38;
	v63 =	vld [tilespmem:$0x1F0];
	v57 =	vperm.xlane v16, v5;
	v28 =	vsub.s32 v56, v26;
	v60 =	vperm.xlane v21, v1  }
0xdc: {  	[tilespmem:$0x330] =	vst v41;
	v56 =	vadd.s32 v42, v4;
	v26 =	vsel vm9, v26, v28;
	v18 =	vadd.s32 v18, v19  }
0xdd: {  	[tilespmem:$0x350] =	vst v43;
	v19 =	vnsel vm9, $0xFFFFFFFF, v53;
	v29 =	vsel vm3, $0x0, v57;
	v28 =	vsel vm2, $0x0, v60  }
0xde: {  	[tilespmem:$0x360] =	vst v44;
	v16 =	vadd.s32 v29, v16;
	v21 =	vadd.s32 v28, v21;
	v29 =	vsel vm1, $0x0, v62  }
0xdf: {  	[tilespmem:$0x570] =	vst v46;
	v61 =	vsub.s32 v18, v58;
	v41 =	vperm.xlane v21, v2;
	v29 =	vadd.s32 v30, v29  }
0xe0: {  	[tilespmem:$0x560] =	vst v45;
	v57 =	vsel vm1, $0x0, v54;
	vm15 =	vgt.s32 v63, $0x0;
	v44 =	vperm.xlane v29, v1  }
0xe1: {  	[tilespmem:$0x380] =	vst v23;
	v23 =	vadd.s32 v34, v57;
	v25 =	vadd.s32 v16, v61;
	v43 =	vsel vm0, $0x0, v41  }
0xe2: {  	[tilespmem:$0x370] =	vst v27;
	v16 =	vperm.xlane v16, v6;
	v21 =	vadd.s32 v43, v21;
	v32 =	vsel vm2, $0x0, v44  }
0xe3: {  	s19 =	sor.u32 $0x1D0, s6;
	[tilespmem:$0x580] =	vst v48;
	v28 =	vsub.s32 v40, v25;
	v45 =	vperm.xlane v21, v5;
	v29 =	vadd.s32 v32, v29;
	v32 =	vld [tilespmem:$0x1E0]  }
0xe4: {  	[tilespmem:$0x590] =	vst v20;
	v60 =	vperm.xlane v23, v1;
	v25 =	vsel vm10, v25, v28;
	v28 =	vor.u32 s19, v0  }
0xe5: {  	s21 =	sor.u32 $0x1F0, s6;
	[tilespmem:$0x390] =	vst v47;
	v16 =	vadd.s32 v16, v18;
	v52 =	vperm.xlane v29, v2;
	v46 =	vsel vm3, $0x0, v45  }
0xe6: {  	[tilespmem:$0x5A0] =	vst v17;
	v0 =	vor.u32 s21, v0;
	v53 =	vsub.s32 v16, v22;
	v21 =	vadd.s32 v46, v21  }
0xe7: {  	[tilespmem:$0x3A0] =	vst v24;
	v44 =	vadd.s32 v35, v4;
	v18 =	vsel vm0, $0x0, v52;
	v55 =	vadd.s32 v21, v53  }
0xe8: {  	[tilespmem:$0x5E0] =	vst v10;
	v18 =	vadd.s32 v18, v29;
	v21 =	vperm.xlane v21, v6;
	v62 =	vperm.xlane v32, v3  }
0xe9: {  	[tilespmem:$0x3B0] =	vst v50;
	v20 =	vsub.s32 v56, v55;
	v58 =	vperm.xlane v18, v5;
	v3 =	vperm.xlane v63, v3  }
0xea: {  	[tilespmem:$0x5C0] =	vst v12;
	v59 =	vsel vm11, v55, v20;
	v20 =	vsel vm2, $0x0, v60;
	v40 =	vsel vm1, $0x0, v62  }
0xeb: {  	[tilespmem:$0x5B0] =	vst v49;
	vm14 =	vgt.s32 v32, $0x0;
	v39 =	vadd.s32 v20, v23;
	v20 =	vadd.s32 v32, v40  }
0xec: {  	[tilespmem:$0x630] =	vst v37;
	v38 =	vadd.s32 v21, v16;
	v55 =	vadd.s32 v28, v4;
	v43 =	vperm.xlane v20, v1  }
0xed: {  	[tilespmem:$0x3C0] =	vst v11;
	v61 =	vsel vm3, $0x0, v58;
	v41 =	vsub.s32 v38, v30;
	v3 =	vsel vm1, $0x0, v3  }
0xee: {  	[tilespmem:$0x5D0] =	vst v8;
	v18 =	vadd.s32 v61, v18;
	v42 =	vperm.xlane v39, v2;
	v46 =	vsel vm2, $0x0, v43  }
0xef: {  	[tilespmem:$0x640] =	vst v51;
	v3 =	vadd.s32 v63, v3;
	v12 =	vadd.s32 v18, v41;
	v16 =	vadd.s32 v46, v20  }
0xf0: {  	[tilespmem:$0x3E0] =	vst v9;
	v1 =	vperm.xlane v3, v1;
	v21 =	vsel vm0, $0x0, v42;
	v49 =	vperm.xlane v16, v2  }
0xf1: {  	[tilespmem:$0x3F0] =	vst v7;
	v50 =	vperm.xlane v18, v6;
	v8 =	vsub.s32 v44, v12;
	v45 =	vadd.s32 v21, v39  }
0xf2: {  	[tilespmem:$0x5F0] =	vst v13;
	v48 =	vsel vm12, v12, v8;
	v1 =	vsel vm2, $0x0, v1;
	v8 =	vsel vm0, $0x0, v49  }
0xf3: {  	[tilespmem:$0x600] =	vst v15;
	v47 =	vperm.xlane v45, v5;
	v1 =	vadd.s32 v1, v3;
	v8 =	vadd.s32 v8, v16  }
0xf4: {  	[tilespmem:$0x400] =	vst v14;
	v52 =	vadd.s32 v50, v38;
	v2 =	vperm.xlane v1, v2;
	v53 =	vperm.xlane v8, v5  }
0xf5: {  	[tilespmem:$0x620] =	vst v31;
	v58 =	vnsel vm13, $0xFFFFFFFF, v28;
	v11 =	vsub.s32 v52, v34;
	v10 =	vsel vm3, $0x0, v47  }
0xf6: {  	[tilespmem:$0x410] =	vst v26;
	v9 =	vadd.s32 v10, v45;
	v2 =	vsel vm0, $0x0, v2;
	v12 =	vsel vm3, $0x0, v53  }
0xf7: {  	[tilespmem:$0x610] =	vst v19;
	v54 =	vadd.s32 v9, v11;
	v9 =	vperm.xlane v9, v6;
	v8 =	vadd.s32 v12, v8  }
0xf8: {  	[tilespmem:$0x430] =	vst v59;
	v59 =	vadd.s32 v36, v4;
	v1 =	vadd.s32 v2, v1;
	v6 =	vperm.xlane v8, v6  }
0xf9: {  	[tilespmem:$0x420] =	vst v25;
	v62 =	vnsel vm14, $0xFFFFFFFF, v36;
	v5 =	vperm.xlane v1, v5;
	v9 =	vadd.s32 v9, v52  }
0xfa: {  	[tilespmem:$0x650] =	vst v58;
	v61 =	vadd.s32 v0, v4;
	v0 =	vnsel vm15, $0xFFFFFFFF, v0;
	v6 =	vadd.s32 v6, v9  }
0xfb: {  	[tilespmem:$0x660] =	vst v62;
	v57 =	vsub.s32 v9, v32;
	v5 =	vsel vm3, $0x0, v5;
	v6 =	vsub.s32 v6, v63  }
0xfc: {  	[tilespmem:$0x670] =	vst v0;
	v11 =	vsub.s32 v55, v54;
	v3 =	vadd.s32 v8, v57;
	v5 =	vadd.s32 v5, v6  }
0xfd: {  	[tilespmem:$0x440] =	vst v48;
	v56 =	vsel vm13, v54, v11;
	v60 =	vsub.s32 v59, v3;
	v1 =	vadd.s32 v1, v5  }
0xfe: {  	[tilespmem:$0x450] =	vst v56;
	v2 =	vsel vm14, v3, v60;
	v63 =	vsub.s32 v61, v1  }
0xff: {  	[tilespmem:$0x460] =	vst v2;
	v1 =	vsel vm15, v1, v63  }
0x100: {  	s22 =	simm.s32 $0x80;
	s23 =	simm.s32 $0x280;
	s24 =	simm.s32 $0x480;
	[tilespmem:$0x470] =	vst v1  }
0x101: {  	[spmem:s3] =	stream.indirect.scatter [tilespmem:s24], [sflag:$0x2], $0x1, s23, s22, $0xb8;
	[tilespmem:$0x880] =	vst v63  }
0x102: {  	_ =	swait.ge [sflag:s5], $0x80  }
0x103: {  	[sflag:s5] =	ssyncset.done $0x0  }
0x104: {  	s25 =	simm.s32 $0x300;
	s26 =	simm.s32 $0x500;
	[sflag:s5] =	ssyncadd.s32 $0xFFFFFF80  }
0x105: {  	[spmem:s3] =	stream.indirect.scatter [tilespmem:s26], [sflag:$0x2], $0x1, s25, s22, $0xb8;
	[tilespmem:$0x880] =	vst v63  }
0x106: {  	_ =	swait.ge [sflag:s5], $0x80  }
0x107: {  	[sflag:s5] =	ssyncset.done $0x0  }
0x108: {  	s28 =	simm.s32 $0x380;
	s29 =	simm.s32 $0x580;
	[sflag:s5] =	ssyncadd.s32 $0xFFFFFF80  }
0x109: {  	[spmem:s3] =	stream.indirect.scatter [tilespmem:s29], [sflag:$0x2], $0x1, s28, s22, $0xb8;
	[tilespmem:$0x880] =	vst v63  }
0x10a: {  	_ =	swait.ge [sflag:s5], $0x80  }
0x10b: {  	[sflag:s5] =	ssyncset.done $0x0  }
0x10c: {  	s30 =	simm.s32 $0x400;
	s31 =	simm.s32 $0x600;
	[sflag:s5] =	ssyncadd.s32 $0xFFFFFF80  }
0x10d: {  	[spmem:s3] =	stream.indirect.scatter [tilespmem:s31], [sflag:$0x2], $0x1, s30, s22, $0xb8;
	[tilespmem:$0x880] =	vst v63  }
0x10e: {  	_ =	swait.ge [sflag:s5], $0x80  }
0x10f: {  	[sflag:s5] =	ssyncset.done $0x0  }
0x110: {  	s2 =	sadd.s32 s2, s4;
	s3 =	sadd.s32 s6, s3;
	[sflag:s5] =	ssyncadd.s32 $0xFFFFFF80  }
0x111: {  	s4 =	sor.u32 $0x1C02, s4;
	s3 =	sshrl.u32 s3, $0x3;
	[bflag:$0x0] =	sbarrier.arrive $0xFFFF  }
0x112: {  	[hbm:s2], [sflag:s4] =	dma.local [spmem:s3], $0x40  }
0x113: {  	_ =	swait.ge [sflag:s5], $0x40  }
0x114: {  	[sflag:s5] =	ssyncset.done $0x0  }
0x115: {  	[sflag:s5] =	ssyncadd.s32 $0xFFFFFFC0  }
0x116: {  	_ =	sfence.sel $0x180000  }
0x117: {  	[bflag:$0x0] =	sbarrier.arrive $0xFFFF  }
0x118: {  	p0 =	sne.s32 s1, $0x0;
	_ =	strace $0x90000047  }
0x119: {  	s0 =	sadd.s32 @!p0 $0x100000, s0;
	[bflag:$0x2] =	sbarrier.arrive $0xFFFF  }
0x11a: {  	[sflag:s0] =	ssyncadd.tile.s32 @!p0 $0x1;
	_ =	shalt  }
.Lfunc_end2:
_tile_overlayer_lowered:
.L_overlay_start_2:
0x11b: {  	(tag) =	ssettag $0x2  }
0x11c: {  	s0 =	rddreg [dreg:$0x0];
	s2 =	stileid.u32  }
0x11d: {  	s1 =	rddreg [dreg:$0x1];
	p0 =	sne.s32 s2, $0x0  }
0x11e: {  	s3 =	rddreg [dreg:$0x2];
	[bflag:$0x3] =	sbarrier.arrive $0xFFFF;
	s2 =	simm.s32 @!p0 $0x1C02  }
0x11f: {  	[timem:s3], [sflag:s2] =	dma.local @!p0 [hbm:s0], s1  }
0x120: {  	s0 =	simm.s32 @!p0 $0x2  }
0x121: {  	_ =	swait.ge @!p0 [sflag:s0], s1  }
0x122: {  	s1 =	ssub.s32 @!p0 $0x0, s1;
	[sflag:s0] =	ssyncset.done @!p0 $0x0  }
0x123: {  	[sflag:s0] =	ssyncadd.s32 @!p0 s1  }
0x124: {  	[bflag:$0x3] =	sbarrier.arrive $0xFFFF  }
0x125: {  	_ =	shalt  }

</sc_bundles>
